<compile_context>
chip_gen: v7x
topology: tpu7x:2x2x1
jax: 0.10.2.dev20260603
libtpu: 0.0.44.dev20260713+nightly
codegen_flags: <defaults>
</compile_context>

<pallas_src>
import functools

import jax
import jax.numpy as jnp
from jax import lax
from jax.experimental import pallas as pl
from jax.experimental.pallas import tpu as pltpu
from jax.experimental.pallas import tpu_sc as plsc

_N = 10000
_E = 320000
_NC = 2
_NS = 16
_NW = _NC * _NS
_CK = 128
_EPW = _E // _NW
_NCH = 79
_NDUM = _NCH * _CK - _EPW
_NCHP = 80
_NSAC = 16
_RPT0 = 632
_RPT1 = _N - 15 * _RPT0
_CW = 32
_BM = 2000


_mesh = plsc.VectorSubcoreMesh(core_axis_name="c", subcore_axis_name="s")


@functools.partial(
    pl.kernel,
    mesh=_mesh,
    compiler_params=pltpu.CompilerParams(use_tc_tiling_on_sc=False),
    out_type=jax.ShapeDtypeStruct((_NC, _N, 64), jnp.float32),
    scratch_types=[
        pltpu.VMEM((_NCHP, _CK), jnp.int32),
        pltpu.VMEM((_NCHP, _CK), jnp.int32),
        pltpu.VMEM((_CK, 64), jnp.float32),
        pltpu.VMEM((_CK, 64), jnp.float32),
        pltpu.VMEM((_CK, 64), jnp.float32),
        pltpu.VMEM((_CK, 64), jnp.float32),
        pltpu.VMEM_SHARED((_N + _NSAC, 64), jnp.float32),
        pltpu.SemaphoreType.DMA,
        pltpu.SemaphoreType.DMA,
        pltpu.SemaphoreType.DMA,
        pltpu.SemaphoreType.DMA,
        pltpu.SemaphoreType.DMA,
        pltpu.SemaphoreType.DMA,
        pltpu.SemaphoreType.DMA,
        pltpu.SemaphoreType.DMA,
    ],
)
def _segsum(table, src2d, dst2d, zeros, out, sidx, didx, rows0, rows1, rows2,
            rows3, acc, gs0, gs1, gs2, gs3, ss0, ss1, ss2, ss3):
    c = lax.axis_index("c")
    s = lax.axis_index("s")
    wid = c * _NS + s
    row0 = s * _RPT0

    @pl.when(s < 15)
    def _():
        pltpu.sync_copy(zeros.at[pl.ds(row0, _RPT0)],
                        acc.at[pl.ds(row0, _RPT0)])

    @pl.when(s == 15)
    def _():
        pltpu.sync_copy(zeros.at[pl.ds(row0, _RPT1)],
                        acc.at[pl.ds(row0, _RPT1)])

    pltpu.sync_copy(src2d.at[pl.ds(wid * _NCHP, _NCHP)], sidx)
    pltpu.sync_copy(dst2d.at[pl.ds(wid * _NCHP, _NCHP)], didx)
    plsc.subcore_barrier()

    bufs = (rows0, rows1, rows2, rows3)
    gsems = (gs0, gs1, gs2, gs3)
    ssems = (ss0, ss1, ss2, ss3)

    pltpu.async_copy(table.at[sidx.at[0]], bufs[0], gsems[0])
    pltpu.async_copy(table.at[sidx.at[1]], bufs[1], gsems[1])

    def body(i, carry):
        j = i + 2
        for b in range(4):
            @pl.when((i % 4) == b)
            def _(b=b):
                pltpu.make_async_copy(table.at[sidx.at[i]], bufs[b],
                                      gsems[b]).wait()
                pltpu.async_copy(bufs[b], acc.at[didx.at[i]], ssems[b],
                                 add=True)
        for b in range(4):
            cond = jnp.logical_and(j < _NCH, (j % 4) == b)

            @pl.when(jnp.logical_and(cond, i >= 2))
            def _(b=b):
                pltpu.make_async_copy(bufs[b], acc.at[didx.at[0]],
                                      ssems[b]).wait()
                pltpu.async_copy(table.at[sidx.at[j]], bufs[b], gsems[b])

            @pl.when(jnp.logical_and(cond, i < 2))
            def _(b=b):
                pltpu.async_copy(table.at[sidx.at[j]], bufs[b], gsems[b])
        return carry

    lax.fori_loop(0, _NCH, body, 0)
    for b in range(4):
        pltpu.make_async_copy(bufs[b], acc.at[didx.at[0]], ssems[b]).wait()
    plsc.subcore_barrier()

    @pl.when(s < 15)
    def _():
        pltpu.sync_copy(acc.at[pl.ds(row0, _RPT0)],
                        out.at[c, pl.ds(row0, _RPT0)])

    @pl.when(s == 15)
    def _():
        pltpu.sync_copy(acc.at[pl.ds(row0, _RPT1)],
                        out.at[c, pl.ds(row0, _RPT1)])


@functools.partial(
    pl.kernel,
    mesh=_mesh,
    compiler_params=pltpu.CompilerParams(use_tc_tiling_on_sc=False),
    out_type=jax.ShapeDtypeStruct((_NC, _N, _CW), jnp.float32),
    scratch_types=[
        pltpu.VMEM((_NCHP, _CK), jnp.int32),
        pltpu.VMEM((_CK, _CW), jnp.float32),
        pltpu.VMEM_SHARED((_N + _NSAC, _CW), jnp.float32),
        pltpu.SemaphoreType.DMA,
        pltpu.SemaphoreType.DMA,
        pltpu.SemaphoreType.DMA,
        pltpu.SemaphoreType.DMA,
    ],
)
def _degree(dst2d, zeros, out, didx, ones, acc, s0, s1, s2, s3):
    c = lax.axis_index("c")
    s = lax.axis_index("s")
    wid = c * _NS + s
    row0 = s * _RPT0

    @pl.when(s < 15)
    def _():
        pltpu.sync_copy(zeros.at[pl.ds(row0, _RPT0)],
                        acc.at[pl.ds(row0, _RPT0)])

    @pl.when(s == 15)
    def _():
        pltpu.sync_copy(zeros.at[pl.ds(row0, _RPT1)],
                        acc.at[pl.ds(row0, _RPT1)])

    pltpu.sync_copy(dst2d.at[pl.ds(wid * _NCHP, _NCHP)], didx)

    def fill(i, carry):
        for j in range(_CW // 16):
            ones[i, pl.ds(j * 16, 16)] = jnp.full((16,), 1.0, jnp.float32)
        return carry

    lax.fori_loop(0, _CK, fill, 0)
    plsc.subcore_barrier()

    sems = (s0, s1, s2, s3)

    def body(i, carry):
        for b in range(4):
            @pl.when(jnp.logical_and((i % 4) == b, i >= 4))
            def _(b=b):
                pltpu.make_async_copy(ones, acc.at[didx.at[0]],
                                      sems[b]).wait()
            @pl.when((i % 4) == b)
            def _(b=b):
                pltpu.async_copy(ones, acc.at[didx.at[i]], sems[b], add=True)
        return carry

    lax.fori_loop(0, _NCH, body, 0)
    for b in range(4):
        pltpu.make_async_copy(ones, acc.at[didx.at[0]], sems[b]).wait()
    plsc.subcore_barrier()

    @pl.when(s < 15)
    def _():
        pltpu.sync_copy(acc.at[pl.ds(row0, _RPT0)],
                        out.at[c, pl.ds(row0, _RPT0)])

    @pl.when(s == 15)
    def _():
        pltpu.sync_copy(acc.at[pl.ds(row0, _RPT1)],
                        out.at[c, pl.ds(row0, _RPT1)])



_B2 = 1000


def _tc_a(xp, wl1t, wr1t):
    def body(xp_ref, wl_ref, wr_ref, y_ref, r_ref):
        xp_b = xp_ref[...]
        xe_b = xp_b[:, :128]
        xo_b = xp_b[:, 128:]
        wl = wl_ref[...]
        wr = wr_ref[...]
        y_ref[...] = jnp.concatenate(
            [jnp.dot(xe_b, wl, preferred_element_type=jnp.float32),
             jnp.dot(xo_b, wl, preferred_element_type=jnp.float32)], axis=1)
        r_ref[...] = jnp.concatenate(
            [jnp.dot(xe_b, wr, preferred_element_type=jnp.float32),
             jnp.dot(xo_b, wr, preferred_element_type=jnp.float32)], axis=1)

    return pl.pallas_call(
        body,
        grid=(_N // 2 // _B2,),
        in_specs=[
            pl.BlockSpec((_B2, 256), lambda i: (i, 0)),
            pl.BlockSpec((128, 64), lambda i: (0, 0)),
            pl.BlockSpec((128, 64), lambda i: (0, 0)),
        ],
        out_specs=[
            pl.BlockSpec((_B2, 128), lambda i: (i, 0)),
            pl.BlockSpec((_B2, 128), lambda i: (i, 0)),
        ],
        out_shape=[
            jax.ShapeDtypeStruct((_N // 2, 128), jnp.float32),
            jax.ShapeDtypeStruct((_N // 2, 128), jnp.float32),
        ],
    )(xp, wl1t, wr1t)


def _invs(pce_ref, pco_ref):
    inve = 1.0 / jnp.maximum(pce_ref[0] + pce_ref[1], 1.0)
    invo = 1.0 / jnp.maximum(pco_ref[0] + pco_ref[1], 1.0)
    invp = jnp.concatenate([jnp.broadcast_to(inve, (_B2, 64)),
                            jnp.broadcast_to(invo, (_B2, 64))], axis=1)
    return inve, invo, invp


_PSPEC = pl.BlockSpec((_NC, _B2, 128), lambda i: (0, i, 0))
_CSPEC = pl.BlockSpec((_NC, _B2, 1), lambda i: (0, i, 0))
_VSPEC = pl.BlockSpec((_B2, 128), lambda i: (i, 0))
_V = jax.ShapeDtypeStruct((_N // 2, 128), jnp.float32)


def _tc_b(p1v, pce, pco, r1p, bl1c):
    def body(p_ref, pce_ref, pco_ref, r_ref, bl_ref, h_ref):
        p = p_ref[0] + p_ref[1]
        _, _, invp = _invs(pce_ref, pco_ref)
        h_ref[...] = jnp.maximum(p * invp + bl_ref[...] + r_ref[...], 0.0)

    return pl.pallas_call(
        body,
        grid=(_N // 2 // _B2,),
        in_specs=[_PSPEC, _CSPEC, _CSPEC, _VSPEC,
                  pl.BlockSpec((1, 128), lambda i: (0, 0))],
        out_specs=_VSPEC,
        out_shape=_V,
    )(p1v, pce, pco, r1p, bl1c)


def _tc_c(p2v, pce, pco, h1p, wl2e, wl2o, bl2, wr2e, wr2o, wl3t, wr3t):
    def body(p_ref, pce_ref, pco_ref, h1_ref, wl2e_ref, wl2o_ref, bl2_ref,
             wr2e_ref, wr2o_ref, wl3_ref, wr3_ref, y3_ref, r3_ref):
        p = p_ref[0] + p_ref[1]
        inve, invo, _ = _invs(pce_ref, pco_ref)
        h1 = h1_ref[...]
        bl2 = bl2_ref[...]
        dot = lambda a, b: jnp.dot(a, b, preferred_element_type=jnp.float32)
        h2e = jnp.maximum(
            dot(p, wl2e_ref[...]) * inve + bl2 + dot(h1, wr2e_ref[...]), 0.0)
        h2o = jnp.maximum(
            dot(p, wl2o_ref[...]) * invo + bl2 + dot(h1, wr2o_ref[...]), 0.0)
        wl3 = wl3_ref[...]
        wr3 = wr3_ref[...]
        y3_ref[...] = jnp.concatenate([dot(h2e, wl3), dot(h2o, wl3)], axis=1)
        r3_ref[...] = jnp.concatenate([dot(h2e, wr3), dot(h2o, wr3)], axis=1)

    wspec = pl.BlockSpec((128, 128), lambda i: (0, 0))
    w64 = pl.BlockSpec((128, 64), lambda i: (0, 0))
    return pl.pallas_call(
        body,
        grid=(_N // 2 // _B2,),
        in_specs=[_PSPEC, _CSPEC, _CSPEC, _VSPEC, wspec, wspec,
                  pl.BlockSpec((1, 128), lambda i: (0, 0)),
                  wspec, wspec, w64, w64],
        out_specs=[_VSPEC, _VSPEC],
        out_shape=[_V, _V],
    )(p2v, pce, pco, h1p, wl2e, wl2o, bl2, wr2e, wr2o, wl3t, wr3t)


def _tc_d(p3v, pce, pco, r3p, bl3c, w4s, b4s):
    def body(p_ref, pce_ref, pco_ref, r_ref, bl_ref, w4_ref, b4_ref, o_ref):
        p = p_ref[0] + p_ref[1]
        _, _, invp = _invs(pce_ref, pco_ref)
        h3 = jnp.maximum(p * invp + bl_ref[...] + r_ref[...], 0.0)
        o_ref[...] = jnp.dot(h3, w4_ref[...],
                             preferred_element_type=jnp.float32) + b4_ref[...]

    return pl.pallas_call(
        body,
        grid=(_N // 2 // _B2,),
        in_specs=[_PSPEC, _CSPEC, _CSPEC, _VSPEC,
                  pl.BlockSpec((1, 128), lambda i: (0, 0)),
                  pl.BlockSpec((128, 8), lambda i: (0, 0)),
                  pl.BlockSpec((1, 8), lambda i: (0, 0))],
        out_specs=pl.BlockSpec((_B2, 8), lambda i: (i, 0)),
        out_shape=jax.ShapeDtypeStruct((_N // 2, 8), jnp.float32),
    )(p3v, pce, pco, r3p, bl3c, w4s, b4s)


def kernel(x, edge_index, Wl1, bl1, Wr1, Wl2, bl2, Wr2, Wl3, bl3, Wr3, W4, b4):
    e3 = edge_index.reshape(2, _NW, _EPW)
    ar = jnp.arange(_NDUM, dtype=jnp.int32)
    dsrc = jnp.broadcast_to((ar * 89) % _N, (_NW, _NDUM))
    ddst = jnp.broadcast_to(_N + (ar % _NSAC), (_NW, _NDUM))
    dummy = jnp.stack([dsrc, ddst])
    slab = jnp.concatenate([e3, dummy], axis=2)
    slab = slab.reshape(2, _NW, _NCH, _CK)
    slab = jnp.concatenate(
        [slab, jnp.zeros((2, _NW, _NCHP - _NCH, _CK), jnp.int32)], axis=2)
    epad = slab.reshape(2, _NW * _NCHP, _CK)
    src = epad[0]
    dst = epad[1]
    zeros64 = jnp.zeros((_N, 64), jnp.float32)
    zerosc = jnp.zeros((_N, _CW), jnp.float32)

    xp = jnp.reshape(x, (_N // 2, 256))
    z64 = jnp.zeros((64, 128), jnp.float32)
    wl2e = jnp.concatenate([Wl2.T, z64], axis=0)
    wl2o = jnp.concatenate([z64, Wl2.T], axis=0)
    wr2e = jnp.concatenate([Wr2.T, z64], axis=0)
    wr2o = jnp.concatenate([z64, Wr2.T], axis=0)
    bl1c = jnp.concatenate([bl1, bl1]).reshape(1, 128)
    bl3c = jnp.concatenate([bl3, bl3]).reshape(1, 128)
    w4s = (jnp.zeros((128, 8), jnp.float32)
           .at[0:64, 0:3].set(W4.T).at[64:128, 4:7].set(W4.T))
    b4s = (jnp.zeros((1, 8), jnp.float32)
           .at[0, 0:3].set(b4).at[0, 4:7].set(b4))

    pc = _degree(dst, zerosc)
    pce = pc[:, 0::2, :1]
    pco = pc[:, 1::2, :1]
    y1p, r1p = _tc_a(xp, Wl1.T, Wr1.T)
    zeros64d, _ = lax.optimization_barrier((zeros64, jnp.ravel(pc)))
    p1 = _segsum(jnp.reshape(y1p, (_N, 64)), src, dst, zeros64d)
    h1p = _tc_b(jnp.reshape(p1, (_NC, _N // 2, 128)), pce, pco, r1p, bl1c)
    p2 = _segsum(jnp.reshape(h1p, (_N, 64)), src, dst, zeros64)
    y3p, r3p = _tc_c(jnp.reshape(p2, (_NC, _N // 2, 128)), pce, pco, h1p,
                     wl2e, wl2o, bl2.reshape(1, 128), wr2e, wr2o,
                     Wl3.T, Wr3.T)
    p3 = _segsum(jnp.reshape(y3p, (_N, 64)), src, dst, zeros64)
    op = _tc_d(jnp.reshape(p3, (_NC, _N // 2, 128)), pce, pco, r3p, bl3c,
               w4s, b4s)
    return jnp.reshape(op, (_N, 4))[:, :3]

# --- scband reference (transcript-rebuilt; emitter-appended) ---
"""Pipeline reference for scband-graph-encoder-41248865911345 (READ-ONLY COPY).

The authoritative reference and input builder live on the scoring server;
editing this copy changes nothing except your own understanding.
"""

import jax, jax.numpy as jnp
import numpy as np

N_NODES = 10000
N_EDGES = 320000
IN_C = 128
HID = 64
OUT_C = 3


def _glorot(key, shape):
    fan_in = shape[1]
    return jax.random.normal(key, shape, dtype=jnp.float32) * (1.0 / np.sqrt(fan_in))


def setup_inputs(seed: int = 0) -> dict:
    key = jax.random.key(seed)
    ks = jax.random.split(key, 16)
    x = jax.random.normal(ks[0], (N_NODES, IN_C), dtype=jnp.float32)
    edge_index = jax.random.randint(ks[1], (2, N_EDGES), 0, N_NODES, dtype=jnp.int32)
    # SAGEConv params: out = lin_l(mean_agg(x_j)) + lin_r(x); lin_l has bias, lin_r does not
    Wl1 = _glorot(ks[2], (HID, IN_C)); bl1 = jnp.zeros((HID,), jnp.float32); Wr1 = _glorot(ks[3], (HID, IN_C))
    Wl2 = _glorot(ks[4], (HID * 2, HID)); bl2 = jnp.zeros((HID * 2,), jnp.float32); Wr2 = _glorot(ks[5], (HID * 2, HID))
    Wl3 = _glorot(ks[6], (HID, HID * 2)); bl3 = jnp.zeros((HID,), jnp.float32); Wr3 = _glorot(ks[7], (HID, HID * 2))
    W4 = _glorot(ks[8], (OUT_C, HID)); b4 = jnp.zeros((OUT_C,), jnp.float32)
    return {"x": x, "edge_index": edge_index,
            "Wl1": Wl1, "bl1": bl1, "Wr1": Wr1,
            "Wl2": Wl2, "bl2": bl2, "Wr2": Wr2,
            "Wl3": Wl3, "bl3": bl3, "Wr3": Wr3,
            "W4": W4, "b4": b4}


def _sage_conv(x, src, dst, Wl, bl, Wr, n_nodes):
    msgs = jnp.take(x, src, axis=0)                      # gather x_j (SparseCore gather)
    summed = jax.ops.segment_sum(msgs, dst, num_segments=n_nodes)  # scatter-add
    cnt = jax.ops.segment_sum(jnp.ones_like(dst, dtype=x.dtype), dst, num_segments=n_nodes)
    mean = summed / jnp.clip(cnt, 1.0)[:, None]
    return mean @ Wl.T + bl + x @ Wr.T


def reference(x, edge_index, Wl1, bl1, Wr1, Wl2, bl2, Wr2, Wl3, bl3, Wr3, W4, b4):
    n = x.shape[0]
    src = edge_index[0]
    dst = edge_index[1]
    h = jax.nn.relu(_sage_conv(x, src, dst, Wl1, bl1, Wr1, n))
    h = jax.nn.relu(_sage_conv(h, src, dst, Wl2, bl2, Wr2, n))
    h = jax.nn.relu(_sage_conv(h, src, dst, Wl3, bl3, Wr3, n))
    out = h @ W4.T + b4
    return out

if __name__ == "__main__":
    import jax
    _d = setup_inputs()
    print(jax.jit(kernel)(*tuple(_d.values())))

</pallas_src>

<mosaic_0001>
#map = affine_map<(d0, d1) -> (0, 0)>
#map1 = affine_map<(d0, d1) -> (0, 0, 0)>
module attributes {stable_mosaic.version = 14 : i64} {
  func.func @_degree(%arg0: i32, %arg1: i32, %arg2: memref<2560x128xi32, #tpu.memory_space<hbm>>, %arg3: memref<10000x32xf32, #tpu.memory_space<hbm>>, %arg4: memref<2x10000x32xf32, #tpu.memory_space<hbm>>, %arg5: memref<80x128xi32, #tpu.memory_space<vmem>>, %arg6: memref<128x32xf32, #tpu.memory_space<vmem>>, %arg7: memref<10016x32xf32, #tpu.memory_space<vmem_shared>>, %arg8: memref<!tpu.dma_semaphore, #tpu.memory_space<semaphore_mem>>, %arg9: memref<!tpu.dma_semaphore, #tpu.memory_space<semaphore_mem>>, %arg10: memref<!tpu.dma_semaphore, #tpu.memory_space<semaphore_mem>>, %arg11: memref<!tpu.dma_semaphore, #tpu.memory_space<semaphore_mem>>) attributes {dimension_semantics = [#tpu.dimension_semantics<core_parallel>, #tpu.dimension_semantics<subcore_parallel>], iteration_bounds = array<i64: 2, 16>, scalar_prefetch = 0 : i64, scratch_operands = 7 : i64, tpu.core_type = #tpu.core_type<sc_vector_subcore>, window_params = [{transform_indices = #map}, {transform_indices = #map}, {transform_indices = #map1}]} {
    %mul3A = arith.constant 16 : i32
    %mul3A_0 = arith.muli %arg0, %mul3A : i32
    %add3A = arith.addi %mul3A_0, %arg1 : i32
    %mul3A_1 = arith.constant 632 : i32
    %mul3A_2 = arith.muli %arg1, %mul3A_1 : i32
    %lt3A = arith.constant 15 : i32
    %lt3A_3 = arith.cmpi slt, %arg1, %lt3A : i32
    %convert_element_type3A = arith.extui %lt3A_3 : i1 to i32
    %cond3A = arith.constant 0 : i32
    %cond3A_4 = arith.cmpi ne, %convert_element_type3A, %cond3A : i32
    scf.if %cond3A_4 {
      "tpu.region"() ({
        %run_scoped3A = tpu.sem_alloc : memref<!tpu.dma_semaphore, #tpu.memory_space<semaphore_mem>>
        %dma_start3A = arith.constant 0 : i32
        %dma_start3A_60 = tpu.memref_slice %arg7[%mul3A_2, %dma_start3A] : memref<10016x32xf32, #tpu.memory_space<vmem_shared>> -> memref<632x32xf32, #tpu.memory_space<vmem_shared>>
        %dma_start3A_61 = arith.constant 0 : i32
        %dma_start3A_62 = tpu.memref_slice %arg3[%mul3A_2, %dma_start3A_61] : memref<10000x32xf32, #tpu.memory_space<hbm>> -> memref<632x32xf32, #tpu.memory_space<hbm>>
        tpu.enqueue_dma source(%dma_start3A_62 : memref<632x32xf32, #tpu.memory_space<hbm>>) target(%dma_start3A_60 : memref<632x32xf32, #tpu.memory_space<vmem_shared>>) target_semaphore(%run_scoped3A : memref<!tpu.dma_semaphore, #tpu.memory_space<semaphore_mem>>)
        %dma_wait3A_63 = arith.constant 0 : i32
        %dma_wait3A_64 = tpu.memref_slice %arg7[%mul3A_2, %dma_wait3A_63] : memref<10016x32xf32, #tpu.memory_space<vmem_shared>> -> memref<632x32xf32, #tpu.memory_space<vmem_shared>>
        %dma_wait3A_65 = arith.constant 0 : i32
        %dma_wait3A_66 = tpu.memref_slice %arg3[%mul3A_2, %dma_wait3A_65] : memref<10000x32xf32, #tpu.memory_space<hbm>> -> memref<632x32xf32, #tpu.memory_space<hbm>>
        tpu.wait_dma2 semaphore(%run_scoped3A : memref<!tpu.dma_semaphore, #tpu.memory_space<semaphore_mem>>) src(%dma_wait3A_66 : memref<632x32xf32, #tpu.memory_space<hbm>>) dst(%dma_wait3A_64 : memref<632x32xf32, #tpu.memory_space<vmem_shared>>)
        tpu.yield
      }) : () -> ()
    } else {
    }
    %eq3A = arith.constant 15 : i32
    %eq3A_5 = arith.cmpi eq, %arg1, %eq3A : i32
    %convert_element_type3A_6 = arith.extui %eq3A_5 : i1 to i32
    %cond3A_7 = arith.constant 0 : i32
    %cond3A_8 = arith.cmpi ne, %convert_element_type3A_6, %cond3A_7 : i32
    scf.if %cond3A_8 {
      "tpu.region"() ({
        %run_scoped3A = tpu.sem_alloc : memref<!tpu.dma_semaphore, #tpu.memory_space<semaphore_mem>>
        %dma_start3A = arith.constant 0 : i32
        %dma_start3A_60 = tpu.memref_slice %arg7[%mul3A_2, %dma_start3A] : memref<10016x32xf32, #tpu.memory_space<vmem_shared>> -> memref<520x32xf32, #tpu.memory_space<vmem_shared>>
        %dma_start3A_61 = arith.constant 0 : i32
        %dma_start3A_62 = tpu.memref_slice %arg3[%mul3A_2, %dma_start3A_61] : memref<10000x32xf32, #tpu.memory_space<hbm>> -> memref<520x32xf32, #tpu.memory_space<hbm>>
        tpu.enqueue_dma source(%dma_start3A_62 : memref<520x32xf32, #tpu.memory_space<hbm>>) target(%dma_start3A_60 : memref<520x32xf32, #tpu.memory_space<vmem_shared>>) target_semaphore(%run_scoped3A : memref<!tpu.dma_semaphore, #tpu.memory_space<semaphore_mem>>)
        %dma_wait3A_63 = arith.constant 0 : i32
        %dma_wait3A_64 = tpu.memref_slice %arg7[%mul3A_2, %dma_wait3A_63] : memref<10016x32xf32, #tpu.memory_space<vmem_shared>> -> memref<520x32xf32, #tpu.memory_space<vmem_shared>>
        %dma_wait3A_65 = arith.constant 0 : i32
        %dma_wait3A_66 = tpu.memref_slice %arg3[%mul3A_2, %dma_wait3A_65] : memref<10000x32xf32, #tpu.memory_space<hbm>> -> memref<520x32xf32, #tpu.memory_space<hbm>>
        tpu.wait_dma2 semaphore(%run_scoped3A : memref<!tpu.dma_semaphore, #tpu.memory_space<semaphore_mem>>) src(%dma_wait3A_66 : memref<520x32xf32, #tpu.memory_space<hbm>>) dst(%dma_wait3A_64 : memref<520x32xf32, #tpu.memory_space<vmem_shared>>)
        tpu.yield
      }) : () -> ()
    } else {
    }
    %mul3A_9 = arith.constant 80 : i32
    %mul3A_10 = arith.muli %add3A, %mul3A_9 : i32
    "tpu.region"() ({
      %run_scoped3A = tpu.sem_alloc : memref<!tpu.dma_semaphore, #tpu.memory_space<semaphore_mem>>
      %dma_start3A = arith.constant 0 : i32
      %dma_start3A_60 = tpu.memref_slice %arg2[%mul3A_10, %dma_start3A] : memref<2560x128xi32, #tpu.memory_space<hbm>> -> memref<80x128xi32, #tpu.memory_space<hbm>>
      %dma_start3A_61 = arith.constant 0 : i32
      %dma_start3A_62 = tpu.memref_slice %arg2[%mul3A_10, %dma_start3A_61] : memref<2560x128xi32, #tpu.memory_space<hbm>> -> memref<80x128xi32, #tpu.memory_space<hbm>>
      tpu.enqueue_dma source(%dma_start3A_62 : memref<80x128xi32, #tpu.memory_space<hbm>>) target(%arg5 : memref<80x128xi32, #tpu.memory_space<vmem>>) target_semaphore(%run_scoped3A : memref<!tpu.dma_semaphore, #tpu.memory_space<semaphore_mem>>)
      %dma_wait3A_63 = arith.constant 0 : i32
      %dma_wait3A_64 = tpu.memref_slice %arg2[%mul3A_10, %dma_wait3A_63] : memref<2560x128xi32, #tpu.memory_space<hbm>> -> memref<80x128xi32, #tpu.memory_space<hbm>>
      %dma_wait3A_65 = arith.constant 0 : i32
      %dma_wait3A_66 = tpu.memref_slice %arg2[%mul3A_10, %dma_wait3A_65] : memref<2560x128xi32, #tpu.memory_space<hbm>> -> memref<80x128xi32, #tpu.memory_space<hbm>>
      tpu.wait_dma2 semaphore(%run_scoped3A : memref<!tpu.dma_semaphore, #tpu.memory_space<semaphore_mem>>) src(%dma_wait3A_66 : memref<80x128xi32, #tpu.memory_space<hbm>>) dst(%arg5 : memref<80x128xi32, #tpu.memory_space<vmem>>)
      tpu.yield
    }) : () -> ()
    %scan3A = arith.constant 0 : i32
    %scan3A_11 = arith.constant 0 : i32
    %scan3A_12 = arith.constant 128 : i32
    %scan3A_13 = arith.addi %scan3A_11, %scan3A_12 : i32
    %scan3A_14 = arith.constant 1 : i32
    scf.for %scan3A_60 = %scan3A_11 to %scan3A_13 step %scan3A_14  : i32 {
      %broadcast_in_dim3A = arith.constant 1.000000e+00 : f32
      %broadcast_in_dim3A_61 = vector.broadcast %broadcast_in_dim3A : f32 to vector<16xf32>
      %swap3A = arith.index_cast %scan3A_60 : i32 to index
      %swap3A_62 = arith.constant 0 : index
      %swap3A_63 = tpu.vector_load %arg6[%swap3A, %swap3A_62] {strides = array<i32>} : memref<128x32xf32, #tpu.memory_space<vmem>>, vector<1x16xf32>,
      %swap3A_64 = vector.shape_cast %swap3A_63 : vector<1x16xf32> to vector<16xf32>
      %swap3A_65 = vector.shape_cast %broadcast_in_dim3A_61 : vector<16xf32> to vector<1x16xf32>
      tpu.vector_store %arg6[%swap3A, %swap3A_62], %swap3A_65 {strides = array<i32>} : memref<128x32xf32, #tpu.memory_space<vmem>>, vector<1x16xf32>,
      %broadcast_in_dim3A_66 = arith.constant 1.000000e+00 : f32
      %broadcast_in_dim3A_67 = vector.broadcast %broadcast_in_dim3A_66 : f32 to vector<16xf32>
      %swap3A_68 = arith.index_cast %scan3A_60 : i32 to index
      %swap3A_69 = arith.constant 16 : index
      %swap3A_70 = tpu.vector_load %arg6[%swap3A_68, %swap3A_69] {strides = array<i32>} : memref<128x32xf32, #tpu.memory_space<vmem>>, vector<1x16xf32>,
      %swap3A_71 = vector.shape_cast %swap3A_70 : vector<1x16xf32> to vector<16xf32>
      %swap3A_72 = vector.shape_cast %broadcast_in_dim3A_67 : vector<16xf32> to vector<1x16xf32>
      tpu.vector_store %arg6[%swap3A_68, %swap3A_69], %swap3A_72 {strides = array<i32>} : memref<128x32xf32, #tpu.memory_space<vmem>>, vector<1x16xf32>,
    }
    %scan3A_15 = arith.constant 128 : i32
    %barrier3A = arith.constant 0 : index
    tpu.barrier barrier_id(%barrier3A)
    %scan3A_16 = arith.constant 0 : i32
    %scan3A_17 = arith.constant 0 : i32
    %scan3A_18 = arith.constant 79 : i32
    %scan3A_19 = arith.addi %scan3A_17, %scan3A_18 : i32
    %scan3A_20 = arith.constant 1 : i32
    scf.for %scan3A_60 = %scan3A_17 to %scan3A_19 step %scan3A_20  : i32 {
      %jit3A = arith.constant 4 : i32
      %eq3A_61 = arith.constant 0 : i32
      %eq3A_62 = arith.cmpi eq, %jit3A, %eq3A_61 : i32
      %jit3A_63 = arith.constant 1 : i32
      %select_n3A = arith.select %eq3A_62, %jit3A_63, %jit3A : i32
      %rem3A = arith.remsi %scan3A_60, %select_n3A : i32
      %ne3A = arith.constant 0 : i32
      %ne3A_64 = arith.cmpi ne, %rem3A, %ne3A : i32
      %lt3A_65 = arith.constant 0 : i32
      %lt3A_66 = arith.cmpi slt, %rem3A, %lt3A_65 : i32
      %lt3A_67 = arith.constant 0 : i32
      %lt3A_68 = arith.cmpi slt, %select_n3A, %lt3A_67 : i32
      %ne3A_69 = arith.xori %lt3A_66, %lt3A_68 : i1
      %and3A = arith.andi %ne3A_69, %ne3A_64 : i1
      %add3A_70 = arith.addi %rem3A, %select_n3A : i32
      %select_n3A_71 = arith.select %and3A, %add3A_70, %rem3A : i32
      %eq3A_72 = arith.constant 0 : i32
      %eq3A_73 = arith.cmpi eq, %select_n3A_71, %eq3A_72 : i32
      %ge3A = arith.constant 4 : i32
      %ge3A_74 = arith.cmpi sge, %scan3A_60, %ge3A : i32
      %and3A_75 = arith.andi %eq3A_73, %ge3A_74 : i1
      %convert_element_type3A_76 = arith.extui %and3A_75 : i1 to i32
      %cond3A_77 = arith.constant 0 : i32
      %cond3A_78 = arith.cmpi ne, %convert_element_type3A_76, %cond3A_77 : i32
      scf.if %cond3A_78 {
        %dma_wait3A_235 = arith.constant 0 : i32
        %dma_wait3A_236 = arith.constant 0 : i32
        %dma_wait3A_237 = tpu.memref_slice %arg5[%dma_wait3A_235, %dma_wait3A_236] : memref<80x128xi32, #tpu.memory_space<vmem>> -> memref<1x128xi32, #tpu.memory_space<vmem>>
        %dma_wait3A_238 = tpu.memref_squeeze %dma_wait3A_237 : memref<1x128xi32, #tpu.memory_space<vmem>> -> memref<128xi32, #tpu.memory_space<vmem>>
        %dma_wait3A_239 = arith.constant 0 : i32
        %dma_wait3A_240 = arith.constant 0 : i32
        %dma_wait3A_241 = tpu.memref_slice %arg7[%dma_wait3A_239, %dma_wait3A_240] : memref<10016x32xf32, #tpu.memory_space<vmem_shared>> -> memref<10016x32xf32, #tpu.memory_space<vmem_shared>>
        tpu.wait_indirect_dma semaphore(%arg8 : memref<!tpu.dma_semaphore, #tpu.memory_space<semaphore_mem>>) src(%arg6 : memref<128x32xf32, #tpu.memory_space<vmem>>) dst(%dma_wait3A_241 : memref<10016x32xf32, #tpu.memory_space<vmem_shared>>)
      } else {
      }
      %jit3A_79 = arith.constant 4 : i32
      %eq3A_80 = arith.constant 0 : i32
      %eq3A_81 = arith.cmpi eq, %jit3A_79, %eq3A_80 : i32
      %jit3A_82 = arith.constant 1 : i32
      %select_n3A_83 = arith.select %eq3A_81, %jit3A_82, %jit3A_79 : i32
      %rem3A_84 = arith.remsi %scan3A_60, %select_n3A_83 : i32
      %ne3A_85 = arith.constant 0 : i32
      %ne3A_86 = arith.cmpi ne, %rem3A_84, %ne3A_85 : i32
      %lt3A_87 = arith.constant 0 : i32
      %lt3A_88 = arith.cmpi slt, %rem3A_84, %lt3A_87 : i32
      %lt3A_89 = arith.constant 0 : i32
      %lt3A_90 = arith.cmpi slt, %select_n3A_83, %lt3A_89 : i32
      %ne3A_91 = arith.xori %lt3A_88, %lt3A_90 : i1
      %and3A_92 = arith.andi %ne3A_91, %ne3A_86 : i1
      %add3A_93 = arith.addi %rem3A_84, %select_n3A_83 : i32
      %select_n3A_94 = arith.select %and3A_92, %add3A_93, %rem3A_84 : i32
      %eq3A_95 = arith.constant 0 : i32
      %eq3A_96 = arith.cmpi eq, %select_n3A_94, %eq3A_95 : i32
      %convert_element_type3A_97 = arith.extui %eq3A_96 : i1 to i32
      %cond3A_98 = arith.constant 0 : i32
      %cond3A_99 = arith.cmpi ne, %convert_element_type3A_97, %cond3A_98 : i32
      scf.if %cond3A_99 {
        %dma_start3A = arith.constant 0 : i32
        %dma_start3A_235 = tpu.memref_slice %arg5[%scan3A_60, %dma_start3A] : memref<80x128xi32, #tpu.memory_space<vmem>> -> memref<1x128xi32, #tpu.memory_space<vmem>>
        %dma_start3A_236 = tpu.memref_squeeze %dma_start3A_235 : memref<1x128xi32, #tpu.memory_space<vmem>> -> memref<128xi32, #tpu.memory_space<vmem>>
        %dma_start3A_237 = arith.constant 0 : i32
        %dma_start3A_238 = arith.constant 0 : i32
        %dma_start3A_239 = tpu.memref_slice %arg7[%dma_start3A_237, %dma_start3A_238] : memref<10016x32xf32, #tpu.memory_space<vmem_shared>> -> memref<10016x32xf32, #tpu.memory_space<vmem_shared>>
        tpu.enqueue_indirect_dma source(%arg6 : memref<128x32xf32, #tpu.memory_space<vmem>>) target(%dma_start3A_239 : memref<10016x32xf32, #tpu.memory_space<vmem_shared>>) offsets(%dma_start3A_236 : memref<128xi32, #tpu.memory_space<vmem>>) semaphore(%arg8 : memref<!tpu.dma_semaphore, #tpu.memory_space<semaphore_mem>>) {add = true}
      } else {
      }
      %jit3A_100 = arith.constant 4 : i32
      %eq3A_101 = arith.constant 0 : i32
      %eq3A_102 = arith.cmpi eq, %jit3A_100, %eq3A_101 : i32
      %jit3A_103 = arith.constant 1 : i32
      %select_n3A_104 = arith.select %eq3A_102, %jit3A_103, %jit3A_100 : i32
      %rem3A_105 = arith.remsi %scan3A_60, %select_n3A_104 : i32
      %ne3A_106 = arith.constant 0 : i32
      %ne3A_107 = arith.cmpi ne, %rem3A_105, %ne3A_106 : i32
      %lt3A_108 = arith.constant 0 : i32
      %lt3A_109 = arith.cmpi slt, %rem3A_105, %lt3A_108 : i32
      %lt3A_110 = arith.constant 0 : i32
      %lt3A_111 = arith.cmpi slt, %select_n3A_104, %lt3A_110 : i32
      %ne3A_112 = arith.xori %lt3A_109, %lt3A_111 : i1
      %and3A_113 = arith.andi %ne3A_112, %ne3A_107 : i1
      %add3A_114 = arith.addi %rem3A_105, %select_n3A_104 : i32
      %select_n3A_115 = arith.select %and3A_113, %add3A_114, %rem3A_105 : i32
      %eq3A_116 = arith.constant 1 : i32
      %eq3A_117 = arith.cmpi eq, %select_n3A_115, %eq3A_116 : i32
      %ge3A_118 = arith.constant 4 : i32
      %ge3A_119 = arith.cmpi sge, %scan3A_60, %ge3A_118 : i32
      %and3A_120 = arith.andi %eq3A_117, %ge3A_119 : i1
      %convert_element_type3A_121 = arith.extui %and3A_120 : i1 to i32
      %cond3A_122 = arith.constant 0 : i32
      %cond3A_123 = arith.cmpi ne, %convert_element_type3A_121, %cond3A_122 : i32
      scf.if %cond3A_123 {
        %dma_wait3A_235 = arith.constant 0 : i32
        %dma_wait3A_236 = arith.constant 0 : i32
        %dma_wait3A_237 = tpu.memref_slice %arg5[%dma_wait3A_235, %dma_wait3A_236] : memref<80x128xi32, #tpu.memory_space<vmem>> -> memref<1x128xi32, #tpu.memory_space<vmem>>
        %dma_wait3A_238 = tpu.memref_squeeze %dma_wait3A_237 : memref<1x128xi32, #tpu.memory_space<vmem>> -> memref<128xi32, #tpu.memory_space<vmem>>
        %dma_wait3A_239 = arith.constant 0 : i32
        %dma_wait3A_240 = arith.constant 0 : i32
        %dma_wait3A_241 = tpu.memref_slice %arg7[%dma_wait3A_239, %dma_wait3A_240] : memref<10016x32xf32, #tpu.memory_space<vmem_shared>> -> memref<10016x32xf32, #tpu.memory_space<vmem_shared>>
        tpu.wait_indirect_dma semaphore(%arg9 : memref<!tpu.dma_semaphore, #tpu.memory_space<semaphore_mem>>) src(%arg6 : memref<128x32xf32, #tpu.memory_space<vmem>>) dst(%dma_wait3A_241 : memref<10016x32xf32, #tpu.memory_space<vmem_shared>>)
      } else {
      }
      %jit3A_124 = arith.constant 4 : i32
      %eq3A_125 = arith.constant 0 : i32
      %eq3A_126 = arith.cmpi eq, %jit3A_124, %eq3A_125 : i32
      %jit3A_127 = arith.constant 1 : i32
      %select_n3A_128 = arith.select %eq3A_126, %jit3A_127, %jit3A_124 : i32
      %rem3A_129 = arith.remsi %scan3A_60, %select_n3A_128 : i32
      %ne3A_130 = arith.constant 0 : i32
      %ne3A_131 = arith.cmpi ne, %rem3A_129, %ne3A_130 : i32
      %lt3A_132 = arith.constant 0 : i32
      %lt3A_133 = arith.cmpi slt, %rem3A_129, %lt3A_132 : i32
      %lt3A_134 = arith.constant 0 : i32
      %lt3A_135 = arith.cmpi slt, %select_n3A_128, %lt3A_134 : i32
      %ne3A_136 = arith.xori %lt3A_133, %lt3A_135 : i1
      %and3A_137 = arith.andi %ne3A_136, %ne3A_131 : i1
      %add3A_138 = arith.addi %rem3A_129, %select_n3A_128 : i32
      %select_n3A_139 = arith.select %and3A_137, %add3A_138, %rem3A_129 : i32
      %eq3A_140 = arith.constant 1 : i32
      %eq3A_141 = arith.cmpi eq, %select_n3A_139, %eq3A_140 : i32
      %convert_element_type3A_142 = arith.extui %eq3A_141 : i1 to i32
      %cond3A_143 = arith.constant 0 : i32
      %cond3A_144 = arith.cmpi ne, %convert_element_type3A_142, %cond3A_143 : i32
      scf.if %cond3A_144 {
        %dma_start3A = arith.constant 0 : i32
        %dma_start3A_235 = tpu.memref_slice %arg5[%scan3A_60, %dma_start3A] : memref<80x128xi32, #tpu.memory_space<vmem>> -> memref<1x128xi32, #tpu.memory_space<vmem>>
        %dma_start3A_236 = tpu.memref_squeeze %dma_start3A_235 : memref<1x128xi32, #tpu.memory_space<vmem>> -> memref<128xi32, #tpu.memory_space<vmem>>
        %dma_start3A_237 = arith.constant 0 : i32
        %dma_start3A_238 = arith.constant 0 : i32
        %dma_start3A_239 = tpu.memref_slice %arg7[%dma_start3A_237, %dma_start3A_238] : memref<10016x32xf32, #tpu.memory_space<vmem_shared>> -> memref<10016x32xf32, #tpu.memory_space<vmem_shared>>
        tpu.enqueue_indirect_dma source(%arg6 : memref<128x32xf32, #tpu.memory_space<vmem>>) target(%dma_start3A_239 : memref<10016x32xf32, #tpu.memory_space<vmem_shared>>) offsets(%dma_start3A_236 : memref<128xi32, #tpu.memory_space<vmem>>) semaphore(%arg9 : memref<!tpu.dma_semaphore, #tpu.memory_space<semaphore_mem>>) {add = true}
      } else {
      }
      %jit3A_145 = arith.constant 4 : i32
      %eq3A_146 = arith.constant 0 : i32
      %eq3A_147 = arith.cmpi eq, %jit3A_145, %eq3A_146 : i32
      %jit3A_148 = arith.constant 1 : i32
      %select_n3A_149 = arith.select %eq3A_147, %jit3A_148, %jit3A_145 : i32
      %rem3A_150 = arith.remsi %scan3A_60, %select_n3A_149 : i32
      %ne3A_151 = arith.constant 0 : i32
      %ne3A_152 = arith.cmpi ne, %rem3A_150, %ne3A_151 : i32
      %lt3A_153 = arith.constant 0 : i32
      %lt3A_154 = arith.cmpi slt, %rem3A_150, %lt3A_153 : i32
      %lt3A_155 = arith.constant 0 : i32
      %lt3A_156 = arith.cmpi slt, %select_n3A_149, %lt3A_155 : i32
      %ne3A_157 = arith.xori %lt3A_154, %lt3A_156 : i1
      %and3A_158 = arith.andi %ne3A_157, %ne3A_152 : i1
      %add3A_159 = arith.addi %rem3A_150, %select_n3A_149 : i32
      %select_n3A_160 = arith.select %and3A_158, %add3A_159, %rem3A_150 : i32
      %eq3A_161 = arith.constant 2 : i32
      %eq3A_162 = arith.cmpi eq, %select_n3A_160, %eq3A_161 : i32
      %ge3A_163 = arith.constant 4 : i32
      %ge3A_164 = arith.cmpi sge, %scan3A_60, %ge3A_163 : i32
      %and3A_165 = arith.andi %eq3A_162, %ge3A_164 : i1
      %convert_element_type3A_166 = arith.extui %and3A_165 : i1 to i32
      %cond3A_167 = arith.constant 0 : i32
      %cond3A_168 = arith.cmpi ne, %convert_element_type3A_166, %cond3A_167 : i32
      scf.if %cond3A_168 {
        %dma_wait3A_235 = arith.constant 0 : i32
        %dma_wait3A_236 = arith.constant 0 : i32
        %dma_wait3A_237 = tpu.memref_slice %arg5[%dma_wait3A_235, %dma_wait3A_236] : memref<80x128xi32, #tpu.memory_space<vmem>> -> memref<1x128xi32, #tpu.memory_space<vmem>>
        %dma_wait3A_238 = tpu.memref_squeeze %dma_wait3A_237 : memref<1x128xi32, #tpu.memory_space<vmem>> -> memref<128xi32, #tpu.memory_space<vmem>>
        %dma_wait3A_239 = arith.constant 0 : i32
        %dma_wait3A_240 = arith.constant 0 : i32
        %dma_wait3A_241 = tpu.memref_slice %arg7[%dma_wait3A_239, %dma_wait3A_240] : memref<10016x32xf32, #tpu.memory_space<vmem_shared>> -> memref<10016x32xf32, #tpu.memory_space<vmem_shared>>
        tpu.wait_indirect_dma semaphore(%arg10 : memref<!tpu.dma_semaphore, #tpu.memory_space<semaphore_mem>>) src(%arg6 : memref<128x32xf32, #tpu.memory_space<vmem>>) dst(%dma_wait3A_241 : memref<10016x32xf32, #tpu.memory_space<vmem_shared>>)
      } else {
      }
      %jit3A_169 = arith.constant 4 : i32
      %eq3A_170 = arith.constant 0 : i32
      %eq3A_171 = arith.cmpi eq, %jit3A_169, %eq3A_170 : i32
      %jit3A_172 = arith.constant 1 : i32
      %select_n3A_173 = arith.select %eq3A_171, %jit3A_172, %jit3A_169 : i32
      %rem3A_174 = arith.remsi %scan3A_60, %select_n3A_173 : i32
      %ne3A_175 = arith.constant 0 : i32
      %ne3A_176 = arith.cmpi ne, %rem3A_174, %ne3A_175 : i32
      %lt3A_177 = arith.constant 0 : i32
      %lt3A_178 = arith.cmpi slt, %rem3A_174, %lt3A_177 : i32
      %lt3A_179 = arith.constant 0 : i32
      %lt3A_180 = arith.cmpi slt, %select_n3A_173, %lt3A_179 : i32
      %ne3A_181 = arith.xori %lt3A_178, %lt3A_180 : i1
      %and3A_182 = arith.andi %ne3A_181, %ne3A_176 : i1
      %add3A_183 = arith.addi %rem3A_174, %select_n3A_173 : i32
      %select_n3A_184 = arith.select %and3A_182, %add3A_183, %rem3A_174 : i32
      %eq3A_185 = arith.constant 2 : i32
      %eq3A_186 = arith.cmpi eq, %select_n3A_184, %eq3A_185 : i32
      %convert_element_type3A_187 = arith.extui %eq3A_186 : i1 to i32
      %cond3A_188 = arith.constant 0 : i32
      %cond3A_189 = arith.cmpi ne, %convert_element_type3A_187, %cond3A_188 : i32
      scf.if %cond3A_189 {
        %dma_start3A = arith.constant 0 : i32
        %dma_start3A_235 = tpu.memref_slice %arg5[%scan3A_60, %dma_start3A] : memref<80x128xi32, #tpu.memory_space<vmem>> -> memref<1x128xi32, #tpu.memory_space<vmem>>
        %dma_start3A_236 = tpu.memref_squeeze %dma_start3A_235 : memref<1x128xi32, #tpu.memory_space<vmem>> -> memref<128xi32, #tpu.memory_space<vmem>>
        %dma_start3A_237 = arith.constant 0 : i32
        %dma_start3A_238 = arith.constant 0 : i32
        %dma_start3A_239 = tpu.memref_slice %arg7[%dma_start3A_237, %dma_start3A_238] : memref<10016x32xf32, #tpu.memory_space<vmem_shared>> -> memref<10016x32xf32, #tpu.memory_space<vmem_shared>>
        tpu.enqueue_indirect_dma source(%arg6 : memref<128x32xf32, #tpu.memory_space<vmem>>) target(%dma_start3A_239 : memref<10016x32xf32, #tpu.memory_space<vmem_shared>>) offsets(%dma_start3A_236 : memref<128xi32, #tpu.memory_space<vmem>>) semaphore(%arg10 : memref<!tpu.dma_semaphore, #tpu.memory_space<semaphore_mem>>) {add = true}
      } else {
      }
      %jit3A_190 = arith.constant 4 : i32
      %eq3A_191 = arith.constant 0 : i32
      %eq3A_192 = arith.cmpi eq, %jit3A_190, %eq3A_191 : i32
      %jit3A_193 = arith.constant 1 : i32
      %select_n3A_194 = arith.select %eq3A_192, %jit3A_193, %jit3A_190 : i32
      %rem3A_195 = arith.remsi %scan3A_60, %select_n3A_194 : i32
      %ne3A_196 = arith.constant 0 : i32
      %ne3A_197 = arith.cmpi ne, %rem3A_195, %ne3A_196 : i32
      %lt3A_198 = arith.constant 0 : i32
      %lt3A_199 = arith.cmpi slt, %rem3A_195, %lt3A_198 : i32
      %lt3A_200 = arith.constant 0 : i32
      %lt3A_201 = arith.cmpi slt, %select_n3A_194, %lt3A_200 : i32
      %ne3A_202 = arith.xori %lt3A_199, %lt3A_201 : i1
      %and3A_203 = arith.andi %ne3A_202, %ne3A_197 : i1
      %add3A_204 = arith.addi %rem3A_195, %select_n3A_194 : i32
      %select_n3A_205 = arith.select %and3A_203, %add3A_204, %rem3A_195 : i32
      %eq3A_206 = arith.constant 3 : i32
      %eq3A_207 = arith.cmpi eq, %select_n3A_205, %eq3A_206 : i32
      %ge3A_208 = arith.constant 4 : i32
      %ge3A_209 = arith.cmpi sge, %scan3A_60, %ge3A_208 : i32
      %and3A_210 = arith.andi %eq3A_207, %ge3A_209 : i1
      %convert_element_type3A_211 = arith.extui %and3A_210 : i1 to i32
      %cond3A_212 = arith.constant 0 : i32
      %cond3A_213 = arith.cmpi ne, %convert_element_type3A_211, %cond3A_212 : i32
      scf.if %cond3A_213 {
        %dma_wait3A_235 = arith.constant 0 : i32
        %dma_wait3A_236 = arith.constant 0 : i32
        %dma_wait3A_237 = tpu.memref_slice %arg5[%dma_wait3A_235, %dma_wait3A_236] : memref<80x128xi32, #tpu.memory_space<vmem>> -> memref<1x128xi32, #tpu.memory_space<vmem>>
        %dma_wait3A_238 = tpu.memref_squeeze %dma_wait3A_237 : memref<1x128xi32, #tpu.memory_space<vmem>> -> memref<128xi32, #tpu.memory_space<vmem>>
        %dma_wait3A_239 = arith.constant 0 : i32
        %dma_wait3A_240 = arith.constant 0 : i32
        %dma_wait3A_241 = tpu.memref_slice %arg7[%dma_wait3A_239, %dma_wait3A_240] : memref<10016x32xf32, #tpu.memory_space<vmem_shared>> -> memref<10016x32xf32, #tpu.memory_space<vmem_shared>>
        tpu.wait_indirect_dma semaphore(%arg11 : memref<!tpu.dma_semaphore, #tpu.memory_space<semaphore_mem>>) src(%arg6 : memref<128x32xf32, #tpu.memory_space<vmem>>) dst(%dma_wait3A_241 : memref<10016x32xf32, #tpu.memory_space<vmem_shared>>)
      } else {
      }
      %jit3A_214 = arith.constant 4 : i32
      %eq3A_215 = arith.constant 0 : i32
      %eq3A_216 = arith.cmpi eq, %jit3A_214, %eq3A_215 : i32
      %jit3A_217 = arith.constant 1 : i32
      %select_n3A_218 = arith.select %eq3A_216, %jit3A_217, %jit3A_214 : i32
      %rem3A_219 = arith.remsi %scan3A_60, %select_n3A_218 : i32
      %ne3A_220 = arith.constant 0 : i32
      %ne3A_221 = arith.cmpi ne, %rem3A_219, %ne3A_220 : i32
      %lt3A_222 = arith.constant 0 : i32
      %lt3A_223 = arith.cmpi slt, %rem3A_219, %lt3A_222 : i32
      %lt3A_224 = arith.constant 0 : i32
      %lt3A_225 = arith.cmpi slt, %select_n3A_218, %lt3A_224 : i32
      %ne3A_226 = arith.xori %lt3A_223, %lt3A_225 : i1
      %and3A_227 = arith.andi %ne3A_226, %ne3A_221 : i1
      %add3A_228 = arith.addi %rem3A_219, %select_n3A_218 : i32
      %select_n3A_229 = arith.select %and3A_227, %add3A_228, %rem3A_219 : i32
      %eq3A_230 = arith.constant 3 : i32
      %eq3A_231 = arith.cmpi eq, %select_n3A_229, %eq3A_230 : i32
      %convert_element_type3A_232 = arith.extui %eq3A_231 : i1 to i32
      %cond3A_233 = arith.constant 0 : i32
      %cond3A_234 = arith.cmpi ne, %convert_element_type3A_232, %cond3A_233 : i32
      scf.if %cond3A_234 {
        %dma_start3A = arith.constant 0 : i32
        %dma_start3A_235 = tpu.memref_slice %arg5[%scan3A_60, %dma_start3A] : memref<80x128xi32, #tpu.memory_space<vmem>> -> memref<1x128xi32, #tpu.memory_space<vmem>>
        %dma_start3A_236 = tpu.memref_squeeze %dma_start3A_235 : memref<1x128xi32, #tpu.memory_space<vmem>> -> memref<128xi32, #tpu.memory_space<vmem>>
        %dma_start3A_237 = arith.constant 0 : i32
        %dma_start3A_238 = arith.constant 0 : i32
        %dma_start3A_239 = tpu.memref_slice %arg7[%dma_start3A_237, %dma_start3A_238] : memref<10016x32xf32, #tpu.memory_space<vmem_shared>> -> memref<10016x32xf32, #tpu.memory_space<vmem_shared>>
        tpu.enqueue_indirect_dma source(%arg6 : memref<128x32xf32, #tpu.memory_space<vmem>>) target(%dma_start3A_239 : memref<10016x32xf32, #tpu.memory_space<vmem_shared>>) offsets(%dma_start3A_236 : memref<128xi32, #tpu.memory_space<vmem>>) semaphore(%arg11 : memref<!tpu.dma_semaphore, #tpu.memory_space<semaphore_mem>>) {add = true}
      } else {
      }
    }
    %scan3A_21 = arith.constant 79 : i32
    %dma_wait3A = arith.constant 0 : i32
    %dma_wait3A_22 = arith.constant 0 : i32
    %dma_wait3A_23 = tpu.memref_slice %arg5[%dma_wait3A, %dma_wait3A_22] : memref<80x128xi32, #tpu.memory_space<vmem>> -> memref<1x128xi32, #tpu.memory_space<vmem>>
    %dma_wait3A_24 = tpu.memref_squeeze %dma_wait3A_23 : memref<1x128xi32, #tpu.memory_space<vmem>> -> memref<128xi32, #tpu.memory_space<vmem>>
    %dma_wait3A_25 = arith.constant 0 : i32
    %dma_wait3A_26 = arith.constant 0 : i32
    %dma_wait3A_27 = tpu.memref_slice %arg7[%dma_wait3A_25, %dma_wait3A_26] : memref<10016x32xf32, #tpu.memory_space<vmem_shared>> -> memref<10016x32xf32, #tpu.memory_space<vmem_shared>>
    tpu.wait_indirect_dma semaphore(%arg8 : memref<!tpu.dma_semaphore, #tpu.memory_space<semaphore_mem>>) src(%arg6 : memref<128x32xf32, #tpu.memory_space<vmem>>) dst(%dma_wait3A_27 : memref<10016x32xf32, #tpu.memory_space<vmem_shared>>)
    %dma_wait3A_28 = arith.constant 0 : i32
    %dma_wait3A_29 = arith.constant 0 : i32
    %dma_wait3A_30 = tpu.memref_slice %arg5[%dma_wait3A_28, %dma_wait3A_29] : memref<80x128xi32, #tpu.memory_space<vmem>> -> memref<1x128xi32, #tpu.memory_space<vmem>>
    %dma_wait3A_31 = tpu.memref_squeeze %dma_wait3A_30 : memref<1x128xi32, #tpu.memory_space<vmem>> -> memref<128xi32, #tpu.memory_space<vmem>>
    %dma_wait3A_32 = arith.constant 0 : i32
    %dma_wait3A_33 = arith.constant 0 : i32
    %dma_wait3A_34 = tpu.memref_slice %arg7[%dma_wait3A_32, %dma_wait3A_33] : memref<10016x32xf32, #tpu.memory_space<vmem_shared>> -> memref<10016x32xf32, #tpu.memory_space<vmem_shared>>
    tpu.wait_indirect_dma semaphore(%arg9 : memref<!tpu.dma_semaphore, #tpu.memory_space<semaphore_mem>>) src(%arg6 : memref<128x32xf32, #tpu.memory_space<vmem>>) dst(%dma_wait3A_34 : memref<10016x32xf32, #tpu.memory_space<vmem_shared>>)
    %dma_wait3A_35 = arith.constant 0 : i32
    %dma_wait3A_36 = arith.constant 0 : i32
    %dma_wait3A_37 = tpu.memref_slice %arg5[%dma_wait3A_35, %dma_wait3A_36] : memref<80x128xi32, #tpu.memory_space<vmem>> -> memref<1x128xi32, #tpu.memory_space<vmem>>
    %dma_wait3A_38 = tpu.memref_squeeze %dma_wait3A_37 : memref<1x128xi32, #tpu.memory_space<vmem>> -> memref<128xi32, #tpu.memory_space<vmem>>
    %dma_wait3A_39 = arith.constant 0 : i32
    %dma_wait3A_40 = arith.constant 0 : i32
    %dma_wait3A_41 = tpu.memref_slice %arg7[%dma_wait3A_39, %dma_wait3A_40] : memref<10016x32xf32, #tpu.memory_space<vmem_shared>> -> memref<10016x32xf32, #tpu.memory_space<vmem_shared>>
    tpu.wait_indirect_dma semaphore(%arg10 : memref<!tpu.dma_semaphore, #tpu.memory_space<semaphore_mem>>) src(%arg6 : memref<128x32xf32, #tpu.memory_space<vmem>>) dst(%dma_wait3A_41 : memref<10016x32xf32, #tpu.memory_space<vmem_shared>>)
    %dma_wait3A_42 = arith.constant 0 : i32
    %dma_wait3A_43 = arith.constant 0 : i32
    %dma_wait3A_44 = tpu.memref_slice %arg5[%dma_wait3A_42, %dma_wait3A_43] : memref<80x128xi32, #tpu.memory_space<vmem>> -> memref<1x128xi32, #tpu.memory_space<vmem>>
    %dma_wait3A_45 = tpu.memref_squeeze %dma_wait3A_44 : memref<1x128xi32, #tpu.memory_space<vmem>> -> memref<128xi32, #tpu.memory_space<vmem>>
    %dma_wait3A_46 = arith.constant 0 : i32
    %dma_wait3A_47 = arith.constant 0 : i32
    %dma_wait3A_48 = tpu.memref_slice %arg7[%dma_wait3A_46, %dma_wait3A_47] : memref<10016x32xf32, #tpu.memory_space<vmem_shared>> -> memref<10016x32xf32, #tpu.memory_space<vmem_shared>>
    tpu.wait_indirect_dma semaphore(%arg11 : memref<!tpu.dma_semaphore, #tpu.memory_space<semaphore_mem>>) src(%arg6 : memref<128x32xf32, #tpu.memory_space<vmem>>) dst(%dma_wait3A_48 : memref<10016x32xf32, #tpu.memory_space<vmem_shared>>)
    %barrier3A_49 = arith.constant 0 : index
    tpu.barrier barrier_id(%barrier3A_49)
    %lt3A_50 = arith.constant 15 : i32
    %lt3A_51 = arith.cmpi slt, %arg1, %lt3A_50 : i32
    %convert_element_type3A_52 = arith.extui %lt3A_51 : i1 to i32
    %cond3A_53 = arith.constant 0 : i32
    %cond3A_54 = arith.cmpi ne, %convert_element_type3A_52, %cond3A_53 : i32
    scf.if %cond3A_54 {
      "tpu.region"() ({
        %run_scoped3A = tpu.sem_alloc : memref<!tpu.dma_semaphore, #tpu.memory_space<semaphore_mem>>
        %dma_start3A = arith.constant 0 : i32
        %dma_start3A_60 = tpu.memref_slice %arg4[%arg0, %mul3A_2, %dma_start3A] : memref<2x10000x32xf32, #tpu.memory_space<hbm>> -> memref<1x632x32xf32, #tpu.memory_space<hbm>>
        %dma_start3A_61 = tpu.memref_squeeze %dma_start3A_60 : memref<1x632x32xf32, #tpu.memory_space<hbm>> -> memref<632x32xf32, #tpu.memory_space<hbm>>
        %dma_start3A_62 = arith.constant 0 : i32
        %dma_start3A_63 = tpu.memref_slice %arg7[%mul3A_2, %dma_start3A_62] : memref<10016x32xf32, #tpu.memory_space<vmem_shared>> -> memref<632x32xf32, #tpu.memory_space<vmem_shared>>
        tpu.enqueue_dma source(%dma_start3A_63 : memref<632x32xf32, #tpu.memory_space<vmem_shared>>) target(%dma_start3A_61 : memref<632x32xf32, #tpu.memory_space<hbm>>) target_semaphore(%run_scoped3A : memref<!tpu.dma_semaphore, #tpu.memory_space<semaphore_mem>>)
        %dma_wait3A_64 = arith.constant 0 : i32
        %dma_wait3A_65 = tpu.memref_slice %arg4[%arg0, %mul3A_2, %dma_wait3A_64] : memref<2x10000x32xf32, #tpu.memory_space<hbm>> -> memref<1x632x32xf32, #tpu.memory_space<hbm>>
        %dma_wait3A_66 = tpu.memref_squeeze %dma_wait3A_65 : memref<1x632x32xf32, #tpu.memory_space<hbm>> -> memref<632x32xf32, #tpu.memory_space<hbm>>
        %dma_wait3A_67 = arith.constant 0 : i32
        %dma_wait3A_68 = tpu.memref_slice %arg7[%mul3A_2, %dma_wait3A_67] : memref<10016x32xf32, #tpu.memory_space<vmem_shared>> -> memref<632x32xf32, #tpu.memory_space<vmem_shared>>
        tpu.wait_dma2 semaphore(%run_scoped3A : memref<!tpu.dma_semaphore, #tpu.memory_space<semaphore_mem>>) src(%dma_wait3A_68 : memref<632x32xf32, #tpu.memory_space<vmem_shared>>) dst(%dma_wait3A_66 : memref<632x32xf32, #tpu.memory_space<hbm>>)
        tpu.yield
      }) : () -> ()
    } else {
    }
    %eq3A_55 = arith.constant 15 : i32
    %eq3A_56 = arith.cmpi eq, %arg1, %eq3A_55 : i32
    %convert_element_type3A_57 = arith.extui %eq3A_56 : i1 to i32
    %cond3A_58 = arith.constant 0 : i32
    %cond3A_59 = arith.cmpi ne, %convert_element_type3A_57, %cond3A_58 : i32
    scf.if %cond3A_59 {
      "tpu.region"() ({
        %run_scoped3A = tpu.sem_alloc : memref<!tpu.dma_semaphore, #tpu.memory_space<semaphore_mem>>
        %dma_start3A = arith.constant 0 : i32
        %dma_start3A_60 = tpu.memref_slice %arg4[%arg0, %mul3A_2, %dma_start3A] : memref<2x10000x32xf32, #tpu.memory_space<hbm>> -> memref<1x520x32xf32, #tpu.memory_space<hbm>>
        %dma_start3A_61 = tpu.memref_squeeze %dma_start3A_60 : memref<1x520x32xf32, #tpu.memory_space<hbm>> -> memref<520x32xf32, #tpu.memory_space<hbm>>
        %dma_start3A_62 = arith.constant 0 : i32
        %dma_start3A_63 = tpu.memref_slice %arg7[%mul3A_2, %dma_start3A_62] : memref<10016x32xf32, #tpu.memory_space<vmem_shared>> -> memref<520x32xf32, #tpu.memory_space<vmem_shared>>
        tpu.enqueue_dma source(%dma_start3A_63 : memref<520x32xf32, #tpu.memory_space<vmem_shared>>) target(%dma_start3A_61 : memref<520x32xf32, #tpu.memory_space<hbm>>) target_semaphore(%run_scoped3A : memref<!tpu.dma_semaphore, #tpu.memory_space<semaphore_mem>>)
        %dma_wait3A_64 = arith.constant 0 : i32
        %dma_wait3A_65 = tpu.memref_slice %arg4[%arg0, %mul3A_2, %dma_wait3A_64] : memref<2x10000x32xf32, #tpu.memory_space<hbm>> -> memref<1x520x32xf32, #tpu.memory_space<hbm>>
        %dma_wait3A_66 = tpu.memref_squeeze %dma_wait3A_65 : memref<1x520x32xf32, #tpu.memory_space<hbm>> -> memref<520x32xf32, #tpu.memory_space<hbm>>
        %dma_wait3A_67 = arith.constant 0 : i32
        %dma_wait3A_68 = tpu.memref_slice %arg7[%mul3A_2, %dma_wait3A_67] : memref<10016x32xf32, #tpu.memory_space<vmem_shared>> -> memref<520x32xf32, #tpu.memory_space<vmem_shared>>
        tpu.wait_dma2 semaphore(%run_scoped3A : memref<!tpu.dma_semaphore, #tpu.memory_space<semaphore_mem>>) src(%dma_wait3A_68 : memref<520x32xf32, #tpu.memory_space<vmem_shared>>) dst(%dma_wait3A_66 : memref<520x32xf32, #tpu.memory_space<hbm>>)
        tpu.yield
      }) : () -> ()
    } else {
    }
    return
  }
}

#map = affine_map<(d0, d1) -> (0, 0)>
#map1 = affine_map<(d0, d1) -> (0, 0, 0)>
module attributes {stable_mosaic.version = 14 : i64} {
  func.func @_segsum(%arg0: i32, %arg1: i32, %arg2: memref<10000x64xf32, #tpu.memory_space<hbm>>, %arg3: memref<2560x128xi32, #tpu.memory_space<hbm>>, %arg4: memref<2560x128xi32, #tpu.memory_space<hbm>>, %arg5: memref<10000x64xf32, #tpu.memory_space<hbm>>, %arg6: memref<2x10000x64xf32, #tpu.memory_space<hbm>>, %arg7: memref<80x128xi32, #tpu.memory_space<vmem>>, %arg8: memref<80x128xi32, #tpu.memory_space<vmem>>, %arg9: memref<128x64xf32, #tpu.memory_space<vmem>>, %arg10: memref<128x64xf32, #tpu.memory_space<vmem>>, %arg11: memref<128x64xf32, #tpu.memory_space<vmem>>, %arg12: memref<128x64xf32, #tpu.memory_space<vmem>>, %arg13: memref<10016x64xf32, #tpu.memory_space<vmem_shared>>, %arg14: memref<!tpu.dma_semaphore, #tpu.memory_space<semaphore_mem>>, %arg15: memref<!tpu.dma_semaphore, #tpu.memory_space<semaphore_mem>>, %arg16: memref<!tpu.dma_semaphore, #tpu.memory_space<semaphore_mem>>, %arg17: memref<!tpu.dma_semaphore, #tpu.memory_space<semaphore_mem>>, %arg18: memref<!tpu.dma_semaphore, #tpu.memory_space<semaphore_mem>>, %arg19: memref<!tpu.dma_semaphore, #tpu.memory_space<semaphore_mem>>, %arg20: memref<!tpu.dma_semaphore, #tpu.memory_space<semaphore_mem>>, %arg21: memref<!tpu.dma_semaphore, #tpu.memory_space<semaphore_mem>>) attributes {dimension_semantics = [#tpu.dimension_semantics<core_parallel>, #tpu.dimension_semantics<subcore_parallel>], iteration_bounds = array<i64: 2, 16>, scalar_prefetch = 0 : i64, scratch_operands = 15 : i64, tpu.core_type = #tpu.core_type<sc_vector_subcore>, window_params = [{transform_indices = #map}, {transform_indices = #map}, {transform_indices = #map}, {transform_indices = #map}, {transform_indices = #map1}]} {
    %mul3A = arith.constant 16 : i32
    %mul3A_0 = arith.muli %arg0, %mul3A : i32
    %add3A = arith.addi %mul3A_0, %arg1 : i32
    %mul3A_1 = arith.constant 632 : i32
    %mul3A_2 = arith.muli %arg1, %mul3A_1 : i32
    %lt3A = arith.constant 15 : i32
    %lt3A_3 = arith.cmpi slt, %arg1, %lt3A : i32
    %convert_element_type3A = arith.extui %lt3A_3 : i1 to i32
    %cond3A = arith.constant 0 : i32
    %cond3A_4 = arith.cmpi ne, %convert_element_type3A, %cond3A : i32
    scf.if %cond3A_4 {
      "tpu.region"() ({
        %run_scoped3A = tpu.sem_alloc : memref<!tpu.dma_semaphore, #tpu.memory_space<semaphore_mem>>
        %dma_start3A_69 = arith.constant 0 : i32
        %dma_start3A_70 = tpu.memref_slice %arg13[%mul3A_2, %dma_start3A_69] : memref<10016x64xf32, #tpu.memory_space<vmem_shared>> -> memref<632x64xf32, #tpu.memory_space<vmem_shared>>
        %dma_start3A_71 = arith.constant 0 : i32
        %dma_start3A_72 = tpu.memref_slice %arg5[%mul3A_2, %dma_start3A_71] : memref<10000x64xf32, #tpu.memory_space<hbm>> -> memref<632x64xf32, #tpu.memory_space<hbm>>
        tpu.enqueue_dma source(%dma_start3A_72 : memref<632x64xf32, #tpu.memory_space<hbm>>) target(%dma_start3A_70 : memref<632x64xf32, #tpu.memory_space<vmem_shared>>) target_semaphore(%run_scoped3A : memref<!tpu.dma_semaphore, #tpu.memory_space<semaphore_mem>>)
        %dma_wait3A_73 = arith.constant 0 : i32
        %dma_wait3A_74 = tpu.memref_slice %arg13[%mul3A_2, %dma_wait3A_73] : memref<10016x64xf32, #tpu.memory_space<vmem_shared>> -> memref<632x64xf32, #tpu.memory_space<vmem_shared>>
        %dma_wait3A_75 = arith.constant 0 : i32
        %dma_wait3A_76 = tpu.memref_slice %arg5[%mul3A_2, %dma_wait3A_75] : memref<10000x64xf32, #tpu.memory_space<hbm>> -> memref<632x64xf32, #tpu.memory_space<hbm>>
        tpu.wait_dma2 semaphore(%run_scoped3A : memref<!tpu.dma_semaphore, #tpu.memory_space<semaphore_mem>>) src(%dma_wait3A_76 : memref<632x64xf32, #tpu.memory_space<hbm>>) dst(%dma_wait3A_74 : memref<632x64xf32, #tpu.memory_space<vmem_shared>>)
        tpu.yield
      }) : () -> ()
    } else {
    }
    %eq3A = arith.constant 15 : i32
    %eq3A_5 = arith.cmpi eq, %arg1, %eq3A : i32
    %convert_element_type3A_6 = arith.extui %eq3A_5 : i1 to i32
    %cond3A_7 = arith.constant 0 : i32
    %cond3A_8 = arith.cmpi ne, %convert_element_type3A_6, %cond3A_7 : i32
    scf.if %cond3A_8 {
      "tpu.region"() ({
        %run_scoped3A = tpu.sem_alloc : memref<!tpu.dma_semaphore, #tpu.memory_space<semaphore_mem>>
        %dma_start3A_69 = arith.constant 0 : i32
        %dma_start3A_70 = tpu.memref_slice %arg13[%mul3A_2, %dma_start3A_69] : memref<10016x64xf32, #tpu.memory_space<vmem_shared>> -> memref<520x64xf32, #tpu.memory_space<vmem_shared>>
        %dma_start3A_71 = arith.constant 0 : i32
        %dma_start3A_72 = tpu.memref_slice %arg5[%mul3A_2, %dma_start3A_71] : memref<10000x64xf32, #tpu.memory_space<hbm>> -> memref<520x64xf32, #tpu.memory_space<hbm>>
        tpu.enqueue_dma source(%dma_start3A_72 : memref<520x64xf32, #tpu.memory_space<hbm>>) target(%dma_start3A_70 : memref<520x64xf32, #tpu.memory_space<vmem_shared>>) target_semaphore(%run_scoped3A : memref<!tpu.dma_semaphore, #tpu.memory_space<semaphore_mem>>)
        %dma_wait3A_73 = arith.constant 0 : i32
        %dma_wait3A_74 = tpu.memref_slice %arg13[%mul3A_2, %dma_wait3A_73] : memref<10016x64xf32, #tpu.memory_space<vmem_shared>> -> memref<520x64xf32, #tpu.memory_space<vmem_shared>>
        %dma_wait3A_75 = arith.constant 0 : i32
        %dma_wait3A_76 = tpu.memref_slice %arg5[%mul3A_2, %dma_wait3A_75] : memref<10000x64xf32, #tpu.memory_space<hbm>> -> memref<520x64xf32, #tpu.memory_space<hbm>>
        tpu.wait_dma2 semaphore(%run_scoped3A : memref<!tpu.dma_semaphore, #tpu.memory_space<semaphore_mem>>) src(%dma_wait3A_76 : memref<520x64xf32, #tpu.memory_space<hbm>>) dst(%dma_wait3A_74 : memref<520x64xf32, #tpu.memory_space<vmem_shared>>)
        tpu.yield
      }) : () -> ()
    } else {
    }
    %mul3A_9 = arith.constant 80 : i32
    %mul3A_10 = arith.muli %add3A, %mul3A_9 : i32
    "tpu.region"() ({
      %run_scoped3A = tpu.sem_alloc : memref<!tpu.dma_semaphore, #tpu.memory_space<semaphore_mem>>
      %dma_start3A_69 = arith.constant 0 : i32
      %dma_start3A_70 = tpu.memref_slice %arg3[%mul3A_10, %dma_start3A_69] : memref<2560x128xi32, #tpu.memory_space<hbm>> -> memref<80x128xi32, #tpu.memory_space<hbm>>
      %dma_start3A_71 = arith.constant 0 : i32
      %dma_start3A_72 = tpu.memref_slice %arg3[%mul3A_10, %dma_start3A_71] : memref<2560x128xi32, #tpu.memory_space<hbm>> -> memref<80x128xi32, #tpu.memory_space<hbm>>
      tpu.enqueue_dma source(%dma_start3A_72 : memref<80x128xi32, #tpu.memory_space<hbm>>) target(%arg7 : memref<80x128xi32, #tpu.memory_space<vmem>>) target_semaphore(%run_scoped3A : memref<!tpu.dma_semaphore, #tpu.memory_space<semaphore_mem>>)
      %dma_wait3A_73 = arith.constant 0 : i32
      %dma_wait3A_74 = tpu.memref_slice %arg3[%mul3A_10, %dma_wait3A_73] : memref<2560x128xi32, #tpu.memory_space<hbm>> -> memref<80x128xi32, #tpu.memory_space<hbm>>
      %dma_wait3A_75 = arith.constant 0 : i32
      %dma_wait3A_76 = tpu.memref_slice %arg3[%mul3A_10, %dma_wait3A_75] : memref<2560x128xi32, #tpu.memory_space<hbm>> -> memref<80x128xi32, #tpu.memory_space<hbm>>
      tpu.wait_dma2 semaphore(%run_scoped3A : memref<!tpu.dma_semaphore, #tpu.memory_space<semaphore_mem>>) src(%dma_wait3A_76 : memref<80x128xi32, #tpu.memory_space<hbm>>) dst(%arg7 : memref<80x128xi32, #tpu.memory_space<vmem>>)
      tpu.yield
    }) : () -> ()
    %mul3A_11 = arith.constant 80 : i32
    %mul3A_12 = arith.muli %add3A, %mul3A_11 : i32
    "tpu.region"() ({
      %run_scoped3A = tpu.sem_alloc : memref<!tpu.dma_semaphore, #tpu.memory_space<semaphore_mem>>
      %dma_start3A_69 = arith.constant 0 : i32
      %dma_start3A_70 = tpu.memref_slice %arg4[%mul3A_12, %dma_start3A_69] : memref<2560x128xi32, #tpu.memory_space<hbm>> -> memref<80x128xi32, #tpu.memory_space<hbm>>
      %dma_start3A_71 = arith.constant 0 : i32
      %dma_start3A_72 = tpu.memref_slice %arg4[%mul3A_12, %dma_start3A_71] : memref<2560x128xi32, #tpu.memory_space<hbm>> -> memref<80x128xi32, #tpu.memory_space<hbm>>
      tpu.enqueue_dma source(%dma_start3A_72 : memref<80x128xi32, #tpu.memory_space<hbm>>) target(%arg8 : memref<80x128xi32, #tpu.memory_space<vmem>>) target_semaphore(%run_scoped3A : memref<!tpu.dma_semaphore, #tpu.memory_space<semaphore_mem>>)
      %dma_wait3A_73 = arith.constant 0 : i32
      %dma_wait3A_74 = tpu.memref_slice %arg4[%mul3A_12, %dma_wait3A_73] : memref<2560x128xi32, #tpu.memory_space<hbm>> -> memref<80x128xi32, #tpu.memory_space<hbm>>
      %dma_wait3A_75 = arith.constant 0 : i32
      %dma_wait3A_76 = tpu.memref_slice %arg4[%mul3A_12, %dma_wait3A_75] : memref<2560x128xi32, #tpu.memory_space<hbm>> -> memref<80x128xi32, #tpu.memory_space<hbm>>
      tpu.wait_dma2 semaphore(%run_scoped3A : memref<!tpu.dma_semaphore, #tpu.memory_space<semaphore_mem>>) src(%dma_wait3A_76 : memref<80x128xi32, #tpu.memory_space<hbm>>) dst(%arg8 : memref<80x128xi32, #tpu.memory_space<vmem>>)
      tpu.yield
    }) : () -> ()
    %barrier3A = arith.constant 0 : index
    tpu.barrier barrier_id(%barrier3A)
    %dma_start3A = arith.constant 0 : i32
    %dma_start3A_13 = arith.constant 0 : i32
    %dma_start3A_14 = tpu.memref_slice %arg7[%dma_start3A, %dma_start3A_13] : memref<80x128xi32, #tpu.memory_space<vmem>> -> memref<1x128xi32, #tpu.memory_space<vmem>>
    %dma_start3A_15 = tpu.memref_squeeze %dma_start3A_14 : memref<1x128xi32, #tpu.memory_space<vmem>> -> memref<128xi32, #tpu.memory_space<vmem>>
    %dma_start3A_16 = arith.constant 0 : i32
    %dma_start3A_17 = arith.constant 0 : i32
    %dma_start3A_18 = tpu.memref_slice %arg2[%dma_start3A_16, %dma_start3A_17] : memref<10000x64xf32, #tpu.memory_space<hbm>> -> memref<10000x64xf32, #tpu.memory_space<hbm>>
    tpu.enqueue_indirect_dma source(%dma_start3A_18 : memref<10000x64xf32, #tpu.memory_space<hbm>>) target(%arg9 : memref<128x64xf32, #tpu.memory_space<vmem>>) offsets(%dma_start3A_15 : memref<128xi32, #tpu.memory_space<vmem>>) semaphore(%arg14 : memref<!tpu.dma_semaphore, #tpu.memory_space<semaphore_mem>>)
    %dma_start3A_19 = arith.constant 1 : i32
    %dma_start3A_20 = arith.constant 0 : i32
    %dma_start3A_21 = tpu.memref_slice %arg7[%dma_start3A_19, %dma_start3A_20] : memref<80x128xi32, #tpu.memory_space<vmem>> -> memref<1x128xi32, #tpu.memory_space<vmem>>
    %dma_start3A_22 = tpu.memref_squeeze %dma_start3A_21 : memref<1x128xi32, #tpu.memory_space<vmem>> -> memref<128xi32, #tpu.memory_space<vmem>>
    %dma_start3A_23 = arith.constant 0 : i32
    %dma_start3A_24 = arith.constant 0 : i32
    %dma_start3A_25 = tpu.memref_slice %arg2[%dma_start3A_23, %dma_start3A_24] : memref<10000x64xf32, #tpu.memory_space<hbm>> -> memref<10000x64xf32, #tpu.memory_space<hbm>>
    tpu.enqueue_indirect_dma source(%dma_start3A_25 : memref<10000x64xf32, #tpu.memory_space<hbm>>) target(%arg10 : memref<128x64xf32, #tpu.memory_space<vmem>>) offsets(%dma_start3A_22 : memref<128xi32, #tpu.memory_space<vmem>>) semaphore(%arg15 : memref<!tpu.dma_semaphore, #tpu.memory_space<semaphore_mem>>)
    %scan3A = arith.constant 0 : i32
    %scan3A_26 = arith.constant 0 : i32
    %scan3A_27 = arith.constant 79 : i32
    %scan3A_28 = arith.addi %scan3A_26, %scan3A_27 : i32
    %scan3A_29 = arith.constant 1 : i32
    scf.for %scan3A_69 = %scan3A_26 to %scan3A_28 step %scan3A_29  : i32 {
      %add3A_70 = arith.constant 2 : i32
      %add3A_71 = arith.addi %scan3A_69, %add3A_70 : i32
      %jit3A = arith.constant 4 : i32
      %eq3A_72 = arith.constant 0 : i32
      %eq3A_73 = arith.cmpi eq, %jit3A, %eq3A_72 : i32
      %jit3A_74 = arith.constant 1 : i32
      %select_n3A = arith.select %eq3A_73, %jit3A_74, %jit3A : i32
      %rem3A = arith.remsi %scan3A_69, %select_n3A : i32
      %ne3A = arith.constant 0 : i32
      %ne3A_75 = arith.cmpi ne, %rem3A, %ne3A : i32
      %lt3A_76 = arith.constant 0 : i32
      %lt3A_77 = arith.cmpi slt, %rem3A, %lt3A_76 : i32
      %lt3A_78 = arith.constant 0 : i32
      %lt3A_79 = arith.cmpi slt, %select_n3A, %lt3A_78 : i32
      %ne3A_80 = arith.xori %lt3A_77, %lt3A_79 : i1
      %and3A = arith.andi %ne3A_80, %ne3A_75 : i1
      %add3A_81 = arith.addi %rem3A, %select_n3A : i32
      %select_n3A_82 = arith.select %and3A, %add3A_81, %rem3A : i32
      %eq3A_83 = arith.constant 0 : i32
      %eq3A_84 = arith.cmpi eq, %select_n3A_82, %eq3A_83 : i32
      %convert_element_type3A_85 = arith.extui %eq3A_84 : i1 to i32
      %cond3A_86 = arith.constant 0 : i32
      %cond3A_87 = arith.cmpi ne, %convert_element_type3A_85, %cond3A_86 : i32
      scf.if %cond3A_87 {
        %dma_wait3A_282 = arith.constant 0 : i32
        %dma_wait3A_283 = tpu.memref_slice %arg7[%scan3A_69, %dma_wait3A_282] : memref<80x128xi32, #tpu.memory_space<vmem>> -> memref<1x128xi32, #tpu.memory_space<vmem>>
        %dma_wait3A_284 = tpu.memref_squeeze %dma_wait3A_283 : memref<1x128xi32, #tpu.memory_space<vmem>> -> memref<128xi32, #tpu.memory_space<vmem>>
        %dma_wait3A_285 = arith.constant 0 : i32
        %dma_wait3A_286 = arith.constant 0 : i32
        %dma_wait3A_287 = tpu.memref_slice %arg2[%dma_wait3A_285, %dma_wait3A_286] : memref<10000x64xf32, #tpu.memory_space<hbm>> -> memref<10000x64xf32, #tpu.memory_space<hbm>>
        tpu.wait_indirect_dma semaphore(%arg14 : memref<!tpu.dma_semaphore, #tpu.memory_space<semaphore_mem>>) src(%dma_wait3A_287 : memref<10000x64xf32, #tpu.memory_space<hbm>>) dst(%arg9 : memref<128x64xf32, #tpu.memory_space<vmem>>)
        %dma_start3A_288 = arith.constant 0 : i32
        %dma_start3A_289 = tpu.memref_slice %arg8[%scan3A_69, %dma_start3A_288] : memref<80x128xi32, #tpu.memory_space<vmem>> -> memref<1x128xi32, #tpu.memory_space<vmem>>
        %dma_start3A_290 = tpu.memref_squeeze %dma_start3A_289 : memref<1x128xi32, #tpu.memory_space<vmem>> -> memref<128xi32, #tpu.memory_space<vmem>>
        %dma_start3A_291 = arith.constant 0 : i32
        %dma_start3A_292 = arith.constant 0 : i32
        %dma_start3A_293 = tpu.memref_slice %arg13[%dma_start3A_291, %dma_start3A_292] : memref<10016x64xf32, #tpu.memory_space<vmem_shared>> -> memref<10016x64xf32, #tpu.memory_space<vmem_shared>>
        tpu.enqueue_indirect_dma source(%arg9 : memref<128x64xf32, #tpu.memory_space<vmem>>) target(%dma_start3A_293 : memref<10016x64xf32, #tpu.memory_space<vmem_shared>>) offsets(%dma_start3A_290 : memref<128xi32, #tpu.memory_space<vmem>>) semaphore(%arg18 : memref<!tpu.dma_semaphore, #tpu.memory_space<semaphore_mem>>) {add = true}
      } else {
      }
      %jit3A_88 = arith.constant 4 : i32
      %eq3A_89 = arith.constant 0 : i32
      %eq3A_90 = arith.cmpi eq, %jit3A_88, %eq3A_89 : i32
      %jit3A_91 = arith.constant 1 : i32
      %select_n3A_92 = arith.select %eq3A_90, %jit3A_91, %jit3A_88 : i32
      %rem3A_93 = arith.remsi %scan3A_69, %select_n3A_92 : i32
      %ne3A_94 = arith.constant 0 : i32
      %ne3A_95 = arith.cmpi ne, %rem3A_93, %ne3A_94 : i32
      %lt3A_96 = arith.constant 0 : i32
      %lt3A_97 = arith.cmpi slt, %rem3A_93, %lt3A_96 : i32
      %lt3A_98 = arith.constant 0 : i32
      %lt3A_99 = arith.cmpi slt, %select_n3A_92, %lt3A_98 : i32
      %ne3A_100 = arith.xori %lt3A_97, %lt3A_99 : i1
      %and3A_101 = arith.andi %ne3A_100, %ne3A_95 : i1
      %add3A_102 = arith.addi %rem3A_93, %select_n3A_92 : i32
      %select_n3A_103 = arith.select %and3A_101, %add3A_102, %rem3A_93 : i32
      %eq3A_104 = arith.constant 1 : i32
      %eq3A_105 = arith.cmpi eq, %select_n3A_103, %eq3A_104 : i32
      %convert_element_type3A_106 = arith.extui %eq3A_105 : i1 to i32
      %cond3A_107 = arith.constant 0 : i32
      %cond3A_108 = arith.cmpi ne, %convert_element_type3A_106, %cond3A_107 : i32
      scf.if %cond3A_108 {
        %dma_wait3A_282 = arith.constant 0 : i32
        %dma_wait3A_283 = tpu.memref_slice %arg7[%scan3A_69, %dma_wait3A_282] : memref<80x128xi32, #tpu.memory_space<vmem>> -> memref<1x128xi32, #tpu.memory_space<vmem>>
        %dma_wait3A_284 = tpu.memref_squeeze %dma_wait3A_283 : memref<1x128xi32, #tpu.memory_space<vmem>> -> memref<128xi32, #tpu.memory_space<vmem>>
        %dma_wait3A_285 = arith.constant 0 : i32
        %dma_wait3A_286 = arith.constant 0 : i32
        %dma_wait3A_287 = tpu.memref_slice %arg2[%dma_wait3A_285, %dma_wait3A_286] : memref<10000x64xf32, #tpu.memory_space<hbm>> -> memref<10000x64xf32, #tpu.memory_space<hbm>>
        tpu.wait_indirect_dma semaphore(%arg15 : memref<!tpu.dma_semaphore, #tpu.memory_space<semaphore_mem>>) src(%dma_wait3A_287 : memref<10000x64xf32, #tpu.memory_space<hbm>>) dst(%arg10 : memref<128x64xf32, #tpu.memory_space<vmem>>)
        %dma_start3A_288 = arith.constant 0 : i32
        %dma_start3A_289 = tpu.memref_slice %arg8[%scan3A_69, %dma_start3A_288] : memref<80x128xi32, #tpu.memory_space<vmem>> -> memref<1x128xi32, #tpu.memory_space<vmem>>
        %dma_start3A_290 = tpu.memref_squeeze %dma_start3A_289 : memref<1x128xi32, #tpu.memory_space<vmem>> -> memref<128xi32, #tpu.memory_space<vmem>>
        %dma_start3A_291 = arith.constant 0 : i32
        %dma_start3A_292 = arith.constant 0 : i32
        %dma_start3A_293 = tpu.memref_slice %arg13[%dma_start3A_291, %dma_start3A_292] : memref<10016x64xf32, #tpu.memory_space<vmem_shared>> -> memref<10016x64xf32, #tpu.memory_space<vmem_shared>>
        tpu.enqueue_indirect_dma source(%arg10 : memref<128x64xf32, #tpu.memory_space<vmem>>) target(%dma_start3A_293 : memref<10016x64xf32, #tpu.memory_space<vmem_shared>>) offsets(%dma_start3A_290 : memref<128xi32, #tpu.memory_space<vmem>>) semaphore(%arg19 : memref<!tpu.dma_semaphore, #tpu.memory_space<semaphore_mem>>) {add = true}
      } else {
      }
      %jit3A_109 = arith.constant 4 : i32
      %eq3A_110 = arith.constant 0 : i32
      %eq3A_111 = arith.cmpi eq, %jit3A_109, %eq3A_110 : i32
      %jit3A_112 = arith.constant 1 : i32
      %select_n3A_113 = arith.select %eq3A_111, %jit3A_112, %jit3A_109 : i32
      %rem3A_114 = arith.remsi %scan3A_69, %select_n3A_113 : i32
      %ne3A_115 = arith.constant 0 : i32
      %ne3A_116 = arith.cmpi ne, %rem3A_114, %ne3A_115 : i32
      %lt3A_117 = arith.constant 0 : i32
      %lt3A_118 = arith.cmpi slt, %rem3A_114, %lt3A_117 : i32
      %lt3A_119 = arith.constant 0 : i32
      %lt3A_120 = arith.cmpi slt, %select_n3A_113, %lt3A_119 : i32
      %ne3A_121 = arith.xori %lt3A_118, %lt3A_120 : i1
      %and3A_122 = arith.andi %ne3A_121, %ne3A_116 : i1
      %add3A_123 = arith.addi %rem3A_114, %select_n3A_113 : i32
      %select_n3A_124 = arith.select %and3A_122, %add3A_123, %rem3A_114 : i32
      %eq3A_125 = arith.constant 2 : i32
      %eq3A_126 = arith.cmpi eq, %select_n3A_124, %eq3A_125 : i32
      %convert_element_type3A_127 = arith.extui %eq3A_126 : i1 to i32
      %cond3A_128 = arith.constant 0 : i32
      %cond3A_129 = arith.cmpi ne, %convert_element_type3A_127, %cond3A_128 : i32
      scf.if %cond3A_129 {
        %dma_wait3A_282 = arith.constant 0 : i32
        %dma_wait3A_283 = tpu.memref_slice %arg7[%scan3A_69, %dma_wait3A_282] : memref<80x128xi32, #tpu.memory_space<vmem>> -> memref<1x128xi32, #tpu.memory_space<vmem>>
        %dma_wait3A_284 = tpu.memref_squeeze %dma_wait3A_283 : memref<1x128xi32, #tpu.memory_space<vmem>> -> memref<128xi32, #tpu.memory_space<vmem>>
        %dma_wait3A_285 = arith.constant 0 : i32
        %dma_wait3A_286 = arith.constant 0 : i32
        %dma_wait3A_287 = tpu.memref_slice %arg2[%dma_wait3A_285, %dma_wait3A_286] : memref<10000x64xf32, #tpu.memory_space<hbm>> -> memref<10000x64xf32, #tpu.memory_space<hbm>>
        tpu.wait_indirect_dma semaphore(%arg16 : memref<!tpu.dma_semaphore, #tpu.memory_space<semaphore_mem>>) src(%dma_wait3A_287 : memref<10000x64xf32, #tpu.memory_space<hbm>>) dst(%arg11 : memref<128x64xf32, #tpu.memory_space<vmem>>)
        %dma_start3A_288 = arith.constant 0 : i32
        %dma_start3A_289 = tpu.memref_slice %arg8[%scan3A_69, %dma_start3A_288] : memref<80x128xi32, #tpu.memory_space<vmem>> -> memref<1x128xi32, #tpu.memory_space<vmem>>
        %dma_start3A_290 = tpu.memref_squeeze %dma_start3A_289 : memref<1x128xi32, #tpu.memory_space<vmem>> -> memref<128xi32, #tpu.memory_space<vmem>>
        %dma_start3A_291 = arith.constant 0 : i32
        %dma_start3A_292 = arith.constant 0 : i32
        %dma_start3A_293 = tpu.memref_slice %arg13[%dma_start3A_291, %dma_start3A_292] : memref<10016x64xf32, #tpu.memory_space<vmem_shared>> -> memref<10016x64xf32, #tpu.memory_space<vmem_shared>>
        tpu.enqueue_indirect_dma source(%arg11 : memref<128x64xf32, #tpu.memory_space<vmem>>) target(%dma_start3A_293 : memref<10016x64xf32, #tpu.memory_space<vmem_shared>>) offsets(%dma_start3A_290 : memref<128xi32, #tpu.memory_space<vmem>>) semaphore(%arg20 : memref<!tpu.dma_semaphore, #tpu.memory_space<semaphore_mem>>) {add = true}
      } else {
      }
      %jit3A_130 = arith.constant 4 : i32
      %eq3A_131 = arith.constant 0 : i32
      %eq3A_132 = arith.cmpi eq, %jit3A_130, %eq3A_131 : i32
      %jit3A_133 = arith.constant 1 : i32
      %select_n3A_134 = arith.select %eq3A_132, %jit3A_133, %jit3A_130 : i32
      %rem3A_135 = arith.remsi %scan3A_69, %select_n3A_134 : i32
      %ne3A_136 = arith.constant 0 : i32
      %ne3A_137 = arith.cmpi ne, %rem3A_135, %ne3A_136 : i32
      %lt3A_138 = arith.constant 0 : i32
      %lt3A_139 = arith.cmpi slt, %rem3A_135, %lt3A_138 : i32
      %lt3A_140 = arith.constant 0 : i32
      %lt3A_141 = arith.cmpi slt, %select_n3A_134, %lt3A_140 : i32
      %ne3A_142 = arith.xori %lt3A_139, %lt3A_141 : i1
      %and3A_143 = arith.andi %ne3A_142, %ne3A_137 : i1
      %add3A_144 = arith.addi %rem3A_135, %select_n3A_134 : i32
      %select_n3A_145 = arith.select %and3A_143, %add3A_144, %rem3A_135 : i32
      %eq3A_146 = arith.constant 3 : i32
      %eq3A_147 = arith.cmpi eq, %select_n3A_145, %eq3A_146 : i32
      %convert_element_type3A_148 = arith.extui %eq3A_147 : i1 to i32
      %cond3A_149 = arith.constant 0 : i32
      %cond3A_150 = arith.cmpi ne, %convert_element_type3A_148, %cond3A_149 : i32
      scf.if %cond3A_150 {
        %dma_wait3A_282 = arith.constant 0 : i32
        %dma_wait3A_283 = tpu.memref_slice %arg7[%scan3A_69, %dma_wait3A_282] : memref<80x128xi32, #tpu.memory_space<vmem>> -> memref<1x128xi32, #tpu.memory_space<vmem>>
        %dma_wait3A_284 = tpu.memref_squeeze %dma_wait3A_283 : memref<1x128xi32, #tpu.memory_space<vmem>> -> memref<128xi32, #tpu.memory_space<vmem>>
        %dma_wait3A_285 = arith.constant 0 : i32
        %dma_wait3A_286 = arith.constant 0 : i32
        %dma_wait3A_287 = tpu.memref_slice %arg2[%dma_wait3A_285, %dma_wait3A_286] : memref<10000x64xf32, #tpu.memory_space<hbm>> -> memref<10000x64xf32, #tpu.memory_space<hbm>>
        tpu.wait_indirect_dma semaphore(%arg17 : memref<!tpu.dma_semaphore, #tpu.memory_space<semaphore_mem>>) src(%dma_wait3A_287 : memref<10000x64xf32, #tpu.memory_space<hbm>>) dst(%arg12 : memref<128x64xf32, #tpu.memory_space<vmem>>)
        %dma_start3A_288 = arith.constant 0 : i32
        %dma_start3A_289 = tpu.memref_slice %arg8[%scan3A_69, %dma_start3A_288] : memref<80x128xi32, #tpu.memory_space<vmem>> -> memref<1x128xi32, #tpu.memory_space<vmem>>
        %dma_start3A_290 = tpu.memref_squeeze %dma_start3A_289 : memref<1x128xi32, #tpu.memory_space<vmem>> -> memref<128xi32, #tpu.memory_space<vmem>>
        %dma_start3A_291 = arith.constant 0 : i32
        %dma_start3A_292 = arith.constant 0 : i32
        %dma_start3A_293 = tpu.memref_slice %arg13[%dma_start3A_291, %dma_start3A_292] : memref<10016x64xf32, #tpu.memory_space<vmem_shared>> -> memref<10016x64xf32, #tpu.memory_space<vmem_shared>>
        tpu.enqueue_indirect_dma source(%arg12 : memref<128x64xf32, #tpu.memory_space<vmem>>) target(%dma_start3A_293 : memref<10016x64xf32, #tpu.memory_space<vmem_shared>>) offsets(%dma_start3A_290 : memref<128xi32, #tpu.memory_space<vmem>>) semaphore(%arg21 : memref<!tpu.dma_semaphore, #tpu.memory_space<semaphore_mem>>) {add = true}
      } else {
      }
      %lt3A_151 = arith.constant 79 : i32
      %lt3A_152 = arith.cmpi slt, %add3A_71, %lt3A_151 : i32
      %jit3A_153 = arith.constant 4 : i32
      %eq3A_154 = arith.constant 0 : i32
      %eq3A_155 = arith.cmpi eq, %jit3A_153, %eq3A_154 : i32
      %jit3A_156 = arith.constant 1 : i32
      %select_n3A_157 = arith.select %eq3A_155, %jit3A_156, %jit3A_153 : i32
      %rem3A_158 = arith.remsi %add3A_71, %select_n3A_157 : i32
      %ne3A_159 = arith.constant 0 : i32
      %ne3A_160 = arith.cmpi ne, %rem3A_158, %ne3A_159 : i32
      %lt3A_161 = arith.constant 0 : i32
      %lt3A_162 = arith.cmpi slt, %rem3A_158, %lt3A_161 : i32
      %lt3A_163 = arith.constant 0 : i32
      %lt3A_164 = arith.cmpi slt, %select_n3A_157, %lt3A_163 : i32
      %ne3A_165 = arith.xori %lt3A_162, %lt3A_164 : i1
      %and3A_166 = arith.andi %ne3A_165, %ne3A_160 : i1
      %add3A_167 = arith.addi %rem3A_158, %select_n3A_157 : i32
      %select_n3A_168 = arith.select %and3A_166, %add3A_167, %rem3A_158 : i32
      %eq3A_169 = arith.constant 0 : i32
      %eq3A_170 = arith.cmpi eq, %select_n3A_168, %eq3A_169 : i32
      %and3A_171 = arith.andi %lt3A_152, %eq3A_170 : i1
      %ge3A = arith.constant 2 : i32
      %ge3A_172 = arith.cmpi sge, %scan3A_69, %ge3A : i32
      %and3A_173 = arith.andi %and3A_171, %ge3A_172 : i1
      %convert_element_type3A_174 = arith.extui %and3A_173 : i1 to i32
      %cond3A_175 = arith.constant 0 : i32
      %cond3A_176 = arith.cmpi ne, %convert_element_type3A_174, %cond3A_175 : i32
      scf.if %cond3A_176 {
        %dma_wait3A_282 = arith.constant 0 : i32
        %dma_wait3A_283 = arith.constant 0 : i32
        %dma_wait3A_284 = tpu.memref_slice %arg8[%dma_wait3A_282, %dma_wait3A_283] : memref<80x128xi32, #tpu.memory_space<vmem>> -> memref<1x128xi32, #tpu.memory_space<vmem>>
        %dma_wait3A_285 = tpu.memref_squeeze %dma_wait3A_284 : memref<1x128xi32, #tpu.memory_space<vmem>> -> memref<128xi32, #tpu.memory_space<vmem>>
        %dma_wait3A_286 = arith.constant 0 : i32
        %dma_wait3A_287 = arith.constant 0 : i32
        %dma_wait3A_288 = tpu.memref_slice %arg13[%dma_wait3A_286, %dma_wait3A_287] : memref<10016x64xf32, #tpu.memory_space<vmem_shared>> -> memref<10016x64xf32, #tpu.memory_space<vmem_shared>>
        tpu.wait_indirect_dma semaphore(%arg18 : memref<!tpu.dma_semaphore, #tpu.memory_space<semaphore_mem>>) src(%arg9 : memref<128x64xf32, #tpu.memory_space<vmem>>) dst(%dma_wait3A_288 : memref<10016x64xf32, #tpu.memory_space<vmem_shared>>)
        %dma_start3A_289 = arith.constant 0 : i32
        %dma_start3A_290 = tpu.memref_slice %arg7[%add3A_71, %dma_start3A_289] : memref<80x128xi32, #tpu.memory_space<vmem>> -> memref<1x128xi32, #tpu.memory_space<vmem>>
        %dma_start3A_291 = tpu.memref_squeeze %dma_start3A_290 : memref<1x128xi32, #tpu.memory_space<vmem>> -> memref<128xi32, #tpu.memory_space<vmem>>
        %dma_start3A_292 = arith.constant 0 : i32
        %dma_start3A_293 = arith.constant 0 : i32
        %dma_start3A_294 = tpu.memref_slice %arg2[%dma_start3A_292, %dma_start3A_293] : memref<10000x64xf32, #tpu.memory_space<hbm>> -> memref<10000x64xf32, #tpu.memory_space<hbm>>
        tpu.enqueue_indirect_dma source(%dma_start3A_294 : memref<10000x64xf32, #tpu.memory_space<hbm>>) target(%arg9 : memref<128x64xf32, #tpu.memory_space<vmem>>) offsets(%dma_start3A_291 : memref<128xi32, #tpu.memory_space<vmem>>) semaphore(%arg14 : memref<!tpu.dma_semaphore, #tpu.memory_space<semaphore_mem>>)
      } else {
      }
      %lt3A_177 = arith.constant 2 : i32
      %lt3A_178 = arith.cmpi slt, %scan3A_69, %lt3A_177 : i32
      %and3A_179 = arith.andi %and3A_171, %lt3A_178 : i1
      %convert_element_type3A_180 = arith.extui %and3A_179 : i1 to i32
      %cond3A_181 = arith.constant 0 : i32
      %cond3A_182 = arith.cmpi ne, %convert_element_type3A_180, %cond3A_181 : i32
      scf.if %cond3A_182 {
        %dma_start3A_282 = arith.constant 0 : i32
        %dma_start3A_283 = tpu.memref_slice %arg7[%add3A_71, %dma_start3A_282] : memref<80x128xi32, #tpu.memory_space<vmem>> -> memref<1x128xi32, #tpu.memory_space<vmem>>
        %dma_start3A_284 = tpu.memref_squeeze %dma_start3A_283 : memref<1x128xi32, #tpu.memory_space<vmem>> -> memref<128xi32, #tpu.memory_space<vmem>>
        %dma_start3A_285 = arith.constant 0 : i32
        %dma_start3A_286 = arith.constant 0 : i32
        %dma_start3A_287 = tpu.memref_slice %arg2[%dma_start3A_285, %dma_start3A_286] : memref<10000x64xf32, #tpu.memory_space<hbm>> -> memref<10000x64xf32, #tpu.memory_space<hbm>>
        tpu.enqueue_indirect_dma source(%dma_start3A_287 : memref<10000x64xf32, #tpu.memory_space<hbm>>) target(%arg9 : memref<128x64xf32, #tpu.memory_space<vmem>>) offsets(%dma_start3A_284 : memref<128xi32, #tpu.memory_space<vmem>>) semaphore(%arg14 : memref<!tpu.dma_semaphore, #tpu.memory_space<semaphore_mem>>)
      } else {
      }
      %lt3A_183 = arith.constant 79 : i32
      %lt3A_184 = arith.cmpi slt, %add3A_71, %lt3A_183 : i32
      %jit3A_185 = arith.constant 4 : i32
      %eq3A_186 = arith.constant 0 : i32
      %eq3A_187 = arith.cmpi eq, %jit3A_185, %eq3A_186 : i32
      %jit3A_188 = arith.constant 1 : i32
      %select_n3A_189 = arith.select %eq3A_187, %jit3A_188, %jit3A_185 : i32
      %rem3A_190 = arith.remsi %add3A_71, %select_n3A_189 : i32
      %ne3A_191 = arith.constant 0 : i32
      %ne3A_192 = arith.cmpi ne, %rem3A_190, %ne3A_191 : i32
      %lt3A_193 = arith.constant 0 : i32
      %lt3A_194 = arith.cmpi slt, %rem3A_190, %lt3A_193 : i32
      %lt3A_195 = arith.constant 0 : i32
      %lt3A_196 = arith.cmpi slt, %select_n3A_189, %lt3A_195 : i32
      %ne3A_197 = arith.xori %lt3A_194, %lt3A_196 : i1
      %and3A_198 = arith.andi %ne3A_197, %ne3A_192 : i1
      %add3A_199 = arith.addi %rem3A_190, %select_n3A_189 : i32
      %select_n3A_200 = arith.select %and3A_198, %add3A_199, %rem3A_190 : i32
      %eq3A_201 = arith.constant 1 : i32
      %eq3A_202 = arith.cmpi eq, %select_n3A_200, %eq3A_201 : i32
      %and3A_203 = arith.andi %lt3A_184, %eq3A_202 : i1
      %ge3A_204 = arith.constant 2 : i32
      %ge3A_205 = arith.cmpi sge, %scan3A_69, %ge3A_204 : i32
      %and3A_206 = arith.andi %and3A_203, %ge3A_205 : i1
      %convert_element_type3A_207 = arith.extui %and3A_206 : i1 to i32
      %cond3A_208 = arith.constant 0 : i32
      %cond3A_209 = arith.cmpi ne, %convert_element_type3A_207, %cond3A_208 : i32
      scf.if %cond3A_209 {
        %dma_wait3A_282 = arith.constant 0 : i32
        %dma_wait3A_283 = arith.constant 0 : i32
        %dma_wait3A_284 = tpu.memref_slice %arg8[%dma_wait3A_282, %dma_wait3A_283] : memref<80x128xi32, #tpu.memory_space<vmem>> -> memref<1x128xi32, #tpu.memory_space<vmem>>
        %dma_wait3A_285 = tpu.memref_squeeze %dma_wait3A_284 : memref<1x128xi32, #tpu.memory_space<vmem>> -> memref<128xi32, #tpu.memory_space<vmem>>
        %dma_wait3A_286 = arith.constant 0 : i32
        %dma_wait3A_287 = arith.constant 0 : i32
        %dma_wait3A_288 = tpu.memref_slice %arg13[%dma_wait3A_286, %dma_wait3A_287] : memref<10016x64xf32, #tpu.memory_space<vmem_shared>> -> memref<10016x64xf32, #tpu.memory_space<vmem_shared>>
        tpu.wait_indirect_dma semaphore(%arg19 : memref<!tpu.dma_semaphore, #tpu.memory_space<semaphore_mem>>) src(%arg10 : memref<128x64xf32, #tpu.memory_space<vmem>>) dst(%dma_wait3A_288 : memref<10016x64xf32, #tpu.memory_space<vmem_shared>>)
        %dma_start3A_289 = arith.constant 0 : i32
        %dma_start3A_290 = tpu.memref_slice %arg7[%add3A_71, %dma_start3A_289] : memref<80x128xi32, #tpu.memory_space<vmem>> -> memref<1x128xi32, #tpu.memory_space<vmem>>
        %dma_start3A_291 = tpu.memref_squeeze %dma_start3A_290 : memref<1x128xi32, #tpu.memory_space<vmem>> -> memref<128xi32, #tpu.memory_space<vmem>>
        %dma_start3A_292 = arith.constant 0 : i32
        %dma_start3A_293 = arith.constant 0 : i32
        %dma_start3A_294 = tpu.memref_slice %arg2[%dma_start3A_292, %dma_start3A_293] : memref<10000x64xf32, #tpu.memory_space<hbm>> -> memref<10000x64xf32, #tpu.memory_space<hbm>>
        tpu.enqueue_indirect_dma source(%dma_start3A_294 : memref<10000x64xf32, #tpu.memory_space<hbm>>) target(%arg10 : memref<128x64xf32, #tpu.memory_space<vmem>>) offsets(%dma_start3A_291 : memref<128xi32, #tpu.memory_space<vmem>>) semaphore(%arg15 : memref<!tpu.dma_semaphore, #tpu.memory_space<semaphore_mem>>)
      } else {
      }
      %lt3A_210 = arith.constant 2 : i32
      %lt3A_211 = arith.cmpi slt, %scan3A_69, %lt3A_210 : i32
      %and3A_212 = arith.andi %and3A_203, %lt3A_211 : i1
      %convert_element_type3A_213 = arith.extui %and3A_212 : i1 to i32
      %cond3A_214 = arith.constant 0 : i32
      %cond3A_215 = arith.cmpi ne, %convert_element_type3A_213, %cond3A_214 : i32
      scf.if %cond3A_215 {
        %dma_start3A_282 = arith.constant 0 : i32
        %dma_start3A_283 = tpu.memref_slice %arg7[%add3A_71, %dma_start3A_282] : memref<80x128xi32, #tpu.memory_space<vmem>> -> memref<1x128xi32, #tpu.memory_space<vmem>>
        %dma_start3A_284 = tpu.memref_squeeze %dma_start3A_283 : memref<1x128xi32, #tpu.memory_space<vmem>> -> memref<128xi32, #tpu.memory_space<vmem>>
        %dma_start3A_285 = arith.constant 0 : i32
        %dma_start3A_286 = arith.constant 0 : i32
        %dma_start3A_287 = tpu.memref_slice %arg2[%dma_start3A_285, %dma_start3A_286] : memref<10000x64xf32, #tpu.memory_space<hbm>> -> memref<10000x64xf32, #tpu.memory_space<hbm>>
        tpu.enqueue_indirect_dma source(%dma_start3A_287 : memref<10000x64xf32, #tpu.memory_space<hbm>>) target(%arg10 : memref<128x64xf32, #tpu.memory_space<vmem>>) offsets(%dma_start3A_284 : memref<128xi32, #tpu.memory_space<vmem>>) semaphore(%arg15 : memref<!tpu.dma_semaphore, #tpu.memory_space<semaphore_mem>>)
      } else {
      }
      %lt3A_216 = arith.constant 79 : i32
      %lt3A_217 = arith.cmpi slt, %add3A_71, %lt3A_216 : i32
      %jit3A_218 = arith.constant 4 : i32
      %eq3A_219 = arith.constant 0 : i32
      %eq3A_220 = arith.cmpi eq, %jit3A_218, %eq3A_219 : i32
      %jit3A_221 = arith.constant 1 : i32
      %select_n3A_222 = arith.select %eq3A_220, %jit3A_221, %jit3A_218 : i32
      %rem3A_223 = arith.remsi %add3A_71, %select_n3A_222 : i32
      %ne3A_224 = arith.constant 0 : i32
      %ne3A_225 = arith.cmpi ne, %rem3A_223, %ne3A_224 : i32
      %lt3A_226 = arith.constant 0 : i32
      %lt3A_227 = arith.cmpi slt, %rem3A_223, %lt3A_226 : i32
      %lt3A_228 = arith.constant 0 : i32
      %lt3A_229 = arith.cmpi slt, %select_n3A_222, %lt3A_228 : i32
      %ne3A_230 = arith.xori %lt3A_227, %lt3A_229 : i1
      %and3A_231 = arith.andi %ne3A_230, %ne3A_225 : i1
      %add3A_232 = arith.addi %rem3A_223, %select_n3A_222 : i32
      %select_n3A_233 = arith.select %and3A_231, %add3A_232, %rem3A_223 : i32
      %eq3A_234 = arith.constant 2 : i32
      %eq3A_235 = arith.cmpi eq, %select_n3A_233, %eq3A_234 : i32
      %and3A_236 = arith.andi %lt3A_217, %eq3A_235 : i1
      %ge3A_237 = arith.constant 2 : i32
      %ge3A_238 = arith.cmpi sge, %scan3A_69, %ge3A_237 : i32
      %and3A_239 = arith.andi %and3A_236, %ge3A_238 : i1
      %convert_element_type3A_240 = arith.extui %and3A_239 : i1 to i32
      %cond3A_241 = arith.constant 0 : i32
      %cond3A_242 = arith.cmpi ne, %convert_element_type3A_240, %cond3A_241 : i32
      scf.if %cond3A_242 {
        %dma_wait3A_282 = arith.constant 0 : i32
        %dma_wait3A_283 = arith.constant 0 : i32
        %dma_wait3A_284 = tpu.memref_slice %arg8[%dma_wait3A_282, %dma_wait3A_283] : memref<80x128xi32, #tpu.memory_space<vmem>> -> memref<1x128xi32, #tpu.memory_space<vmem>>
        %dma_wait3A_285 = tpu.memref_squeeze %dma_wait3A_284 : memref<1x128xi32, #tpu.memory_space<vmem>> -> memref<128xi32, #tpu.memory_space<vmem>>
        %dma_wait3A_286 = arith.constant 0 : i32
        %dma_wait3A_287 = arith.constant 0 : i32
        %dma_wait3A_288 = tpu.memref_slice %arg13[%dma_wait3A_286, %dma_wait3A_287] : memref<10016x64xf32, #tpu.memory_space<vmem_shared>> -> memref<10016x64xf32, #tpu.memory_space<vmem_shared>>
        tpu.wait_indirect_dma semaphore(%arg20 : memref<!tpu.dma_semaphore, #tpu.memory_space<semaphore_mem>>) src(%arg11 : memref<128x64xf32, #tpu.memory_space<vmem>>) dst(%dma_wait3A_288 : memref<10016x64xf32, #tpu.memory_space<vmem_shared>>)
        %dma_start3A_289 = arith.constant 0 : i32
        %dma_start3A_290 = tpu.memref_slice %arg7[%add3A_71, %dma_start3A_289] : memref<80x128xi32, #tpu.memory_space<vmem>> -> memref<1x128xi32, #tpu.memory_space<vmem>>
        %dma_start3A_291 = tpu.memref_squeeze %dma_start3A_290 : memref<1x128xi32, #tpu.memory_space<vmem>> -> memref<128xi32, #tpu.memory_space<vmem>>
        %dma_start3A_292 = arith.constant 0 : i32
        %dma_start3A_293 = arith.constant 0 : i32
        %dma_start3A_294 = tpu.memref_slice %arg2[%dma_start3A_292, %dma_start3A_293] : memref<10000x64xf32, #tpu.memory_space<hbm>> -> memref<10000x64xf32, #tpu.memory_space<hbm>>
        tpu.enqueue_indirect_dma source(%dma_start3A_294 : memref<10000x64xf32, #tpu.memory_space<hbm>>) target(%arg11 : memref<128x64xf32, #tpu.memory_space<vmem>>) offsets(%dma_start3A_291 : memref<128xi32, #tpu.memory_space<vmem>>) semaphore(%arg16 : memref<!tpu.dma_semaphore, #tpu.memory_space<semaphore_mem>>)
      } else {
      }
      %lt3A_243 = arith.constant 2 : i32
      %lt3A_244 = arith.cmpi slt, %scan3A_69, %lt3A_243 : i32
      %and3A_245 = arith.andi %and3A_236, %lt3A_244 : i1
      %convert_element_type3A_246 = arith.extui %and3A_245 : i1 to i32
      %cond3A_247 = arith.constant 0 : i32
      %cond3A_248 = arith.cmpi ne, %convert_element_type3A_246, %cond3A_247 : i32
      scf.if %cond3A_248 {
        %dma_start3A_282 = arith.constant 0 : i32
        %dma_start3A_283 = tpu.memref_slice %arg7[%add3A_71, %dma_start3A_282] : memref<80x128xi32, #tpu.memory_space<vmem>> -> memref<1x128xi32, #tpu.memory_space<vmem>>
        %dma_start3A_284 = tpu.memref_squeeze %dma_start3A_283 : memref<1x128xi32, #tpu.memory_space<vmem>> -> memref<128xi32, #tpu.memory_space<vmem>>
        %dma_start3A_285 = arith.constant 0 : i32
        %dma_start3A_286 = arith.constant 0 : i32
        %dma_start3A_287 = tpu.memref_slice %arg2[%dma_start3A_285, %dma_start3A_286] : memref<10000x64xf32, #tpu.memory_space<hbm>> -> memref<10000x64xf32, #tpu.memory_space<hbm>>
        tpu.enqueue_indirect_dma source(%dma_start3A_287 : memref<10000x64xf32, #tpu.memory_space<hbm>>) target(%arg11 : memref<128x64xf32, #tpu.memory_space<vmem>>) offsets(%dma_start3A_284 : memref<128xi32, #tpu.memory_space<vmem>>) semaphore(%arg16 : memref<!tpu.dma_semaphore, #tpu.memory_space<semaphore_mem>>)
      } else {
      }
      %lt3A_249 = arith.constant 79 : i32
      %lt3A_250 = arith.cmpi slt, %add3A_71, %lt3A_249 : i32
      %jit3A_251 = arith.constant 4 : i32
      %eq3A_252 = arith.constant 0 : i32
      %eq3A_253 = arith.cmpi eq, %jit3A_251, %eq3A_252 : i32
      %jit3A_254 = arith.constant 1 : i32
      %select_n3A_255 = arith.select %eq3A_253, %jit3A_254, %jit3A_251 : i32
      %rem3A_256 = arith.remsi %add3A_71, %select_n3A_255 : i32
      %ne3A_257 = arith.constant 0 : i32
      %ne3A_258 = arith.cmpi ne, %rem3A_256, %ne3A_257 : i32
      %lt3A_259 = arith.constant 0 : i32
      %lt3A_260 = arith.cmpi slt, %rem3A_256, %lt3A_259 : i32
      %lt3A_261 = arith.constant 0 : i32
      %lt3A_262 = arith.cmpi slt, %select_n3A_255, %lt3A_261 : i32
      %ne3A_263 = arith.xori %lt3A_260, %lt3A_262 : i1
      %and3A_264 = arith.andi %ne3A_263, %ne3A_258 : i1
      %add3A_265 = arith.addi %rem3A_256, %select_n3A_255 : i32
      %select_n3A_266 = arith.select %and3A_264, %add3A_265, %rem3A_256 : i32
      %eq3A_267 = arith.constant 3 : i32
      %eq3A_268 = arith.cmpi eq, %select_n3A_266, %eq3A_267 : i32
      %and3A_269 = arith.andi %lt3A_250, %eq3A_268 : i1
      %ge3A_270 = arith.constant 2 : i32
      %ge3A_271 = arith.cmpi sge, %scan3A_69, %ge3A_270 : i32
      %and3A_272 = arith.andi %and3A_269, %ge3A_271 : i1
      %convert_element_type3A_273 = arith.extui %and3A_272 : i1 to i32
      %cond3A_274 = arith.constant 0 : i32
      %cond3A_275 = arith.cmpi ne, %convert_element_type3A_273, %cond3A_274 : i32
      scf.if %cond3A_275 {
        %dma_wait3A_282 = arith.constant 0 : i32
        %dma_wait3A_283 = arith.constant 0 : i32
        %dma_wait3A_284 = tpu.memref_slice %arg8[%dma_wait3A_282, %dma_wait3A_283] : memref<80x128xi32, #tpu.memory_space<vmem>> -> memref<1x128xi32, #tpu.memory_space<vmem>>
        %dma_wait3A_285 = tpu.memref_squeeze %dma_wait3A_284 : memref<1x128xi32, #tpu.memory_space<vmem>> -> memref<128xi32, #tpu.memory_space<vmem>>
        %dma_wait3A_286 = arith.constant 0 : i32
        %dma_wait3A_287 = arith.constant 0 : i32
        %dma_wait3A_288 = tpu.memref_slice %arg13[%dma_wait3A_286, %dma_wait3A_287] : memref<10016x64xf32, #tpu.memory_space<vmem_shared>> -> memref<10016x64xf32, #tpu.memory_space<vmem_shared>>
        tpu.wait_indirect_dma semaphore(%arg21 : memref<!tpu.dma_semaphore, #tpu.memory_space<semaphore_mem>>) src(%arg12 : memref<128x64xf32, #tpu.memory_space<vmem>>) dst(%dma_wait3A_288 : memref<10016x64xf32, #tpu.memory_space<vmem_shared>>)
        %dma_start3A_289 = arith.constant 0 : i32
        %dma_start3A_290 = tpu.memref_slice %arg7[%add3A_71, %dma_start3A_289] : memref<80x128xi32, #tpu.memory_space<vmem>> -> memref<1x128xi32, #tpu.memory_space<vmem>>
        %dma_start3A_291 = tpu.memref_squeeze %dma_start3A_290 : memref<1x128xi32, #tpu.memory_space<vmem>> -> memref<128xi32, #tpu.memory_space<vmem>>
        %dma_start3A_292 = arith.constant 0 : i32
        %dma_start3A_293 = arith.constant 0 : i32
        %dma_start3A_294 = tpu.memref_slice %arg2[%dma_start3A_292, %dma_start3A_293] : memref<10000x64xf32, #tpu.memory_space<hbm>> -> memref<10000x64xf32, #tpu.memory_space<hbm>>
        tpu.enqueue_indirect_dma source(%dma_start3A_294 : memref<10000x64xf32, #tpu.memory_space<hbm>>) target(%arg12 : memref<128x64xf32, #tpu.memory_space<vmem>>) offsets(%dma_start3A_291 : memref<128xi32, #tpu.memory_space<vmem>>) semaphore(%arg17 : memref<!tpu.dma_semaphore, #tpu.memory_space<semaphore_mem>>)
      } else {
      }
      %lt3A_276 = arith.constant 2 : i32
      %lt3A_277 = arith.cmpi slt, %scan3A_69, %lt3A_276 : i32
      %and3A_278 = arith.andi %and3A_269, %lt3A_277 : i1
      %convert_element_type3A_279 = arith.extui %and3A_278 : i1 to i32
      %cond3A_280 = arith.constant 0 : i32
      %cond3A_281 = arith.cmpi ne, %convert_element_type3A_279, %cond3A_280 : i32
      scf.if %cond3A_281 {
        %dma_start3A_282 = arith.constant 0 : i32
        %dma_start3A_283 = tpu.memref_slice %arg7[%add3A_71, %dma_start3A_282] : memref<80x128xi32, #tpu.memory_space<vmem>> -> memref<1x128xi32, #tpu.memory_space<vmem>>
        %dma_start3A_284 = tpu.memref_squeeze %dma_start3A_283 : memref<1x128xi32, #tpu.memory_space<vmem>> -> memref<128xi32, #tpu.memory_space<vmem>>
        %dma_start3A_285 = arith.constant 0 : i32
        %dma_start3A_286 = arith.constant 0 : i32
        %dma_start3A_287 = tpu.memref_slice %arg2[%dma_start3A_285, %dma_start3A_286] : memref<10000x64xf32, #tpu.memory_space<hbm>> -> memref<10000x64xf32, #tpu.memory_space<hbm>>
        tpu.enqueue_indirect_dma source(%dma_start3A_287 : memref<10000x64xf32, #tpu.memory_space<hbm>>) target(%arg12 : memref<128x64xf32, #tpu.memory_space<vmem>>) offsets(%dma_start3A_284 : memref<128xi32, #tpu.memory_space<vmem>>) semaphore(%arg17 : memref<!tpu.dma_semaphore, #tpu.memory_space<semaphore_mem>>)
      } else {
      }
    }
    %scan3A_30 = arith.constant 79 : i32
    %dma_wait3A = arith.constant 0 : i32
    %dma_wait3A_31 = arith.constant 0 : i32
    %dma_wait3A_32 = tpu.memref_slice %arg8[%dma_wait3A, %dma_wait3A_31] : memref<80x128xi32, #tpu.memory_space<vmem>> -> memref<1x128xi32, #tpu.memory_space<vmem>>
    %dma_wait3A_33 = tpu.memref_squeeze %dma_wait3A_32 : memref<1x128xi32, #tpu.memory_space<vmem>> -> memref<128xi32, #tpu.memory_space<vmem>>
    %dma_wait3A_34 = arith.constant 0 : i32
    %dma_wait3A_35 = arith.constant 0 : i32
    %dma_wait3A_36 = tpu.memref_slice %arg13[%dma_wait3A_34, %dma_wait3A_35] : memref<10016x64xf32, #tpu.memory_space<vmem_shared>> -> memref<10016x64xf32, #tpu.memory_space<vmem_shared>>
    tpu.wait_indirect_dma semaphore(%arg18 : memref<!tpu.dma_semaphore, #tpu.memory_space<semaphore_mem>>) src(%arg9 : memref<128x64xf32, #tpu.memory_space<vmem>>) dst(%dma_wait3A_36 : memref<10016x64xf32, #tpu.memory_space<vmem_shared>>)
    %dma_wait3A_37 = arith.constant 0 : i32
    %dma_wait3A_38 = arith.constant 0 : i32
    %dma_wait3A_39 = tpu.memref_slice %arg8[%dma_wait3A_37, %dma_wait3A_38] : memref<80x128xi32, #tpu.memory_space<vmem>> -> memref<1x128xi32, #tpu.memory_space<vmem>>
    %dma_wait3A_40 = tpu.memref_squeeze %dma_wait3A_39 : memref<1x128xi32, #tpu.memory_space<vmem>> -> memref<128xi32, #tpu.memory_space<vmem>>
    %dma_wait3A_41 = arith.constant 0 : i32
    %dma_wait3A_42 = arith.constant 0 : i32
    %dma_wait3A_43 = tpu.memref_slice %arg13[%dma_wait3A_41, %dma_wait3A_42] : memref<10016x64xf32, #tpu.memory_space<vmem_shared>> -> memref<10016x64xf32, #tpu.memory_space<vmem_shared>>
    tpu.wait_indirect_dma semaphore(%arg19 : memref<!tpu.dma_semaphore, #tpu.memory_space<semaphore_mem>>) src(%arg10 : memref<128x64xf32, #tpu.memory_space<vmem>>) dst(%dma_wait3A_43 : memref<10016x64xf32, #tpu.memory_space<vmem_shared>>)
    %dma_wait3A_44 = arith.constant 0 : i32
    %dma_wait3A_45 = arith.constant 0 : i32
    %dma_wait3A_46 = tpu.memref_slice %arg8[%dma_wait3A_44, %dma_wait3A_45] : memref<80x128xi32, #tpu.memory_space<vmem>> -> memref<1x128xi32, #tpu.memory_space<vmem>>
    %dma_wait3A_47 = tpu.memref_squeeze %dma_wait3A_46 : memref<1x128xi32, #tpu.memory_space<vmem>> -> memref<128xi32, #tpu.memory_space<vmem>>
    %dma_wait3A_48 = arith.constant 0 : i32
    %dma_wait3A_49 = arith.constant 0 : i32
    %dma_wait3A_50 = tpu.memref_slice %arg13[%dma_wait3A_48, %dma_wait3A_49] : memref<10016x64xf32, #tpu.memory_space<vmem_shared>> -> memref<10016x64xf32, #tpu.memory_space<vmem_shared>>
    tpu.wait_indirect_dma semaphore(%arg20 : memref<!tpu.dma_semaphore, #tpu.memory_space<semaphore_mem>>) src(%arg11 : memref<128x64xf32, #tpu.memory_space<vmem>>) dst(%dma_wait3A_50 : memref<10016x64xf32, #tpu.memory_space<vmem_shared>>)
    %dma_wait3A_51 = arith.constant 0 : i32
    %dma_wait3A_52 = arith.constant 0 : i32
    %dma_wait3A_53 = tpu.memref_slice %arg8[%dma_wait3A_51, %dma_wait3A_52] : memref<80x128xi32, #tpu.memory_space<vmem>> -> memref<1x128xi32, #tpu.memory_space<vmem>>
    %dma_wait3A_54 = tpu.memref_squeeze %dma_wait3A_53 : memref<1x128xi32, #tpu.memory_space<vmem>> -> memref<128xi32, #tpu.memory_space<vmem>>
    %dma_wait3A_55 = arith.constant 0 : i32
    %dma_wait3A_56 = arith.constant 0 : i32
    %dma_wait3A_57 = tpu.memref_slice %arg13[%dma_wait3A_55, %dma_wait3A_56] : memref<10016x64xf32, #tpu.memory_space<vmem_shared>> -> memref<10016x64xf32, #tpu.memory_space<vmem_shared>>
    tpu.wait_indirect_dma semaphore(%arg21 : memref<!tpu.dma_semaphore, #tpu.memory_space<semaphore_mem>>) src(%arg12 : memref<128x64xf32, #tpu.memory_space<vmem>>) dst(%dma_wait3A_57 : memref<10016x64xf32, #tpu.memory_space<vmem_shared>>)
    %barrier3A_58 = arith.constant 0 : index
    tpu.barrier barrier_id(%barrier3A_58)
    %lt3A_59 = arith.constant 15 : i32
    %lt3A_60 = arith.cmpi slt, %arg1, %lt3A_59 : i32
    %convert_element_type3A_61 = arith.extui %lt3A_60 : i1 to i32
    %cond3A_62 = arith.constant 0 : i32
    %cond3A_63 = arith.cmpi ne, %convert_element_type3A_61, %cond3A_62 : i32
    scf.if %cond3A_63 {
      "tpu.region"() ({
        %run_scoped3A = tpu.sem_alloc : memref<!tpu.dma_semaphore, #tpu.memory_space<semaphore_mem>>
        %dma_start3A_69 = arith.constant 0 : i32
        %dma_start3A_70 = tpu.memref_slice %arg6[%arg0, %mul3A_2, %dma_start3A_69] : memref<2x10000x64xf32, #tpu.memory_space<hbm>> -> memref<1x632x64xf32, #tpu.memory_space<hbm>>
        %dma_start3A_71 = tpu.memref_squeeze %dma_start3A_70 : memref<1x632x64xf32, #tpu.memory_space<hbm>> -> memref<632x64xf32, #tpu.memory_space<hbm>>
        %dma_start3A_72 = arith.constant 0 : i32
        %dma_start3A_73 = tpu.memref_slice %arg13[%mul3A_2, %dma_start3A_72] : memref<10016x64xf32, #tpu.memory_space<vmem_shared>> -> memref<632x64xf32, #tpu.memory_space<vmem_shared>>
        tpu.enqueue_dma source(%dma_start3A_73 : memref<632x64xf32, #tpu.memory_space<vmem_shared>>) target(%dma_start3A_71 : memref<632x64xf32, #tpu.memory_space<hbm>>) target_semaphore(%run_scoped3A : memref<!tpu.dma_semaphore, #tpu.memory_space<semaphore_mem>>)
        %dma_wait3A_74 = arith.constant 0 : i32
        %dma_wait3A_75 = tpu.memref_slice %arg6[%arg0, %mul3A_2, %dma_wait3A_74] : memref<2x10000x64xf32, #tpu.memory_space<hbm>> -> memref<1x632x64xf32, #tpu.memory_space<hbm>>
        %dma_wait3A_76 = tpu.memref_squeeze %dma_wait3A_75 : memref<1x632x64xf32, #tpu.memory_space<hbm>> -> memref<632x64xf32, #tpu.memory_space<hbm>>
        %dma_wait3A_77 = arith.constant 0 : i32
        %dma_wait3A_78 = tpu.memref_slice %arg13[%mul3A_2, %dma_wait3A_77] : memref<10016x64xf32, #tpu.memory_space<vmem_shared>> -> memref<632x64xf32, #tpu.memory_space<vmem_shared>>
        tpu.wait_dma2 semaphore(%run_scoped3A : memref<!tpu.dma_semaphore, #tpu.memory_space<semaphore_mem>>) src(%dma_wait3A_78 : memref<632x64xf32, #tpu.memory_space<vmem_shared>>) dst(%dma_wait3A_76 : memref<632x64xf32, #tpu.memory_space<hbm>>)
        tpu.yield
      }) : () -> ()
    } else {
    }
    %eq3A_64 = arith.constant 15 : i32
    %eq3A_65 = arith.cmpi eq, %arg1, %eq3A_64 : i32
    %convert_element_type3A_66 = arith.extui %eq3A_65 : i1 to i32
    %cond3A_67 = arith.constant 0 : i32
    %cond3A_68 = arith.cmpi ne, %convert_element_type3A_66, %cond3A_67 : i32
    scf.if %cond3A_68 {
      "tpu.region"() ({
        %run_scoped3A = tpu.sem_alloc : memref<!tpu.dma_semaphore, #tpu.memory_space<semaphore_mem>>
        %dma_start3A_69 = arith.constant 0 : i32
        %dma_start3A_70 = tpu.memref_slice %arg6[%arg0, %mul3A_2, %dma_start3A_69] : memref<2x10000x64xf32, #tpu.memory_space<hbm>> -> memref<1x520x64xf32, #tpu.memory_space<hbm>>
        %dma_start3A_71 = tpu.memref_squeeze %dma_start3A_70 : memref<1x520x64xf32, #tpu.memory_space<hbm>> -> memref<520x64xf32, #tpu.memory_space<hbm>>
        %dma_start3A_72 = arith.constant 0 : i32
        %dma_start3A_73 = tpu.memref_slice %arg13[%mul3A_2, %dma_start3A_72] : memref<10016x64xf32, #tpu.memory_space<vmem_shared>> -> memref<520x64xf32, #tpu.memory_space<vmem_shared>>
        tpu.enqueue_dma source(%dma_start3A_73 : memref<520x64xf32, #tpu.memory_space<vmem_shared>>) target(%dma_start3A_71 : memref<520x64xf32, #tpu.memory_space<hbm>>) target_semaphore(%run_scoped3A : memref<!tpu.dma_semaphore, #tpu.memory_space<semaphore_mem>>)
        %dma_wait3A_74 = arith.constant 0 : i32
        %dma_wait3A_75 = tpu.memref_slice %arg6[%arg0, %mul3A_2, %dma_wait3A_74] : memref<2x10000x64xf32, #tpu.memory_space<hbm>> -> memref<1x520x64xf32, #tpu.memory_space<hbm>>
        %dma_wait3A_76 = tpu.memref_squeeze %dma_wait3A_75 : memref<1x520x64xf32, #tpu.memory_space<hbm>> -> memref<520x64xf32, #tpu.memory_space<hbm>>
        %dma_wait3A_77 = arith.constant 0 : i32
        %dma_wait3A_78 = tpu.memref_slice %arg13[%mul3A_2, %dma_wait3A_77] : memref<10016x64xf32, #tpu.memory_space<vmem_shared>> -> memref<520x64xf32, #tpu.memory_space<vmem_shared>>
        tpu.wait_dma2 semaphore(%run_scoped3A : memref<!tpu.dma_semaphore, #tpu.memory_space<semaphore_mem>>) src(%dma_wait3A_78 : memref<520x64xf32, #tpu.memory_space<vmem_shared>>) dst(%dma_wait3A_76 : memref<520x64xf32, #tpu.memory_space<hbm>>)
        tpu.yield
      }) : () -> ()
    } else {
    }
    return
  }
}

#map = affine_map<(d0, d1) -> (0, 0)>
#map1 = affine_map<(d0, d1) -> (0, 0, 0)>
module attributes {stable_mosaic.version = 14 : i64} {
  func.func @_segsum(%arg0: i32, %arg1: i32, %arg2: memref<10000x64xf32, #tpu.memory_space<hbm>>, %arg3: memref<2560x128xi32, #tpu.memory_space<hbm>>, %arg4: memref<2560x128xi32, #tpu.memory_space<hbm>>, %arg5: memref<10000x64xf32, #tpu.memory_space<hbm>>, %arg6: memref<2x10000x64xf32, #tpu.memory_space<hbm>>, %arg7: memref<80x128xi32, #tpu.memory_space<vmem>>, %arg8: memref<80x128xi32, #tpu.memory_space<vmem>>, %arg9: memref<128x64xf32, #tpu.memory_space<vmem>>, %arg10: memref<128x64xf32, #tpu.memory_space<vmem>>, %arg11: memref<128x64xf32, #tpu.memory_space<vmem>>, %arg12: memref<128x64xf32, #tpu.memory_space<vmem>>, %arg13: memref<10016x64xf32, #tpu.memory_space<vmem_shared>>, %arg14: memref<!tpu.dma_semaphore, #tpu.memory_space<semaphore_mem>>, %arg15: memref<!tpu.dma_semaphore, #tpu.memory_space<semaphore_mem>>, %arg16: memref<!tpu.dma_semaphore, #tpu.memory_space<semaphore_mem>>, %arg17: memref<!tpu.dma_semaphore, #tpu.memory_space<semaphore_mem>>, %arg18: memref<!tpu.dma_semaphore, #tpu.memory_space<semaphore_mem>>, %arg19: memref<!tpu.dma_semaphore, #tpu.memory_space<semaphore_mem>>, %arg20: memref<!tpu.dma_semaphore, #tpu.memory_space<semaphore_mem>>, %arg21: memref<!tpu.dma_semaphore, #tpu.memory_space<semaphore_mem>>) attributes {dimension_semantics = [#tpu.dimension_semantics<core_parallel>, #tpu.dimension_semantics<subcore_parallel>], iteration_bounds = array<i64: 2, 16>, scalar_prefetch = 0 : i64, scratch_operands = 15 : i64, tpu.core_type = #tpu.core_type<sc_vector_subcore>, window_params = [{transform_indices = #map}, {transform_indices = #map}, {transform_indices = #map}, {transform_indices = #map}, {transform_indices = #map1}]} {
    %mul3A = arith.constant 16 : i32
    %mul3A_0 = arith.muli %arg0, %mul3A : i32
    %add3A = arith.addi %mul3A_0, %arg1 : i32
    %mul3A_1 = arith.constant 632 : i32
    %mul3A_2 = arith.muli %arg1, %mul3A_1 : i32
    %lt3A = arith.constant 15 : i32
    %lt3A_3 = arith.cmpi slt, %arg1, %lt3A : i32
    %convert_element_type3A = arith.extui %lt3A_3 : i1 to i32
    %cond3A = arith.constant 0 : i32
    %cond3A_4 = arith.cmpi ne, %convert_element_type3A, %cond3A : i32
    scf.if %cond3A_4 {
      "tpu.region"() ({
        %run_scoped3A = tpu.sem_alloc : memref<!tpu.dma_semaphore, #tpu.memory_space<semaphore_mem>>
        %dma_start3A_69 = arith.constant 0 : i32
        %dma_start3A_70 = tpu.memref_slice %arg13[%mul3A_2, %dma_start3A_69] : memref<10016x64xf32, #tpu.memory_space<vmem_shared>> -> memref<632x64xf32, #tpu.memory_space<vmem_shared>>
        %dma_start3A_71 = arith.constant 0 : i32
        %dma_start3A_72 = tpu.memref_slice %arg5[%mul3A_2, %dma_start3A_71] : memref<10000x64xf32, #tpu.memory_space<hbm>> -> memref<632x64xf32, #tpu.memory_space<hbm>>
        tpu.enqueue_dma source(%dma_start3A_72 : memref<632x64xf32, #tpu.memory_space<hbm>>) target(%dma_start3A_70 : memref<632x64xf32, #tpu.memory_space<vmem_shared>>) target_semaphore(%run_scoped3A : memref<!tpu.dma_semaphore, #tpu.memory_space<semaphore_mem>>)
        %dma_wait3A_73 = arith.constant 0 : i32
        %dma_wait3A_74 = tpu.memref_slice %arg13[%mul3A_2, %dma_wait3A_73] : memref<10016x64xf32, #tpu.memory_space<vmem_shared>> -> memref<632x64xf32, #tpu.memory_space<vmem_shared>>
        %dma_wait3A_75 = arith.constant 0 : i32
        %dma_wait3A_76 = tpu.memref_slice %arg5[%mul3A_2, %dma_wait3A_75] : memref<10000x64xf32, #tpu.memory_space<hbm>> -> memref<632x64xf32, #tpu.memory_space<hbm>>
        tpu.wait_dma2 semaphore(%run_scoped3A : memref<!tpu.dma_semaphore, #tpu.memory_space<semaphore_mem>>) src(%dma_wait3A_76 : memref<632x64xf32, #tpu.memory_space<hbm>>) dst(%dma_wait3A_74 : memref<632x64xf32, #tpu.memory_space<vmem_shared>>)
        tpu.yield
      }) : () -> ()
    } else {
    }
    %eq3A = arith.constant 15 : i32
    %eq3A_5 = arith.cmpi eq, %arg1, %eq3A : i32
    %convert_element_type3A_6 = arith.extui %eq3A_5 : i1 to i32
    %cond3A_7 = arith.constant 0 : i32
    %cond3A_8 = arith.cmpi ne, %convert_element_type3A_6, %cond3A_7 : i32
    scf.if %cond3A_8 {
      "tpu.region"() ({
        %run_scoped3A = tpu.sem_alloc : memref<!tpu.dma_semaphore, #tpu.memory_space<semaphore_mem>>
        %dma_start3A_69 = arith.constant 0 : i32
        %dma_start3A_70 = tpu.memref_slice %arg13[%mul3A_2, %dma_start3A_69] : memref<10016x64xf32, #tpu.memory_space<vmem_shared>> -> memref<520x64xf32, #tpu.memory_space<vmem_shared>>
        %dma_start3A_71 = arith.constant 0 : i32
        %dma_start3A_72 = tpu.memref_slice %arg5[%mul3A_2, %dma_start3A_71] : memref<10000x64xf32, #tpu.memory_space<hbm>> -> memref<520x64xf32, #tpu.memory_space<hbm>>
        tpu.enqueue_dma source(%dma_start3A_72 : memref<520x64xf32, #tpu.memory_space<hbm>>) target(%dma_start3A_70 : memref<520x64xf32, #tpu.memory_space<vmem_shared>>) target_semaphore(%run_scoped3A : memref<!tpu.dma_semaphore, #tpu.memory_space<semaphore_mem>>)
        %dma_wait3A_73 = arith.constant 0 : i32
        %dma_wait3A_74 = tpu.memref_slice %arg13[%mul3A_2, %dma_wait3A_73] : memref<10016x64xf32, #tpu.memory_space<vmem_shared>> -> memref<520x64xf32, #tpu.memory_space<vmem_shared>>
        %dma_wait3A_75 = arith.constant 0 : i32
        %dma_wait3A_76 = tpu.memref_slice %arg5[%mul3A_2, %dma_wait3A_75] : memref<10000x64xf32, #tpu.memory_space<hbm>> -> memref<520x64xf32, #tpu.memory_space<hbm>>
        tpu.wait_dma2 semaphore(%run_scoped3A : memref<!tpu.dma_semaphore, #tpu.memory_space<semaphore_mem>>) src(%dma_wait3A_76 : memref<520x64xf32, #tpu.memory_space<hbm>>) dst(%dma_wait3A_74 : memref<520x64xf32, #tpu.memory_space<vmem_shared>>)
        tpu.yield
      }) : () -> ()
    } else {
    }
    %mul3A_9 = arith.constant 80 : i32
    %mul3A_10 = arith.muli %add3A, %mul3A_9 : i32
    "tpu.region"() ({
      %run_scoped3A = tpu.sem_alloc : memref<!tpu.dma_semaphore, #tpu.memory_space<semaphore_mem>>
      %dma_start3A_69 = arith.constant 0 : i32
      %dma_start3A_70 = tpu.memref_slice %arg3[%mul3A_10, %dma_start3A_69] : memref<2560x128xi32, #tpu.memory_space<hbm>> -> memref<80x128xi32, #tpu.memory_space<hbm>>
      %dma_start3A_71 = arith.constant 0 : i32
      %dma_start3A_72 = tpu.memref_slice %arg3[%mul3A_10, %dma_start3A_71] : memref<2560x128xi32, #tpu.memory_space<hbm>> -> memref<80x128xi32, #tpu.memory_space<hbm>>
      tpu.enqueue_dma source(%dma_start3A_72 : memref<80x128xi32, #tpu.memory_space<hbm>>) target(%arg7 : memref<80x128xi32, #tpu.memory_space<vmem>>) target_semaphore(%run_scoped3A : memref<!tpu.dma_semaphore, #tpu.memory_space<semaphore_mem>>)
      %dma_wait3A_73 = arith.constant 0 : i32
      %dma_wait3A_74 = tpu.memref_slice %arg3[%mul3A_10, %dma_wait3A_73] : memref<2560x128xi32, #tpu.memory_space<hbm>> -> memref<80x128xi32, #tpu.memory_space<hbm>>
      %dma_wait3A_75 = arith.constant 0 : i32
      %dma_wait3A_76 = tpu.memref_slice %arg3[%mul3A_10, %dma_wait3A_75] : memref<2560x128xi32, #tpu.memory_space<hbm>> -> memref<80x128xi32, #tpu.memory_space<hbm>>
      tpu.wait_dma2 semaphore(%run_scoped3A : memref<!tpu.dma_semaphore, #tpu.memory_space<semaphore_mem>>) src(%dma_wait3A_76 : memref<80x128xi32, #tpu.memory_space<hbm>>) dst(%arg7 : memref<80x128xi32, #tpu.memory_space<vmem>>)
      tpu.yield
    }) : () -> ()
    %mul3A_11 = arith.constant 80 : i32
    %mul3A_12 = arith.muli %add3A, %mul3A_11 : i32
    "tpu.region"() ({
      %run_scoped3A = tpu.sem_alloc : memref<!tpu.dma_semaphore, #tpu.memory_space<semaphore_mem>>
      %dma_start3A_69 = arith.constant 0 : i32
      %dma_start3A_70 = tpu.memref_slice %arg4[%mul3A_12, %dma_start3A_69] : memref<2560x128xi32, #tpu.memory_space<hbm>> -> memref<80x128xi32, #tpu.memory_space<hbm>>
      %dma_start3A_71 = arith.constant 0 : i32
      %dma_start3A_72 = tpu.memref_slice %arg4[%mul3A_12, %dma_start3A_71] : memref<2560x128xi32, #tpu.memory_space<hbm>> -> memref<80x128xi32, #tpu.memory_space<hbm>>
      tpu.enqueue_dma source(%dma_start3A_72 : memref<80x128xi32, #tpu.memory_space<hbm>>) target(%arg8 : memref<80x128xi32, #tpu.memory_space<vmem>>) target_semaphore(%run_scoped3A : memref<!tpu.dma_semaphore, #tpu.memory_space<semaphore_mem>>)
      %dma_wait3A_73 = arith.constant 0 : i32
      %dma_wait3A_74 = tpu.memref_slice %arg4[%mul3A_12, %dma_wait3A_73] : memref<2560x128xi32, #tpu.memory_space<hbm>> -> memref<80x128xi32, #tpu.memory_space<hbm>>
      %dma_wait3A_75 = arith.constant 0 : i32
      %dma_wait3A_76 = tpu.memref_slice %arg4[%mul3A_12, %dma_wait3A_75] : memref<2560x128xi32, #tpu.memory_space<hbm>> -> memref<80x128xi32, #tpu.memory_space<hbm>>
      tpu.wait_dma2 semaphore(%run_scoped3A : memref<!tpu.dma_semaphore, #tpu.memory_space<semaphore_mem>>) src(%dma_wait3A_76 : memref<80x128xi32, #tpu.memory_space<hbm>>) dst(%arg8 : memref<80x128xi32, #tpu.memory_space<vmem>>)
      tpu.yield
    }) : () -> ()
    %barrier3A = arith.constant 0 : index
    tpu.barrier barrier_id(%barrier3A)
    %dma_start3A = arith.constant 0 : i32
    %dma_start3A_13 = arith.constant 0 : i32
    %dma_start3A_14 = tpu.memref_slice %arg7[%dma_start3A, %dma_start3A_13] : memref<80x128xi32, #tpu.memory_space<vmem>> -> memref<1x128xi32, #tpu.memory_space<vmem>>
    %dma_start3A_15 = tpu.memref_squeeze %dma_start3A_14 : memref<1x128xi32, #tpu.memory_space<vmem>> -> memref<128xi32, #tpu.memory_space<vmem>>
    %dma_start3A_16 = arith.constant 0 : i32
    %dma_start3A_17 = arith.constant 0 : i32
    %dma_start3A_18 = tpu.memref_slice %arg2[%dma_start3A_16, %dma_start3A_17] : memref<10000x64xf32, #tpu.memory_space<hbm>> -> memref<10000x64xf32, #tpu.memory_space<hbm>>
    tpu.enqueue_indirect_dma source(%dma_start3A_18 : memref<10000x64xf32, #tpu.memory_space<hbm>>) target(%arg9 : memref<128x64xf32, #tpu.memory_space<vmem>>) offsets(%dma_start3A_15 : memref<128xi32, #tpu.memory_space<vmem>>) semaphore(%arg14 : memref<!tpu.dma_semaphore, #tpu.memory_space<semaphore_mem>>)
    %dma_start3A_19 = arith.constant 1 : i32
    %dma_start3A_20 = arith.constant 0 : i32
    %dma_start3A_21 = tpu.memref_slice %arg7[%dma_start3A_19, %dma_start3A_20] : memref<80x128xi32, #tpu.memory_space<vmem>> -> memref<1x128xi32, #tpu.memory_space<vmem>>
    %dma_start3A_22 = tpu.memref_squeeze %dma_start3A_21 : memref<1x128xi32, #tpu.memory_space<vmem>> -> memref<128xi32, #tpu.memory_space<vmem>>
    %dma_start3A_23 = arith.constant 0 : i32
    %dma_start3A_24 = arith.constant 0 : i32
    %dma_start3A_25 = tpu.memref_slice %arg2[%dma_start3A_23, %dma_start3A_24] : memref<10000x64xf32, #tpu.memory_space<hbm>> -> memref<10000x64xf32, #tpu.memory_space<hbm>>
    tpu.enqueue_indirect_dma source(%dma_start3A_25 : memref<10000x64xf32, #tpu.memory_space<hbm>>) target(%arg10 : memref<128x64xf32, #tpu.memory_space<vmem>>) offsets(%dma_start3A_22 : memref<128xi32, #tpu.memory_space<vmem>>) semaphore(%arg15 : memref<!tpu.dma_semaphore, #tpu.memory_space<semaphore_mem>>)
    %scan3A = arith.constant 0 : i32
    %scan3A_26 = arith.constant 0 : i32
    %scan3A_27 = arith.constant 79 : i32
    %scan3A_28 = arith.addi %scan3A_26, %scan3A_27 : i32
    %scan3A_29 = arith.constant 1 : i32
    scf.for %scan3A_69 = %scan3A_26 to %scan3A_28 step %scan3A_29  : i32 {
      %add3A_70 = arith.constant 2 : i32
      %add3A_71 = arith.addi %scan3A_69, %add3A_70 : i32
      %jit3A = arith.constant 4 : i32
      %eq3A_72 = arith.constant 0 : i32
      %eq3A_73 = arith.cmpi eq, %jit3A, %eq3A_72 : i32
      %jit3A_74 = arith.constant 1 : i32
      %select_n3A = arith.select %eq3A_73, %jit3A_74, %jit3A : i32
      %rem3A = arith.remsi %scan3A_69, %select_n3A : i32
      %ne3A = arith.constant 0 : i32
      %ne3A_75 = arith.cmpi ne, %rem3A, %ne3A : i32
      %lt3A_76 = arith.constant 0 : i32
      %lt3A_77 = arith.cmpi slt, %rem3A, %lt3A_76 : i32
      %lt3A_78 = arith.constant 0 : i32
      %lt3A_79 = arith.cmpi slt, %select_n3A, %lt3A_78 : i32
      %ne3A_80 = arith.xori %lt3A_77, %lt3A_79 : i1
      %and3A = arith.andi %ne3A_80, %ne3A_75 : i1
      %add3A_81 = arith.addi %rem3A, %select_n3A : i32
      %select_n3A_82 = arith.select %and3A, %add3A_81, %rem3A : i32
      %eq3A_83 = arith.constant 0 : i32
      %eq3A_84 = arith.cmpi eq, %select_n3A_82, %eq3A_83 : i32
      %convert_element_type3A_85 = arith.extui %eq3A_84 : i1 to i32
      %cond3A_86 = arith.constant 0 : i32
      %cond3A_87 = arith.cmpi ne, %convert_element_type3A_85, %cond3A_86 : i32
      scf.if %cond3A_87 {
        %dma_wait3A_282 = arith.constant 0 : i32
        %dma_wait3A_283 = tpu.memref_slice %arg7[%scan3A_69, %dma_wait3A_282] : memref<80x128xi32, #tpu.memory_space<vmem>> -> memref<1x128xi32, #tpu.memory_space<vmem>>
        %dma_wait3A_284 = tpu.memref_squeeze %dma_wait3A_283 : memref<1x128xi32, #tpu.memory_space<vmem>> -> memref<128xi32, #tpu.memory_space<vmem>>
        %dma_wait3A_285 = arith.constant 0 : i32
        %dma_wait3A_286 = arith.constant 0 : i32
        %dma_wait3A_287 = tpu.memref_slice %arg2[%dma_wait3A_285, %dma_wait3A_286] : memref<10000x64xf32, #tpu.memory_space<hbm>> -> memref<10000x64xf32, #tpu.memory_space<hbm>>
        tpu.wait_indirect_dma semaphore(%arg14 : memref<!tpu.dma_semaphore, #tpu.memory_space<semaphore_mem>>) src(%dma_wait3A_287 : memref<10000x64xf32, #tpu.memory_space<hbm>>) dst(%arg9 : memref<128x64xf32, #tpu.memory_space<vmem>>)
        %dma_start3A_288 = arith.constant 0 : i32
        %dma_start3A_289 = tpu.memref_slice %arg8[%scan3A_69, %dma_start3A_288] : memref<80x128xi32, #tpu.memory_space<vmem>> -> memref<1x128xi32, #tpu.memory_space<vmem>>
        %dma_start3A_290 = tpu.memref_squeeze %dma_start3A_289 : memref<1x128xi32, #tpu.memory_space<vmem>> -> memref<128xi32, #tpu.memory_space<vmem>>
        %dma_start3A_291 = arith.constant 0 : i32
        %dma_start3A_292 = arith.constant 0 : i32
        %dma_start3A_293 = tpu.memref_slice %arg13[%dma_start3A_291, %dma_start3A_292] : memref<10016x64xf32, #tpu.memory_space<vmem_shared>> -> memref<10016x64xf32, #tpu.memory_space<vmem_shared>>
        tpu.enqueue_indirect_dma source(%arg9 : memref<128x64xf32, #tpu.memory_space<vmem>>) target(%dma_start3A_293 : memref<10016x64xf32, #tpu.memory_space<vmem_shared>>) offsets(%dma_start3A_290 : memref<128xi32, #tpu.memory_space<vmem>>) semaphore(%arg18 : memref<!tpu.dma_semaphore, #tpu.memory_space<semaphore_mem>>) {add = true}
      } else {
      }
      %jit3A_88 = arith.constant 4 : i32
      %eq3A_89 = arith.constant 0 : i32
      %eq3A_90 = arith.cmpi eq, %jit3A_88, %eq3A_89 : i32
      %jit3A_91 = arith.constant 1 : i32
      %select_n3A_92 = arith.select %eq3A_90, %jit3A_91, %jit3A_88 : i32
      %rem3A_93 = arith.remsi %scan3A_69, %select_n3A_92 : i32
      %ne3A_94 = arith.constant 0 : i32
      %ne3A_95 = arith.cmpi ne, %rem3A_93, %ne3A_94 : i32
      %lt3A_96 = arith.constant 0 : i32
      %lt3A_97 = arith.cmpi slt, %rem3A_93, %lt3A_96 : i32
      %lt3A_98 = arith.constant 0 : i32
      %lt3A_99 = arith.cmpi slt, %select_n3A_92, %lt3A_98 : i32
      %ne3A_100 = arith.xori %lt3A_97, %lt3A_99 : i1
      %and3A_101 = arith.andi %ne3A_100, %ne3A_95 : i1
      %add3A_102 = arith.addi %rem3A_93, %select_n3A_92 : i32
      %select_n3A_103 = arith.select %and3A_101, %add3A_102, %rem3A_93 : i32
      %eq3A_104 = arith.constant 1 : i32
      %eq3A_105 = arith.cmpi eq, %select_n3A_103, %eq3A_104 : i32
      %convert_element_type3A_106 = arith.extui %eq3A_105 : i1 to i32
      %cond3A_107 = arith.constant 0 : i32
      %cond3A_108 = arith.cmpi ne, %convert_element_type3A_106, %cond3A_107 : i32
      scf.if %cond3A_108 {
        %dma_wait3A_282 = arith.constant 0 : i32
        %dma_wait3A_283 = tpu.memref_slice %arg7[%scan3A_69, %dma_wait3A_282] : memref<80x128xi32, #tpu.memory_space<vmem>> -> memref<1x128xi32, #tpu.memory_space<vmem>>
        %dma_wait3A_284 = tpu.memref_squeeze %dma_wait3A_283 : memref<1x128xi32, #tpu.memory_space<vmem>> -> memref<128xi32, #tpu.memory_space<vmem>>
        %dma_wait3A_285 = arith.constant 0 : i32
        %dma_wait3A_286 = arith.constant 0 : i32
        %dma_wait3A_287 = tpu.memref_slice %arg2[%dma_wait3A_285, %dma_wait3A_286] : memref<10000x64xf32, #tpu.memory_space<hbm>> -> memref<10000x64xf32, #tpu.memory_space<hbm>>
        tpu.wait_indirect_dma semaphore(%arg15 : memref<!tpu.dma_semaphore, #tpu.memory_space<semaphore_mem>>) src(%dma_wait3A_287 : memref<10000x64xf32, #tpu.memory_space<hbm>>) dst(%arg10 : memref<128x64xf32, #tpu.memory_space<vmem>>)
        %dma_start3A_288 = arith.constant 0 : i32
        %dma_start3A_289 = tpu.memref_slice %arg8[%scan3A_69, %dma_start3A_288] : memref<80x128xi32, #tpu.memory_space<vmem>> -> memref<1x128xi32, #tpu.memory_space<vmem>>
        %dma_start3A_290 = tpu.memref_squeeze %dma_start3A_289 : memref<1x128xi32, #tpu.memory_space<vmem>> -> memref<128xi32, #tpu.memory_space<vmem>>
        %dma_start3A_291 = arith.constant 0 : i32
        %dma_start3A_292 = arith.constant 0 : i32
        %dma_start3A_293 = tpu.memref_slice %arg13[%dma_start3A_291, %dma_start3A_292] : memref<10016x64xf32, #tpu.memory_space<vmem_shared>> -> memref<10016x64xf32, #tpu.memory_space<vmem_shared>>
        tpu.enqueue_indirect_dma source(%arg10 : memref<128x64xf32, #tpu.memory_space<vmem>>) target(%dma_start3A_293 : memref<10016x64xf32, #tpu.memory_space<vmem_shared>>) offsets(%dma_start3A_290 : memref<128xi32, #tpu.memory_space<vmem>>) semaphore(%arg19 : memref<!tpu.dma_semaphore, #tpu.memory_space<semaphore_mem>>) {add = true}
      } else {
      }
      %jit3A_109 = arith.constant 4 : i32
      %eq3A_110 = arith.constant 0 : i32
      %eq3A_111 = arith.cmpi eq, %jit3A_109, %eq3A_110 : i32
      %jit3A_112 = arith.constant 1 : i32
      %select_n3A_113 = arith.select %eq3A_111, %jit3A_112, %jit3A_109 : i32
      %rem3A_114 = arith.remsi %scan3A_69, %select_n3A_113 : i32
      %ne3A_115 = arith.constant 0 : i32
      %ne3A_116 = arith.cmpi ne, %rem3A_114, %ne3A_115 : i32
      %lt3A_117 = arith.constant 0 : i32
      %lt3A_118 = arith.cmpi slt, %rem3A_114, %lt3A_117 : i32
      %lt3A_119 = arith.constant 0 : i32
      %lt3A_120 = arith.cmpi slt, %select_n3A_113, %lt3A_119 : i32
      %ne3A_121 = arith.xori %lt3A_118, %lt3A_120 : i1
      %and3A_122 = arith.andi %ne3A_121, %ne3A_116 : i1
      %add3A_123 = arith.addi %rem3A_114, %select_n3A_113 : i32
      %select_n3A_124 = arith.select %and3A_122, %add3A_123, %rem3A_114 : i32
      %eq3A_125 = arith.constant 2 : i32
      %eq3A_126 = arith.cmpi eq, %select_n3A_124, %eq3A_125 : i32
      %convert_element_type3A_127 = arith.extui %eq3A_126 : i1 to i32
      %cond3A_128 = arith.constant 0 : i32
      %cond3A_129 = arith.cmpi ne, %convert_element_type3A_127, %cond3A_128 : i32
      scf.if %cond3A_129 {
        %dma_wait3A_282 = arith.constant 0 : i32
        %dma_wait3A_283 = tpu.memref_slice %arg7[%scan3A_69, %dma_wait3A_282] : memref<80x128xi32, #tpu.memory_space<vmem>> -> memref<1x128xi32, #tpu.memory_space<vmem>>
        %dma_wait3A_284 = tpu.memref_squeeze %dma_wait3A_283 : memref<1x128xi32, #tpu.memory_space<vmem>> -> memref<128xi32, #tpu.memory_space<vmem>>
        %dma_wait3A_285 = arith.constant 0 : i32
        %dma_wait3A_286 = arith.constant 0 : i32
        %dma_wait3A_287 = tpu.memref_slice %arg2[%dma_wait3A_285, %dma_wait3A_286] : memref<10000x64xf32, #tpu.memory_space<hbm>> -> memref<10000x64xf32, #tpu.memory_space<hbm>>
        tpu.wait_indirect_dma semaphore(%arg16 : memref<!tpu.dma_semaphore, #tpu.memory_space<semaphore_mem>>) src(%dma_wait3A_287 : memref<10000x64xf32, #tpu.memory_space<hbm>>) dst(%arg11 : memref<128x64xf32, #tpu.memory_space<vmem>>)
        %dma_start3A_288 = arith.constant 0 : i32
        %dma_start3A_289 = tpu.memref_slice %arg8[%scan3A_69, %dma_start3A_288] : memref<80x128xi32, #tpu.memory_space<vmem>> -> memref<1x128xi32, #tpu.memory_space<vmem>>
        %dma_start3A_290 = tpu.memref_squeeze %dma_start3A_289 : memref<1x128xi32, #tpu.memory_space<vmem>> -> memref<128xi32, #tpu.memory_space<vmem>>
        %dma_start3A_291 = arith.constant 0 : i32
        %dma_start3A_292 = arith.constant 0 : i32
        %dma_start3A_293 = tpu.memref_slice %arg13[%dma_start3A_291, %dma_start3A_292] : memref<10016x64xf32, #tpu.memory_space<vmem_shared>> -> memref<10016x64xf32, #tpu.memory_space<vmem_shared>>
        tpu.enqueue_indirect_dma source(%arg11 : memref<128x64xf32, #tpu.memory_space<vmem>>) target(%dma_start3A_293 : memref<10016x64xf32, #tpu.memory_space<vmem_shared>>) offsets(%dma_start3A_290 : memref<128xi32, #tpu.memory_space<vmem>>) semaphore(%arg20 : memref<!tpu.dma_semaphore, #tpu.memory_space<semaphore_mem>>) {add = true}
      } else {
      }
      %jit3A_130 = arith.constant 4 : i32
      %eq3A_131 = arith.constant 0 : i32
      %eq3A_132 = arith.cmpi eq, %jit3A_130, %eq3A_131 : i32
      %jit3A_133 = arith.constant 1 : i32
      %select_n3A_134 = arith.select %eq3A_132, %jit3A_133, %jit3A_130 : i32
      %rem3A_135 = arith.remsi %scan3A_69, %select_n3A_134 : i32
      %ne3A_136 = arith.constant 0 : i32
      %ne3A_137 = arith.cmpi ne, %rem3A_135, %ne3A_136 : i32
      %lt3A_138 = arith.constant 0 : i32
      %lt3A_139 = arith.cmpi slt, %rem3A_135, %lt3A_138 : i32
      %lt3A_140 = arith.constant 0 : i32
      %lt3A_141 = arith.cmpi slt, %select_n3A_134, %lt3A_140 : i32
      %ne3A_142 = arith.xori %lt3A_139, %lt3A_141 : i1
      %and3A_143 = arith.andi %ne3A_142, %ne3A_137 : i1
      %add3A_144 = arith.addi %rem3A_135, %select_n3A_134 : i32
      %select_n3A_145 = arith.select %and3A_143, %add3A_144, %rem3A_135 : i32
      %eq3A_146 = arith.constant 3 : i32
      %eq3A_147 = arith.cmpi eq, %select_n3A_145, %eq3A_146 : i32
      %convert_element_type3A_148 = arith.extui %eq3A_147 : i1 to i32
      %cond3A_149 = arith.constant 0 : i32
      %cond3A_150 = arith.cmpi ne, %convert_element_type3A_148, %cond3A_149 : i32
      scf.if %cond3A_150 {
        %dma_wait3A_282 = arith.constant 0 : i32
        %dma_wait3A_283 = tpu.memref_slice %arg7[%scan3A_69, %dma_wait3A_282] : memref<80x128xi32, #tpu.memory_space<vmem>> -> memref<1x128xi32, #tpu.memory_space<vmem>>
        %dma_wait3A_284 = tpu.memref_squeeze %dma_wait3A_283 : memref<1x128xi32, #tpu.memory_space<vmem>> -> memref<128xi32, #tpu.memory_space<vmem>>
        %dma_wait3A_285 = arith.constant 0 : i32
        %dma_wait3A_286 = arith.constant 0 : i32
        %dma_wait3A_287 = tpu.memref_slice %arg2[%dma_wait3A_285, %dma_wait3A_286] : memref<10000x64xf32, #tpu.memory_space<hbm>> -> memref<10000x64xf32, #tpu.memory_space<hbm>>
        tpu.wait_indirect_dma semaphore(%arg17 : memref<!tpu.dma_semaphore, #tpu.memory_space<semaphore_mem>>) src(%dma_wait3A_287 : memref<10000x64xf32, #tpu.memory_space<hbm>>) dst(%arg12 : memref<128x64xf32, #tpu.memory_space<vmem>>)
        %dma_start3A_288 = arith.constant 0 : i32
        %dma_start3A_289 = tpu.memref_slice %arg8[%scan3A_69, %dma_start3A_288] : memref<80x128xi32, #tpu.memory_space<vmem>> -> memref<1x128xi32, #tpu.memory_space<vmem>>
        %dma_start3A_290 = tpu.memref_squeeze %dma_start3A_289 : memref<1x128xi32, #tpu.memory_space<vmem>> -> memref<128xi32, #tpu.memory_space<vmem>>
        %dma_start3A_291 = arith.constant 0 : i32
        %dma_start3A_292 = arith.constant 0 : i32
        %dma_start3A_293 = tpu.memref_slice %arg13[%dma_start3A_291, %dma_start3A_292] : memref<10016x64xf32, #tpu.memory_space<vmem_shared>> -> memref<10016x64xf32, #tpu.memory_space<vmem_shared>>
        tpu.enqueue_indirect_dma source(%arg12 : memref<128x64xf32, #tpu.memory_space<vmem>>) target(%dma_start3A_293 : memref<10016x64xf32, #tpu.memory_space<vmem_shared>>) offsets(%dma_start3A_290 : memref<128xi32, #tpu.memory_space<vmem>>) semaphore(%arg21 : memref<!tpu.dma_semaphore, #tpu.memory_space<semaphore_mem>>) {add = true}
      } else {
      }
      %lt3A_151 = arith.constant 79 : i32
      %lt3A_152 = arith.cmpi slt, %add3A_71, %lt3A_151 : i32
      %jit3A_153 = arith.constant 4 : i32
      %eq3A_154 = arith.constant 0 : i32
      %eq3A_155 = arith.cmpi eq, %jit3A_153, %eq3A_154 : i32
      %jit3A_156 = arith.constant 1 : i32
      %select_n3A_157 = arith.select %eq3A_155, %jit3A_156, %jit3A_153 : i32
      %rem3A_158 = arith.remsi %add3A_71, %select_n3A_157 : i32
      %ne3A_159 = arith.constant 0 : i32
      %ne3A_160 = arith.cmpi ne, %rem3A_158, %ne3A_159 : i32
      %lt3A_161 = arith.constant 0 : i32
      %lt3A_162 = arith.cmpi slt, %rem3A_158, %lt3A_161 : i32
      %lt3A_163 = arith.constant 0 : i32
      %lt3A_164 = arith.cmpi slt, %select_n3A_157, %lt3A_163 : i32
      %ne3A_165 = arith.xori %lt3A_162, %lt3A_164 : i1
      %and3A_166 = arith.andi %ne3A_165, %ne3A_160 : i1
      %add3A_167 = arith.addi %rem3A_158, %select_n3A_157 : i32
      %select_n3A_168 = arith.select %and3A_166, %add3A_167, %rem3A_158 : i32
      %eq3A_169 = arith.constant 0 : i32
      %eq3A_170 = arith.cmpi eq, %select_n3A_168, %eq3A_169 : i32
      %and3A_171 = arith.andi %lt3A_152, %eq3A_170 : i1
      %ge3A = arith.constant 2 : i32
      %ge3A_172 = arith.cmpi sge, %scan3A_69, %ge3A : i32
      %and3A_173 = arith.andi %and3A_171, %ge3A_172 : i1
      %convert_element_type3A_174 = arith.extui %and3A_173 : i1 to i32
      %cond3A_175 = arith.constant 0 : i32
      %cond3A_176 = arith.cmpi ne, %convert_element_type3A_174, %cond3A_175 : i32
      scf.if %cond3A_176 {
        %dma_wait3A_282 = arith.constant 0 : i32
        %dma_wait3A_283 = arith.constant 0 : i32
        %dma_wait3A_284 = tpu.memref_slice %arg8[%dma_wait3A_282, %dma_wait3A_283] : memref<80x128xi32, #tpu.memory_space<vmem>> -> memref<1x128xi32, #tpu.memory_space<vmem>>
        %dma_wait3A_285 = tpu.memref_squeeze %dma_wait3A_284 : memref<1x128xi32, #tpu.memory_space<vmem>> -> memref<128xi32, #tpu.memory_space<vmem>>
        %dma_wait3A_286 = arith.constant 0 : i32
        %dma_wait3A_287 = arith.constant 0 : i32
        %dma_wait3A_288 = tpu.memref_slice %arg13[%dma_wait3A_286, %dma_wait3A_287] : memref<10016x64xf32, #tpu.memory_space<vmem_shared>> -> memref<10016x64xf32, #tpu.memory_space<vmem_shared>>
        tpu.wait_indirect_dma semaphore(%arg18 : memref<!tpu.dma_semaphore, #tpu.memory_space<semaphore_mem>>) src(%arg9 : memref<128x64xf32, #tpu.memory_space<vmem>>) dst(%dma_wait3A_288 : memref<10016x64xf32, #tpu.memory_space<vmem_shared>>)
        %dma_start3A_289 = arith.constant 0 : i32
        %dma_start3A_290 = tpu.memref_slice %arg7[%add3A_71, %dma_start3A_289] : memref<80x128xi32, #tpu.memory_space<vmem>> -> memref<1x128xi32, #tpu.memory_space<vmem>>
        %dma_start3A_291 = tpu.memref_squeeze %dma_start3A_290 : memref<1x128xi32, #tpu.memory_space<vmem>> -> memref<128xi32, #tpu.memory_space<vmem>>
        %dma_start3A_292 = arith.constant 0 : i32
        %dma_start3A_293 = arith.constant 0 : i32
        %dma_start3A_294 = tpu.memref_slice %arg2[%dma_start3A_292, %dma_start3A_293] : memref<10000x64xf32, #tpu.memory_space<hbm>> -> memref<10000x64xf32, #tpu.memory_space<hbm>>
        tpu.enqueue_indirect_dma source(%dma_start3A_294 : memref<10000x64xf32, #tpu.memory_space<hbm>>) target(%arg9 : memref<128x64xf32, #tpu.memory_space<vmem>>) offsets(%dma_start3A_291 : memref<128xi32, #tpu.memory_space<vmem>>) semaphore(%arg14 : memref<!tpu.dma_semaphore, #tpu.memory_space<semaphore_mem>>)
      } else {
      }
      %lt3A_177 = arith.constant 2 : i32
      %lt3A_178 = arith.cmpi slt, %scan3A_69, %lt3A_177 : i32
      %and3A_179 = arith.andi %and3A_171, %lt3A_178 : i1
      %convert_element_type3A_180 = arith.extui %and3A_179 : i1 to i32
      %cond3A_181 = arith.constant 0 : i32
      %cond3A_182 = arith.cmpi ne, %convert_element_type3A_180, %cond3A_181 : i32
      scf.if %cond3A_182 {
        %dma_start3A_282 = arith.constant 0 : i32
        %dma_start3A_283 = tpu.memref_slice %arg7[%add3A_71, %dma_start3A_282] : memref<80x128xi32, #tpu.memory_space<vmem>> -> memref<1x128xi32, #tpu.memory_space<vmem>>
        %dma_start3A_284 = tpu.memref_squeeze %dma_start3A_283 : memref<1x128xi32, #tpu.memory_space<vmem>> -> memref<128xi32, #tpu.memory_space<vmem>>
        %dma_start3A_285 = arith.constant 0 : i32
        %dma_start3A_286 = arith.constant 0 : i32
        %dma_start3A_287 = tpu.memref_slice %arg2[%dma_start3A_285, %dma_start3A_286] : memref<10000x64xf32, #tpu.memory_space<hbm>> -> memref<10000x64xf32, #tpu.memory_space<hbm>>
        tpu.enqueue_indirect_dma source(%dma_start3A_287 : memref<10000x64xf32, #tpu.memory_space<hbm>>) target(%arg9 : memref<128x64xf32, #tpu.memory_space<vmem>>) offsets(%dma_start3A_284 : memref<128xi32, #tpu.memory_space<vmem>>) semaphore(%arg14 : memref<!tpu.dma_semaphore, #tpu.memory_space<semaphore_mem>>)
      } else {
      }
      %lt3A_183 = arith.constant 79 : i32
      %lt3A_184 = arith.cmpi slt, %add3A_71, %lt3A_183 : i32
      %jit3A_185 = arith.constant 4 : i32
      %eq3A_186 = arith.constant 0 : i32
      %eq3A_187 = arith.cmpi eq, %jit3A_185, %eq3A_186 : i32
      %jit3A_188 = arith.constant 1 : i32
      %select_n3A_189 = arith.select %eq3A_187, %jit3A_188, %jit3A_185 : i32
      %rem3A_190 = arith.remsi %add3A_71, %select_n3A_189 : i32
      %ne3A_191 = arith.constant 0 : i32
      %ne3A_192 = arith.cmpi ne, %rem3A_190, %ne3A_191 : i32
      %lt3A_193 = arith.constant 0 : i32
      %lt3A_194 = arith.cmpi slt, %rem3A_190, %lt3A_193 : i32
      %lt3A_195 = arith.constant 0 : i32
      %lt3A_196 = arith.cmpi slt, %select_n3A_189, %lt3A_195 : i32
      %ne3A_197 = arith.xori %lt3A_194, %lt3A_196 : i1
      %and3A_198 = arith.andi %ne3A_197, %ne3A_192 : i1
      %add3A_199 = arith.addi %rem3A_190, %select_n3A_189 : i32
      %select_n3A_200 = arith.select %and3A_198, %add3A_199, %rem3A_190 : i32
      %eq3A_201 = arith.constant 1 : i32
      %eq3A_202 = arith.cmpi eq, %select_n3A_200, %eq3A_201 : i32
      %and3A_203 = arith.andi %lt3A_184, %eq3A_202 : i1
      %ge3A_204 = arith.constant 2 : i32
      %ge3A_205 = arith.cmpi sge, %scan3A_69, %ge3A_204 : i32
      %and3A_206 = arith.andi %and3A_203, %ge3A_205 : i1
      %convert_element_type3A_207 = arith.extui %and3A_206 : i1 to i32
      %cond3A_208 = arith.constant 0 : i32
      %cond3A_209 = arith.cmpi ne, %convert_element_type3A_207, %cond3A_208 : i32
      scf.if %cond3A_209 {
        %dma_wait3A_282 = arith.constant 0 : i32
        %dma_wait3A_283 = arith.constant 0 : i32
        %dma_wait3A_284 = tpu.memref_slice %arg8[%dma_wait3A_282, %dma_wait3A_283] : memref<80x128xi32, #tpu.memory_space<vmem>> -> memref<1x128xi32, #tpu.memory_space<vmem>>
        %dma_wait3A_285 = tpu.memref_squeeze %dma_wait3A_284 : memref<1x128xi32, #tpu.memory_space<vmem>> -> memref<128xi32, #tpu.memory_space<vmem>>
        %dma_wait3A_286 = arith.constant 0 : i32
        %dma_wait3A_287 = arith.constant 0 : i32
        %dma_wait3A_288 = tpu.memref_slice %arg13[%dma_wait3A_286, %dma_wait3A_287] : memref<10016x64xf32, #tpu.memory_space<vmem_shared>> -> memref<10016x64xf32, #tpu.memory_space<vmem_shared>>
        tpu.wait_indirect_dma semaphore(%arg19 : memref<!tpu.dma_semaphore, #tpu.memory_space<semaphore_mem>>) src(%arg10 : memref<128x64xf32, #tpu.memory_space<vmem>>) dst(%dma_wait3A_288 : memref<10016x64xf32, #tpu.memory_space<vmem_shared>>)
        %dma_start3A_289 = arith.constant 0 : i32
        %dma_start3A_290 = tpu.memref_slice %arg7[%add3A_71, %dma_start3A_289] : memref<80x128xi32, #tpu.memory_space<vmem>> -> memref<1x128xi32, #tpu.memory_space<vmem>>
        %dma_start3A_291 = tpu.memref_squeeze %dma_start3A_290 : memref<1x128xi32, #tpu.memory_space<vmem>> -> memref<128xi32, #tpu.memory_space<vmem>>
        %dma_start3A_292 = arith.constant 0 : i32
        %dma_start3A_293 = arith.constant 0 : i32
        %dma_start3A_294 = tpu.memref_slice %arg2[%dma_start3A_292, %dma_start3A_293] : memref<10000x64xf32, #tpu.memory_space<hbm>> -> memref<10000x64xf32, #tpu.memory_space<hbm>>
        tpu.enqueue_indirect_dma source(%dma_start3A_294 : memref<10000x64xf32, #tpu.memory_space<hbm>>) target(%arg10 : memref<128x64xf32, #tpu.memory_space<vmem>>) offsets(%dma_start3A_291 : memref<128xi32, #tpu.memory_space<vmem>>) semaphore(%arg15 : memref<!tpu.dma_semaphore, #tpu.memory_space<semaphore_mem>>)
      } else {
      }
      %lt3A_210 = arith.constant 2 : i32
      %lt3A_211 = arith.cmpi slt, %scan3A_69, %lt3A_210 : i32
      %and3A_212 = arith.andi %and3A_203, %lt3A_211 : i1
      %convert_element_type3A_213 = arith.extui %and3A_212 : i1 to i32
      %cond3A_214 = arith.constant 0 : i32
      %cond3A_215 = arith.cmpi ne, %convert_element_type3A_213, %cond3A_214 : i32
      scf.if %cond3A_215 {
        %dma_start3A_282 = arith.constant 0 : i32
        %dma_start3A_283 = tpu.memref_slice %arg7[%add3A_71, %dma_start3A_282] : memref<80x128xi32, #tpu.memory_space<vmem>> -> memref<1x128xi32, #tpu.memory_space<vmem>>
        %dma_start3A_284 = tpu.memref_squeeze %dma_start3A_283 : memref<1x128xi32, #tpu.memory_space<vmem>> -> memref<128xi32, #tpu.memory_space<vmem>>
        %dma_start3A_285 = arith.constant 0 : i32
        %dma_start3A_286 = arith.constant 0 : i32
        %dma_start3A_287 = tpu.memref_slice %arg2[%dma_start3A_285, %dma_start3A_286] : memref<10000x64xf32, #tpu.memory_space<hbm>> -> memref<10000x64xf32, #tpu.memory_space<hbm>>
        tpu.enqueue_indirect_dma source(%dma_start3A_287 : memref<10000x64xf32, #tpu.memory_space<hbm>>) target(%arg10 : memref<128x64xf32, #tpu.memory_space<vmem>>) offsets(%dma_start3A_284 : memref<128xi32, #tpu.memory_space<vmem>>) semaphore(%arg15 : memref<!tpu.dma_semaphore, #tpu.memory_space<semaphore_mem>>)
      } else {
      }
      %lt3A_216 = arith.constant 79 : i32
      %lt3A_217 = arith.cmpi slt, %add3A_71, %lt3A_216 : i32
      %jit3A_218 = arith.constant 4 : i32
      %eq3A_219 = arith.constant 0 : i32
      %eq3A_220 = arith.cmpi eq, %jit3A_218, %eq3A_219 : i32
      %jit3A_221 = arith.constant 1 : i32
      %select_n3A_222 = arith.select %eq3A_220, %jit3A_221, %jit3A_218 : i32
      %rem3A_223 = arith.remsi %add3A_71, %select_n3A_222 : i32
      %ne3A_224 = arith.constant 0 : i32
      %ne3A_225 = arith.cmpi ne, %rem3A_223, %ne3A_224 : i32
      %lt3A_226 = arith.constant 0 : i32
      %lt3A_227 = arith.cmpi slt, %rem3A_223, %lt3A_226 : i32
      %lt3A_228 = arith.constant 0 : i32
      %lt3A_229 = arith.cmpi slt, %select_n3A_222, %lt3A_228 : i32
      %ne3A_230 = arith.xori %lt3A_227, %lt3A_229 : i1
      %and3A_231 = arith.andi %ne3A_230, %ne3A_225 : i1
      %add3A_232 = arith.addi %rem3A_223, %select_n3A_222 : i32
      %select_n3A_233 = arith.select %and3A_231, %add3A_232, %rem3A_223 : i32
      %eq3A_234 = arith.constant 2 : i32
      %eq3A_235 = arith.cmpi eq, %select_n3A_233, %eq3A_234 : i32
      %and3A_236 = arith.andi %lt3A_217, %eq3A_235 : i1
      %ge3A_237 = arith.constant 2 : i32
      %ge3A_238 = arith.cmpi sge, %scan3A_69, %ge3A_237 : i32
      %and3A_239 = arith.andi %and3A_236, %ge3A_238 : i1
      %convert_element_type3A_240 = arith.extui %and3A_239 : i1 to i32
      %cond3A_241 = arith.constant 0 : i32
      %cond3A_242 = arith.cmpi ne, %convert_element_type3A_240, %cond3A_241 : i32
      scf.if %cond3A_242 {
        %dma_wait3A_282 = arith.constant 0 : i32
        %dma_wait3A_283 = arith.constant 0 : i32
        %dma_wait3A_284 = tpu.memref_slice %arg8[%dma_wait3A_282, %dma_wait3A_283] : memref<80x128xi32, #tpu.memory_space<vmem>> -> memref<1x128xi32, #tpu.memory_space<vmem>>
        %dma_wait3A_285 = tpu.memref_squeeze %dma_wait3A_284 : memref<1x128xi32, #tpu.memory_space<vmem>> -> memref<128xi32, #tpu.memory_space<vmem>>
        %dma_wait3A_286 = arith.constant 0 : i32
        %dma_wait3A_287 = arith.constant 0 : i32
        %dma_wait3A_288 = tpu.memref_slice %arg13[%dma_wait3A_286, %dma_wait3A_287] : memref<10016x64xf32, #tpu.memory_space<vmem_shared>> -> memref<10016x64xf32, #tpu.memory_space<vmem_shared>>
        tpu.wait_indirect_dma semaphore(%arg20 : memref<!tpu.dma_semaphore, #tpu.memory_space<semaphore_mem>>) src(%arg11 : memref<128x64xf32, #tpu.memory_space<vmem>>) dst(%dma_wait3A_288 : memref<10016x64xf32, #tpu.memory_space<vmem_shared>>)
        %dma_start3A_289 = arith.constant 0 : i32
        %dma_start3A_290 = tpu.memref_slice %arg7[%add3A_71, %dma_start3A_289] : memref<80x128xi32, #tpu.memory_space<vmem>> -> memref<1x128xi32, #tpu.memory_space<vmem>>
        %dma_start3A_291 = tpu.memref_squeeze %dma_start3A_290 : memref<1x128xi32, #tpu.memory_space<vmem>> -> memref<128xi32, #tpu.memory_space<vmem>>
        %dma_start3A_292 = arith.constant 0 : i32
        %dma_start3A_293 = arith.constant 0 : i32
        %dma_start3A_294 = tpu.memref_slice %arg2[%dma_start3A_292, %dma_start3A_293] : memref<10000x64xf32, #tpu.memory_space<hbm>> -> memref<10000x64xf32, #tpu.memory_space<hbm>>
        tpu.enqueue_indirect_dma source(%dma_start3A_294 : memref<10000x64xf32, #tpu.memory_space<hbm>>) target(%arg11 : memref<128x64xf32, #tpu.memory_space<vmem>>) offsets(%dma_start3A_291 : memref<128xi32, #tpu.memory_space<vmem>>) semaphore(%arg16 : memref<!tpu.dma_semaphore, #tpu.memory_space<semaphore_mem>>)
      } else {
      }
      %lt3A_243 = arith.constant 2 : i32
      %lt3A_244 = arith.cmpi slt, %scan3A_69, %lt3A_243 : i32
      %and3A_245 = arith.andi %and3A_236, %lt3A_244 : i1
      %convert_element_type3A_246 = arith.extui %and3A_245 : i1 to i32
      %cond3A_247 = arith.constant 0 : i32
      %cond3A_248 = arith.cmpi ne, %convert_element_type3A_246, %cond3A_247 : i32
      scf.if %cond3A_248 {
        %dma_start3A_282 = arith.constant 0 : i32
        %dma_start3A_283 = tpu.memref_slice %arg7[%add3A_71, %dma_start3A_282] : memref<80x128xi32, #tpu.memory_space<vmem>> -> memref<1x128xi32, #tpu.memory_space<vmem>>
        %dma_start3A_284 = tpu.memref_squeeze %dma_start3A_283 : memref<1x128xi32, #tpu.memory_space<vmem>> -> memref<128xi32, #tpu.memory_space<vmem>>
        %dma_start3A_285 = arith.constant 0 : i32
        %dma_start3A_286 = arith.constant 0 : i32
        %dma_start3A_287 = tpu.memref_slice %arg2[%dma_start3A_285, %dma_start3A_286] : memref<10000x64xf32, #tpu.memory_space<hbm>> -> memref<10000x64xf32, #tpu.memory_space<hbm>>
        tpu.enqueue_indirect_dma source(%dma_start3A_287 : memref<10000x64xf32, #tpu.memory_space<hbm>>) target(%arg11 : memref<128x64xf32, #tpu.memory_space<vmem>>) offsets(%dma_start3A_284 : memref<128xi32, #tpu.memory_space<vmem>>) semaphore(%arg16 : memref<!tpu.dma_semaphore, #tpu.memory_space<semaphore_mem>>)
      } else {
      }
      %lt3A_249 = arith.constant 79 : i32
      %lt3A_250 = arith.cmpi slt, %add3A_71, %lt3A_249 : i32
      %jit3A_251 = arith.constant 4 : i32
      %eq3A_252 = arith.constant 0 : i32
      %eq3A_253 = arith.cmpi eq, %jit3A_251, %eq3A_252 : i32
      %jit3A_254 = arith.constant 1 : i32
      %select_n3A_255 = arith.select %eq3A_253, %jit3A_254, %jit3A_251 : i32
      %rem3A_256 = arith.remsi %add3A_71, %select_n3A_255 : i32
      %ne3A_257 = arith.constant 0 : i32
      %ne3A_258 = arith.cmpi ne, %rem3A_256, %ne3A_257 : i32
      %lt3A_259 = arith.constant 0 : i32
      %lt3A_260 = arith.cmpi slt, %rem3A_256, %lt3A_259 : i32
      %lt3A_261 = arith.constant 0 : i32
      %lt3A_262 = arith.cmpi slt, %select_n3A_255, %lt3A_261 : i32
      %ne3A_263 = arith.xori %lt3A_260, %lt3A_262 : i1
      %and3A_264 = arith.andi %ne3A_263, %ne3A_258 : i1
      %add3A_265 = arith.addi %rem3A_256, %select_n3A_255 : i32
      %select_n3A_266 = arith.select %and3A_264, %add3A_265, %rem3A_256 : i32
      %eq3A_267 = arith.constant 3 : i32
      %eq3A_268 = arith.cmpi eq, %select_n3A_266, %eq3A_267 : i32
      %and3A_269 = arith.andi %lt3A_250, %eq3A_268 : i1
      %ge3A_270 = arith.constant 2 : i32
      %ge3A_271 = arith.cmpi sge, %scan3A_69, %ge3A_270 : i32
      %and3A_272 = arith.andi %and3A_269, %ge3A_271 : i1
      %convert_element_type3A_273 = arith.extui %and3A_272 : i1 to i32
      %cond3A_274 = arith.constant 0 : i32
      %cond3A_275 = arith.cmpi ne, %convert_element_type3A_273, %cond3A_274 : i32
      scf.if %cond3A_275 {
        %dma_wait3A_282 = arith.constant 0 : i32
        %dma_wait3A_283 = arith.constant 0 : i32
        %dma_wait3A_284 = tpu.memref_slice %arg8[%dma_wait3A_282, %dma_wait3A_283] : memref<80x128xi32, #tpu.memory_space<vmem>> -> memref<1x128xi32, #tpu.memory_space<vmem>>
        %dma_wait3A_285 = tpu.memref_squeeze %dma_wait3A_284 : memref<1x128xi32, #tpu.memory_space<vmem>> -> memref<128xi32, #tpu.memory_space<vmem>>
        %dma_wait3A_286 = arith.constant 0 : i32
        %dma_wait3A_287 = arith.constant 0 : i32
        %dma_wait3A_288 = tpu.memref_slice %arg13[%dma_wait3A_286, %dma_wait3A_287] : memref<10016x64xf32, #tpu.memory_space<vmem_shared>> -> memref<10016x64xf32, #tpu.memory_space<vmem_shared>>
        tpu.wait_indirect_dma semaphore(%arg21 : memref<!tpu.dma_semaphore, #tpu.memory_space<semaphore_mem>>) src(%arg12 : memref<128x64xf32, #tpu.memory_space<vmem>>) dst(%dma_wait3A_288 : memref<10016x64xf32, #tpu.memory_space<vmem_shared>>)
        %dma_start3A_289 = arith.constant 0 : i32
        %dma_start3A_290 = tpu.memref_slice %arg7[%add3A_71, %dma_start3A_289] : memref<80x128xi32, #tpu.memory_space<vmem>> -> memref<1x128xi32, #tpu.memory_space<vmem>>
        %dma_start3A_291 = tpu.memref_squeeze %dma_start3A_290 : memref<1x128xi32, #tpu.memory_space<vmem>> -> memref<128xi32, #tpu.memory_space<vmem>>
        %dma_start3A_292 = arith.constant 0 : i32
        %dma_start3A_293 = arith.constant 0 : i32
        %dma_start3A_294 = tpu.memref_slice %arg2[%dma_start3A_292, %dma_start3A_293] : memref<10000x64xf32, #tpu.memory_space<hbm>> -> memref<10000x64xf32, #tpu.memory_space<hbm>>
        tpu.enqueue_indirect_dma source(%dma_start3A_294 : memref<10000x64xf32, #tpu.memory_space<hbm>>) target(%arg12 : memref<128x64xf32, #tpu.memory_space<vmem>>) offsets(%dma_start3A_291 : memref<128xi32, #tpu.memory_space<vmem>>) semaphore(%arg17 : memref<!tpu.dma_semaphore, #tpu.memory_space<semaphore_mem>>)
      } else {
      }
      %lt3A_276 = arith.constant 2 : i32
      %lt3A_277 = arith.cmpi slt, %scan3A_69, %lt3A_276 : i32
      %and3A_278 = arith.andi %and3A_269, %lt3A_277 : i1
      %convert_element_type3A_279 = arith.extui %and3A_278 : i1 to i32
      %cond3A_280 = arith.constant 0 : i32
      %cond3A_281 = arith.cmpi ne, %convert_element_type3A_279, %cond3A_280 : i32
      scf.if %cond3A_281 {
        %dma_start3A_282 = arith.constant 0 : i32
        %dma_start3A_283 = tpu.memref_slice %arg7[%add3A_71, %dma_start3A_282] : memref<80x128xi32, #tpu.memory_space<vmem>> -> memref<1x128xi32, #tpu.memory_space<vmem>>
        %dma_start3A_284 = tpu.memref_squeeze %dma_start3A_283 : memref<1x128xi32, #tpu.memory_space<vmem>> -> memref<128xi32, #tpu.memory_space<vmem>>
        %dma_start3A_285 = arith.constant 0 : i32
        %dma_start3A_286 = arith.constant 0 : i32
        %dma_start3A_287 = tpu.memref_slice %arg2[%dma_start3A_285, %dma_start3A_286] : memref<10000x64xf32, #tpu.memory_space<hbm>> -> memref<10000x64xf32, #tpu.memory_space<hbm>>
        tpu.enqueue_indirect_dma source(%dma_start3A_287 : memref<10000x64xf32, #tpu.memory_space<hbm>>) target(%arg12 : memref<128x64xf32, #tpu.memory_space<vmem>>) offsets(%dma_start3A_284 : memref<128xi32, #tpu.memory_space<vmem>>) semaphore(%arg17 : memref<!tpu.dma_semaphore, #tpu.memory_space<semaphore_mem>>)
      } else {
      }
    }
    %scan3A_30 = arith.constant 79 : i32
    %dma_wait3A = arith.constant 0 : i32
    %dma_wait3A_31 = arith.constant 0 : i32
    %dma_wait3A_32 = tpu.memref_slice %arg8[%dma_wait3A, %dma_wait3A_31] : memref<80x128xi32, #tpu.memory_space<vmem>> -> memref<1x128xi32, #tpu.memory_space<vmem>>
    %dma_wait3A_33 = tpu.memref_squeeze %dma_wait3A_32 : memref<1x128xi32, #tpu.memory_space<vmem>> -> memref<128xi32, #tpu.memory_space<vmem>>
    %dma_wait3A_34 = arith.constant 0 : i32
    %dma_wait3A_35 = arith.constant 0 : i32
    %dma_wait3A_36 = tpu.memref_slice %arg13[%dma_wait3A_34, %dma_wait3A_35] : memref<10016x64xf32, #tpu.memory_space<vmem_shared>> -> memref<10016x64xf32, #tpu.memory_space<vmem_shared>>
    tpu.wait_indirect_dma semaphore(%arg18 : memref<!tpu.dma_semaphore, #tpu.memory_space<semaphore_mem>>) src(%arg9 : memref<128x64xf32, #tpu.memory_space<vmem>>) dst(%dma_wait3A_36 : memref<10016x64xf32, #tpu.memory_space<vmem_shared>>)
    %dma_wait3A_37 = arith.constant 0 : i32
    %dma_wait3A_38 = arith.constant 0 : i32
    %dma_wait3A_39 = tpu.memref_slice %arg8[%dma_wait3A_37, %dma_wait3A_38] : memref<80x128xi32, #tpu.memory_space<vmem>> -> memref<1x128xi32, #tpu.memory_space<vmem>>
    %dma_wait3A_40 = tpu.memref_squeeze %dma_wait3A_39 : memref<1x128xi32, #tpu.memory_space<vmem>> -> memref<128xi32, #tpu.memory_space<vmem>>
    %dma_wait3A_41 = arith.constant 0 : i32
    %dma_wait3A_42 = arith.constant 0 : i32
    %dma_wait3A_43 = tpu.memref_slice %arg13[%dma_wait3A_41, %dma_wait3A_42] : memref<10016x64xf32, #tpu.memory_space<vmem_shared>> -> memref<10016x64xf32, #tpu.memory_space<vmem_shared>>
    tpu.wait_indirect_dma semaphore(%arg19 : memref<!tpu.dma_semaphore, #tpu.memory_space<semaphore_mem>>) src(%arg10 : memref<128x64xf32, #tpu.memory_space<vmem>>) dst(%dma_wait3A_43 : memref<10016x64xf32, #tpu.memory_space<vmem_shared>>)
    %dma_wait3A_44 = arith.constant 0 : i32
    %dma_wait3A_45 = arith.constant 0 : i32
    %dma_wait3A_46 = tpu.memref_slice %arg8[%dma_wait3A_44, %dma_wait3A_45] : memref<80x128xi32, #tpu.memory_space<vmem>> -> memref<1x128xi32, #tpu.memory_space<vmem>>
    %dma_wait3A_47 = tpu.memref_squeeze %dma_wait3A_46 : memref<1x128xi32, #tpu.memory_space<vmem>> -> memref<128xi32, #tpu.memory_space<vmem>>
    %dma_wait3A_48 = arith.constant 0 : i32
    %dma_wait3A_49 = arith.constant 0 : i32
    %dma_wait3A_50 = tpu.memref_slice %arg13[%dma_wait3A_48, %dma_wait3A_49] : memref<10016x64xf32, #tpu.memory_space<vmem_shared>> -> memref<10016x64xf32, #tpu.memory_space<vmem_shared>>
    tpu.wait_indirect_dma semaphore(%arg20 : memref<!tpu.dma_semaphore, #tpu.memory_space<semaphore_mem>>) src(%arg11 : memref<128x64xf32, #tpu.memory_space<vmem>>) dst(%dma_wait3A_50 : memref<10016x64xf32, #tpu.memory_space<vmem_shared>>)
    %dma_wait3A_51 = arith.constant 0 : i32
    %dma_wait3A_52 = arith.constant 0 : i32
    %dma_wait3A_53 = tpu.memref_slice %arg8[%dma_wait3A_51, %dma_wait3A_52] : memref<80x128xi32, #tpu.memory_space<vmem>> -> memref<1x128xi32, #tpu.memory_space<vmem>>
    %dma_wait3A_54 = tpu.memref_squeeze %dma_wait3A_53 : memref<1x128xi32, #tpu.memory_space<vmem>> -> memref<128xi32, #tpu.memory_space<vmem>>
    %dma_wait3A_55 = arith.constant 0 : i32
    %dma_wait3A_56 = arith.constant 0 : i32
    %dma_wait3A_57 = tpu.memref_slice %arg13[%dma_wait3A_55, %dma_wait3A_56] : memref<10016x64xf32, #tpu.memory_space<vmem_shared>> -> memref<10016x64xf32, #tpu.memory_space<vmem_shared>>
    tpu.wait_indirect_dma semaphore(%arg21 : memref<!tpu.dma_semaphore, #tpu.memory_space<semaphore_mem>>) src(%arg12 : memref<128x64xf32, #tpu.memory_space<vmem>>) dst(%dma_wait3A_57 : memref<10016x64xf32, #tpu.memory_space<vmem_shared>>)
    %barrier3A_58 = arith.constant 0 : index
    tpu.barrier barrier_id(%barrier3A_58)
    %lt3A_59 = arith.constant 15 : i32
    %lt3A_60 = arith.cmpi slt, %arg1, %lt3A_59 : i32
    %convert_element_type3A_61 = arith.extui %lt3A_60 : i1 to i32
    %cond3A_62 = arith.constant 0 : i32
    %cond3A_63 = arith.cmpi ne, %convert_element_type3A_61, %cond3A_62 : i32
    scf.if %cond3A_63 {
      "tpu.region"() ({
        %run_scoped3A = tpu.sem_alloc : memref<!tpu.dma_semaphore, #tpu.memory_space<semaphore_mem>>
        %dma_start3A_69 = arith.constant 0 : i32
        %dma_start3A_70 = tpu.memref_slice %arg6[%arg0, %mul3A_2, %dma_start3A_69] : memref<2x10000x64xf32, #tpu.memory_space<hbm>> -> memref<1x632x64xf32, #tpu.memory_space<hbm>>
        %dma_start3A_71 = tpu.memref_squeeze %dma_start3A_70 : memref<1x632x64xf32, #tpu.memory_space<hbm>> -> memref<632x64xf32, #tpu.memory_space<hbm>>
        %dma_start3A_72 = arith.constant 0 : i32
        %dma_start3A_73 = tpu.memref_slice %arg13[%mul3A_2, %dma_start3A_72] : memref<10016x64xf32, #tpu.memory_space<vmem_shared>> -> memref<632x64xf32, #tpu.memory_space<vmem_shared>>
        tpu.enqueue_dma source(%dma_start3A_73 : memref<632x64xf32, #tpu.memory_space<vmem_shared>>) target(%dma_start3A_71 : memref<632x64xf32, #tpu.memory_space<hbm>>) target_semaphore(%run_scoped3A : memref<!tpu.dma_semaphore, #tpu.memory_space<semaphore_mem>>)
        %dma_wait3A_74 = arith.constant 0 : i32
        %dma_wait3A_75 = tpu.memref_slice %arg6[%arg0, %mul3A_2, %dma_wait3A_74] : memref<2x10000x64xf32, #tpu.memory_space<hbm>> -> memref<1x632x64xf32, #tpu.memory_space<hbm>>
        %dma_wait3A_76 = tpu.memref_squeeze %dma_wait3A_75 : memref<1x632x64xf32, #tpu.memory_space<hbm>> -> memref<632x64xf32, #tpu.memory_space<hbm>>
        %dma_wait3A_77 = arith.constant 0 : i32
        %dma_wait3A_78 = tpu.memref_slice %arg13[%mul3A_2, %dma_wait3A_77] : memref<10016x64xf32, #tpu.memory_space<vmem_shared>> -> memref<632x64xf32, #tpu.memory_space<vmem_shared>>
        tpu.wait_dma2 semaphore(%run_scoped3A : memref<!tpu.dma_semaphore, #tpu.memory_space<semaphore_mem>>) src(%dma_wait3A_78 : memref<632x64xf32, #tpu.memory_space<vmem_shared>>) dst(%dma_wait3A_76 : memref<632x64xf32, #tpu.memory_space<hbm>>)
        tpu.yield
      }) : () -> ()
    } else {
    }
    %eq3A_64 = arith.constant 15 : i32
    %eq3A_65 = arith.cmpi eq, %arg1, %eq3A_64 : i32
    %convert_element_type3A_66 = arith.extui %eq3A_65 : i1 to i32
    %cond3A_67 = arith.constant 0 : i32
    %cond3A_68 = arith.cmpi ne, %convert_element_type3A_66, %cond3A_67 : i32
    scf.if %cond3A_68 {
      "tpu.region"() ({
        %run_scoped3A = tpu.sem_alloc : memref<!tpu.dma_semaphore, #tpu.memory_space<semaphore_mem>>
        %dma_start3A_69 = arith.constant 0 : i32
        %dma_start3A_70 = tpu.memref_slice %arg6[%arg0, %mul3A_2, %dma_start3A_69] : memref<2x10000x64xf32, #tpu.memory_space<hbm>> -> memref<1x520x64xf32, #tpu.memory_space<hbm>>
        %dma_start3A_71 = tpu.memref_squeeze %dma_start3A_70 : memref<1x520x64xf32, #tpu.memory_space<hbm>> -> memref<520x64xf32, #tpu.memory_space<hbm>>
        %dma_start3A_72 = arith.constant 0 : i32
        %dma_start3A_73 = tpu.memref_slice %arg13[%mul3A_2, %dma_start3A_72] : memref<10016x64xf32, #tpu.memory_space<vmem_shared>> -> memref<520x64xf32, #tpu.memory_space<vmem_shared>>
        tpu.enqueue_dma source(%dma_start3A_73 : memref<520x64xf32, #tpu.memory_space<vmem_shared>>) target(%dma_start3A_71 : memref<520x64xf32, #tpu.memory_space<hbm>>) target_semaphore(%run_scoped3A : memref<!tpu.dma_semaphore, #tpu.memory_space<semaphore_mem>>)
        %dma_wait3A_74 = arith.constant 0 : i32
        %dma_wait3A_75 = tpu.memref_slice %arg6[%arg0, %mul3A_2, %dma_wait3A_74] : memref<2x10000x64xf32, #tpu.memory_space<hbm>> -> memref<1x520x64xf32, #tpu.memory_space<hbm>>
        %dma_wait3A_76 = tpu.memref_squeeze %dma_wait3A_75 : memref<1x520x64xf32, #tpu.memory_space<hbm>> -> memref<520x64xf32, #tpu.memory_space<hbm>>
        %dma_wait3A_77 = arith.constant 0 : i32
        %dma_wait3A_78 = tpu.memref_slice %arg13[%mul3A_2, %dma_wait3A_77] : memref<10016x64xf32, #tpu.memory_space<vmem_shared>> -> memref<520x64xf32, #tpu.memory_space<vmem_shared>>
        tpu.wait_dma2 semaphore(%run_scoped3A : memref<!tpu.dma_semaphore, #tpu.memory_space<semaphore_mem>>) src(%dma_wait3A_78 : memref<520x64xf32, #tpu.memory_space<vmem_shared>>) dst(%dma_wait3A_76 : memref<520x64xf32, #tpu.memory_space<hbm>>)
        tpu.yield
      }) : () -> ()
    } else {
    }
    return
  }
}

#map = affine_map<(d0, d1) -> (0, 0)>
#map1 = affine_map<(d0, d1) -> (0, 0, 0)>
module attributes {stable_mosaic.version = 14 : i64} {
  func.func @_segsum(%arg0: i32, %arg1: i32, %arg2: memref<10000x64xf32, #tpu.memory_space<hbm>>, %arg3: memref<2560x128xi32, #tpu.memory_space<hbm>>, %arg4: memref<2560x128xi32, #tpu.memory_space<hbm>>, %arg5: memref<10000x64xf32, #tpu.memory_space<hbm>>, %arg6: memref<2x10000x64xf32, #tpu.memory_space<hbm>>, %arg7: memref<80x128xi32, #tpu.memory_space<vmem>>, %arg8: memref<80x128xi32, #tpu.memory_space<vmem>>, %arg9: memref<128x64xf32, #tpu.memory_space<vmem>>, %arg10: memref<128x64xf32, #tpu.memory_space<vmem>>, %arg11: memref<128x64xf32, #tpu.memory_space<vmem>>, %arg12: memref<128x64xf32, #tpu.memory_space<vmem>>, %arg13: memref<10016x64xf32, #tpu.memory_space<vmem_shared>>, %arg14: memref<!tpu.dma_semaphore, #tpu.memory_space<semaphore_mem>>, %arg15: memref<!tpu.dma_semaphore, #tpu.memory_space<semaphore_mem>>, %arg16: memref<!tpu.dma_semaphore, #tpu.memory_space<semaphore_mem>>, %arg17: memref<!tpu.dma_semaphore, #tpu.memory_space<semaphore_mem>>, %arg18: memref<!tpu.dma_semaphore, #tpu.memory_space<semaphore_mem>>, %arg19: memref<!tpu.dma_semaphore, #tpu.memory_space<semaphore_mem>>, %arg20: memref<!tpu.dma_semaphore, #tpu.memory_space<semaphore_mem>>, %arg21: memref<!tpu.dma_semaphore, #tpu.memory_space<semaphore_mem>>) attributes {dimension_semantics = [#tpu.dimension_semantics<core_parallel>, #tpu.dimension_semantics<subcore_parallel>], iteration_bounds = array<i64: 2, 16>, scalar_prefetch = 0 : i64, scratch_operands = 15 : i64, tpu.core_type = #tpu.core_type<sc_vector_subcore>, window_params = [{transform_indices = #map}, {transform_indices = #map}, {transform_indices = #map}, {transform_indices = #map}, {transform_indices = #map1}]} {
    %mul3A = arith.constant 16 : i32
    %mul3A_0 = arith.muli %arg0, %mul3A : i32
    %add3A = arith.addi %mul3A_0, %arg1 : i32
    %mul3A_1 = arith.constant 632 : i32
    %mul3A_2 = arith.muli %arg1, %mul3A_1 : i32
    %lt3A = arith.constant 15 : i32
    %lt3A_3 = arith.cmpi slt, %arg1, %lt3A : i32
    %convert_element_type3A = arith.extui %lt3A_3 : i1 to i32
    %cond3A = arith.constant 0 : i32
    %cond3A_4 = arith.cmpi ne, %convert_element_type3A, %cond3A : i32
    scf.if %cond3A_4 {
      "tpu.region"() ({
        %run_scoped3A = tpu.sem_alloc : memref<!tpu.dma_semaphore, #tpu.memory_space<semaphore_mem>>
        %dma_start3A_69 = arith.constant 0 : i32
        %dma_start3A_70 = tpu.memref_slice %arg13[%mul3A_2, %dma_start3A_69] : memref<10016x64xf32, #tpu.memory_space<vmem_shared>> -> memref<632x64xf32, #tpu.memory_space<vmem_shared>>
        %dma_start3A_71 = arith.constant 0 : i32
        %dma_start3A_72 = tpu.memref_slice %arg5[%mul3A_2, %dma_start3A_71] : memref<10000x64xf32, #tpu.memory_space<hbm>> -> memref<632x64xf32, #tpu.memory_space<hbm>>
        tpu.enqueue_dma source(%dma_start3A_72 : memref<632x64xf32, #tpu.memory_space<hbm>>) target(%dma_start3A_70 : memref<632x64xf32, #tpu.memory_space<vmem_shared>>) target_semaphore(%run_scoped3A : memref<!tpu.dma_semaphore, #tpu.memory_space<semaphore_mem>>)
        %dma_wait3A_73 = arith.constant 0 : i32
        %dma_wait3A_74 = tpu.memref_slice %arg13[%mul3A_2, %dma_wait3A_73] : memref<10016x64xf32, #tpu.memory_space<vmem_shared>> -> memref<632x64xf32, #tpu.memory_space<vmem_shared>>
        %dma_wait3A_75 = arith.constant 0 : i32
        %dma_wait3A_76 = tpu.memref_slice %arg5[%mul3A_2, %dma_wait3A_75] : memref<10000x64xf32, #tpu.memory_space<hbm>> -> memref<632x64xf32, #tpu.memory_space<hbm>>
        tpu.wait_dma2 semaphore(%run_scoped3A : memref<!tpu.dma_semaphore, #tpu.memory_space<semaphore_mem>>) src(%dma_wait3A_76 : memref<632x64xf32, #tpu.memory_space<hbm>>) dst(%dma_wait3A_74 : memref<632x64xf32, #tpu.memory_space<vmem_shared>>)
        tpu.yield
      }) : () -> ()
    } else {
    }
    %eq3A = arith.constant 15 : i32
    %eq3A_5 = arith.cmpi eq, %arg1, %eq3A : i32
    %convert_element_type3A_6 = arith.extui %eq3A_5 : i1 to i32
    %cond3A_7 = arith.constant 0 : i32
    %cond3A_8 = arith.cmpi ne, %convert_element_type3A_6, %cond3A_7 : i32
    scf.if %cond3A_8 {
      "tpu.region"() ({
        %run_scoped3A = tpu.sem_alloc : memref<!tpu.dma_semaphore, #tpu.memory_space<semaphore_mem>>
        %dma_start3A_69 = arith.constant 0 : i32
        %dma_start3A_70 = tpu.memref_slice %arg13[%mul3A_2, %dma_start3A_69] : memref<10016x64xf32, #tpu.memory_space<vmem_shared>> -> memref<520x64xf32, #tpu.memory_space<vmem_shared>>
        %dma_start3A_71 = arith.constant 0 : i32
        %dma_start3A_72 = tpu.memref_slice %arg5[%mul3A_2, %dma_start3A_71] : memref<10000x64xf32, #tpu.memory_space<hbm>> -> memref<520x64xf32, #tpu.memory_space<hbm>>
        tpu.enqueue_dma source(%dma_start3A_72 : memref<520x64xf32, #tpu.memory_space<hbm>>) target(%dma_start3A_70 : memref<520x64xf32, #tpu.memory_space<vmem_shared>>) target_semaphore(%run_scoped3A : memref<!tpu.dma_semaphore, #tpu.memory_space<semaphore_mem>>)
        %dma_wait3A_73 = arith.constant 0 : i32
        %dma_wait3A_74 = tpu.memref_slice %arg13[%mul3A_2, %dma_wait3A_73] : memref<10016x64xf32, #tpu.memory_space<vmem_shared>> -> memref<520x64xf32, #tpu.memory_space<vmem_shared>>
        %dma_wait3A_75 = arith.constant 0 : i32
        %dma_wait3A_76 = tpu.memref_slice %arg5[%mul3A_2, %dma_wait3A_75] : memref<10000x64xf32, #tpu.memory_space<hbm>> -> memref<520x64xf32, #tpu.memory_space<hbm>>
        tpu.wait_dma2 semaphore(%run_scoped3A : memref<!tpu.dma_semaphore, #tpu.memory_space<semaphore_mem>>) src(%dma_wait3A_76 : memref<520x64xf32, #tpu.memory_space<hbm>>) dst(%dma_wait3A_74 : memref<520x64xf32, #tpu.memory_space<vmem_shared>>)
        tpu.yield
      }) : () -> ()
    } else {
    }
    %mul3A_9 = arith.constant 80 : i32
    %mul3A_10 = arith.muli %add3A, %mul3A_9 : i32
    "tpu.region"() ({
      %run_scoped3A = tpu.sem_alloc : memref<!tpu.dma_semaphore, #tpu.memory_space<semaphore_mem>>
      %dma_start3A_69 = arith.constant 0 : i32
      %dma_start3A_70 = tpu.memref_slice %arg3[%mul3A_10, %dma_start3A_69] : memref<2560x128xi32, #tpu.memory_space<hbm>> -> memref<80x128xi32, #tpu.memory_space<hbm>>
      %dma_start3A_71 = arith.constant 0 : i32
      %dma_start3A_72 = tpu.memref_slice %arg3[%mul3A_10, %dma_start3A_71] : memref<2560x128xi32, #tpu.memory_space<hbm>> -> memref<80x128xi32, #tpu.memory_space<hbm>>
      tpu.enqueue_dma source(%dma_start3A_72 : memref<80x128xi32, #tpu.memory_space<hbm>>) target(%arg7 : memref<80x128xi32, #tpu.memory_space<vmem>>) target_semaphore(%run_scoped3A : memref<!tpu.dma_semaphore, #tpu.memory_space<semaphore_mem>>)
      %dma_wait3A_73 = arith.constant 0 : i32
      %dma_wait3A_74 = tpu.memref_slice %arg3[%mul3A_10, %dma_wait3A_73] : memref<2560x128xi32, #tpu.memory_space<hbm>> -> memref<80x128xi32, #tpu.memory_space<hbm>>
      %dma_wait3A_75 = arith.constant 0 : i32
      %dma_wait3A_76 = tpu.memref_slice %arg3[%mul3A_10, %dma_wait3A_75] : memref<2560x128xi32, #tpu.memory_space<hbm>> -> memref<80x128xi32, #tpu.memory_space<hbm>>
      tpu.wait_dma2 semaphore(%run_scoped3A : memref<!tpu.dma_semaphore, #tpu.memory_space<semaphore_mem>>) src(%dma_wait3A_76 : memref<80x128xi32, #tpu.memory_space<hbm>>) dst(%arg7 : memref<80x128xi32, #tpu.memory_space<vmem>>)
      tpu.yield
    }) : () -> ()
    %mul3A_11 = arith.constant 80 : i32
    %mul3A_12 = arith.muli %add3A, %mul3A_11 : i32
    "tpu.region"() ({
      %run_scoped3A = tpu.sem_alloc : memref<!tpu.dma_semaphore, #tpu.memory_space<semaphore_mem>>
      %dma_start3A_69 = arith.constant 0 : i32
      %dma_start3A_70 = tpu.memref_slice %arg4[%mul3A_12, %dma_start3A_69] : memref<2560x128xi32, #tpu.memory_space<hbm>> -> memref<80x128xi32, #tpu.memory_space<hbm>>
      %dma_start3A_71 = arith.constant 0 : i32
      %dma_start3A_72 = tpu.memref_slice %arg4[%mul3A_12, %dma_start3A_71] : memref<2560x128xi32, #tpu.memory_space<hbm>> -> memref<80x128xi32, #tpu.memory_space<hbm>>
      tpu.enqueue_dma source(%dma_start3A_72 : memref<80x128xi32, #tpu.memory_space<hbm>>) target(%arg8 : memref<80x128xi32, #tpu.memory_space<vmem>>) target_semaphore(%run_scoped3A : memref<!tpu.dma_semaphore, #tpu.memory_space<semaphore_mem>>)
      %dma_wait3A_73 = arith.constant 0 : i32
      %dma_wait3A_74 = tpu.memref_slice %arg4[%mul3A_12, %dma_wait3A_73] : memref<2560x128xi32, #tpu.memory_space<hbm>> -> memref<80x128xi32, #tpu.memory_space<hbm>>
      %dma_wait3A_75 = arith.constant 0 : i32
      %dma_wait3A_76 = tpu.memref_slice %arg4[%mul3A_12, %dma_wait3A_75] : memref<2560x128xi32, #tpu.memory_space<hbm>> -> memref<80x128xi32, #tpu.memory_space<hbm>>
      tpu.wait_dma2 semaphore(%run_scoped3A : memref<!tpu.dma_semaphore, #tpu.memory_space<semaphore_mem>>) src(%dma_wait3A_76 : memref<80x128xi32, #tpu.memory_space<hbm>>) dst(%arg8 : memref<80x128xi32, #tpu.memory_space<vmem>>)
      tpu.yield
    }) : () -> ()
    %barrier3A = arith.constant 0 : index
    tpu.barrier barrier_id(%barrier3A)
    %dma_start3A = arith.constant 0 : i32
    %dma_start3A_13 = arith.constant 0 : i32
    %dma_start3A_14 = tpu.memref_slice %arg7[%dma_start3A, %dma_start3A_13] : memref<80x128xi32, #tpu.memory_space<vmem>> -> memref<1x128xi32, #tpu.memory_space<vmem>>
    %dma_start3A_15 = tpu.memref_squeeze %dma_start3A_14 : memref<1x128xi32, #tpu.memory_space<vmem>> -> memref<128xi32, #tpu.memory_space<vmem>>
    %dma_start3A_16 = arith.constant 0 : i32
    %dma_start3A_17 = arith.constant 0 : i32
    %dma_start3A_18 = tpu.memref_slice %arg2[%dma_start3A_16, %dma_start3A_17] : memref<10000x64xf32, #tpu.memory_space<hbm>> -> memref<10000x64xf32, #tpu.memory_space<hbm>>
    tpu.enqueue_indirect_dma source(%dma_start3A_18 : memref<10000x64xf32, #tpu.memory_space<hbm>>) target(%arg9 : memref<128x64xf32, #tpu.memory_space<vmem>>) offsets(%dma_start3A_15 : memref<128xi32, #tpu.memory_space<vmem>>) semaphore(%arg14 : memref<!tpu.dma_semaphore, #tpu.memory_space<semaphore_mem>>)
    %dma_start3A_19 = arith.constant 1 : i32
    %dma_start3A_20 = arith.constant 0 : i32
    %dma_start3A_21 = tpu.memref_slice %arg7[%dma_start3A_19, %dma_start3A_20] : memref<80x128xi32, #tpu.memory_space<vmem>> -> memref<1x128xi32, #tpu.memory_space<vmem>>
    %dma_start3A_22 = tpu.memref_squeeze %dma_start3A_21 : memref<1x128xi32, #tpu.memory_space<vmem>> -> memref<128xi32, #tpu.memory_space<vmem>>
    %dma_start3A_23 = arith.constant 0 : i32
    %dma_start3A_24 = arith.constant 0 : i32
    %dma_start3A_25 = tpu.memref_slice %arg2[%dma_start3A_23, %dma_start3A_24] : memref<10000x64xf32, #tpu.memory_space<hbm>> -> memref<10000x64xf32, #tpu.memory_space<hbm>>
    tpu.enqueue_indirect_dma source(%dma_start3A_25 : memref<10000x64xf32, #tpu.memory_space<hbm>>) target(%arg10 : memref<128x64xf32, #tpu.memory_space<vmem>>) offsets(%dma_start3A_22 : memref<128xi32, #tpu.memory_space<vmem>>) semaphore(%arg15 : memref<!tpu.dma_semaphore, #tpu.memory_space<semaphore_mem>>)
    %scan3A = arith.constant 0 : i32
    %scan3A_26 = arith.constant 0 : i32
    %scan3A_27 = arith.constant 79 : i32
    %scan3A_28 = arith.addi %scan3A_26, %scan3A_27 : i32
    %scan3A_29 = arith.constant 1 : i32
    scf.for %scan3A_69 = %scan3A_26 to %scan3A_28 step %scan3A_29  : i32 {
      %add3A_70 = arith.constant 2 : i32
      %add3A_71 = arith.addi %scan3A_69, %add3A_70 : i32
      %jit3A = arith.constant 4 : i32
      %eq3A_72 = arith.constant 0 : i32
      %eq3A_73 = arith.cmpi eq, %jit3A, %eq3A_72 : i32
      %jit3A_74 = arith.constant 1 : i32
      %select_n3A = arith.select %eq3A_73, %jit3A_74, %jit3A : i32
      %rem3A = arith.remsi %scan3A_69, %select_n3A : i32
      %ne3A = arith.constant 0 : i32
      %ne3A_75 = arith.cmpi ne, %rem3A, %ne3A : i32
      %lt3A_76 = arith.constant 0 : i32
      %lt3A_77 = arith.cmpi slt, %rem3A, %lt3A_76 : i32
      %lt3A_78 = arith.constant 0 : i32
      %lt3A_79 = arith.cmpi slt, %select_n3A, %lt3A_78 : i32
      %ne3A_80 = arith.xori %lt3A_77, %lt3A_79 : i1
      %and3A = arith.andi %ne3A_80, %ne3A_75 : i1
      %add3A_81 = arith.addi %rem3A, %select_n3A : i32
      %select_n3A_82 = arith.select %and3A, %add3A_81, %rem3A : i32
      %eq3A_83 = arith.constant 0 : i32
      %eq3A_84 = arith.cmpi eq, %select_n3A_82, %eq3A_83 : i32
      %convert_element_type3A_85 = arith.extui %eq3A_84 : i1 to i32
      %cond3A_86 = arith.constant 0 : i32
      %cond3A_87 = arith.cmpi ne, %convert_element_type3A_85, %cond3A_86 : i32
      scf.if %cond3A_87 {
        %dma_wait3A_282 = arith.constant 0 : i32
        %dma_wait3A_283 = tpu.memref_slice %arg7[%scan3A_69, %dma_wait3A_282] : memref<80x128xi32, #tpu.memory_space<vmem>> -> memref<1x128xi32, #tpu.memory_space<vmem>>
        %dma_wait3A_284 = tpu.memref_squeeze %dma_wait3A_283 : memref<1x128xi32, #tpu.memory_space<vmem>> -> memref<128xi32, #tpu.memory_space<vmem>>
        %dma_wait3A_285 = arith.constant 0 : i32
        %dma_wait3A_286 = arith.constant 0 : i32
        %dma_wait3A_287 = tpu.memref_slice %arg2[%dma_wait3A_285, %dma_wait3A_286] : memref<10000x64xf32, #tpu.memory_space<hbm>> -> memref<10000x64xf32, #tpu.memory_space<hbm>>
        tpu.wait_indirect_dma semaphore(%arg14 : memref<!tpu.dma_semaphore, #tpu.memory_space<semaphore_mem>>) src(%dma_wait3A_287 : memref<10000x64xf32, #tpu.memory_space<hbm>>) dst(%arg9 : memref<128x64xf32, #tpu.memory_space<vmem>>)
        %dma_start3A_288 = arith.constant 0 : i32
        %dma_start3A_289 = tpu.memref_slice %arg8[%scan3A_69, %dma_start3A_288] : memref<80x128xi32, #tpu.memory_space<vmem>> -> memref<1x128xi32, #tpu.memory_space<vmem>>
        %dma_start3A_290 = tpu.memref_squeeze %dma_start3A_289 : memref<1x128xi32, #tpu.memory_space<vmem>> -> memref<128xi32, #tpu.memory_space<vmem>>
        %dma_start3A_291 = arith.constant 0 : i32
        %dma_start3A_292 = arith.constant 0 : i32
        %dma_start3A_293 = tpu.memref_slice %arg13[%dma_start3A_291, %dma_start3A_292] : memref<10016x64xf32, #tpu.memory_space<vmem_shared>> -> memref<10016x64xf32, #tpu.memory_space<vmem_shared>>
        tpu.enqueue_indirect_dma source(%arg9 : memref<128x64xf32, #tpu.memory_space<vmem>>) target(%dma_start3A_293 : memref<10016x64xf32, #tpu.memory_space<vmem_shared>>) offsets(%dma_start3A_290 : memref<128xi32, #tpu.memory_space<vmem>>) semaphore(%arg18 : memref<!tpu.dma_semaphore, #tpu.memory_space<semaphore_mem>>) {add = true}
      } else {
      }
      %jit3A_88 = arith.constant 4 : i32
      %eq3A_89 = arith.constant 0 : i32
      %eq3A_90 = arith.cmpi eq, %jit3A_88, %eq3A_89 : i32
      %jit3A_91 = arith.constant 1 : i32
      %select_n3A_92 = arith.select %eq3A_90, %jit3A_91, %jit3A_88 : i32
      %rem3A_93 = arith.remsi %scan3A_69, %select_n3A_92 : i32
      %ne3A_94 = arith.constant 0 : i32
      %ne3A_95 = arith.cmpi ne, %rem3A_93, %ne3A_94 : i32
      %lt3A_96 = arith.constant 0 : i32
      %lt3A_97 = arith.cmpi slt, %rem3A_93, %lt3A_96 : i32
      %lt3A_98 = arith.constant 0 : i32
      %lt3A_99 = arith.cmpi slt, %select_n3A_92, %lt3A_98 : i32
      %ne3A_100 = arith.xori %lt3A_97, %lt3A_99 : i1
      %and3A_101 = arith.andi %ne3A_100, %ne3A_95 : i1
      %add3A_102 = arith.addi %rem3A_93, %select_n3A_92 : i32
      %select_n3A_103 = arith.select %and3A_101, %add3A_102, %rem3A_93 : i32
      %eq3A_104 = arith.constant 1 : i32
      %eq3A_105 = arith.cmpi eq, %select_n3A_103, %eq3A_104 : i32
      %convert_element_type3A_106 = arith.extui %eq3A_105 : i1 to i32
      %cond3A_107 = arith.constant 0 : i32
      %cond3A_108 = arith.cmpi ne, %convert_element_type3A_106, %cond3A_107 : i32
      scf.if %cond3A_108 {
        %dma_wait3A_282 = arith.constant 0 : i32
        %dma_wait3A_283 = tpu.memref_slice %arg7[%scan3A_69, %dma_wait3A_282] : memref<80x128xi32, #tpu.memory_space<vmem>> -> memref<1x128xi32, #tpu.memory_space<vmem>>
        %dma_wait3A_284 = tpu.memref_squeeze %dma_wait3A_283 : memref<1x128xi32, #tpu.memory_space<vmem>> -> memref<128xi32, #tpu.memory_space<vmem>>
        %dma_wait3A_285 = arith.constant 0 : i32
        %dma_wait3A_286 = arith.constant 0 : i32
        %dma_wait3A_287 = tpu.memref_slice %arg2[%dma_wait3A_285, %dma_wait3A_286] : memref<10000x64xf32, #tpu.memory_space<hbm>> -> memref<10000x64xf32, #tpu.memory_space<hbm>>
        tpu.wait_indirect_dma semaphore(%arg15 : memref<!tpu.dma_semaphore, #tpu.memory_space<semaphore_mem>>) src(%dma_wait3A_287 : memref<10000x64xf32, #tpu.memory_space<hbm>>) dst(%arg10 : memref<128x64xf32, #tpu.memory_space<vmem>>)
        %dma_start3A_288 = arith.constant 0 : i32
        %dma_start3A_289 = tpu.memref_slice %arg8[%scan3A_69, %dma_start3A_288] : memref<80x128xi32, #tpu.memory_space<vmem>> -> memref<1x128xi32, #tpu.memory_space<vmem>>
        %dma_start3A_290 = tpu.memref_squeeze %dma_start3A_289 : memref<1x128xi32, #tpu.memory_space<vmem>> -> memref<128xi32, #tpu.memory_space<vmem>>
        %dma_start3A_291 = arith.constant 0 : i32
        %dma_start3A_292 = arith.constant 0 : i32
        %dma_start3A_293 = tpu.memref_slice %arg13[%dma_start3A_291, %dma_start3A_292] : memref<10016x64xf32, #tpu.memory_space<vmem_shared>> -> memref<10016x64xf32, #tpu.memory_space<vmem_shared>>
        tpu.enqueue_indirect_dma source(%arg10 : memref<128x64xf32, #tpu.memory_space<vmem>>) target(%dma_start3A_293 : memref<10016x64xf32, #tpu.memory_space<vmem_shared>>) offsets(%dma_start3A_290 : memref<128xi32, #tpu.memory_space<vmem>>) semaphore(%arg19 : memref<!tpu.dma_semaphore, #tpu.memory_space<semaphore_mem>>) {add = true}
      } else {
      }
      %jit3A_109 = arith.constant 4 : i32
      %eq3A_110 = arith.constant 0 : i32
      %eq3A_111 = arith.cmpi eq, %jit3A_109, %eq3A_110 : i32
      %jit3A_112 = arith.constant 1 : i32
      %select_n3A_113 = arith.select %eq3A_111, %jit3A_112, %jit3A_109 : i32
      %rem3A_114 = arith.remsi %scan3A_69, %select_n3A_113 : i32
      %ne3A_115 = arith.constant 0 : i32
      %ne3A_116 = arith.cmpi ne, %rem3A_114, %ne3A_115 : i32
      %lt3A_117 = arith.constant 0 : i32
      %lt3A_118 = arith.cmpi slt, %rem3A_114, %lt3A_117 : i32
      %lt3A_119 = arith.constant 0 : i32
      %lt3A_120 = arith.cmpi slt, %select_n3A_113, %lt3A_119 : i32
      %ne3A_121 = arith.xori %lt3A_118, %lt3A_120 : i1
      %and3A_122 = arith.andi %ne3A_121, %ne3A_116 : i1
      %add3A_123 = arith.addi %rem3A_114, %select_n3A_113 : i32
      %select_n3A_124 = arith.select %and3A_122, %add3A_123, %rem3A_114 : i32
      %eq3A_125 = arith.constant 2 : i32
      %eq3A_126 = arith.cmpi eq, %select_n3A_124, %eq3A_125 : i32
      %convert_element_type3A_127 = arith.extui %eq3A_126 : i1 to i32
      %cond3A_128 = arith.constant 0 : i32
      %cond3A_129 = arith.cmpi ne, %convert_element_type3A_127, %cond3A_128 : i32
      scf.if %cond3A_129 {
        %dma_wait3A_282 = arith.constant 0 : i32
        %dma_wait3A_283 = tpu.memref_slice %arg7[%scan3A_69, %dma_wait3A_282] : memref<80x128xi32, #tpu.memory_space<vmem>> -> memref<1x128xi32, #tpu.memory_space<vmem>>
        %dma_wait3A_284 = tpu.memref_squeeze %dma_wait3A_283 : memref<1x128xi32, #tpu.memory_space<vmem>> -> memref<128xi32, #tpu.memory_space<vmem>>
        %dma_wait3A_285 = arith.constant 0 : i32
        %dma_wait3A_286 = arith.constant 0 : i32
        %dma_wait3A_287 = tpu.memref_slice %arg2[%dma_wait3A_285, %dma_wait3A_286] : memref<10000x64xf32, #tpu.memory_space<hbm>> -> memref<10000x64xf32, #tpu.memory_space<hbm>>
        tpu.wait_indirect_dma semaphore(%arg16 : memref<!tpu.dma_semaphore, #tpu.memory_space<semaphore_mem>>) src(%dma_wait3A_287 : memref<10000x64xf32, #tpu.memory_space<hbm>>) dst(%arg11 : memref<128x64xf32, #tpu.memory_space<vmem>>)
        %dma_start3A_288 = arith.constant 0 : i32
        %dma_start3A_289 = tpu.memref_slice %arg8[%scan3A_69, %dma_start3A_288] : memref<80x128xi32, #tpu.memory_space<vmem>> -> memref<1x128xi32, #tpu.memory_space<vmem>>
        %dma_start3A_290 = tpu.memref_squeeze %dma_start3A_289 : memref<1x128xi32, #tpu.memory_space<vmem>> -> memref<128xi32, #tpu.memory_space<vmem>>
        %dma_start3A_291 = arith.constant 0 : i32
        %dma_start3A_292 = arith.constant 0 : i32
        %dma_start3A_293 = tpu.memref_slice %arg13[%dma_start3A_291, %dma_start3A_292] : memref<10016x64xf32, #tpu.memory_space<vmem_shared>> -> memref<10016x64xf32, #tpu.memory_space<vmem_shared>>
        tpu.enqueue_indirect_dma source(%arg11 : memref<128x64xf32, #tpu.memory_space<vmem>>) target(%dma_start3A_293 : memref<10016x64xf32, #tpu.memory_space<vmem_shared>>) offsets(%dma_start3A_290 : memref<128xi32, #tpu.memory_space<vmem>>) semaphore(%arg20 : memref<!tpu.dma_semaphore, #tpu.memory_space<semaphore_mem>>) {add = true}
      } else {
      }
      %jit3A_130 = arith.constant 4 : i32
      %eq3A_131 = arith.constant 0 : i32
      %eq3A_132 = arith.cmpi eq, %jit3A_130, %eq3A_131 : i32
      %jit3A_133 = arith.constant 1 : i32
      %select_n3A_134 = arith.select %eq3A_132, %jit3A_133, %jit3A_130 : i32
      %rem3A_135 = arith.remsi %scan3A_69, %select_n3A_134 : i32
      %ne3A_136 = arith.constant 0 : i32
      %ne3A_137 = arith.cmpi ne, %rem3A_135, %ne3A_136 : i32
      %lt3A_138 = arith.constant 0 : i32
      %lt3A_139 = arith.cmpi slt, %rem3A_135, %lt3A_138 : i32
      %lt3A_140 = arith.constant 0 : i32
      %lt3A_141 = arith.cmpi slt, %select_n3A_134, %lt3A_140 : i32
      %ne3A_142 = arith.xori %lt3A_139, %lt3A_141 : i1
      %and3A_143 = arith.andi %ne3A_142, %ne3A_137 : i1
      %add3A_144 = arith.addi %rem3A_135, %select_n3A_134 : i32
      %select_n3A_145 = arith.select %and3A_143, %add3A_144, %rem3A_135 : i32
      %eq3A_146 = arith.constant 3 : i32
      %eq3A_147 = arith.cmpi eq, %select_n3A_145, %eq3A_146 : i32
      %convert_element_type3A_148 = arith.extui %eq3A_147 : i1 to i32
      %cond3A_149 = arith.constant 0 : i32
      %cond3A_150 = arith.cmpi ne, %convert_element_type3A_148, %cond3A_149 : i32
      scf.if %cond3A_150 {
        %dma_wait3A_282 = arith.constant 0 : i32
        %dma_wait3A_283 = tpu.memref_slice %arg7[%scan3A_69, %dma_wait3A_282] : memref<80x128xi32, #tpu.memory_space<vmem>> -> memref<1x128xi32, #tpu.memory_space<vmem>>
        %dma_wait3A_284 = tpu.memref_squeeze %dma_wait3A_283 : memref<1x128xi32, #tpu.memory_space<vmem>> -> memref<128xi32, #tpu.memory_space<vmem>>
        %dma_wait3A_285 = arith.constant 0 : i32
        %dma_wait3A_286 = arith.constant 0 : i32
        %dma_wait3A_287 = tpu.memref_slice %arg2[%dma_wait3A_285, %dma_wait3A_286] : memref<10000x64xf32, #tpu.memory_space<hbm>> -> memref<10000x64xf32, #tpu.memory_space<hbm>>
        tpu.wait_indirect_dma semaphore(%arg17 : memref<!tpu.dma_semaphore, #tpu.memory_space<semaphore_mem>>) src(%dma_wait3A_287 : memref<10000x64xf32, #tpu.memory_space<hbm>>) dst(%arg12 : memref<128x64xf32, #tpu.memory_space<vmem>>)
        %dma_start3A_288 = arith.constant 0 : i32
        %dma_start3A_289 = tpu.memref_slice %arg8[%scan3A_69, %dma_start3A_288] : memref<80x128xi32, #tpu.memory_space<vmem>> -> memref<1x128xi32, #tpu.memory_space<vmem>>
        %dma_start3A_290 = tpu.memref_squeeze %dma_start3A_289 : memref<1x128xi32, #tpu.memory_space<vmem>> -> memref<128xi32, #tpu.memory_space<vmem>>
        %dma_start3A_291 = arith.constant 0 : i32
        %dma_start3A_292 = arith.constant 0 : i32
        %dma_start3A_293 = tpu.memref_slice %arg13[%dma_start3A_291, %dma_start3A_292] : memref<10016x64xf32, #tpu.memory_space<vmem_shared>> -> memref<10016x64xf32, #tpu.memory_space<vmem_shared>>
        tpu.enqueue_indirect_dma source(%arg12 : memref<128x64xf32, #tpu.memory_space<vmem>>) target(%dma_start3A_293 : memref<10016x64xf32, #tpu.memory_space<vmem_shared>>) offsets(%dma_start3A_290 : memref<128xi32, #tpu.memory_space<vmem>>) semaphore(%arg21 : memref<!tpu.dma_semaphore, #tpu.memory_space<semaphore_mem>>) {add = true}
      } else {
      }
      %lt3A_151 = arith.constant 79 : i32
      %lt3A_152 = arith.cmpi slt, %add3A_71, %lt3A_151 : i32
      %jit3A_153 = arith.constant 4 : i32
      %eq3A_154 = arith.constant 0 : i32
      %eq3A_155 = arith.cmpi eq, %jit3A_153, %eq3A_154 : i32
      %jit3A_156 = arith.constant 1 : i32
      %select_n3A_157 = arith.select %eq3A_155, %jit3A_156, %jit3A_153 : i32
      %rem3A_158 = arith.remsi %add3A_71, %select_n3A_157 : i32
      %ne3A_159 = arith.constant 0 : i32
      %ne3A_160 = arith.cmpi ne, %rem3A_158, %ne3A_159 : i32
      %lt3A_161 = arith.constant 0 : i32
      %lt3A_162 = arith.cmpi slt, %rem3A_158, %lt3A_161 : i32
      %lt3A_163 = arith.constant 0 : i32
      %lt3A_164 = arith.cmpi slt, %select_n3A_157, %lt3A_163 : i32
      %ne3A_165 = arith.xori %lt3A_162, %lt3A_164 : i1
      %and3A_166 = arith.andi %ne3A_165, %ne3A_160 : i1
      %add3A_167 = arith.addi %rem3A_158, %select_n3A_157 : i32
      %select_n3A_168 = arith.select %and3A_166, %add3A_167, %rem3A_158 : i32
      %eq3A_169 = arith.constant 0 : i32
      %eq3A_170 = arith.cmpi eq, %select_n3A_168, %eq3A_169 : i32
      %and3A_171 = arith.andi %lt3A_152, %eq3A_170 : i1
      %ge3A = arith.constant 2 : i32
      %ge3A_172 = arith.cmpi sge, %scan3A_69, %ge3A : i32
      %and3A_173 = arith.andi %and3A_171, %ge3A_172 : i1
      %convert_element_type3A_174 = arith.extui %and3A_173 : i1 to i32
      %cond3A_175 = arith.constant 0 : i32
      %cond3A_176 = arith.cmpi ne, %convert_element_type3A_174, %cond3A_175 : i32
      scf.if %cond3A_176 {
        %dma_wait3A_282 = arith.constant 0 : i32
        %dma_wait3A_283 = arith.constant 0 : i32
        %dma_wait3A_284 = tpu.memref_slice %arg8[%dma_wait3A_282, %dma_wait3A_283] : memref<80x128xi32, #tpu.memory_space<vmem>> -> memref<1x128xi32, #tpu.memory_space<vmem>>
        %dma_wait3A_285 = tpu.memref_squeeze %dma_wait3A_284 : memref<1x128xi32, #tpu.memory_space<vmem>> -> memref<128xi32, #tpu.memory_space<vmem>>
        %dma_wait3A_286 = arith.constant 0 : i32
        %dma_wait3A_287 = arith.constant 0 : i32
        %dma_wait3A_288 = tpu.memref_slice %arg13[%dma_wait3A_286, %dma_wait3A_287] : memref<10016x64xf32, #tpu.memory_space<vmem_shared>> -> memref<10016x64xf32, #tpu.memory_space<vmem_shared>>
        tpu.wait_indirect_dma semaphore(%arg18 : memref<!tpu.dma_semaphore, #tpu.memory_space<semaphore_mem>>) src(%arg9 : memref<128x64xf32, #tpu.memory_space<vmem>>) dst(%dma_wait3A_288 : memref<10016x64xf32, #tpu.memory_space<vmem_shared>>)
        %dma_start3A_289 = arith.constant 0 : i32
        %dma_start3A_290 = tpu.memref_slice %arg7[%add3A_71, %dma_start3A_289] : memref<80x128xi32, #tpu.memory_space<vmem>> -> memref<1x128xi32, #tpu.memory_space<vmem>>
        %dma_start3A_291 = tpu.memref_squeeze %dma_start3A_290 : memref<1x128xi32, #tpu.memory_space<vmem>> -> memref<128xi32, #tpu.memory_space<vmem>>
        %dma_start3A_292 = arith.constant 0 : i32
        %dma_start3A_293 = arith.constant 0 : i32
        %dma_start3A_294 = tpu.memref_slice %arg2[%dma_start3A_292, %dma_start3A_293] : memref<10000x64xf32, #tpu.memory_space<hbm>> -> memref<10000x64xf32, #tpu.memory_space<hbm>>
        tpu.enqueue_indirect_dma source(%dma_start3A_294 : memref<10000x64xf32, #tpu.memory_space<hbm>>) target(%arg9 : memref<128x64xf32, #tpu.memory_space<vmem>>) offsets(%dma_start3A_291 : memref<128xi32, #tpu.memory_space<vmem>>) semaphore(%arg14 : memref<!tpu.dma_semaphore, #tpu.memory_space<semaphore_mem>>)
      } else {
      }
      %lt3A_177 = arith.constant 2 : i32
      %lt3A_178 = arith.cmpi slt, %scan3A_69, %lt3A_177 : i32
      %and3A_179 = arith.andi %and3A_171, %lt3A_178 : i1
      %convert_element_type3A_180 = arith.extui %and3A_179 : i1 to i32
      %cond3A_181 = arith.constant 0 : i32
      %cond3A_182 = arith.cmpi ne, %convert_element_type3A_180, %cond3A_181 : i32
      scf.if %cond3A_182 {
        %dma_start3A_282 = arith.constant 0 : i32
        %dma_start3A_283 = tpu.memref_slice %arg7[%add3A_71, %dma_start3A_282] : memref<80x128xi32, #tpu.memory_space<vmem>> -> memref<1x128xi32, #tpu.memory_space<vmem>>
        %dma_start3A_284 = tpu.memref_squeeze %dma_start3A_283 : memref<1x128xi32, #tpu.memory_space<vmem>> -> memref<128xi32, #tpu.memory_space<vmem>>
        %dma_start3A_285 = arith.constant 0 : i32
        %dma_start3A_286 = arith.constant 0 : i32
        %dma_start3A_287 = tpu.memref_slice %arg2[%dma_start3A_285, %dma_start3A_286] : memref<10000x64xf32, #tpu.memory_space<hbm>> -> memref<10000x64xf32, #tpu.memory_space<hbm>>
        tpu.enqueue_indirect_dma source(%dma_start3A_287 : memref<10000x64xf32, #tpu.memory_space<hbm>>) target(%arg9 : memref<128x64xf32, #tpu.memory_space<vmem>>) offsets(%dma_start3A_284 : memref<128xi32, #tpu.memory_space<vmem>>) semaphore(%arg14 : memref<!tpu.dma_semaphore, #tpu.memory_space<semaphore_mem>>)
      } else {
      }
      %lt3A_183 = arith.constant 79 : i32
      %lt3A_184 = arith.cmpi slt, %add3A_71, %lt3A_183 : i32
      %jit3A_185 = arith.constant 4 : i32
      %eq3A_186 = arith.constant 0 : i32
      %eq3A_187 = arith.cmpi eq, %jit3A_185, %eq3A_186 : i32
      %jit3A_188 = arith.constant 1 : i32
      %select_n3A_189 = arith.select %eq3A_187, %jit3A_188, %jit3A_185 : i32
      %rem3A_190 = arith.remsi %add3A_71, %select_n3A_189 : i32
      %ne3A_191 = arith.constant 0 : i32
      %ne3A_192 = arith.cmpi ne, %rem3A_190, %ne3A_191 : i32
      %lt3A_193 = arith.constant 0 : i32
      %lt3A_194 = arith.cmpi slt, %rem3A_190, %lt3A_193 : i32
      %lt3A_195 = arith.constant 0 : i32
      %lt3A_196 = arith.cmpi slt, %select_n3A_189, %lt3A_195 : i32
      %ne3A_197 = arith.xori %lt3A_194, %lt3A_196 : i1
      %and3A_198 = arith.andi %ne3A_197, %ne3A_192 : i1
      %add3A_199 = arith.addi %rem3A_190, %select_n3A_189 : i32
      %select_n3A_200 = arith.select %and3A_198, %add3A_199, %rem3A_190 : i32
      %eq3A_201 = arith.constant 1 : i32
      %eq3A_202 = arith.cmpi eq, %select_n3A_200, %eq3A_201 : i32
      %and3A_203 = arith.andi %lt3A_184, %eq3A_202 : i1
      %ge3A_204 = arith.constant 2 : i32
      %ge3A_205 = arith.cmpi sge, %scan3A_69, %ge3A_204 : i32
      %and3A_206 = arith.andi %and3A_203, %ge3A_205 : i1
      %convert_element_type3A_207 = arith.extui %and3A_206 : i1 to i32
      %cond3A_208 = arith.constant 0 : i32
      %cond3A_209 = arith.cmpi ne, %convert_element_type3A_207, %cond3A_208 : i32
      scf.if %cond3A_209 {
        %dma_wait3A_282 = arith.constant 0 : i32
        %dma_wait3A_283 = arith.constant 0 : i32
        %dma_wait3A_284 = tpu.memref_slice %arg8[%dma_wait3A_282, %dma_wait3A_283] : memref<80x128xi32, #tpu.memory_space<vmem>> -> memref<1x128xi32, #tpu.memory_space<vmem>>
        %dma_wait3A_285 = tpu.memref_squeeze %dma_wait3A_284 : memref<1x128xi32, #tpu.memory_space<vmem>> -> memref<128xi32, #tpu.memory_space<vmem>>
        %dma_wait3A_286 = arith.constant 0 : i32
        %dma_wait3A_287 = arith.constant 0 : i32
        %dma_wait3A_288 = tpu.memref_slice %arg13[%dma_wait3A_286, %dma_wait3A_287] : memref<10016x64xf32, #tpu.memory_space<vmem_shared>> -> memref<10016x64xf32, #tpu.memory_space<vmem_shared>>
        tpu.wait_indirect_dma semaphore(%arg19 : memref<!tpu.dma_semaphore, #tpu.memory_space<semaphore_mem>>) src(%arg10 : memref<128x64xf32, #tpu.memory_space<vmem>>) dst(%dma_wait3A_288 : memref<10016x64xf32, #tpu.memory_space<vmem_shared>>)
        %dma_start3A_289 = arith.constant 0 : i32
        %dma_start3A_290 = tpu.memref_slice %arg7[%add3A_71, %dma_start3A_289] : memref<80x128xi32, #tpu.memory_space<vmem>> -> memref<1x128xi32, #tpu.memory_space<vmem>>
        %dma_start3A_291 = tpu.memref_squeeze %dma_start3A_290 : memref<1x128xi32, #tpu.memory_space<vmem>> -> memref<128xi32, #tpu.memory_space<vmem>>
        %dma_start3A_292 = arith.constant 0 : i32
        %dma_start3A_293 = arith.constant 0 : i32
        %dma_start3A_294 = tpu.memref_slice %arg2[%dma_start3A_292, %dma_start3A_293] : memref<10000x64xf32, #tpu.memory_space<hbm>> -> memref<10000x64xf32, #tpu.memory_space<hbm>>
        tpu.enqueue_indirect_dma source(%dma_start3A_294 : memref<10000x64xf32, #tpu.memory_space<hbm>>) target(%arg10 : memref<128x64xf32, #tpu.memory_space<vmem>>) offsets(%dma_start3A_291 : memref<128xi32, #tpu.memory_space<vmem>>) semaphore(%arg15 : memref<!tpu.dma_semaphore, #tpu.memory_space<semaphore_mem>>)
      } else {
      }
      %lt3A_210 = arith.constant 2 : i32
      %lt3A_211 = arith.cmpi slt, %scan3A_69, %lt3A_210 : i32
      %and3A_212 = arith.andi %and3A_203, %lt3A_211 : i1
      %convert_element_type3A_213 = arith.extui %and3A_212 : i1 to i32
      %cond3A_214 = arith.constant 0 : i32
      %cond3A_215 = arith.cmpi ne, %convert_element_type3A_213, %cond3A_214 : i32
      scf.if %cond3A_215 {
        %dma_start3A_282 = arith.constant 0 : i32
        %dma_start3A_283 = tpu.memref_slice %arg7[%add3A_71, %dma_start3A_282] : memref<80x128xi32, #tpu.memory_space<vmem>> -> memref<1x128xi32, #tpu.memory_space<vmem>>
        %dma_start3A_284 = tpu.memref_squeeze %dma_start3A_283 : memref<1x128xi32, #tpu.memory_space<vmem>> -> memref<128xi32, #tpu.memory_space<vmem>>
        %dma_start3A_285 = arith.constant 0 : i32
        %dma_start3A_286 = arith.constant 0 : i32
        %dma_start3A_287 = tpu.memref_slice %arg2[%dma_start3A_285, %dma_start3A_286] : memref<10000x64xf32, #tpu.memory_space<hbm>> -> memref<10000x64xf32, #tpu.memory_space<hbm>>
        tpu.enqueue_indirect_dma source(%dma_start3A_287 : memref<10000x64xf32, #tpu.memory_space<hbm>>) target(%arg10 : memref<128x64xf32, #tpu.memory_space<vmem>>) offsets(%dma_start3A_284 : memref<128xi32, #tpu.memory_space<vmem>>) semaphore(%arg15 : memref<!tpu.dma_semaphore, #tpu.memory_space<semaphore_mem>>)
      } else {
      }
      %lt3A_216 = arith.constant 79 : i32
      %lt3A_217 = arith.cmpi slt, %add3A_71, %lt3A_216 : i32
      %jit3A_218 = arith.constant 4 : i32
      %eq3A_219 = arith.constant 0 : i32
      %eq3A_220 = arith.cmpi eq, %jit3A_218, %eq3A_219 : i32
      %jit3A_221 = arith.constant 1 : i32
      %select_n3A_222 = arith.select %eq3A_220, %jit3A_221, %jit3A_218 : i32
      %rem3A_223 = arith.remsi %add3A_71, %select_n3A_222 : i32
      %ne3A_224 = arith.constant 0 : i32
      %ne3A_225 = arith.cmpi ne, %rem3A_223, %ne3A_224 : i32
      %lt3A_226 = arith.constant 0 : i32
      %lt3A_227 = arith.cmpi slt, %rem3A_223, %lt3A_226 : i32
      %lt3A_228 = arith.constant 0 : i32
      %lt3A_229 = arith.cmpi slt, %select_n3A_222, %lt3A_228 : i32
      %ne3A_230 = arith.xori %lt3A_227, %lt3A_229 : i1
      %and3A_231 = arith.andi %ne3A_230, %ne3A_225 : i1
      %add3A_232 = arith.addi %rem3A_223, %select_n3A_222 : i32
      %select_n3A_233 = arith.select %and3A_231, %add3A_232, %rem3A_223 : i32
      %eq3A_234 = arith.constant 2 : i32
      %eq3A_235 = arith.cmpi eq, %select_n3A_233, %eq3A_234 : i32
      %and3A_236 = arith.andi %lt3A_217, %eq3A_235 : i1
      %ge3A_237 = arith.constant 2 : i32
      %ge3A_238 = arith.cmpi sge, %scan3A_69, %ge3A_237 : i32
      %and3A_239 = arith.andi %and3A_236, %ge3A_238 : i1
      %convert_element_type3A_240 = arith.extui %and3A_239 : i1 to i32
      %cond3A_241 = arith.constant 0 : i32
      %cond3A_242 = arith.cmpi ne, %convert_element_type3A_240, %cond3A_241 : i32
      scf.if %cond3A_242 {
        %dma_wait3A_282 = arith.constant 0 : i32
        %dma_wait3A_283 = arith.constant 0 : i32
        %dma_wait3A_284 = tpu.memref_slice %arg8[%dma_wait3A_282, %dma_wait3A_283] : memref<80x128xi32, #tpu.memory_space<vmem>> -> memref<1x128xi32, #tpu.memory_space<vmem>>
        %dma_wait3A_285 = tpu.memref_squeeze %dma_wait3A_284 : memref<1x128xi32, #tpu.memory_space<vmem>> -> memref<128xi32, #tpu.memory_space<vmem>>
        %dma_wait3A_286 = arith.constant 0 : i32
        %dma_wait3A_287 = arith.constant 0 : i32
        %dma_wait3A_288 = tpu.memref_slice %arg13[%dma_wait3A_286, %dma_wait3A_287] : memref<10016x64xf32, #tpu.memory_space<vmem_shared>> -> memref<10016x64xf32, #tpu.memory_space<vmem_shared>>
        tpu.wait_indirect_dma semaphore(%arg20 : memref<!tpu.dma_semaphore, #tpu.memory_space<semaphore_mem>>) src(%arg11 : memref<128x64xf32, #tpu.memory_space<vmem>>) dst(%dma_wait3A_288 : memref<10016x64xf32, #tpu.memory_space<vmem_shared>>)
        %dma_start3A_289 = arith.constant 0 : i32
        %dma_start3A_290 = tpu.memref_slice %arg7[%add3A_71, %dma_start3A_289] : memref<80x128xi32, #tpu.memory_space<vmem>> -> memref<1x128xi32, #tpu.memory_space<vmem>>
        %dma_start3A_291 = tpu.memref_squeeze %dma_start3A_290 : memref<1x128xi32, #tpu.memory_space<vmem>> -> memref<128xi32, #tpu.memory_space<vmem>>
        %dma_start3A_292 = arith.constant 0 : i32
        %dma_start3A_293 = arith.constant 0 : i32
        %dma_start3A_294 = tpu.memref_slice %arg2[%dma_start3A_292, %dma_start3A_293] : memref<10000x64xf32, #tpu.memory_space<hbm>> -> memref<10000x64xf32, #tpu.memory_space<hbm>>
        tpu.enqueue_indirect_dma source(%dma_start3A_294 : memref<10000x64xf32, #tpu.memory_space<hbm>>) target(%arg11 : memref<128x64xf32, #tpu.memory_space<vmem>>) offsets(%dma_start3A_291 : memref<128xi32, #tpu.memory_space<vmem>>) semaphore(%arg16 : memref<!tpu.dma_semaphore, #tpu.memory_space<semaphore_mem>>)
      } else {
      }
      %lt3A_243 = arith.constant 2 : i32
      %lt3A_244 = arith.cmpi slt, %scan3A_69, %lt3A_243 : i32
      %and3A_245 = arith.andi %and3A_236, %lt3A_244 : i1
      %convert_element_type3A_246 = arith.extui %and3A_245 : i1 to i32
      %cond3A_247 = arith.constant 0 : i32
      %cond3A_248 = arith.cmpi ne, %convert_element_type3A_246, %cond3A_247 : i32
      scf.if %cond3A_248 {
        %dma_start3A_282 = arith.constant 0 : i32
        %dma_start3A_283 = tpu.memref_slice %arg7[%add3A_71, %dma_start3A_282] : memref<80x128xi32, #tpu.memory_space<vmem>> -> memref<1x128xi32, #tpu.memory_space<vmem>>
        %dma_start3A_284 = tpu.memref_squeeze %dma_start3A_283 : memref<1x128xi32, #tpu.memory_space<vmem>> -> memref<128xi32, #tpu.memory_space<vmem>>
        %dma_start3A_285 = arith.constant 0 : i32
        %dma_start3A_286 = arith.constant 0 : i32
        %dma_start3A_287 = tpu.memref_slice %arg2[%dma_start3A_285, %dma_start3A_286] : memref<10000x64xf32, #tpu.memory_space<hbm>> -> memref<10000x64xf32, #tpu.memory_space<hbm>>
        tpu.enqueue_indirect_dma source(%dma_start3A_287 : memref<10000x64xf32, #tpu.memory_space<hbm>>) target(%arg11 : memref<128x64xf32, #tpu.memory_space<vmem>>) offsets(%dma_start3A_284 : memref<128xi32, #tpu.memory_space<vmem>>) semaphore(%arg16 : memref<!tpu.dma_semaphore, #tpu.memory_space<semaphore_mem>>)
      } else {
      }
      %lt3A_249 = arith.constant 79 : i32
      %lt3A_250 = arith.cmpi slt, %add3A_71, %lt3A_249 : i32
      %jit3A_251 = arith.constant 4 : i32
      %eq3A_252 = arith.constant 0 : i32
      %eq3A_253 = arith.cmpi eq, %jit3A_251, %eq3A_252 : i32
      %jit3A_254 = arith.constant 1 : i32
      %select_n3A_255 = arith.select %eq3A_253, %jit3A_254, %jit3A_251 : i32
      %rem3A_256 = arith.remsi %add3A_71, %select_n3A_255 : i32
      %ne3A_257 = arith.constant 0 : i32
      %ne3A_258 = arith.cmpi ne, %rem3A_256, %ne3A_257 : i32
      %lt3A_259 = arith.constant 0 : i32
      %lt3A_260 = arith.cmpi slt, %rem3A_256, %lt3A_259 : i32
      %lt3A_261 = arith.constant 0 : i32
      %lt3A_262 = arith.cmpi slt, %select_n3A_255, %lt3A_261 : i32
      %ne3A_263 = arith.xori %lt3A_260, %lt3A_262 : i1
      %and3A_264 = arith.andi %ne3A_263, %ne3A_258 : i1
      %add3A_265 = arith.addi %rem3A_256, %select_n3A_255 : i32
      %select_n3A_266 = arith.select %and3A_264, %add3A_265, %rem3A_256 : i32
      %eq3A_267 = arith.constant 3 : i32
      %eq3A_268 = arith.cmpi eq, %select_n3A_266, %eq3A_267 : i32
      %and3A_269 = arith.andi %lt3A_250, %eq3A_268 : i1
      %ge3A_270 = arith.constant 2 : i32
      %ge3A_271 = arith.cmpi sge, %scan3A_69, %ge3A_270 : i32
      %and3A_272 = arith.andi %and3A_269, %ge3A_271 : i1
      %convert_element_type3A_273 = arith.extui %and3A_272 : i1 to i32
      %cond3A_274 = arith.constant 0 : i32
      %cond3A_275 = arith.cmpi ne, %convert_element_type3A_273, %cond3A_274 : i32
      scf.if %cond3A_275 {
        %dma_wait3A_282 = arith.constant 0 : i32
        %dma_wait3A_283 = arith.constant 0 : i32
        %dma_wait3A_284 = tpu.memref_slice %arg8[%dma_wait3A_282, %dma_wait3A_283] : memref<80x128xi32, #tpu.memory_space<vmem>> -> memref<1x128xi32, #tpu.memory_space<vmem>>
        %dma_wait3A_285 = tpu.memref_squeeze %dma_wait3A_284 : memref<1x128xi32, #tpu.memory_space<vmem>> -> memref<128xi32, #tpu.memory_space<vmem>>
        %dma_wait3A_286 = arith.constant 0 : i32
        %dma_wait3A_287 = arith.constant 0 : i32
        %dma_wait3A_288 = tpu.memref_slice %arg13[%dma_wait3A_286, %dma_wait3A_287] : memref<10016x64xf32, #tpu.memory_space<vmem_shared>> -> memref<10016x64xf32, #tpu.memory_space<vmem_shared>>
        tpu.wait_indirect_dma semaphore(%arg21 : memref<!tpu.dma_semaphore, #tpu.memory_space<semaphore_mem>>) src(%arg12 : memref<128x64xf32, #tpu.memory_space<vmem>>) dst(%dma_wait3A_288 : memref<10016x64xf32, #tpu.memory_space<vmem_shared>>)
        %dma_start3A_289 = arith.constant 0 : i32
        %dma_start3A_290 = tpu.memref_slice %arg7[%add3A_71, %dma_start3A_289] : memref<80x128xi32, #tpu.memory_space<vmem>> -> memref<1x128xi32, #tpu.memory_space<vmem>>
        %dma_start3A_291 = tpu.memref_squeeze %dma_start3A_290 : memref<1x128xi32, #tpu.memory_space<vmem>> -> memref<128xi32, #tpu.memory_space<vmem>>
        %dma_start3A_292 = arith.constant 0 : i32
        %dma_start3A_293 = arith.constant 0 : i32
        %dma_start3A_294 = tpu.memref_slice %arg2[%dma_start3A_292, %dma_start3A_293] : memref<10000x64xf32, #tpu.memory_space<hbm>> -> memref<10000x64xf32, #tpu.memory_space<hbm>>
        tpu.enqueue_indirect_dma source(%dma_start3A_294 : memref<10000x64xf32, #tpu.memory_space<hbm>>) target(%arg12 : memref<128x64xf32, #tpu.memory_space<vmem>>) offsets(%dma_start3A_291 : memref<128xi32, #tpu.memory_space<vmem>>) semaphore(%arg17 : memref<!tpu.dma_semaphore, #tpu.memory_space<semaphore_mem>>)
      } else {
      }
      %lt3A_276 = arith.constant 2 : i32
      %lt3A_277 = arith.cmpi slt, %scan3A_69, %lt3A_276 : i32
      %and3A_278 = arith.andi %and3A_269, %lt3A_277 : i1
      %convert_element_type3A_279 = arith.extui %and3A_278 : i1 to i32
      %cond3A_280 = arith.constant 0 : i32
      %cond3A_281 = arith.cmpi ne, %convert_element_type3A_279, %cond3A_280 : i32
      scf.if %cond3A_281 {
        %dma_start3A_282 = arith.constant 0 : i32
        %dma_start3A_283 = tpu.memref_slice %arg7[%add3A_71, %dma_start3A_282] : memref<80x128xi32, #tpu.memory_space<vmem>> -> memref<1x128xi32, #tpu.memory_space<vmem>>
        %dma_start3A_284 = tpu.memref_squeeze %dma_start3A_283 : memref<1x128xi32, #tpu.memory_space<vmem>> -> memref<128xi32, #tpu.memory_space<vmem>>
        %dma_start3A_285 = arith.constant 0 : i32
        %dma_start3A_286 = arith.constant 0 : i32
        %dma_start3A_287 = tpu.memref_slice %arg2[%dma_start3A_285, %dma_start3A_286] : memref<10000x64xf32, #tpu.memory_space<hbm>> -> memref<10000x64xf32, #tpu.memory_space<hbm>>
        tpu.enqueue_indirect_dma source(%dma_start3A_287 : memref<10000x64xf32, #tpu.memory_space<hbm>>) target(%arg12 : memref<128x64xf32, #tpu.memory_space<vmem>>) offsets(%dma_start3A_284 : memref<128xi32, #tpu.memory_space<vmem>>) semaphore(%arg17 : memref<!tpu.dma_semaphore, #tpu.memory_space<semaphore_mem>>)
      } else {
      }
    }
    %scan3A_30 = arith.constant 79 : i32
    %dma_wait3A = arith.constant 0 : i32
    %dma_wait3A_31 = arith.constant 0 : i32
    %dma_wait3A_32 = tpu.memref_slice %arg8[%dma_wait3A, %dma_wait3A_31] : memref<80x128xi32, #tpu.memory_space<vmem>> -> memref<1x128xi32, #tpu.memory_space<vmem>>
    %dma_wait3A_33 = tpu.memref_squeeze %dma_wait3A_32 : memref<1x128xi32, #tpu.memory_space<vmem>> -> memref<128xi32, #tpu.memory_space<vmem>>
    %dma_wait3A_34 = arith.constant 0 : i32
    %dma_wait3A_35 = arith.constant 0 : i32
    %dma_wait3A_36 = tpu.memref_slice %arg13[%dma_wait3A_34, %dma_wait3A_35] : memref<10016x64xf32, #tpu.memory_space<vmem_shared>> -> memref<10016x64xf32, #tpu.memory_space<vmem_shared>>
    tpu.wait_indirect_dma semaphore(%arg18 : memref<!tpu.dma_semaphore, #tpu.memory_space<semaphore_mem>>) src(%arg9 : memref<128x64xf32, #tpu.memory_space<vmem>>) dst(%dma_wait3A_36 : memref<10016x64xf32, #tpu.memory_space<vmem_shared>>)
    %dma_wait3A_37 = arith.constant 0 : i32
    %dma_wait3A_38 = arith.constant 0 : i32
    %dma_wait3A_39 = tpu.memref_slice %arg8[%dma_wait3A_37, %dma_wait3A_38] : memref<80x128xi32, #tpu.memory_space<vmem>> -> memref<1x128xi32, #tpu.memory_space<vmem>>
    %dma_wait3A_40 = tpu.memref_squeeze %dma_wait3A_39 : memref<1x128xi32, #tpu.memory_space<vmem>> -> memref<128xi32, #tpu.memory_space<vmem>>
    %dma_wait3A_41 = arith.constant 0 : i32
    %dma_wait3A_42 = arith.constant 0 : i32
    %dma_wait3A_43 = tpu.memref_slice %arg13[%dma_wait3A_41, %dma_wait3A_42] : memref<10016x64xf32, #tpu.memory_space<vmem_shared>> -> memref<10016x64xf32, #tpu.memory_space<vmem_shared>>
    tpu.wait_indirect_dma semaphore(%arg19 : memref<!tpu.dma_semaphore, #tpu.memory_space<semaphore_mem>>) src(%arg10 : memref<128x64xf32, #tpu.memory_space<vmem>>) dst(%dma_wait3A_43 : memref<10016x64xf32, #tpu.memory_space<vmem_shared>>)
    %dma_wait3A_44 = arith.constant 0 : i32
    %dma_wait3A_45 = arith.constant 0 : i32
    %dma_wait3A_46 = tpu.memref_slice %arg8[%dma_wait3A_44, %dma_wait3A_45] : memref<80x128xi32, #tpu.memory_space<vmem>> -> memref<1x128xi32, #tpu.memory_space<vmem>>
    %dma_wait3A_47 = tpu.memref_squeeze %dma_wait3A_46 : memref<1x128xi32, #tpu.memory_space<vmem>> -> memref<128xi32, #tpu.memory_space<vmem>>
    %dma_wait3A_48 = arith.constant 0 : i32
    %dma_wait3A_49 = arith.constant 0 : i32
    %dma_wait3A_50 = tpu.memref_slice %arg13[%dma_wait3A_48, %dma_wait3A_49] : memref<10016x64xf32, #tpu.memory_space<vmem_shared>> -> memref<10016x64xf32, #tpu.memory_space<vmem_shared>>
    tpu.wait_indirect_dma semaphore(%arg20 : memref<!tpu.dma_semaphore, #tpu.memory_space<semaphore_mem>>) src(%arg11 : memref<128x64xf32, #tpu.memory_space<vmem>>) dst(%dma_wait3A_50 : memref<10016x64xf32, #tpu.memory_space<vmem_shared>>)
    %dma_wait3A_51 = arith.constant 0 : i32
    %dma_wait3A_52 = arith.constant 0 : i32
    %dma_wait3A_53 = tpu.memref_slice %arg8[%dma_wait3A_51, %dma_wait3A_52] : memref<80x128xi32, #tpu.memory_space<vmem>> -> memref<1x128xi32, #tpu.memory_space<vmem>>
    %dma_wait3A_54 = tpu.memref_squeeze %dma_wait3A_53 : memref<1x128xi32, #tpu.memory_space<vmem>> -> memref<128xi32, #tpu.memory_space<vmem>>
    %dma_wait3A_55 = arith.constant 0 : i32
    %dma_wait3A_56 = arith.constant 0 : i32
    %dma_wait3A_57 = tpu.memref_slice %arg13[%dma_wait3A_55, %dma_wait3A_56] : memref<10016x64xf32, #tpu.memory_space<vmem_shared>> -> memref<10016x64xf32, #tpu.memory_space<vmem_shared>>
    tpu.wait_indirect_dma semaphore(%arg21 : memref<!tpu.dma_semaphore, #tpu.memory_space<semaphore_mem>>) src(%arg12 : memref<128x64xf32, #tpu.memory_space<vmem>>) dst(%dma_wait3A_57 : memref<10016x64xf32, #tpu.memory_space<vmem_shared>>)
    %barrier3A_58 = arith.constant 0 : index
    tpu.barrier barrier_id(%barrier3A_58)
    %lt3A_59 = arith.constant 15 : i32
    %lt3A_60 = arith.cmpi slt, %arg1, %lt3A_59 : i32
    %convert_element_type3A_61 = arith.extui %lt3A_60 : i1 to i32
    %cond3A_62 = arith.constant 0 : i32
    %cond3A_63 = arith.cmpi ne, %convert_element_type3A_61, %cond3A_62 : i32
    scf.if %cond3A_63 {
      "tpu.region"() ({
        %run_scoped3A = tpu.sem_alloc : memref<!tpu.dma_semaphore, #tpu.memory_space<semaphore_mem>>
        %dma_start3A_69 = arith.constant 0 : i32
        %dma_start3A_70 = tpu.memref_slice %arg6[%arg0, %mul3A_2, %dma_start3A_69] : memref<2x10000x64xf32, #tpu.memory_space<hbm>> -> memref<1x632x64xf32, #tpu.memory_space<hbm>>
        %dma_start3A_71 = tpu.memref_squeeze %dma_start3A_70 : memref<1x632x64xf32, #tpu.memory_space<hbm>> -> memref<632x64xf32, #tpu.memory_space<hbm>>
        %dma_start3A_72 = arith.constant 0 : i32
        %dma_start3A_73 = tpu.memref_slice %arg13[%mul3A_2, %dma_start3A_72] : memref<10016x64xf32, #tpu.memory_space<vmem_shared>> -> memref<632x64xf32, #tpu.memory_space<vmem_shared>>
        tpu.enqueue_dma source(%dma_start3A_73 : memref<632x64xf32, #tpu.memory_space<vmem_shared>>) target(%dma_start3A_71 : memref<632x64xf32, #tpu.memory_space<hbm>>) target_semaphore(%run_scoped3A : memref<!tpu.dma_semaphore, #tpu.memory_space<semaphore_mem>>)
        %dma_wait3A_74 = arith.constant 0 : i32
        %dma_wait3A_75 = tpu.memref_slice %arg6[%arg0, %mul3A_2, %dma_wait3A_74] : memref<2x10000x64xf32, #tpu.memory_space<hbm>> -> memref<1x632x64xf32, #tpu.memory_space<hbm>>
        %dma_wait3A_76 = tpu.memref_squeeze %dma_wait3A_75 : memref<1x632x64xf32, #tpu.memory_space<hbm>> -> memref<632x64xf32, #tpu.memory_space<hbm>>
        %dma_wait3A_77 = arith.constant 0 : i32
        %dma_wait3A_78 = tpu.memref_slice %arg13[%mul3A_2, %dma_wait3A_77] : memref<10016x64xf32, #tpu.memory_space<vmem_shared>> -> memref<632x64xf32, #tpu.memory_space<vmem_shared>>
        tpu.wait_dma2 semaphore(%run_scoped3A : memref<!tpu.dma_semaphore, #tpu.memory_space<semaphore_mem>>) src(%dma_wait3A_78 : memref<632x64xf32, #tpu.memory_space<vmem_shared>>) dst(%dma_wait3A_76 : memref<632x64xf32, #tpu.memory_space<hbm>>)
        tpu.yield
      }) : () -> ()
    } else {
    }
    %eq3A_64 = arith.constant 15 : i32
    %eq3A_65 = arith.cmpi eq, %arg1, %eq3A_64 : i32
    %convert_element_type3A_66 = arith.extui %eq3A_65 : i1 to i32
    %cond3A_67 = arith.constant 0 : i32
    %cond3A_68 = arith.cmpi ne, %convert_element_type3A_66, %cond3A_67 : i32
    scf.if %cond3A_68 {
      "tpu.region"() ({
        %run_scoped3A = tpu.sem_alloc : memref<!tpu.dma_semaphore, #tpu.memory_space<semaphore_mem>>
        %dma_start3A_69 = arith.constant 0 : i32
        %dma_start3A_70 = tpu.memref_slice %arg6[%arg0, %mul3A_2, %dma_start3A_69] : memref<2x10000x64xf32, #tpu.memory_space<hbm>> -> memref<1x520x64xf32, #tpu.memory_space<hbm>>
        %dma_start3A_71 = tpu.memref_squeeze %dma_start3A_70 : memref<1x520x64xf32, #tpu.memory_space<hbm>> -> memref<520x64xf32, #tpu.memory_space<hbm>>
        %dma_start3A_72 = arith.constant 0 : i32
        %dma_start3A_73 = tpu.memref_slice %arg13[%mul3A_2, %dma_start3A_72] : memref<10016x64xf32, #tpu.memory_space<vmem_shared>> -> memref<520x64xf32, #tpu.memory_space<vmem_shared>>
        tpu.enqueue_dma source(%dma_start3A_73 : memref<520x64xf32, #tpu.memory_space<vmem_shared>>) target(%dma_start3A_71 : memref<520x64xf32, #tpu.memory_space<hbm>>) target_semaphore(%run_scoped3A : memref<!tpu.dma_semaphore, #tpu.memory_space<semaphore_mem>>)
        %dma_wait3A_74 = arith.constant 0 : i32
        %dma_wait3A_75 = tpu.memref_slice %arg6[%arg0, %mul3A_2, %dma_wait3A_74] : memref<2x10000x64xf32, #tpu.memory_space<hbm>> -> memref<1x520x64xf32, #tpu.memory_space<hbm>>
        %dma_wait3A_76 = tpu.memref_squeeze %dma_wait3A_75 : memref<1x520x64xf32, #tpu.memory_space<hbm>> -> memref<520x64xf32, #tpu.memory_space<hbm>>
        %dma_wait3A_77 = arith.constant 0 : i32
        %dma_wait3A_78 = tpu.memref_slice %arg13[%mul3A_2, %dma_wait3A_77] : memref<10016x64xf32, #tpu.memory_space<vmem_shared>> -> memref<520x64xf32, #tpu.memory_space<vmem_shared>>
        tpu.wait_dma2 semaphore(%run_scoped3A : memref<!tpu.dma_semaphore, #tpu.memory_space<semaphore_mem>>) src(%dma_wait3A_78 : memref<520x64xf32, #tpu.memory_space<vmem_shared>>) dst(%dma_wait3A_76 : memref<520x64xf32, #tpu.memory_space<hbm>>)
        tpu.yield
      }) : () -> ()
    } else {
    }
    return
  }
}

module attributes {stable_mosaic.version = 14 : i64} {
  func.func @body(%arg0: i32, %arg1: memref<1000x256xf32, #tpu.memory_space<vmem>>, %arg2: memref<128x64xf32, #tpu.memory_space<vmem>>, %arg3: memref<128x64xf32, #tpu.memory_space<vmem>>, %arg4: memref<1000x128xf32, #tpu.memory_space<vmem>>, %arg5: memref<1000x128xf32, #tpu.memory_space<vmem>>) attributes {dimension_semantics = [#tpu.dimension_semantics<arbitrary>], iteration_bounds = array<i64: 5>, scalar_prefetch = 0 : i64, scratch_operands = 0 : i64, tpu.core_type = #tpu.core_type<tc>, window_params = [{transform_indices = @transform_0, window_bounds = array<i64: 1000, 256>}, {pipeline_mode = #tpu.pipeline_mode<synchronous>, transform_indices = @transform_1, window_bounds = array<i64: 128, 64>}, {pipeline_mode = #tpu.pipeline_mode<synchronous>, transform_indices = @transform_2, window_bounds = array<i64: 128, 64>}, {transform_indices = @transform_3, window_bounds = array<i64: 1000, 128>}, {transform_indices = @transform_4, window_bounds = array<i64: 1000, 128>}]} {
    %get3A = arith.constant 0 : index
    %get3A_0 = arith.constant 0 : index
    %get3A_1 = vector.load %arg1[%get3A, %get3A_0] : memref<1000x256xf32, #tpu.memory_space<vmem>>, vector<1000x256xf32>
    %slice3A = vector.extract_strided_slice %get3A_1 {offsets = [0, 0], sizes = [1000, 128], strides = [1, 1]} : vector<1000x256xf32> to vector<1000x128xf32>
    %slice3A_2 = vector.extract_strided_slice %get3A_1 {offsets = [0, 128], sizes = [1000, 128], strides = [1, 1]} : vector<1000x256xf32> to vector<1000x128xf32>
    %get3A_3 = arith.constant 0 : index
    %get3A_4 = arith.constant 0 : index
    %get3A_5 = vector.load %arg2[%get3A_3, %get3A_4] : memref<128x64xf32, #tpu.memory_space<vmem>>, vector<128x64xf32>
    %get3A_6 = arith.constant 0 : index
    %get3A_7 = arith.constant 0 : index
    %get3A_8 = vector.load %arg3[%get3A_6, %get3A_7] : memref<128x64xf32, #tpu.memory_space<vmem>>, vector<128x64xf32>
    %dot_general3A = arith.constant dense<0.000000e+00> : vector<1000x64xf32>
    %dot_general3A_9 = tpu.matmul %slice3A, %get3A_5, %dot_general3A {dimension_numbers = #tpu.dot_dimension_numbers<[1], [0], [0], [1], [0, 0, 1, 1], [], []>, transpose_lhs_hint = false} : vector<1000x128xf32>, vector<128x64xf32>, vector<1000x64xf32> -> vector<1000x64xf32>
    %dot_general3A_10 = arith.constant dense<0.000000e+00> : vector<1000x64xf32>
    %dot_general3A_11 = tpu.matmul %slice3A_2, %get3A_5, %dot_general3A_10 {dimension_numbers = #tpu.dot_dimension_numbers<[1], [0], [0], [1], [0, 0, 1, 1], [], []>, transpose_lhs_hint = false} : vector<1000x128xf32>, vector<128x64xf32>, vector<1000x64xf32> -> vector<1000x64xf32>
    %concatenate3A = tpu.concatenate %dot_general3A_9, %dot_general3A_11 in 1 : vector<1000x64xf32>, vector<1000x64xf32> -> vector<1000x128xf32>
    %swap3A = arith.constant 0 : index
    %swap3A_12 = arith.constant 0 : index
    %swap3A_13 = vector.load %arg4[%swap3A, %swap3A_12] : memref<1000x128xf32, #tpu.memory_space<vmem>>, vector<1000x128xf32>
    tpu.vector_store %arg4[%swap3A, %swap3A_12], %concatenate3A {strides = array<i32>} : memref<1000x128xf32, #tpu.memory_space<vmem>>, vector<1000x128xf32>,
    %dot_general3A_14 = arith.constant dense<0.000000e+00> : vector<1000x64xf32>
    %dot_general3A_15 = tpu.matmul %slice3A, %get3A_8, %dot_general3A_14 {dimension_numbers = #tpu.dot_dimension_numbers<[1], [0], [0], [1], [0, 0, 1, 1], [], []>, transpose_lhs_hint = false} : vector<1000x128xf32>, vector<128x64xf32>, vector<1000x64xf32> -> vector<1000x64xf32>
    %dot_general3A_16 = arith.constant dense<0.000000e+00> : vector<1000x64xf32>
    %dot_general3A_17 = tpu.matmul %slice3A_2, %get3A_8, %dot_general3A_16 {dimension_numbers = #tpu.dot_dimension_numbers<[1], [0], [0], [1], [0, 0, 1, 1], [], []>, transpose_lhs_hint = false} : vector<1000x128xf32>, vector<128x64xf32>, vector<1000x64xf32> -> vector<1000x64xf32>
    %concatenate3A_18 = tpu.concatenate %dot_general3A_15, %dot_general3A_17 in 1 : vector<1000x64xf32>, vector<1000x64xf32> -> vector<1000x128xf32>
    %swap3A_19 = arith.constant 0 : index
    %swap3A_20 = arith.constant 0 : index
    %swap3A_21 = vector.load %arg5[%swap3A_19, %swap3A_20] : memref<1000x128xf32, #tpu.memory_space<vmem>>, vector<1000x128xf32>
    tpu.vector_store %arg5[%swap3A_19, %swap3A_20], %concatenate3A_18 {strides = array<i32>} : memref<1000x128xf32, #tpu.memory_space<vmem>>, vector<1000x128xf32>,
    return
  }
  func.func @transform_0(%arg0: i32) -> (i32, i32) {
    %c0_i32 = arith.constant 0 : i32
    %c0_i32_0 = arith.constant 0 : i32
    return %arg0, %c0_i32 : i32, i32
  }
  func.func @transform_1(%arg0: i32) -> (i32, i32) {
    %c0_i32 = arith.constant 0 : i32
    %c0_i32_0 = arith.constant 0 : i32
    %c0_i32_1 = arith.constant 0 : i32
    return %c0_i32, %c0_i32_0 : i32, i32
  }
  func.func @transform_2(%arg0: i32) -> (i32, i32) {
    %c0_i32 = arith.constant 0 : i32
    %c0_i32_0 = arith.constant 0 : i32
    %c0_i32_1 = arith.constant 0 : i32
    return %c0_i32, %c0_i32_0 : i32, i32
  }
  func.func @transform_3(%arg0: i32) -> (i32, i32) {
    %c0_i32 = arith.constant 0 : i32
    %c0_i32_0 = arith.constant 0 : i32
    return %arg0, %c0_i32 : i32, i32
  }
  func.func @transform_4(%arg0: i32) -> (i32, i32) {
    %c0_i32 = arith.constant 0 : i32
    %c0_i32_0 = arith.constant 0 : i32
    return %arg0, %c0_i32 : i32, i32
  }
}

module attributes {stable_mosaic.version = 14 : i64} {
  func.func @body(%arg0: i32, %arg1: memref<2x1000x128xf32, #tpu.memory_space<vmem>>, %arg2: memref<2x1000x1xf32, #tpu.memory_space<vmem>>, %arg3: memref<2x1000x1xf32, #tpu.memory_space<vmem>>, %arg4: memref<1000x128xf32, #tpu.memory_space<vmem>>, %arg5: memref<1x128xf32, #tpu.memory_space<vmem>>, %arg6: memref<1000x128xf32, #tpu.memory_space<vmem>>) attributes {dimension_semantics = [#tpu.dimension_semantics<arbitrary>], iteration_bounds = array<i64: 5>, scalar_prefetch = 0 : i64, scratch_operands = 0 : i64, tpu.core_type = #tpu.core_type<tc>, window_params = [{transform_indices = @transform_0, window_bounds = array<i64: 2, 1000, 128>}, {transform_indices = @transform_1, window_bounds = array<i64: 2, 1000, 1>}, {transform_indices = @transform_2, window_bounds = array<i64: 2, 1000, 1>}, {transform_indices = @transform_3, window_bounds = array<i64: 1000, 128>}, {pipeline_mode = #tpu.pipeline_mode<synchronous>, transform_indices = @transform_4, window_bounds = array<i64: 1, 128>}, {transform_indices = @transform_5, window_bounds = array<i64: 1000, 128>}]} {
    %get3A = arith.constant 0 : index
    %get3A_0 = arith.constant 0 : index
    %get3A_1 = arith.constant 0 : index
    %get3A_2 = vector.load %arg1[%get3A, %get3A_0, %get3A_1] : memref<2x1000x128xf32, #tpu.memory_space<vmem>>, vector<1x1000x128xf32>
    %get3A_3 = vector.shape_cast %get3A_2 : vector<1x1000x128xf32> to vector<1000x128xf32>
    %get3A_4 = arith.constant 1 : index
    %get3A_5 = arith.constant 0 : index
    %get3A_6 = arith.constant 0 : index
    %get3A_7 = vector.load %arg1[%get3A_4, %get3A_5, %get3A_6] : memref<2x1000x128xf32, #tpu.memory_space<vmem>>, vector<1x1000x128xf32>
    %get3A_8 = vector.shape_cast %get3A_7 : vector<1x1000x128xf32> to vector<1000x128xf32>
    %add3A = arith.addf %get3A_3, %get3A_8 : vector<1000x128xf32>
    %get3A_9 = arith.constant 0 : index
    %get3A_10 = arith.constant 0 : index
    %get3A_11 = arith.constant 0 : index
    %get3A_12 = vector.load %arg2[%get3A_9, %get3A_10, %get3A_11] : memref<2x1000x1xf32, #tpu.memory_space<vmem>>, vector<1x1000x1xf32>
    %get3A_13 = vector.shape_cast %get3A_12 : vector<1x1000x1xf32> to vector<1000x1xf32>
    %get3A_14 = arith.constant 1 : index
    %get3A_15 = arith.constant 0 : index
    %get3A_16 = arith.constant 0 : index
    %get3A_17 = vector.load %arg2[%get3A_14, %get3A_15, %get3A_16] : memref<2x1000x1xf32, #tpu.memory_space<vmem>>, vector<1x1000x1xf32>
    %get3A_18 = vector.shape_cast %get3A_17 : vector<1x1000x1xf32> to vector<1000x1xf32>
    %add3A_19 = arith.addf %get3A_13, %get3A_18 : vector<1000x1xf32>
    %max3A = arith.constant 1.000000e+00 : f32
    %max3A_20 = vector.broadcast %max3A : f32 to vector<1000x1xf32>
    %max3A_21 = arith.maximumf %add3A_19, %max3A_20 : vector<1000x1xf32>
    %div3A = arith.constant 1.000000e+00 : f32
    %div3A_22 = vector.broadcast %div3A : f32 to vector<1000x1xf32>
    %div3A_23 = arith.divf %div3A_22, %max3A_21 : vector<1000x1xf32>
    %get3A_24 = arith.constant 0 : index
    %get3A_25 = arith.constant 0 : index
    %get3A_26 = arith.constant 0 : index
    %get3A_27 = vector.load %arg3[%get3A_24, %get3A_25, %get3A_26] : memref<2x1000x1xf32, #tpu.memory_space<vmem>>, vector<1x1000x1xf32>
    %get3A_28 = vector.shape_cast %get3A_27 : vector<1x1000x1xf32> to vector<1000x1xf32>
    %get3A_29 = arith.constant 1 : index
    %get3A_30 = arith.constant 0 : index
    %get3A_31 = arith.constant 0 : index
    %get3A_32 = vector.load %arg3[%get3A_29, %get3A_30, %get3A_31] : memref<2x1000x1xf32, #tpu.memory_space<vmem>>, vector<1x1000x1xf32>
    %get3A_33 = vector.shape_cast %get3A_32 : vector<1x1000x1xf32> to vector<1000x1xf32>
    %add3A_34 = arith.addf %get3A_28, %get3A_33 : vector<1000x1xf32>
    %max3A_35 = arith.constant 1.000000e+00 : f32
    %max3A_36 = vector.broadcast %max3A_35 : f32 to vector<1000x1xf32>
    %max3A_37 = arith.maximumf %add3A_34, %max3A_36 : vector<1000x1xf32>
    %div3A_38 = arith.constant 1.000000e+00 : f32
    %div3A_39 = vector.broadcast %div3A_38 : f32 to vector<1000x1xf32>
    %div3A_40 = arith.divf %div3A_39, %max3A_37 : vector<1000x1xf32>
    %broadcast_in_dim3A = vector.shape_cast %div3A_23 : vector<1000x1xf32> to vector<1000x1xf32>
    %broadcast_in_dim3A_41 = vector.broadcast %broadcast_in_dim3A : vector<1000x1xf32> to vector<1000x64xf32>
    %broadcast_in_dim3A_42 = vector.shape_cast %div3A_40 : vector<1000x1xf32> to vector<1000x1xf32>
    %broadcast_in_dim3A_43 = vector.broadcast %broadcast_in_dim3A_42 : vector<1000x1xf32> to vector<1000x64xf32>
    %concatenate3A = tpu.concatenate %broadcast_in_dim3A_41, %broadcast_in_dim3A_43 in 1 : vector<1000x64xf32>, vector<1000x64xf32> -> vector<1000x128xf32>
    %mul3A = arith.mulf %add3A, %concatenate3A : vector<1000x128xf32>
    %get3A_44 = arith.constant 0 : index
    %get3A_45 = arith.constant 0 : index
    %get3A_46 = vector.load %arg5[%get3A_44, %get3A_45] : memref<1x128xf32, #tpu.memory_space<vmem>>, vector<1x128xf32>
    %add3A_47 = vector.broadcast %get3A_46 : vector<1x128xf32> to vector<1000x128xf32>
    %add3A_48 = arith.addf %mul3A, %add3A_47 : vector<1000x128xf32>
    %get3A_49 = arith.constant 0 : index
    %get3A_50 = arith.constant 0 : index
    %get3A_51 = vector.load %arg4[%get3A_49, %get3A_50] : memref<1000x128xf32, #tpu.memory_space<vmem>>, vector<1000x128xf32>
    %add3A_52 = arith.addf %add3A_48, %get3A_51 : vector<1000x128xf32>
    %max3A_53 = arith.constant 0.000000e+00 : f32
    %max3A_54 = vector.broadcast %max3A_53 : f32 to vector<1000x128xf32>
    %max3A_55 = arith.maximumf %add3A_52, %max3A_54 : vector<1000x128xf32>
    %swap3A = arith.constant 0 : index
    %swap3A_56 = arith.constant 0 : index
    %swap3A_57 = vector.load %arg6[%swap3A, %swap3A_56] : memref<1000x128xf32, #tpu.memory_space<vmem>>, vector<1000x128xf32>
    tpu.vector_store %arg6[%swap3A, %swap3A_56], %max3A_55 {strides = array<i32>} : memref<1000x128xf32, #tpu.memory_space<vmem>>, vector<1000x128xf32>,
    return
  }
  func.func @transform_0(%arg0: i32) -> (i32, i32, i32) {
    %c0_i32 = arith.constant 0 : i32
    %c0_i32_0 = arith.constant 0 : i32
    %c0_i32_1 = arith.constant 0 : i32
    return %c0_i32, %arg0, %c0_i32_0 : i32, i32, i32
  }
  func.func @transform_1(%arg0: i32) -> (i32, i32, i32) {
    %c0_i32 = arith.constant 0 : i32
    %c0_i32_0 = arith.constant 0 : i32
    %c0_i32_1 = arith.constant 0 : i32
    return %c0_i32, %arg0, %c0_i32_0 : i32, i32, i32
  }
  func.func @transform_2(%arg0: i32) -> (i32, i32, i32) {
    %c0_i32 = arith.constant 0 : i32
    %c0_i32_0 = arith.constant 0 : i32
    %c0_i32_1 = arith.constant 0 : i32
    return %c0_i32, %arg0, %c0_i32_0 : i32, i32, i32
  }
  func.func @transform_3(%arg0: i32) -> (i32, i32) {
    %c0_i32 = arith.constant 0 : i32
    %c0_i32_0 = arith.constant 0 : i32
    return %arg0, %c0_i32 : i32, i32
  }
  func.func @transform_4(%arg0: i32) -> (i32, i32) {
    %c0_i32 = arith.constant 0 : i32
    %c0_i32_0 = arith.constant 0 : i32
    %c0_i32_1 = arith.constant 0 : i32
    return %c0_i32, %c0_i32_0 : i32, i32
  }
  func.func @transform_5(%arg0: i32) -> (i32, i32) {
    %c0_i32 = arith.constant 0 : i32
    %c0_i32_0 = arith.constant 0 : i32
    return %arg0, %c0_i32 : i32, i32
  }
}

module attributes {stable_mosaic.version = 14 : i64} {
  func.func @body(%arg0: i32, %arg1: memref<2x1000x128xf32, #tpu.memory_space<vmem>>, %arg2: memref<2x1000x1xf32, #tpu.memory_space<vmem>>, %arg3: memref<2x1000x1xf32, #tpu.memory_space<vmem>>, %arg4: memref<1000x128xf32, #tpu.memory_space<vmem>>, %arg5: memref<128x128xf32, #tpu.memory_space<vmem>>, %arg6: memref<128x128xf32, #tpu.memory_space<vmem>>, %arg7: memref<1x128xf32, #tpu.memory_space<vmem>>, %arg8: memref<128x128xf32, #tpu.memory_space<vmem>>, %arg9: memref<128x128xf32, #tpu.memory_space<vmem>>, %arg10: memref<128x64xf32, #tpu.memory_space<vmem>>, %arg11: memref<128x64xf32, #tpu.memory_space<vmem>>, %arg12: memref<1000x128xf32, #tpu.memory_space<vmem>>, %arg13: memref<1000x128xf32, #tpu.memory_space<vmem>>) attributes {dimension_semantics = [#tpu.dimension_semantics<arbitrary>], iteration_bounds = array<i64: 5>, scalar_prefetch = 0 : i64, scratch_operands = 0 : i64, tpu.core_type = #tpu.core_type<tc>, window_params = [{transform_indices = @transform_0, window_bounds = array<i64: 2, 1000, 128>}, {transform_indices = @transform_1, window_bounds = array<i64: 2, 1000, 1>}, {transform_indices = @transform_2, window_bounds = array<i64: 2, 1000, 1>}, {transform_indices = @transform_3, window_bounds = array<i64: 1000, 128>}, {pipeline_mode = #tpu.pipeline_mode<synchronous>, transform_indices = @transform_4, window_bounds = array<i64: 128, 128>}, {pipeline_mode = #tpu.pipeline_mode<synchronous>, transform_indices = @transform_5, window_bounds = array<i64: 128, 128>}, {pipeline_mode = #tpu.pipeline_mode<synchronous>, transform_indices = @transform_6, window_bounds = array<i64: 1, 128>}, {pipeline_mode = #tpu.pipeline_mode<synchronous>, transform_indices = @transform_7, window_bounds = array<i64: 128, 128>}, {pipeline_mode = #tpu.pipeline_mode<synchronous>, transform_indices = @transform_8, window_bounds = array<i64: 128, 128>}, {pipeline_mode = #tpu.pipeline_mode<synchronous>, transform_indices = @transform_9, window_bounds = array<i64: 128, 64>}, {pipeline_mode = #tpu.pipeline_mode<synchronous>, transform_indices = @transform_10, window_bounds = array<i64: 128, 64>}, {transform_indices = @transform_11, window_bounds = array<i64: 1000, 128>}, {transform_indices = @transform_12, window_bounds = array<i64: 1000, 128>}]} {
    %get3A = arith.constant 0 : index
    %get3A_0 = arith.constant 0 : index
    %get3A_1 = arith.constant 0 : index
    %get3A_2 = vector.load %arg1[%get3A, %get3A_0, %get3A_1] : memref<2x1000x128xf32, #tpu.memory_space<vmem>>, vector<1x1000x128xf32>
    %get3A_3 = vector.shape_cast %get3A_2 : vector<1x1000x128xf32> to vector<1000x128xf32>
    %get3A_4 = arith.constant 1 : index
    %get3A_5 = arith.constant 0 : index
    %get3A_6 = arith.constant 0 : index
    %get3A_7 = vector.load %arg1[%get3A_4, %get3A_5, %get3A_6] : memref<2x1000x128xf32, #tpu.memory_space<vmem>>, vector<1x1000x128xf32>
    %get3A_8 = vector.shape_cast %get3A_7 : vector<1x1000x128xf32> to vector<1000x128xf32>
    %add3A = arith.addf %get3A_3, %get3A_8 : vector<1000x128xf32>
    %get3A_9 = arith.constant 0 : index
    %get3A_10 = arith.constant 0 : index
    %get3A_11 = arith.constant 0 : index
    %get3A_12 = vector.load %arg2[%get3A_9, %get3A_10, %get3A_11] : memref<2x1000x1xf32, #tpu.memory_space<vmem>>, vector<1x1000x1xf32>
    %get3A_13 = vector.shape_cast %get3A_12 : vector<1x1000x1xf32> to vector<1000x1xf32>
    %get3A_14 = arith.constant 1 : index
    %get3A_15 = arith.constant 0 : index
    %get3A_16 = arith.constant 0 : index
    %get3A_17 = vector.load %arg2[%get3A_14, %get3A_15, %get3A_16] : memref<2x1000x1xf32, #tpu.memory_space<vmem>>, vector<1x1000x1xf32>
    %get3A_18 = vector.shape_cast %get3A_17 : vector<1x1000x1xf32> to vector<1000x1xf32>
    %add3A_19 = arith.addf %get3A_13, %get3A_18 : vector<1000x1xf32>
    %max3A = arith.constant 1.000000e+00 : f32
    %max3A_20 = vector.broadcast %max3A : f32 to vector<1000x1xf32>
    %max3A_21 = arith.maximumf %add3A_19, %max3A_20 : vector<1000x1xf32>
    %div3A = arith.constant 1.000000e+00 : f32
    %div3A_22 = vector.broadcast %div3A : f32 to vector<1000x1xf32>
    %div3A_23 = arith.divf %div3A_22, %max3A_21 : vector<1000x1xf32>
    %get3A_24 = arith.constant 0 : index
    %get3A_25 = arith.constant 0 : index
    %get3A_26 = arith.constant 0 : index
    %get3A_27 = vector.load %arg3[%get3A_24, %get3A_25, %get3A_26] : memref<2x1000x1xf32, #tpu.memory_space<vmem>>, vector<1x1000x1xf32>
    %get3A_28 = vector.shape_cast %get3A_27 : vector<1x1000x1xf32> to vector<1000x1xf32>
    %get3A_29 = arith.constant 1 : index
    %get3A_30 = arith.constant 0 : index
    %get3A_31 = arith.constant 0 : index
    %get3A_32 = vector.load %arg3[%get3A_29, %get3A_30, %get3A_31] : memref<2x1000x1xf32, #tpu.memory_space<vmem>>, vector<1x1000x1xf32>
    %get3A_33 = vector.shape_cast %get3A_32 : vector<1x1000x1xf32> to vector<1000x1xf32>
    %add3A_34 = arith.addf %get3A_28, %get3A_33 : vector<1000x1xf32>
    %max3A_35 = arith.constant 1.000000e+00 : f32
    %max3A_36 = vector.broadcast %max3A_35 : f32 to vector<1000x1xf32>
    %max3A_37 = arith.maximumf %add3A_34, %max3A_36 : vector<1000x1xf32>
    %div3A_38 = arith.constant 1.000000e+00 : f32
    %div3A_39 = vector.broadcast %div3A_38 : f32 to vector<1000x1xf32>
    %div3A_40 = arith.divf %div3A_39, %max3A_37 : vector<1000x1xf32>
    %get3A_41 = arith.constant 0 : index
    %get3A_42 = arith.constant 0 : index
    %get3A_43 = vector.load %arg4[%get3A_41, %get3A_42] : memref<1000x128xf32, #tpu.memory_space<vmem>>, vector<1000x128xf32>
    %get3A_44 = arith.constant 0 : index
    %get3A_45 = arith.constant 0 : index
    %get3A_46 = vector.load %arg7[%get3A_44, %get3A_45] : memref<1x128xf32, #tpu.memory_space<vmem>>, vector<1x128xf32>
    %get3A_47 = arith.constant 0 : index
    %get3A_48 = arith.constant 0 : index
    %get3A_49 = vector.load %arg5[%get3A_47, %get3A_48] : memref<128x128xf32, #tpu.memory_space<vmem>>, vector<128x128xf32>
    %dot_general3A = arith.constant dense<0.000000e+00> : vector<1000x128xf32>
    %dot_general3A_50 = tpu.matmul %add3A, %get3A_49, %dot_general3A {dimension_numbers = #tpu.dot_dimension_numbers<[1], [0], [0], [1], [0, 0, 1, 1], [], []>, transpose_lhs_hint = false} : vector<1000x128xf32>, vector<128x128xf32>, vector<1000x128xf32> -> vector<1000x128xf32>
    %mul3A = vector.broadcast %div3A_23 : vector<1000x1xf32> to vector<1000x128xf32>
    %mul3A_51 = arith.mulf %dot_general3A_50, %mul3A : vector<1000x128xf32>
    %add3A_52 = vector.broadcast %get3A_46 : vector<1x128xf32> to vector<1000x128xf32>
    %add3A_53 = arith.addf %mul3A_51, %add3A_52 : vector<1000x128xf32>
    %get3A_54 = arith.constant 0 : index
    %get3A_55 = arith.constant 0 : index
    %get3A_56 = vector.load %arg8[%get3A_54, %get3A_55] : memref<128x128xf32, #tpu.memory_space<vmem>>, vector<128x128xf32>
    %dot_general3A_57 = arith.constant dense<0.000000e+00> : vector<1000x128xf32>
    %dot_general3A_58 = tpu.matmul %get3A_43, %get3A_56, %dot_general3A_57 {dimension_numbers = #tpu.dot_dimension_numbers<[1], [0], [0], [1], [0, 0, 1, 1], [], []>, transpose_lhs_hint = false} : vector<1000x128xf32>, vector<128x128xf32>, vector<1000x128xf32> -> vector<1000x128xf32>
    %add3A_59 = arith.addf %add3A_53, %dot_general3A_58 : vector<1000x128xf32>
    %max3A_60 = arith.constant 0.000000e+00 : f32
    %max3A_61 = vector.broadcast %max3A_60 : f32 to vector<1000x128xf32>
    %max3A_62 = arith.maximumf %add3A_59, %max3A_61 : vector<1000x128xf32>
    %get3A_63 = arith.constant 0 : index
    %get3A_64 = arith.constant 0 : index
    %get3A_65 = vector.load %arg6[%get3A_63, %get3A_64] : memref<128x128xf32, #tpu.memory_space<vmem>>, vector<128x128xf32>
    %dot_general3A_66 = arith.constant dense<0.000000e+00> : vector<1000x128xf32>
    %dot_general3A_67 = tpu.matmul %add3A, %get3A_65, %dot_general3A_66 {dimension_numbers = #tpu.dot_dimension_numbers<[1], [0], [0], [1], [0, 0, 1, 1], [], []>, transpose_lhs_hint = false} : vector<1000x128xf32>, vector<128x128xf32>, vector<1000x128xf32> -> vector<1000x128xf32>
    %mul3A_68 = vector.broadcast %div3A_40 : vector<1000x1xf32> to vector<1000x128xf32>
    %mul3A_69 = arith.mulf %dot_general3A_67, %mul3A_68 : vector<1000x128xf32>
    %add3A_70 = vector.broadcast %get3A_46 : vector<1x128xf32> to vector<1000x128xf32>
    %add3A_71 = arith.addf %mul3A_69, %add3A_70 : vector<1000x128xf32>
    %get3A_72 = arith.constant 0 : index
    %get3A_73 = arith.constant 0 : index
    %get3A_74 = vector.load %arg9[%get3A_72, %get3A_73] : memref<128x128xf32, #tpu.memory_space<vmem>>, vector<128x128xf32>
    %dot_general3A_75 = arith.constant dense<0.000000e+00> : vector<1000x128xf32>
    %dot_general3A_76 = tpu.matmul %get3A_43, %get3A_74, %dot_general3A_75 {dimension_numbers = #tpu.dot_dimension_numbers<[1], [0], [0], [1], [0, 0, 1, 1], [], []>, transpose_lhs_hint = false} : vector<1000x128xf32>, vector<128x128xf32>, vector<1000x128xf32> -> vector<1000x128xf32>
    %add3A_77 = arith.addf %add3A_71, %dot_general3A_76 : vector<1000x128xf32>
    %max3A_78 = arith.constant 0.000000e+00 : f32
    %max3A_79 = vector.broadcast %max3A_78 : f32 to vector<1000x128xf32>
    %max3A_80 = arith.maximumf %add3A_77, %max3A_79 : vector<1000x128xf32>
    %get3A_81 = arith.constant 0 : index
    %get3A_82 = arith.constant 0 : index
    %get3A_83 = vector.load %arg10[%get3A_81, %get3A_82] : memref<128x64xf32, #tpu.memory_space<vmem>>, vector<128x64xf32>
    %get3A_84 = arith.constant 0 : index
    %get3A_85 = arith.constant 0 : index
    %get3A_86 = vector.load %arg11[%get3A_84, %get3A_85] : memref<128x64xf32, #tpu.memory_space<vmem>>, vector<128x64xf32>
    %dot_general3A_87 = arith.constant dense<0.000000e+00> : vector<1000x64xf32>
    %dot_general3A_88 = tpu.matmul %max3A_62, %get3A_83, %dot_general3A_87 {dimension_numbers = #tpu.dot_dimension_numbers<[1], [0], [0], [1], [0, 0, 1, 1], [], []>, transpose_lhs_hint = false} : vector<1000x128xf32>, vector<128x64xf32>, vector<1000x64xf32> -> vector<1000x64xf32>
    %dot_general3A_89 = arith.constant dense<0.000000e+00> : vector<1000x64xf32>
    %dot_general3A_90 = tpu.matmul %max3A_80, %get3A_83, %dot_general3A_89 {dimension_numbers = #tpu.dot_dimension_numbers<[1], [0], [0], [1], [0, 0, 1, 1], [], []>, transpose_lhs_hint = false} : vector<1000x128xf32>, vector<128x64xf32>, vector<1000x64xf32> -> vector<1000x64xf32>
    %concatenate3A = tpu.concatenate %dot_general3A_88, %dot_general3A_90 in 1 : vector<1000x64xf32>, vector<1000x64xf32> -> vector<1000x128xf32>
    %swap3A = arith.constant 0 : index
    %swap3A_91 = arith.constant 0 : index
    %swap3A_92 = vector.load %arg12[%swap3A, %swap3A_91] : memref<1000x128xf32, #tpu.memory_space<vmem>>, vector<1000x128xf32>
    tpu.vector_store %arg12[%swap3A, %swap3A_91], %concatenate3A {strides = array<i32>} : memref<1000x128xf32, #tpu.memory_space<vmem>>, vector<1000x128xf32>,
    %dot_general3A_93 = arith.constant dense<0.000000e+00> : vector<1000x64xf32>
    %dot_general3A_94 = tpu.matmul %max3A_62, %get3A_86, %dot_general3A_93 {dimension_numbers = #tpu.dot_dimension_numbers<[1], [0], [0], [1], [0, 0, 1, 1], [], []>, transpose_lhs_hint = false} : vector<1000x128xf32>, vector<128x64xf32>, vector<1000x64xf32> -> vector<1000x64xf32>
    %dot_general3A_95 = arith.constant dense<0.000000e+00> : vector<1000x64xf32>
    %dot_general3A_96 = tpu.matmul %max3A_80, %get3A_86, %dot_general3A_95 {dimension_numbers = #tpu.dot_dimension_numbers<[1], [0], [0], [1], [0, 0, 1, 1], [], []>, transpose_lhs_hint = false} : vector<1000x128xf32>, vector<128x64xf32>, vector<1000x64xf32> -> vector<1000x64xf32>
    %concatenate3A_97 = tpu.concatenate %dot_general3A_94, %dot_general3A_96 in 1 : vector<1000x64xf32>, vector<1000x64xf32> -> vector<1000x128xf32>
    %swap3A_98 = arith.constant 0 : index
    %swap3A_99 = arith.constant 0 : index
    %swap3A_100 = vector.load %arg13[%swap3A_98, %swap3A_99] : memref<1000x128xf32, #tpu.memory_space<vmem>>, vector<1000x128xf32>
    tpu.vector_store %arg13[%swap3A_98, %swap3A_99], %concatenate3A_97 {strides = array<i32>} : memref<1000x128xf32, #tpu.memory_space<vmem>>, vector<1000x128xf32>,
    return
  }
  func.func @transform_0(%arg0: i32) -> (i32, i32, i32) {
    %c0_i32 = arith.constant 0 : i32
    %c0_i32_0 = arith.constant 0 : i32
    %c0_i32_1 = arith.constant 0 : i32
    return %c0_i32, %arg0, %c0_i32_0 : i32, i32, i32
  }
  func.func @transform_1(%arg0: i32) -> (i32, i32, i32) {
    %c0_i32 = arith.constant 0 : i32
    %c0_i32_0 = arith.constant 0 : i32
    %c0_i32_1 = arith.constant 0 : i32
    return %c0_i32, %arg0, %c0_i32_0 : i32, i32, i32
  }
  func.func @transform_2(%arg0: i32) -> (i32, i32, i32) {
    %c0_i32 = arith.constant 0 : i32
    %c0_i32_0 = arith.constant 0 : i32
    %c0_i32_1 = arith.constant 0 : i32
    return %c0_i32, %arg0, %c0_i32_0 : i32, i32, i32
  }
  func.func @transform_3(%arg0: i32) -> (i32, i32) {
    %c0_i32 = arith.constant 0 : i32
    %c0_i32_0 = arith.constant 0 : i32
    return %arg0, %c0_i32 : i32, i32
  }
  func.func @transform_4(%arg0: i32) -> (i32, i32) {
    %c0_i32 = arith.constant 0 : i32
    %c0_i32_0 = arith.constant 0 : i32
    %c0_i32_1 = arith.constant 0 : i32
    return %c0_i32, %c0_i32_0 : i32, i32
  }
  func.func @transform_5(%arg0: i32) -> (i32, i32) {
    %c0_i32 = arith.constant 0 : i32
    %c0_i32_0 = arith.constant 0 : i32
    %c0_i32_1 = arith.constant 0 : i32
    return %c0_i32, %c0_i32_0 : i32, i32
  }
  func.func @transform_6(%arg0: i32) -> (i32, i32) {
    %c0_i32 = arith.constant 0 : i32
    %c0_i32_0 = arith.constant 0 : i32
    %c0_i32_1 = arith.constant 0 : i32
    return %c0_i32, %c0_i32_0 : i32, i32
  }
  func.func @transform_7(%arg0: i32) -> (i32, i32) {
    %c0_i32 = arith.constant 0 : i32
    %c0_i32_0 = arith.constant 0 : i32
    %c0_i32_1 = arith.constant 0 : i32
    return %c0_i32, %c0_i32_0 : i32, i32
  }
  func.func @transform_8(%arg0: i32) -> (i32, i32) {
    %c0_i32 = arith.constant 0 : i32
    %c0_i32_0 = arith.constant 0 : i32
    %c0_i32_1 = arith.constant 0 : i32
    return %c0_i32, %c0_i32_0 : i32, i32
  }
  func.func @transform_9(%arg0: i32) -> (i32, i32) {
    %c0_i32 = arith.constant 0 : i32
    %c0_i32_0 = arith.constant 0 : i32
    %c0_i32_1 = arith.constant 0 : i32
    return %c0_i32, %c0_i32_0 : i32, i32
  }
  func.func @transform_10(%arg0: i32) -> (i32, i32) {
    %c0_i32 = arith.constant 0 : i32
    %c0_i32_0 = arith.constant 0 : i32
    %c0_i32_1 = arith.constant 0 : i32
    return %c0_i32, %c0_i32_0 : i32, i32
  }
  func.func @transform_11(%arg0: i32) -> (i32, i32) {
    %c0_i32 = arith.constant 0 : i32
    %c0_i32_0 = arith.constant 0 : i32
    return %arg0, %c0_i32 : i32, i32
  }
  func.func @transform_12(%arg0: i32) -> (i32, i32) {
    %c0_i32 = arith.constant 0 : i32
    %c0_i32_0 = arith.constant 0 : i32
    return %arg0, %c0_i32 : i32, i32
  }
}

module attributes {stable_mosaic.version = 14 : i64} {
  func.func @body(%arg0: i32, %arg1: memref<2x1000x128xf32, #tpu.memory_space<vmem>>, %arg2: memref<2x1000x1xf32, #tpu.memory_space<vmem>>, %arg3: memref<2x1000x1xf32, #tpu.memory_space<vmem>>, %arg4: memref<1000x128xf32, #tpu.memory_space<vmem>>, %arg5: memref<1x128xf32, #tpu.memory_space<vmem>>, %arg6: memref<128x8xf32, #tpu.memory_space<vmem>>, %arg7: memref<1x8xf32, #tpu.memory_space<vmem>>, %arg8: memref<1000x8xf32, #tpu.memory_space<vmem>>) attributes {dimension_semantics = [#tpu.dimension_semantics<arbitrary>], iteration_bounds = array<i64: 5>, scalar_prefetch = 0 : i64, scratch_operands = 0 : i64, tpu.core_type = #tpu.core_type<tc>, window_params = [{transform_indices = @transform_0, window_bounds = array<i64: 2, 1000, 128>}, {transform_indices = @transform_1, window_bounds = array<i64: 2, 1000, 1>}, {transform_indices = @transform_2, window_bounds = array<i64: 2, 1000, 1>}, {transform_indices = @transform_3, window_bounds = array<i64: 1000, 128>}, {pipeline_mode = #tpu.pipeline_mode<synchronous>, transform_indices = @transform_4, window_bounds = array<i64: 1, 128>}, {pipeline_mode = #tpu.pipeline_mode<synchronous>, transform_indices = @transform_5, window_bounds = array<i64: 128, 8>}, {pipeline_mode = #tpu.pipeline_mode<synchronous>, transform_indices = @transform_6, window_bounds = array<i64: 1, 8>}, {transform_indices = @transform_7, window_bounds = array<i64: 1000, 8>}]} {
    %get3A = arith.constant 0 : index
    %get3A_0 = arith.constant 0 : index
    %get3A_1 = arith.constant 0 : index
    %get3A_2 = vector.load %arg1[%get3A, %get3A_0, %get3A_1] : memref<2x1000x128xf32, #tpu.memory_space<vmem>>, vector<1x1000x128xf32>
    %get3A_3 = vector.shape_cast %get3A_2 : vector<1x1000x128xf32> to vector<1000x128xf32>
    %get3A_4 = arith.constant 1 : index
    %get3A_5 = arith.constant 0 : index
    %get3A_6 = arith.constant 0 : index
    %get3A_7 = vector.load %arg1[%get3A_4, %get3A_5, %get3A_6] : memref<2x1000x128xf32, #tpu.memory_space<vmem>>, vector<1x1000x128xf32>
    %get3A_8 = vector.shape_cast %get3A_7 : vector<1x1000x128xf32> to vector<1000x128xf32>
    %add3A = arith.addf %get3A_3, %get3A_8 : vector<1000x128xf32>
    %get3A_9 = arith.constant 0 : index
    %get3A_10 = arith.constant 0 : index
    %get3A_11 = arith.constant 0 : index
    %get3A_12 = vector.load %arg2[%get3A_9, %get3A_10, %get3A_11] : memref<2x1000x1xf32, #tpu.memory_space<vmem>>, vector<1x1000x1xf32>
    %get3A_13 = vector.shape_cast %get3A_12 : vector<1x1000x1xf32> to vector<1000x1xf32>
    %get3A_14 = arith.constant 1 : index
    %get3A_15 = arith.constant 0 : index
    %get3A_16 = arith.constant 0 : index
    %get3A_17 = vector.load %arg2[%get3A_14, %get3A_15, %get3A_16] : memref<2x1000x1xf32, #tpu.memory_space<vmem>>, vector<1x1000x1xf32>
    %get3A_18 = vector.shape_cast %get3A_17 : vector<1x1000x1xf32> to vector<1000x1xf32>
    %add3A_19 = arith.addf %get3A_13, %get3A_18 : vector<1000x1xf32>
    %max3A = arith.constant 1.000000e+00 : f32
    %max3A_20 = vector.broadcast %max3A : f32 to vector<1000x1xf32>
    %max3A_21 = arith.maximumf %add3A_19, %max3A_20 : vector<1000x1xf32>
    %div3A = arith.constant 1.000000e+00 : f32
    %div3A_22 = vector.broadcast %div3A : f32 to vector<1000x1xf32>
    %div3A_23 = arith.divf %div3A_22, %max3A_21 : vector<1000x1xf32>
    %get3A_24 = arith.constant 0 : index
    %get3A_25 = arith.constant 0 : index
    %get3A_26 = arith.constant 0 : index
    %get3A_27 = vector.load %arg3[%get3A_24, %get3A_25, %get3A_26] : memref<2x1000x1xf32, #tpu.memory_space<vmem>>, vector<1x1000x1xf32>
    %get3A_28 = vector.shape_cast %get3A_27 : vector<1x1000x1xf32> to vector<1000x1xf32>
    %get3A_29 = arith.constant 1 : index
    %get3A_30 = arith.constant 0 : index
    %get3A_31 = arith.constant 0 : index
    %get3A_32 = vector.load %arg3[%get3A_29, %get3A_30, %get3A_31] : memref<2x1000x1xf32, #tpu.memory_space<vmem>>, vector<1x1000x1xf32>
    %get3A_33 = vector.shape_cast %get3A_32 : vector<1x1000x1xf32> to vector<1000x1xf32>
    %add3A_34 = arith.addf %get3A_28, %get3A_33 : vector<1000x1xf32>
    %max3A_35 = arith.constant 1.000000e+00 : f32
    %max3A_36 = vector.broadcast %max3A_35 : f32 to vector<1000x1xf32>
    %max3A_37 = arith.maximumf %add3A_34, %max3A_36 : vector<1000x1xf32>
    %div3A_38 = arith.constant 1.000000e+00 : f32
    %div3A_39 = vector.broadcast %div3A_38 : f32 to vector<1000x1xf32>
    %div3A_40 = arith.divf %div3A_39, %max3A_37 : vector<1000x1xf32>
    %broadcast_in_dim3A = vector.shape_cast %div3A_23 : vector<1000x1xf32> to vector<1000x1xf32>
    %broadcast_in_dim3A_41 = vector.broadcast %broadcast_in_dim3A : vector<1000x1xf32> to vector<1000x64xf32>
    %broadcast_in_dim3A_42 = vector.shape_cast %div3A_40 : vector<1000x1xf32> to vector<1000x1xf32>
    %broadcast_in_dim3A_43 = vector.broadcast %broadcast_in_dim3A_42 : vector<1000x1xf32> to vector<1000x64xf32>
    %concatenate3A = tpu.concatenate %broadcast_in_dim3A_41, %broadcast_in_dim3A_43 in 1 : vector<1000x64xf32>, vector<1000x64xf32> -> vector<1000x128xf32>
    %mul3A = arith.mulf %add3A, %concatenate3A : vector<1000x128xf32>
    %get3A_44 = arith.constant 0 : index
    %get3A_45 = arith.constant 0 : index
    %get3A_46 = vector.load %arg5[%get3A_44, %get3A_45] : memref<1x128xf32, #tpu.memory_space<vmem>>, vector<1x128xf32>
    %add3A_47 = vector.broadcast %get3A_46 : vector<1x128xf32> to vector<1000x128xf32>
    %add3A_48 = arith.addf %mul3A, %add3A_47 : vector<1000x128xf32>
    %get3A_49 = arith.constant 0 : index
    %get3A_50 = arith.constant 0 : index
    %get3A_51 = vector.load %arg4[%get3A_49, %get3A_50] : memref<1000x128xf32, #tpu.memory_space<vmem>>, vector<1000x128xf32>
    %add3A_52 = arith.addf %add3A_48, %get3A_51 : vector<1000x128xf32>
    %max3A_53 = arith.constant 0.000000e+00 : f32
    %max3A_54 = vector.broadcast %max3A_53 : f32 to vector<1000x128xf32>
    %max3A_55 = arith.maximumf %add3A_52, %max3A_54 : vector<1000x128xf32>
    %get3A_56 = arith.constant 0 : index
    %get3A_57 = arith.constant 0 : index
    %get3A_58 = vector.load %arg6[%get3A_56, %get3A_57] : memref<128x8xf32, #tpu.memory_space<vmem>>, vector<128x8xf32>
    %dot_general3A = arith.constant dense<0.000000e+00> : vector<1000x8xf32>
    %dot_general3A_59 = tpu.matmul %max3A_55, %get3A_58, %dot_general3A {dimension_numbers = #tpu.dot_dimension_numbers<[1], [0], [0], [1], [0, 0, 1, 1], [], []>, transpose_lhs_hint = false} : vector<1000x128xf32>, vector<128x8xf32>, vector<1000x8xf32> -> vector<1000x8xf32>
    %get3A_60 = arith.constant 0 : index
    %get3A_61 = arith.constant 0 : index
    %get3A_62 = vector.load %arg7[%get3A_60, %get3A_61] : memref<1x8xf32, #tpu.memory_space<vmem>>, vector<1x8xf32>
    %add3A_63 = vector.broadcast %get3A_62 : vector<1x8xf32> to vector<1000x8xf32>
    %add3A_64 = arith.addf %dot_general3A_59, %add3A_63 : vector<1000x8xf32>
    %swap3A = arith.constant 0 : index
    %swap3A_65 = arith.constant 0 : index
    %swap3A_66 = vector.load %arg8[%swap3A, %swap3A_65] : memref<1000x8xf32, #tpu.memory_space<vmem>>, vector<1000x8xf32>
    tpu.vector_store %arg8[%swap3A, %swap3A_65], %add3A_64 {strides = array<i32>} : memref<1000x8xf32, #tpu.memory_space<vmem>>, vector<1000x8xf32>,
    return
  }
  func.func @transform_0(%arg0: i32) -> (i32, i32, i32) {
    %c0_i32 = arith.constant 0 : i32
    %c0_i32_0 = arith.constant 0 : i32
    %c0_i32_1 = arith.constant 0 : i32
    return %c0_i32, %arg0, %c0_i32_0 : i32, i32, i32
  }
  func.func @transform_1(%arg0: i32) -> (i32, i32, i32) {
    %c0_i32 = arith.constant 0 : i32
    %c0_i32_0 = arith.constant 0 : i32
    %c0_i32_1 = arith.constant 0 : i32
    return %c0_i32, %arg0, %c0_i32_0 : i32, i32, i32
  }
  func.func @transform_2(%arg0: i32) -> (i32, i32, i32) {
    %c0_i32 = arith.constant 0 : i32
    %c0_i32_0 = arith.constant 0 : i32
    %c0_i32_1 = arith.constant 0 : i32
    return %c0_i32, %arg0, %c0_i32_0 : i32, i32, i32
  }
  func.func @transform_3(%arg0: i32) -> (i32, i32) {
    %c0_i32 = arith.constant 0 : i32
    %c0_i32_0 = arith.constant 0 : i32
    return %arg0, %c0_i32 : i32, i32
  }
  func.func @transform_4(%arg0: i32) -> (i32, i32) {
    %c0_i32 = arith.constant 0 : i32
    %c0_i32_0 = arith.constant 0 : i32
    %c0_i32_1 = arith.constant 0 : i32
    return %c0_i32, %c0_i32_0 : i32, i32
  }
  func.func @transform_5(%arg0: i32) -> (i32, i32) {
    %c0_i32 = arith.constant 0 : i32
    %c0_i32_0 = arith.constant 0 : i32
    %c0_i32_1 = arith.constant 0 : i32
    return %c0_i32, %c0_i32_0 : i32, i32
  }
  func.func @transform_6(%arg0: i32) -> (i32, i32) {
    %c0_i32 = arith.constant 0 : i32
    %c0_i32_0 = arith.constant 0 : i32
    %c0_i32_1 = arith.constant 0 : i32
    return %c0_i32, %c0_i32_0 : i32, i32
  }
  func.func @transform_7(%arg0: i32) -> (i32, i32) {
    %c0_i32 = arith.constant 0 : i32
    %c0_i32_0 = arith.constant 0 : i32
    return %arg0, %c0_i32 : i32, i32
  }
}

</mosaic_0001>

<sc_bundles>
// kernel: kernel.10.cloned.1.call-start
scs
__scs_entry_jumppad:
0x0: {  	(pc) =	sbr.rel $0x88, $3  }
0x1: {  	(tag) =	ssettag $0x0;
	lr =	simm.s32 $0x1  }
0x2: {  	[smem:$0x3F94] =	sst lr;
	_ =	strace $0xD0000000  }
0x3: {  	_ = 	snop  }
0x4: {  	_ = 	snop  }
0x5: {  	_ = 	snop  }
0x6: {  	_ = 	snop  }
0x7: {  	_ = 	snop  }
__scs_overlays_trampoline_lowered:
0x8: {  	[smem:$0x3FA3] =	sst s0  }
0x9: {  	[smem:$0x3FA4] =	sst s1  }
0xa: {  	[smem:$0x3FA5] =	sst s2  }
0xb: {  	[smem:$0x3FA6] =	sst s3  }
0xc: {  	[smem:$0x3FA7] =	sst s4  }
0xd: {  	[smem:$0x3FA8] =	sst s5  }
0xe: {  	[smem:$0x3FA9] =	sst s6  }
0xf: {  	[smem:$0x3FAA] =	sst s7  }
0x10: {  	[smem:$0x3FAB] =	sst s8  }
0x11: {  	[smem:$0x3FAC] =	sst s9;
	s0 =	simm.s32 @!p0 $0x0  }
0x12: {  	s1 =	sld [smem:$0x3F92];
	s0 =	simm.s32 @p0 $0x1  }
0x13: {  	[smem:$0x3FAD] =	sst s0;
	s0 =	simm.s32 @!p1 $0x0  }
0x14: {  	s2 =	sld [smem:$0x3F91];
	s0 =	simm.s32 @p1 $0x1  }
0x15: {  	[smem:$0x3FAE] =	sst s0;
	s0 =	simm.s32 @!p2 $0x0  }
0x16: {  	s3 =	sld [smem:$0x3FDB];
	s0 =	simm.s32 @p2 $0x1  }
0x17: {  	s4 =	simm.s32 $0x1BF5;
	[smem:$0x3FB0] =	sst s0  }
0x18: {  	s0 =	sld [smem:$0x3F93];
	_ =	swait.ge [sflag:s4], $0x0  }
0x19: {  	s7 =	sld [smem:$0x3F94]  }
0x1a: {  	s8 =	sadd.s32 $0xFFFFE003, lr  }
0x1b: {  	s9 =	sadd.s32 $0xFFFFFEF7, lr;
	s5 =	simm.s32 $0xFFFFFFFF;
	p2 =	slt.u32 s8, $0xFFFFF086  }
0x1c: {  	p1 =	slt.u32 s9, $0xF7A;
	s5 =	simm.s32 @!p2 $0x0  }
0x1d: {  	s5 =	simm.s32 @p1 $0x1;
	p0 =	seq.s32 s7, s2  }
0x1e: {  	s7 =	smul.u32 @!p0 $0xF7A, s2;
	p2 =	seq.s32 @!p0 s5, $0x0  }
0x1f: {  	s9 =	smul.u32 $0xF7A, s1;
	s8 =	simm.s32 @!p0 $0x1BF5;
	p2 =	por !p2, p0  }
0x20: {  	[sflag:s8] =	ssyncset.s32 @!p0 $0xFFFFF086;
	s6 =	sadd.s32 @!p0 s3, s7;
	s7 =	simm.s32 @!p0 $0x108  }
0x21: {  	s3 =	sadd.s32 s3, s9;
	s6 =	sadd.s32 @!p0 $0x88, s6;
	s7 =	simm.s32 @p2 $0x1082  }
0x22: {  	[simem:s7], [sflag:s8] =	dma.local @!p0 [hbm:s6], $0xF7A  }
0x23: {  	s9 =	sor.u32 $0xD0000000, s2;
	s6 =	simm.s32 $0x108;
	_ =	swait.ge @!p0 [sflag:s8], $0x0  }
0x24: {  	s3 =	sadd.s32 $0x88, s3;
	s6 =	simm.s32 @!p1 $0x1082;
	[sflag:s4] =	ssyncset.s32 $0xFFFFF086  }
0x25: {  	[simem:s6], [sflag:s4] =	dma.local [hbm:s3], $0xF7A  }
0x26: {  	[smem:$0x3F94] =	sst s1;
	(tag) =	ssettag s2;
	_ =	strace s9  }
0x27: {  	s1 =	sld [smem:$0x3FA4]  }
0x28: {  	s2 =	sld [smem:$0x3FA5]  }
0x29: {  	s4 =	sld [smem:$0x3FA7]  }
0x2a: {  	p0 =	seq.s32 s5, $0x0;
	s5 =	sld [smem:$0x3FA8]  }
0x2b: {  	s6 =	sld [smem:$0x3FA9]  }
0x2c: {  	s7 =	sld [smem:$0x3FAA]  }
0x2d: {  	s3 =	simm.s32 $0x108;
	s8 =	sld [smem:$0x3FAB]  }
0x2e: {  	s3 =	simm.s32 @!p0 $0x1082;
	s9 =	sld [smem:$0x3FAC]  }
0x2f: {  	lr =	sadd.s32 s0, s3;
	s0 =	sld [smem:$0x3FA3]  }
0x30: {  	s3 =	sld [smem:$0x3FA6]  }
0x31: {  	[smem:$0x3FAF] =	sst s10  }
0x32: {  	s10 =	sld [smem:$0x3FAD];
	_ =	sdelay $0x3  }
0x33: {  	p0 =	seq.s32 s10, $0x1;
	s10 =	sld [smem:$0x3FAF];
	_ =	sdelay $0x3  }
0x34: {  	[smem:$0x3FAF] =	sst s10  }
0x35: {  	s10 =	sld [smem:$0x3FAE];
	_ =	sdelay $0x3  }
0x36: {  	p1 =	seq.s32 s10, $0x1;
	s10 =	sld [smem:$0x3FAF];
	_ =	sdelay $0x3  }
0x37: {  	[smem:$0x3FAF] =	sst s10  }
0x38: {  	s10 =	sld [smem:$0x3FB0]  }
0x39: {  	_ = 	snop;
	(pc) =	sbr.ind lr, $3  }
0x3a: {  	_ = 	snop  }
0x3b: {  	_ = 	snop  }
0x3c: {  	p2 =	seq.s32 s10, $0x1;
	s10 =	sld [smem:$0x3FAF]  }
0x3d: {  	_ =	shalt  }
0x3e: {  	_ =	shalt  }
0x3f: {  	_ =	shalt  }
0x40: {  	_ =	shalt  }
0x41: {  	_ =	shalt  }
0x42: {  	_ =	shalt  }
0x43: {  	_ =	shalt  }
0x44: {  	_ =	shalt  }
0x45: {  	_ =	shalt  }
0x46: {  	_ =	shalt  }
0x47: {  	_ =	shalt  }
0x48: {  	_ =	shalt  }
0x49: {  	_ =	shalt  }
0x4a: {  	_ =	shalt  }
0x4b: {  	_ =	shalt  }
0x4c: {  	_ =	shalt  }
0x4d: {  	_ =	shalt  }
0x4e: {  	_ =	shalt  }
0x4f: {  	_ =	shalt  }
0x50: {  	_ =	shalt  }
0x51: {  	_ =	shalt  }
0x52: {  	_ =	shalt  }
0x53: {  	_ =	shalt  }
0x54: {  	_ =	shalt  }
0x55: {  	_ =	shalt  }
0x56: {  	_ =	shalt  }
0x57: {  	_ =	shalt  }
0x58: {  	_ =	shalt  }
0x59: {  	_ =	shalt  }
0x5a: {  	_ =	shalt  }
0x5b: {  	_ =	shalt  }
0x5c: {  	_ =	shalt  }
0x5d: {  	_ =	shalt  }
0x5e: {  	_ =	shalt  }
0x5f: {  	_ =	shalt  }
0x60: {  	_ =	shalt  }
0x61: {  	_ =	shalt  }
0x62: {  	_ =	shalt  }
0x63: {  	_ =	shalt  }
0x64: {  	_ =	shalt  }
0x65: {  	_ =	shalt  }
0x66: {  	_ =	shalt  }
0x67: {  	_ =	shalt  }
0x68: {  	_ =	shalt  }
0x69: {  	_ =	shalt  }
0x6a: {  	_ =	shalt  }
0x6b: {  	_ =	shalt  }
0x6c: {  	_ =	shalt  }
0x6d: {  	_ =	shalt  }
0x6e: {  	_ =	shalt  }
0x6f: {  	_ =	shalt  }
0x70: {  	_ =	shalt  }
0x71: {  	_ =	shalt  }
0x72: {  	_ =	shalt  }
0x73: {  	_ =	shalt  }
0x74: {  	_ =	shalt  }
0x75: {  	_ =	shalt  }
0x76: {  	_ =	shalt  }
0x77: {  	_ =	shalt  }
0x78: {  	_ =	shalt  }
0x79: {  	_ =	shalt  }
0x7a: {  	_ =	shalt  }
0x7b: {  	_ =	shalt  }
0x7c: {  	_ =	shalt  }
0x7d: {  	_ =	shalt  }
0x7e: {  	_ =	shalt  }
0x7f: {  	_ =	shalt  }
0x80: {  	_ =	shalt  }
0x81: {  	_ =	shalt  }
0x82: {  	_ =	shalt  }
0x83: {  	_ =	shalt  }
0x84: {  	_ =	shalt  }
0x85: {  	_ =	shalt  }
0x86: {  	_ =	shalt  }
0x87: {  	_ =	shalt  }
.Lfunc_end0:
.L_simem_size_0:
called_computation_lowered:
.L_overlay_start_0:
0x88: {  	s2 =	sld [smem:$0x3FD9]  }
0x89: {  	s3 =	sld [smem:$0x3FFE];
	_ =	sdelay $0x1  }
0x8a: {  	s1 =	srdreg.scid  }
0x8b: {  	s0 =	sand.u32 $0x1, s1  }
0x8c: {  	s16 =	sshll.u32 s0, $0xA;
	s2 =	sadd.s32 s3, s2  }
0x8d: {  	s2 =	sadd.s32 s2, s16  }
0x8e: {  	[smem:$0x3FBB] =	sst s2  }
0x8f: {  	_ = 	snop  }
0x90: {  	(tm) =	ssettm $0x1  }
0x91: {  	s17 =	sld [smem:$0x3FFB];
	_ =	sdelay $0x3  }
0x92: {  	_ =	strace s17  }
0x93: {  	s2 =	sld [smem:$0x3FFC];
	_ =	sdelay $0x3  }
0x94: {  	_ =	strace s2  }
0x95: {  	s2 =	sld [smem:$0x3FFD];
	_ =	sdelay $0x3  }
0x96: {  	_ =	strace s2  }
0x97: {  	_ =	strace $0x8FFFFFFF  }
0x98: {  	s18 =	sld [smem:$0x3FDB];
	_ =	sdelay $0x1  }
0x99: {  	s19 =	simm.s32 $_scs_section_size  }
0x9a: {  	s4 =	simm.s32 $_size__tile_overlayer_lowered;
	s5 =	simm.s32 $_tile_overlayer_lowered  }
0x9b: {  	s22 =	simm.s32 $0x1BFF;
	s21 =	sshll.u32 s5, $0x1;
	s2 =	sadd.s32 s19, s18  }
0x9c: {  	s6 =	simm.s32 $0x0;
	s20 =	sshll.u32 s4, $0x1;
	s4 =	sadd.s32 s21, s2  }
0x9d: {  	[timem:s6], [sflag:s22] =	dma.local [hbm:s4], s20  }
0x9e: {  	_ =	swait.ge [sflag:s22], s20  }
0x9f: {  	s3 =	ssub.s32 $0x0, s20;
	[sflag:s22] =	ssyncset.done $0x0  }
0xa0: {  	[sflag:s22] =	ssyncadd.s32 s3;
	_ =	sdelay $0x1  }
0xa1: {  	s23 =	simm.s32 $0x1B8B  }
0xa2: {  	_ =	swait.ge [sflag:s23], $0x1  }
0xa3: {  	[sflag:s23] =	ssyncset.done $0x0  }
0xa4: {  	s25 =	simm.s32 $0x1B8E;
	s24 =	sld [smem:$0x3FFE];
	[sflag:s23] =	ssyncadd.s32 $0xFFFFFFFF  }
0xa5: {  	s26 =	simm.s32 $execute0_lowered;
	[smem:$0x3FD2] =	sst s25  }
0xa6: {  	s4 =	sshll.u32 s26, $0x1;
	_ =	strace $0x80000046;
	[dreg:$0x1] =	wrdreg $0xFFFFFFFF  }
0xa7: {  	s28 =	simm.s32 $_size_execute0_lowered;
	s2 =	sadd.s32 s2, s4;
	[dreg:$0x0] =	wrdreg $0x0  }
0xa8: {  	s4 =	sshll.u32 s28, $0x1;
	[dreg:$0x2] =	wrdreg s2  }
0xa9: {  	[dreg:$0x3] =	wrdreg s4  }
0xaa: {  	[dreg:$0x4] =	wrdreg $0xC0  }
0xab: {  	_ =	task [dreg:s6], $0x5FFFF  }
0xac: {  	[dreg:$0x1] =	wrdreg $0xFFFFFFFF  }
0xad: {  	[dreg:$0x0] =	wrdreg $0x60  }
0xae: {  	[dreg:$0x2] =	wrdreg s24  }
0xaf: {  	[dreg:$0x3] =	wrdreg $0x38000  }
0xb0: {  	[dreg:$0x4] =	wrdreg $0x9  }
0xb1: {  	_ =	task.clear_ibuf [dreg:s6], $0x5FFFF;
	_ =	strace $0x90000046  }
0xb2: {  	s29 =	simm.s32 $0x9;
	_ =	strace $0x80000048  }
0xb3: {  	_ =	swait.ge [sflag:s29], $0x1  }
0xb4: {  	[sflag:s29] =	ssyncadd.s32 $0xFFFFFFFF  }
0xb5: {  	_ =	strace $0x90000048  }
0xb6: {  	_ =	sfence  }
0xb7: {  	s30 =	sld [smem:$0x0];
	_ =	sdelay $0x2  }
0xb8: {  	s31 =	sshll.u32 s1, $0xD;
	s1 =	sshrl.u32 s1, $0x2  }
0xb9: {  	s3 =	sand.u32 $0x4000, s31;
	s1 =	sadd.s32 s1, s30  }
0xba: {  	s0 =	sor.u32 s3, s0;
	s1 =	sshll.u32 s1, $0x11  }
0xbb: {  	s0 =	sor.u32 s1, s0  }
0xbc: {  	s0 =	sadd.s32 $0x8F2B, s0  }
0xbd: {  	[sflag:s0] =	ssyncadd.remote.s32 $0x1  }
0xbe: {  	_ =	sfence.sel $0xFFFF  }
0xbf: {  	[dreg:$0x0] =	wrdreg $0xFFFFFFFF;
	(pc) =	sbr.abs _section_cstart, $3  }
0xc0: {  	[dreg:$0x1] =	wrdreg $0xFFFFFFFF  }
0xc1: {  	_ =	task.clear_ibuf [dreg:s6], $0x2FFFF;
	_ =	strace $0x9FFFFFFF  }
0xc2: {  	(tm) =	ssettm $0x7FFFFFFF  }
0xc3: {  	_ =	shalt  }
tec
execute0_lowered:
.L_overlay_start_1:
0x0: {  	(tag) =	ssettag $0x1  }
0x1: {  	s0 =	srdreg.scid;
	s5 =	rddreg [dreg:$0x0]  }
0x2: {  	s2 =	rddreg [dreg:$0x1];
	s3 =	simm.s32 $0x0;
	s14 =	simm.s32 $0x80  }
0x3: {  	s15 =	simm.s32 $0x2800;
	s16 =	simm.s32 $0x1;
	s17 =	simm.s32 $0x2  }
0x4: {  	s18 =	simm.s32 $0x3;
	s19 =	simm.s32 $0x4;
	s20 =	simm.s32 $0x0  }
0x5: {  	s4 =	sand.u32 $0x1, s0;
	s0 =	stileid.u32;
	[smem:$0x7FF] =	sst s3  }
0x6: {  	s10 =	sadd.s32 $0x18200, s5;
	s13 =	sadd.s32 $0x4A100, s2;
	s7 =	smul.u32 $0x4F00, s0  }
0x7: {  	s1 =	sshll.u32 s4, $0x4;
	s9 =	ssub.s32 $0x2, s4;
	s30 =	smul.u32 $0x4E200, s4  }
0x8: {  	p0 =	seq.s32 s0, $0xF;
	s6 =	sor.u32 s0, s1;
	s1 =	rddreg [dreg:$0x2]  }
0x9: {  	_ =	strace $0x80000047;
	s11 =	sshrl.u32 s9, $0x1;
	s6 =	smul.u32 $0x500, s6  }
0xa: {  	s8 =	sshrl.u32 s7, $0x3;
	s9 =	ssub.s32 s9, s11;
	s12 =	sadd.s32 s7, s2  }
0xb: {  	s7 =	sadd.s32 s7, s30;
	s31 =	sshrl.u32 s30, $0x3;
	s11 =	sshll.u32 @!p0 s0, $0x6  }
.Ltmp0:
0xc: {  	s8 =	sadd.s32 s8, s5;
	s7 =	sshrl.u32 s7, $0x3;
	(pc) =	sbr.rel .LBB2_1-.Ltmp0, $4  }
0xd: {  	s9 =	smax.u32 s9, $0x1;
	s11 =	sor.u32 @!p0 $0x1C05, s11;
	s12 =	sshrl.u32 @!p0 s12, $0x3  }
0xe: {  	s6 =	sadd.s32 s6, s5;
	s4 =	sadd.s32 $0xE400, s8;
	s5 =	sadd.s32 $0x17820, s5  }
0xf: {  	s8 =	sadd.s32 s10, s31;
	s7 =	sadd.s32 s10, s7;
	s10 =	sshrl.u32 @p0 s13, $0x3  }
0x10: {  	v0 =	vimm.f32 $1.000000000e+00;
	s13 =	simm.s32 $0x5;
	s6 =	sadd.s32 $0x4400, s6;
	s8 =	sadd.s32 $0x9420, s8  }
.LBB2_18:
0x11: {  	_ =	swait.ge [sflag:s16], $0x1000  }
0x12: {  	[sflag:s16] =	ssyncset.done $0x0  }
0x13: {  	[sflag:s16] =	ssyncadd.s32 $0xFFFFF000  }
0x14: {  	_ =	swait.ge [sflag:s17], $0x1000  }
0x15: {  	[sflag:s17] =	ssyncset.done $0x0  }
0x16: {  	[sflag:s17] =	ssyncadd.s32 $0xFFFFF000  }
0x17: {  	_ =	swait.ge [sflag:s18], $0x1000  }
0x18: {  	[sflag:s18] =	ssyncset.done $0x0  }
0x19: {  	[sflag:s18] =	ssyncadd.s32 $0xFFFFF000  }
0x1a: {  	_ =	swait.ge [sflag:s19], $0x1000  }
0x1b: {  	[sflag:s19] =	ssyncset.done $0x0  }
0x1c: {  	[sflag:s19] =	ssyncadd.s32 $0xFFFFF000  }
0x1d: {  	s21 =	simm.s32 @p0 $0x1FC5;
	[bflag:$0x0] =	sbarrier.arrive $0xFFFF  }
0x1e: {  	[hbm:s8], [sflag:s21] =	dma.local @p0 [spmem:s10], $0x820  }
0x1f: {  	s21 =	simm.s32 @p0 $0x5  }
0x20: {  	s20 =	sadd.s32 $0x1, s20;
	_ =	swait.ge @p0 [sflag:s21], $0x820  }
0x21: {  	p1 =	sne.s32 s20, s9;
	[sflag:s21] =	ssyncset.done @p0 $0x0  }
.Ltmp1:
0x22: {  	[sflag:s21] =	ssyncadd.s32 @p0 $0xFFFFF7E0;
	s21 =	simm.s32 @!p0 $0x5;
	(pc) =	sbr.rel @!p1 .LBB2_19-.Ltmp1, $4  }
0x23: {  	[hbm:s7], [sflag:s11] =	dma.local @!p0 [spmem:s12], $0x9E0  }
0x24: {  	_ =	swait.ge @!p0 [sflag:s21], $0x9E0  }
0x25: {  	[sflag:s21] =	ssyncset.done @!p0 $0x0  }
0x26: {  	[sflag:s21] =	ssyncadd.s32 @!p0 $0xFFFFF620  }
.LBB2_1:
0x27: {  	s21 =	simm.s32 @p0 $0x1FC5  }
0x28: {  	[spmem:s10], [sflag:s21] =	dma.local @p0 [hbm:s5], $0x820  }
0x29: {  	s21 =	simm.s32 @p0 $0x5  }
0x2a: {  	_ =	swait.ge @p0 [sflag:s21], $0x820  }
0x2b: {  	[sflag:s21] =	ssyncset.done @p0 $0x0  }
0x2c: {  	[sflag:s21] =	ssyncadd.s32 @p0 $0xFFFFF7E0;
	s21 =	simm.s32 @!p0 $0x5  }
0x2d: {  	[spmem:s12], [sflag:s11] =	dma.local @!p0 [hbm:s4], $0x9E0  }
0x2e: {  	_ =	swait.ge @!p0 [sflag:s21], $0x9E0  }
0x2f: {  	[sflag:s21] =	ssyncset.done @!p0 $0x0  }
0x30: {  	[sflag:s21] =	ssyncadd.s32 @!p0 $0xFFFFF620  }
0x31: {  	[tilespmem:s3], [sflag:$0x5] =	stream.linear.gather [hbm4b:s6+s3], $0x2800, $0x38;
	[tilespmem:$0x8640] =	vst v63  }
0x32: {  	_ =	swait.ge [sflag:s13], $0x2800  }
0x33: {  	[sflag:s13] =	ssyncset.done $0x0  }
0x34: {  	s22 =	simm.s32 $0x0;
	s21 =	simm.s32 $0x80;
	[sflag:s13] =	ssyncadd.s32 $0xFFFFD800  }
.LBB2_2:
0x35: {  	p1 =	sne.s32 s21, $0x3F80;
	[tilespmem:s22+$0x2800] =	vst v0;
	s23 =	smov.u32 s21;
	s21 =	sadd.s32 $0x80, s21  }
.Ltmp2:
0x36: {  	[tilespmem:s22+$0x2810] =	vst v0;
	(pc) =	sbr.rel @p1 .LBB2_2-.Ltmp2, $2  }
0x37: {  	_ =	sdelay $0x2  }
0x38: {  	s22 =	sshra.s32 s23, $0x2  }
0x39: {  	[tilespmem:s22+$0x2800] =	vst v0  }
0x3a: {  	[tilespmem:s22+$0x2810] =	vst v0  }
0x3b: {  	s21 =	simm.s32 $0x0;
	s22 =	simm.s32 $0x0;
	[bflag:$0x0] =	sbarrier.arrive $0xFFFF  }
.LBB2_4:
0x3c: {  	s23 =	sand.u32 $0x3, s22;
	p1 =	slt.u32 s22, $0x4  }
0x3d: {  	p2 =	seq.s32 @!p1 s23, $0x0  }
0x3e: {  	p2 =	por p1, !p2  }
.Ltmp3:
0x3f: {  	_ = 	snop;
	(pc) =	sbr.rel @p2 .LBB2_5-.Ltmp3, $2  }
0x40: {  	_ =	sdelay $0x2  }
0x41: {  	s24 =	simm.s32 $0x1  }
.LBB2_15:
0x42: {  	_ =	swait.ge [sflag:s24], $0x1000  }
0x43: {  	[sflag:s24] =	ssyncset.done $0x0  }
0x44: {  	[sflag:s24] =	ssyncadd.s32 $0xFFFFF000  }
.LBB2_16:
0x45: {  	[spmem:s2] =	stream.indirect.scatter.add.f32 [tilespmem:s15], [sflag:s24], $0x20, s21, s14, $0xb8;
	[tilespmem:$0x8640] =	vst v63  }
.LBB2_17:
0x46: {  	s22 =	sadd.s32 $0x1, s22  }
0x47: {  	p1 =	sne.s32 s22, $0x4F  }
.Ltmp4:
0x48: {  	_ = 	snop;
	(pc) =	sbr.rel @p1 .LBB2_4-.Ltmp4, $4  }
.Ltmp5:
0x49: {  	_ = 	snop;
	(pc) =	sbr.rel @!p1 .LBB2_18-.Ltmp5, $4  }
0x4a: {  	_ = 	snop  }
0x4b: {  	_ = 	snop  }
0x4c: {  	s21 =	sadd.s32 $0x80, s21  }
0x4d: {  	_ = 	snop  }
.LBB2_5:
0x4e: {  	p2 =	seq.s32 s23, $0x0  }
.Ltmp6:
0x4f: {  	_ = 	snop;
	(pc) =	sbr.rel @p2 .LBB2_6-.Ltmp6, $1  }
0x50: {  	_ =	sdelay $0x3  }
0x51: {  	p2 =	seq.s32 @!p1 s23, $0x1  }
0x52: {  	p2 =	por p1, !p2  }
.Ltmp7:
0x53: {  	_ = 	snop;
	(pc) =	sbr.rel @!p2 .LBB2_15-.Ltmp7, $2  }
0x54: {  	_ =	sdelay $0x2  }
0x55: {  	s24 =	simm.s32 $0x2  }
0x56: {  	p2 =	seq.s32 s23, $0x1  }
.Ltmp8:
0x57: {  	_ = 	snop;
	(pc) =	sbr.rel @p2 .LBB2_16-.Ltmp8, $2  }
0x58: {  	_ =	sdelay $0x2  }
0x59: {  	s24 =	simm.s32 $0x2  }
0x5a: {  	p2 =	sne.s32 @!p1 s23, $0x2  }
0x5b: {  	p2 =	por p1, p2  }
.Ltmp9:
0x5c: {  	_ = 	snop;
	(pc) =	sbr.rel @p2 .LBB2_11-.Ltmp9, $1  }
0x5d: {  	_ =	sdelay $0x3  }
0x5e: {  	_ =	swait.ge [sflag:s18], $0x1000  }
0x5f: {  	[sflag:s18] =	ssyncset.done $0x0  }
0x60: {  	[sflag:s18] =	ssyncadd.s32 $0xFFFFF000  }
.LBB2_12:
0x61: {  	[spmem:s2] =	stream.indirect.scatter.add.f32 [tilespmem:s15], [sflag:$0x3], $0x20, s21, s14, $0xb8;
	[tilespmem:$0x8640] =	vst v63  }
.LBB2_13:
0x62: {  	p2 =	seq.s32 @!p1 s23, $0x3  }
0x63: {  	p1 =	por p1, !p2  }
.Ltmp10:
0x64: {  	_ = 	snop;
	(pc) =	sbr.rel @!p1 .LBB2_15-.Ltmp10, $2  }
0x65: {  	_ =	sdelay $0x2  }
0x66: {  	s24 =	simm.s32 $0x4  }
0x67: {  	p1 =	seq.s32 s23, $0x3  }
.Ltmp11:
0x68: {  	_ = 	snop;
	(pc) =	sbr.rel @p1 .LBB2_16-.Ltmp11, $4  }
.Ltmp12:
0x69: {  	_ = 	snop;
	(pc) =	sbr.rel @!p1 .LBB2_17-.Ltmp12, $4  }
0x6a: {  	_ = 	snop  }
0x6b: {  	_ = 	snop  }
0x6c: {  	s24 =	simm.s32 $0x4  }
0x6d: {  	_ = 	snop  }
.LBB2_6:
.Ltmp13:
0x6e: {  	(pc) =	sbr.rel .LBB2_16-.Ltmp13, $2  }
0x6f: {  	_ =	sdelay $0x2  }
0x70: {  	s24 =	simm.s32 $0x1  }
.LBB2_11:
0x71: {  	p2 =	sne.s32 s23, $0x2  }
.Ltmp14:
0x72: {  	_ = 	snop;
	(pc) =	sbr.rel @p2 .LBB2_13-.Ltmp14, $4  }
.Ltmp15:
0x73: {  	_ = 	snop;
	(pc) =	sbr.rel @!p2 .LBB2_12-.Ltmp15, $4  }
0x74: {  	_ = 	snop  }
0x75: {  	_ = 	snop  }
0x76: {  	_ = 	snop  }
0x77: {  	_ = 	snop  }
.LBB2_19:
0x78: {  	_ =	sfence.sel $0x180000  }
0x79: {  	[bflag:$0x0] =	sbarrier.arrive $0xFFFF  }
0x7a: {  	p0 =	sne.s32 s0, $0x0;
	_ =	strace $0x90000047  }
0x7b: {  	s0 =	sadd.s32 @!p0 $0x100000, s1;
	[bflag:$0x2] =	sbarrier.arrive $0xFFFF  }
0x7c: {  	[sflag:s0] =	ssyncadd.tile.s32 @!p0 $0x1;
	_ =	shalt  }
.Lfunc_end2:
_tile_overlayer_lowered:
.L_overlay_start_2:
0x7d: {  	(tag) =	ssettag $0x2  }
0x7e: {  	s0 =	rddreg [dreg:$0x0];
	s2 =	stileid.u32  }
0x7f: {  	s1 =	rddreg [dreg:$0x1];
	p0 =	sne.s32 s2, $0x0  }
0x80: {  	s3 =	rddreg [dreg:$0x2];
	[bflag:$0x3] =	sbarrier.arrive $0xFFFF;
	s2 =	simm.s32 @!p0 $0x1C05  }
0x81: {  	[timem:s3], [sflag:s2] =	dma.local @!p0 [hbm:s0], s1  }
0x82: {  	s0 =	simm.s32 @!p0 $0x5  }
0x83: {  	_ =	swait.ge @!p0 [sflag:s0], s1  }
0x84: {  	s1 =	ssub.s32 @!p0 $0x0, s1;
	[sflag:s0] =	ssyncset.done @!p0 $0x0  }
0x85: {  	[sflag:s0] =	ssyncadd.s32 @!p0 s1  }
0x86: {  	[bflag:$0x3] =	sbarrier.arrive $0xFFFF  }
0x87: {  	_ =	shalt  }

// kernel: kernel.13.cloned.1.call-start
scs
__scs_entry_jumppad:
0x0: {  	(pc) =	sbr.rel $0x88, $3  }
0x1: {  	(tag) =	ssettag $0x0;
	lr =	simm.s32 $0x1  }
0x2: {  	[smem:$0x3F94] =	sst lr;
	_ =	strace $0xD0000000  }
0x3: {  	_ = 	snop  }
0x4: {  	_ = 	snop  }
0x5: {  	_ = 	snop  }
0x6: {  	_ = 	snop  }
0x7: {  	_ = 	snop  }
__scs_overlays_trampoline_lowered:
0x8: {  	[smem:$0x3FA3] =	sst s0  }
0x9: {  	[smem:$0x3FA4] =	sst s1  }
0xa: {  	[smem:$0x3FA5] =	sst s2  }
0xb: {  	[smem:$0x3FA6] =	sst s3  }
0xc: {  	[smem:$0x3FA7] =	sst s4  }
0xd: {  	[smem:$0x3FA8] =	sst s5  }
0xe: {  	[smem:$0x3FA9] =	sst s6  }
0xf: {  	[smem:$0x3FAA] =	sst s7  }
0x10: {  	[smem:$0x3FAB] =	sst s8  }
0x11: {  	[smem:$0x3FAC] =	sst s9;
	s0 =	simm.s32 @!p0 $0x0  }
0x12: {  	s1 =	sld [smem:$0x3F92];
	s0 =	simm.s32 @p0 $0x1  }
0x13: {  	[smem:$0x3FAD] =	sst s0;
	s0 =	simm.s32 @!p1 $0x0  }
0x14: {  	s2 =	sld [smem:$0x3F91];
	s0 =	simm.s32 @p1 $0x1  }
0x15: {  	[smem:$0x3FAE] =	sst s0;
	s0 =	simm.s32 @!p2 $0x0  }
0x16: {  	s3 =	sld [smem:$0x3FDB];
	s0 =	simm.s32 @p2 $0x1  }
0x17: {  	s4 =	simm.s32 $0x1BF5;
	[smem:$0x3FB0] =	sst s0  }
0x18: {  	s0 =	sld [smem:$0x3F93];
	_ =	swait.ge [sflag:s4], $0x0  }
0x19: {  	s7 =	sld [smem:$0x3F94]  }
0x1a: {  	s8 =	sadd.s32 $0xFFFFE003, lr  }
0x1b: {  	s9 =	sadd.s32 $0xFFFFFEF7, lr;
	s5 =	simm.s32 $0xFFFFFFFF;
	p2 =	slt.u32 s8, $0xFFFFF086  }
0x1c: {  	p1 =	slt.u32 s9, $0xF7A;
	s5 =	simm.s32 @!p2 $0x0  }
0x1d: {  	s5 =	simm.s32 @p1 $0x1;
	p0 =	seq.s32 s7, s2  }
0x1e: {  	s7 =	smul.u32 @!p0 $0xF7A, s2;
	p2 =	seq.s32 @!p0 s5, $0x0  }
0x1f: {  	s9 =	smul.u32 $0xF7A, s1;
	s8 =	simm.s32 @!p0 $0x1BF5;
	p2 =	por !p2, p0  }
0x20: {  	[sflag:s8] =	ssyncset.s32 @!p0 $0xFFFFF086;
	s6 =	sadd.s32 @!p0 s3, s7;
	s7 =	simm.s32 @!p0 $0x108  }
0x21: {  	s3 =	sadd.s32 s3, s9;
	s6 =	sadd.s32 @!p0 $0x88, s6;
	s7 =	simm.s32 @p2 $0x1082  }
0x22: {  	[simem:s7], [sflag:s8] =	dma.local @!p0 [hbm:s6], $0xF7A  }
0x23: {  	s9 =	sor.u32 $0xD0000000, s2;
	s6 =	simm.s32 $0x108;
	_ =	swait.ge @!p0 [sflag:s8], $0x0  }
0x24: {  	s3 =	sadd.s32 $0x88, s3;
	s6 =	simm.s32 @!p1 $0x1082;
	[sflag:s4] =	ssyncset.s32 $0xFFFFF086  }
0x25: {  	[simem:s6], [sflag:s4] =	dma.local [hbm:s3], $0xF7A  }
0x26: {  	[smem:$0x3F94] =	sst s1;
	(tag) =	ssettag s2;
	_ =	strace s9  }
0x27: {  	s1 =	sld [smem:$0x3FA4]  }
0x28: {  	s2 =	sld [smem:$0x3FA5]  }
0x29: {  	s4 =	sld [smem:$0x3FA7]  }
0x2a: {  	p0 =	seq.s32 s5, $0x0;
	s5 =	sld [smem:$0x3FA8]  }
0x2b: {  	s6 =	sld [smem:$0x3FA9]  }
0x2c: {  	s7 =	sld [smem:$0x3FAA]  }
0x2d: {  	s3 =	simm.s32 $0x108;
	s8 =	sld [smem:$0x3FAB]  }
0x2e: {  	s3 =	simm.s32 @!p0 $0x1082;
	s9 =	sld [smem:$0x3FAC]  }
0x2f: {  	lr =	sadd.s32 s0, s3;
	s0 =	sld [smem:$0x3FA3]  }
0x30: {  	s3 =	sld [smem:$0x3FA6]  }
0x31: {  	[smem:$0x3FAF] =	sst s10  }
0x32: {  	s10 =	sld [smem:$0x3FAD];
	_ =	sdelay $0x3  }
0x33: {  	p0 =	seq.s32 s10, $0x1;
	s10 =	sld [smem:$0x3FAF];
	_ =	sdelay $0x3  }
0x34: {  	[smem:$0x3FAF] =	sst s10  }
0x35: {  	s10 =	sld [smem:$0x3FAE];
	_ =	sdelay $0x3  }
0x36: {  	p1 =	seq.s32 s10, $0x1;
	s10 =	sld [smem:$0x3FAF];
	_ =	sdelay $0x3  }
0x37: {  	[smem:$0x3FAF] =	sst s10  }
0x38: {  	s10 =	sld [smem:$0x3FB0]  }
0x39: {  	_ = 	snop;
	(pc) =	sbr.ind lr, $3  }
0x3a: {  	_ = 	snop  }
0x3b: {  	_ = 	snop  }
0x3c: {  	p2 =	seq.s32 s10, $0x1;
	s10 =	sld [smem:$0x3FAF]  }
0x3d: {  	_ =	shalt  }
0x3e: {  	_ =	shalt  }
0x3f: {  	_ =	shalt  }
0x40: {  	_ =	shalt  }
0x41: {  	_ =	shalt  }
0x42: {  	_ =	shalt  }
0x43: {  	_ =	shalt  }
0x44: {  	_ =	shalt  }
0x45: {  	_ =	shalt  }
0x46: {  	_ =	shalt  }
0x47: {  	_ =	shalt  }
0x48: {  	_ =	shalt  }
0x49: {  	_ =	shalt  }
0x4a: {  	_ =	shalt  }
0x4b: {  	_ =	shalt  }
0x4c: {  	_ =	shalt  }
0x4d: {  	_ =	shalt  }
0x4e: {  	_ =	shalt  }
0x4f: {  	_ =	shalt  }
0x50: {  	_ =	shalt  }
0x51: {  	_ =	shalt  }
0x52: {  	_ =	shalt  }
0x53: {  	_ =	shalt  }
0x54: {  	_ =	shalt  }
0x55: {  	_ =	shalt  }
0x56: {  	_ =	shalt  }
0x57: {  	_ =	shalt  }
0x58: {  	_ =	shalt  }
0x59: {  	_ =	shalt  }
0x5a: {  	_ =	shalt  }
0x5b: {  	_ =	shalt  }
0x5c: {  	_ =	shalt  }
0x5d: {  	_ =	shalt  }
0x5e: {  	_ =	shalt  }
0x5f: {  	_ =	shalt  }
0x60: {  	_ =	shalt  }
0x61: {  	_ =	shalt  }
0x62: {  	_ =	shalt  }
0x63: {  	_ =	shalt  }
0x64: {  	_ =	shalt  }
0x65: {  	_ =	shalt  }
0x66: {  	_ =	shalt  }
0x67: {  	_ =	shalt  }
0x68: {  	_ =	shalt  }
0x69: {  	_ =	shalt  }
0x6a: {  	_ =	shalt  }
0x6b: {  	_ =	shalt  }
0x6c: {  	_ =	shalt  }
0x6d: {  	_ =	shalt  }
0x6e: {  	_ =	shalt  }
0x6f: {  	_ =	shalt  }
0x70: {  	_ =	shalt  }
0x71: {  	_ =	shalt  }
0x72: {  	_ =	shalt  }
0x73: {  	_ =	shalt  }
0x74: {  	_ =	shalt  }
0x75: {  	_ =	shalt  }
0x76: {  	_ =	shalt  }
0x77: {  	_ =	shalt  }
0x78: {  	_ =	shalt  }
0x79: {  	_ =	shalt  }
0x7a: {  	_ =	shalt  }
0x7b: {  	_ =	shalt  }
0x7c: {  	_ =	shalt  }
0x7d: {  	_ =	shalt  }
0x7e: {  	_ =	shalt  }
0x7f: {  	_ =	shalt  }
0x80: {  	_ =	shalt  }
0x81: {  	_ =	shalt  }
0x82: {  	_ =	shalt  }
0x83: {  	_ =	shalt  }
0x84: {  	_ =	shalt  }
0x85: {  	_ =	shalt  }
0x86: {  	_ =	shalt  }
0x87: {  	_ =	shalt  }
.Lfunc_end0:
.L_simem_size_0:
called_computation.1_lowered:
.L_overlay_start_0:
0x88: {  	s2 =	sld [smem:$0x3FD9]  }
0x89: {  	s3 =	sld [smem:$0x3FFE];
	_ =	sdelay $0x1  }
0x8a: {  	s1 =	srdreg.scid  }
0x8b: {  	s0 =	sand.u32 $0x1, s1  }
0x8c: {  	s17 =	sshll.u32 s0, $0xA;
	s2 =	sadd.s32 s3, s2  }
0x8d: {  	s2 =	sadd.s32 s2, s17  }
0x8e: {  	[smem:$0x3FBB] =	sst s2  }
0x8f: {  	_ = 	snop  }
0x90: {  	(tm) =	ssettm $0x1  }
0x91: {  	s18 =	sld [smem:$0x3FFB];
	_ =	sdelay $0x3  }
0x92: {  	_ =	strace s18  }
0x93: {  	s2 =	sld [smem:$0x3FFC];
	_ =	sdelay $0x3  }
0x94: {  	_ =	strace s2  }
0x95: {  	s2 =	sld [smem:$0x3FFD];
	_ =	sdelay $0x3  }
0x96: {  	_ =	strace s2  }
0x97: {  	_ =	strace $0x8FFFFFFF  }
0x98: {  	s19 =	sld [smem:$0x3FDB];
	_ =	sdelay $0x1  }
0x99: {  	s20 =	simm.s32 $_scs_section_size  }
0x9a: {  	s4 =	simm.s32 $_size__tile_overlayer_lowered;
	s5 =	simm.s32 $_tile_overlayer_lowered  }
0x9b: {  	s6 =	simm.s32 $0x1BFF;
	s21 =	sshll.u32 s5, $0x1;
	s3 =	sadd.s32 s20, s19  }
0x9c: {  	s22 =	simm.s32 $0x0;
	s4 =	sshll.u32 s4, $0x1;
	s5 =	sadd.s32 s21, s3  }
0x9d: {  	[timem:s22], [sflag:s6] =	dma.local [hbm:s5], s4  }
0x9e: {  	_ =	swait.ge [sflag:s6], s4  }
0x9f: {  	s4 =	ssub.s32 $0x0, s4;
	[sflag:s6] =	ssyncset.done $0x0  }
0xa0: {  	[sflag:s6] =	ssyncadd.s32 s4;
	_ =	sdelay $0x1  }
0xa1: {  	s23 =	simm.s32 $0x1B8B  }
0xa2: {  	_ =	swait.ge [sflag:s23], $0x1  }
0xa3: {  	[sflag:s23] =	ssyncset.done $0x0  }
0xa4: {  	[sflag:s23] =	ssyncadd.s32 $0xFFFFFFFF  }
0xa5: {  	s4 =	sld [smem:$0x0]  }
0xa6: {  	s5 =	sand.u32 $0xFFFFFFFE, s1  }
0xa7: {  	p0 =	sne.s32 s1, s5  }
0xa8: {  	s5 =	sshll.u32 @p0 s5, $0xE  }
0xa9: {  	s5 =	sadd.s32 @p0 $0x11B8D, s5;
	s6 =	sshll.u32 @p0 s4, $0x11  }
0xaa: {  	s5 =	sor.u32 @p0 s6, s5  }
0xab: {  	[sflag:s5] =	ssyncadd.remote.s32 @p0 $0x1;
	_ =	sdelay $0x1  }
0xac: {  	s5 =	simm.s32 @p0 $0x1B8D  }
0xad: {  	_ =	swait.eq @p0 [sflag:s5], $0x1  }
0xae: {  	[sflag:s5] =	ssyncadd.s32 @p0 $0xFFFFFFFF  }
0xaf: {  	s6 =	sshll.u32 @!p0 s1, $0xE  }
0xb0: {  	s6 =	sor.u32 @!p0 $0x4000, s6;
	s5 =	simm.s32 @!p0 $0x1B8D  }
0xb1: {  	s4 =	sshll.u32 @!p0 s4, $0x11;
	s6 =	sadd.s32 @!p0 $0x11B8D, s6;
	_ =	swait.eq @!p0 [sflag:s5], $0x1  }
0xb2: {  	s4 =	sor.u32 @!p0 s4, s6;
	[sflag:s5] =	ssyncadd.s32 @!p0 $0xFFFFFFFF  }
0xb3: {  	s25 =	simm.s32 $0x1B8E;
	s24 =	sld [smem:$0x3FFE];
	[sflag:s4] =	ssyncadd.remote.s32 @!p0 $0x1  }
0xb4: {  	s26 =	simm.s32 $execute0_lowered;
	[smem:$0x3FD2] =	sst s25  }
0xb5: {  	s5 =	sshll.u32 s26, $0x1;
	_ =	strace $0x80000049;
	[dreg:$0x1] =	wrdreg $0xFFFFFFFF  }
0xb6: {  	s28 =	simm.s32 $_size_execute0_lowered;
	s3 =	sadd.s32 s3, s5;
	[dreg:$0x0] =	wrdreg $0x0  }
0xb7: {  	s5 =	sshll.u32 s28, $0x1;
	[dreg:$0x2] =	wrdreg s3  }
0xb8: {  	[dreg:$0x3] =	wrdreg s5  }
0xb9: {  	[dreg:$0x4] =	wrdreg $0xC0  }
0xba: {  	_ =	task [dreg:s22], $0x5FFFF  }
0xbb: {  	[dreg:$0x1] =	wrdreg $0xFFFFFFFF  }
0xbc: {  	[dreg:$0x0] =	wrdreg $0x60  }
0xbd: {  	[dreg:$0x2] =	wrdreg s24  }
0xbe: {  	[dreg:$0x3] =	wrdreg $0xD0000  }
0xbf: {  	[dreg:$0x4] =	wrdreg $0xA  }
0xc0: {  	_ =	task.clear_ibuf [dreg:s22], $0x5FFFF;
	_ =	strace $0x90000049  }
0xc1: {  	s29 =	simm.s32 $0xA;
	_ =	strace $0x8000004B  }
0xc2: {  	_ =	swait.ge [sflag:s29], $0x1  }
0xc3: {  	[sflag:s29] =	ssyncadd.s32 $0xFFFFFFFF  }
0xc4: {  	_ =	strace $0x9000004B  }
0xc5: {  	_ =	sfence  }
0xc6: {  	s30 =	sld [smem:$0x0];
	_ =	sdelay $0x2  }
0xc7: {  	s31 =	sshll.u32 s1, $0xD;
	s1 =	sshrl.u32 s1, $0x2  }
0xc8: {  	s4 =	sand.u32 $0x4000, s31;
	s1 =	sadd.s32 s1, s30  }
0xc9: {  	s0 =	sor.u32 s4, s0;
	s1 =	sshll.u32 s1, $0x11  }
0xca: {  	s0 =	sor.u32 s1, s0  }
0xcb: {  	s0 =	sadd.s32 $0x8F2B, s0  }
0xcc: {  	[sflag:s0] =	ssyncadd.remote.s32 $0x1  }
0xcd: {  	_ =	sfence.sel $0xFFFF  }
0xce: {  	[dreg:$0x0] =	wrdreg $0xFFFFFFFF;
	(pc) =	sbr.abs _section_cstart, $3  }
0xcf: {  	[dreg:$0x1] =	wrdreg $0xFFFFFFFF  }
0xd0: {  	_ =	task.clear_ibuf [dreg:s22], $0x2FFFF;
	_ =	strace $0x9FFFFFFF  }
0xd1: {  	(tm) =	ssettm $0x7FFFFFFF  }
tec
execute0_lowered:
.L_overlay_start_1:
0x0: {  	(tag) =	ssettag $0x1  }
0x1: {  	s7 =	rddreg [dreg:$0x0]  }
0x2: {  	s0 =	srdreg.scid;
	s2 =	rddreg [dreg:$0x1]  }
0x3: {  	s3 =	simm.s32 $0x0;
	s16 =	simm.s32 $0x80;
	s17 =	simm.s32 $0x5000  }
0x4: {  	s18 =	simm.s32 $0x7000;
	s19 =	simm.s32 $0x5;
	s20 =	simm.s32 $0x100  }
0x5: {  	s21 =	simm.s32 $0x9000;
	s22 =	simm.s32 $0x6;
	s23 =	simm.s32 $0x7  }
0x6: {  	s24 =	simm.s32 $0x8;
	s25 =	simm.s32 $0x0;
	s6 =	sand.u32 $0x1, s0  }
0x7: {  	s0 =	stileid.u32;
	[smem:$0x7FF] =	sst s3;
	s12 =	sadd.s32 $0x5D000, s7  }
0x8: {  	s15 =	sadd.s32 $0x94200, s2;
	s1 =	sshll.u32 s6, $0x4;
	s9 =	smul.u32 $0x9E00, s0  }
0x9: {  	_ =	strace $0x8000004A;
	s8 =	ssub.s32 $0x2, s6;
	s13 =	smul.u32 $0x9C400, s6  }
0xa: {  	s6 =	sadd.s32 $0x3E440, s7;
	p0 =	seq.s32 s0, $0xF;
	s4 =	sor.u32 s0, s1  }
0xb: {  	s11 =	sshrl.u32 s8, $0x1;
	s5 =	smul.u32 $0x500, s4;
	s4 =	sadd.s32 $0x3F600, s7  }
0xc: {  	s30 =	sshrl.u32 s9, $0x3;
	s11 =	ssub.s32 s8, s11;
	s14 =	sadd.s32 s9, s2  }
0xd: {  	s9 =	sadd.s32 s9, s13;
	s31 =	sshrl.u32 s13, $0x3;
	s13 =	sshll.u32 @!p0 s0, $0x6  }
.Ltmp0:
0xe: {  	s9 =	sshrl.u32 s9, $0x3;
	s11 =	smax.u32 s11, $0x1;
	(pc) =	sbr.rel .LBB2_1-.Ltmp0, $4  }
0xf: {  	s13 =	sor.u32 @!p0 $0x1C09, s13;
	s10 =	sadd.s32 s5, s7;
	s5 =	sadd.s32 s30, s7  }
0x10: {  	s14 =	sshrl.u32 @!p0 s14, $0x3;
	s9 =	sadd.s32 s12, s9;
	s5 =	sadd.s32 $0x2BC00, s5  }
0x11: {  	s7 =	sadd.s32 $0x53000, s10;
	s8 =	sadd.s32 $0x4400, s10;
	s10 =	sadd.s32 s12, s31  }
0x12: {  	s12 =	sshrl.u32 @p0 s15, $0x3;
	s15 =	simm.s32 $0x9;
	s10 =	sadd.s32 $0x12840, s10  }
.LBB2_11:
0x13: {  	_ =	swait.ge [sflag:s19], $0x2000  }
0x14: {  	[sflag:s19] =	ssyncset.done $0x0  }
0x15: {  	[sflag:s19] =	ssyncadd.s32 $0xFFFFE000  }
0x16: {  	_ =	swait.ge [sflag:s22], $0x2000  }
0x17: {  	[sflag:s22] =	ssyncset.done $0x0  }
0x18: {  	[sflag:s22] =	ssyncadd.s32 $0xFFFFE000  }
0x19: {  	_ =	swait.ge [sflag:s23], $0x2000  }
0x1a: {  	[sflag:s23] =	ssyncset.done $0x0  }
0x1b: {  	[sflag:s23] =	ssyncadd.s32 $0xFFFFE000  }
0x1c: {  	_ =	swait.ge [sflag:s24], $0x2000  }
0x1d: {  	[sflag:s24] =	ssyncset.done $0x0  }
0x1e: {  	[sflag:s24] =	ssyncadd.s32 $0xFFFFE000  }
0x1f: {  	s0 =	simm.s32 @p0 $0x1FC9;
	[bflag:$0x0] =	sbarrier.arrive $0xFFFF  }
0x20: {  	[hbm:s10], [sflag:s0] =	dma.local @p0 [spmem:s12], $0x1040  }
0x21: {  	s0 =	simm.s32 @p0 $0x9  }
0x22: {  	s25 =	sadd.s32 $0x1, s25;
	_ =	swait.ge @p0 [sflag:s0], $0x1040  }
0x23: {  	p1 =	sne.s32 s25, s11;
	[sflag:s0] =	ssyncset.done @p0 $0x0  }
.Ltmp1:
0x24: {  	[sflag:s0] =	ssyncadd.s32 @p0 $0xFFFFEFC0;
	s0 =	simm.s32 @!p0 $0x9;
	(pc) =	sbr.rel @!p1 .LBB2_12-.Ltmp1, $4  }
0x25: {  	[hbm:s9], [sflag:s13] =	dma.local @!p0 [spmem:s14], $0x13C0  }
0x26: {  	_ =	swait.ge @!p0 [sflag:s0], $0x13C0  }
0x27: {  	[sflag:s0] =	ssyncset.done @!p0 $0x0  }
0x28: {  	[sflag:s0] =	ssyncadd.s32 @!p0 $0xFFFFEC40  }
.LBB2_1:
0x29: {  	s26 =	simm.s32 @p0 $0x1FC9  }
0x2a: {  	[spmem:s12], [sflag:s26] =	dma.local @p0 [hbm:s6], $0x1040  }
0x2b: {  	s26 =	simm.s32 @p0 $0x9  }
0x2c: {  	_ =	swait.ge @p0 [sflag:s26], $0x1040  }
0x2d: {  	[sflag:s26] =	ssyncset.done @p0 $0x0  }
0x2e: {  	[sflag:s26] =	ssyncadd.s32 @p0 $0xFFFFEFC0;
	s26 =	simm.s32 @!p0 $0x9  }
0x2f: {  	[spmem:s14], [sflag:s13] =	dma.local @!p0 [hbm:s5], $0x13C0  }
0x30: {  	_ =	swait.ge @!p0 [sflag:s26], $0x13C0  }
0x31: {  	[sflag:s26] =	ssyncset.done @!p0 $0x0  }
0x32: {  	[sflag:s26] =	ssyncadd.s32 @!p0 $0xFFFFEC40  }
0x33: {  	[tilespmem:s3], [sflag:$0x9] =	stream.linear.gather [hbm4b:s7+s3], $0x2800, $0x38;
	[tilespmem:$0x16C80] =	vst v63  }
0x34: {  	_ =	swait.ge [sflag:s15], $0x2800  }
0x35: {  	[sflag:s15] =	ssyncset.done $0x0  }
0x36: {  	s26 =	simm.s32 $0x2800;
	[sflag:s15] =	ssyncadd.s32 $0xFFFFD800  }
0x37: {  	[tilespmem:s26], [sflag:$0x9] =	stream.linear.gather [hbm4b:s8+s3], $0x2800, $0x38;
	[tilespmem:$0x16C80] =	vst v63  }
0x38: {  	_ =	swait.ge [sflag:s15], $0x2800  }
0x39: {  	[sflag:s15] =	ssyncset.done $0x0  }
.Ltmp2:
0x3a: {  	[sflag:s15] =	ssyncadd.s32 $0xFFFFD800;
	(pc) =	sbr.rel .LBB2_2-.Ltmp2, $4  }
0x3b: {  	[bflag:$0x0] =	sbarrier.arrive $0xFFFF  }
0x3c: {  	[tilespmem:s17], [sflag:$0x1] =	stream.indirect.gather [hbm4b:s4+s16], $0x40, s3, s16, $0xb8;
	[tilespmem:$0x16C80] =	vst v63  }
0x3d: {  	s28 =	simm.s32 $0xFFFFFFFE;
	s29 =	simm.s32 $0x100  }
0x3e: {  	[tilespmem:s18], [sflag:$0x2] =	stream.indirect.gather [hbm4b:s4+s16], $0x40, s16, s16, $0xb8;
	[tilespmem:$0x16C80] =	vst v63  }
.LBB2_9:
0x3f: {  	p2 =	sgt.u32 s28, $0x4A  }
0x40: {  	p3 =	sne.s32 @!p2 s30, $0x3  }
0x41: {  	p4 =	por p3, p2  }
0x42: {  	s0 =	simm.s32 @!p4 $0x8  }
0x43: {  	_ =	swait.ge @!p4 [sflag:s0], $0x2000  }
0x44: {  	[sflag:s0] =	ssyncset.done @!p4 $0x0  }
0x45: {  	s1 =	simm.s32 @!p4 $0xB000;
	[sflag:s0] =	ssyncadd.s32 @!p4 $0xFFFFE000;
	s0 =	simm.s32 @!p4 $0x80  }
0x46: {  	[tilespmem:s1], [sflag:$0x4] =	stream.indirect.gather @!p4 [hbm4b:s4+s0], $0x40, s29, s0, $0xb8;
	[tilespmem:$0x16C80] =	vst v63  }
0x47: {  	p5 =	seq.s32 s30, $0x3;
	p3 =	por !p3, p2;
	p4 =	por @!p4 $0x1, $0x1  }
0x48: {  	p4 =	por @!p3 p5, p5  }
0x49: {  	p5 =	por @!p2 p4, p4  }
0x4a: {  	p1 =	por !p1, !p5  }
0x4b: {  	p1 =	por !p1, !p1  }
0x4c: {  	s0 =	simm.s32 @p1 $0x80;
	s1 =	simm.s32 @p1 $0x180;
	s30 =	simm.s32 @p1 $0xB000  }
0x4d: {  	[tilespmem:s30], [sflag:$0x4] =	stream.indirect.gather @p1 [hbm4b:s4+s0], $0x40, s1, s0, $0xb8;
	[tilespmem:$0x16C80] =	vst v63  }
.LBB2_10:
0x4e: {  	s28 =	sadd.s32 $0x1, s28  }
0x4f: {  	p1 =	sne.s32 s28, $0x4D  }
.Ltmp3:
0x50: {  	_ = 	snop;
	(pc) =	sbr.rel @!p1 .LBB2_11-.Ltmp3, $2  }
0x51: {  	_ =	sdelay $0x2  }
0x52: {  	s26 =	sadd.s32 $0x80, s26;
	s29 =	sadd.s32 $0x80, s29  }
.LBB2_2:
0x53: {  	s31 =	sadd.s32 $0x2, s28  }
0x54: {  	s30 =	sand.u32 $0x3, s31  }
0x55: {  	p1 =	sgt.s32 s30, $0x1  }
0x56: {  	p2 =	seq.s32 @p1 s30, $0x2  }
0x57: {  	p3 =	por !p2, !p1  }
0x58: {  	s1 =	simm.s32 @!p3 $0x3  }
0x59: {  	_ =	swait.ge @!p3 [sflag:s1], $0x2000  }
0x5a: {  	p2 =	por p2, !p1;
	[sflag:s1] =	ssyncset.done @!p3 $0x0  }
0x5b: {  	s0 =	simm.s32 @!p3 $0x9000;
	[sflag:s1] =	ssyncadd.s32 @!p3 $0xFFFFE000;
	s1 =	simm.s32 @!p3 $0x80  }
0x5c: {  	[spmem:s2] =	stream.indirect.scatter.add.f32 @!p3 [tilespmem:s0], [sflag:$0x7], $0x40, s26, s1, $0xb8;
	[tilespmem:$0x16C80] =	vst v63  }
0x5d: {  	s0 =	simm.s32 @!p2 $0x4  }
0x5e: {  	_ =	swait.ge @!p2 [sflag:s0], $0x2000  }
0x5f: {  	[sflag:s0] =	ssyncset.done @!p2 $0x0  }
0x60: {  	s1 =	simm.s32 @!p2 $0xB000;
	[sflag:s0] =	ssyncadd.s32 @!p2 $0xFFFFE000;
	s0 =	simm.s32 @!p2 $0x80  }
0x61: {  	[spmem:s2] =	stream.indirect.scatter.add.f32 @!p2 [tilespmem:s1], [sflag:$0x8], $0x40, s26, s0, $0xb8;
	[tilespmem:$0x16C80] =	vst v63  }
0x62: {  	p2 =	seq.s32 @!p1 s30, $0x0  }
0x63: {  	p3 =	por !p2, p1  }
0x64: {  	s0 =	simm.s32 @!p3 $0x1  }
0x65: {  	_ =	swait.ge @!p3 [sflag:s0], $0x2000  }
0x66: {  	p1 =	por p2, p1;
	[sflag:s0] =	ssyncset.done @!p3 $0x0  }
0x67: {  	s1 =	simm.s32 @!p3 $0x5000;
	[sflag:s0] =	ssyncadd.s32 @!p3 $0xFFFFE000;
	s0 =	simm.s32 @!p3 $0x80  }
0x68: {  	[spmem:s2] =	stream.indirect.scatter.add.f32 @!p3 [tilespmem:s1], [sflag:$0x5], $0x40, s26, s0, $0xb8;
	[tilespmem:$0x16C80] =	vst v63  }
0x69: {  	s30 =	sadd.s32 $0x4, s28;
	s0 =	simm.s32 @!p1 $0x2  }
0x6a: {  	s30 =	sand.u32 $0x3, s30;
	_ =	swait.ge @!p1 [sflag:s0], $0x2000  }
0x6b: {  	p6 =	slt.u32 s28, $0x4B;
	p5 =	seq.s32 s30, $0x0;
	[sflag:s0] =	ssyncset.done @!p1 $0x0  }
0x6c: {  	s1 =	simm.s32 @!p1 $0x7000;
	[sflag:s0] =	ssyncadd.s32 @!p1 $0xFFFFE000;
	s0 =	simm.s32 @!p1 $0x80  }
0x6d: {  	[spmem:s2] =	stream.indirect.scatter.add.f32 @!p1 [tilespmem:s1], [sflag:$0x6], $0x40, s26, s0, $0xb8;
	[tilespmem:$0x16C80] =	vst v63  }
0x6e: {  	p1 =	por !p6, !p5  }
0x6f: {  	p1 =	por !p1, !p1  }
.Ltmp4:
0x70: {  	_ = 	snop;
	(pc) =	sbr.rel @!p1 .LBB2_5-.Ltmp4, $1  }
0x71: {  	_ =	sdelay $0x3  }
.Ltmp5:
0x72: {  	(pc) =	sbr.rel .LBB2_4-.Ltmp5, $4  }
0x73: {  	_ = 	snop  }
0x74: {  	_ =	swait.ge [sflag:s19], $0x2000  }
0x75: {  	[sflag:s19] =	ssyncset.done $0x0  }
0x76: {  	[sflag:s19] =	ssyncadd.s32 $0xFFFFE000  }
.LBB2_5:
0x77: {  	p2 =	sgt.u32 s31, $0x1  }
0x78: {  	p3 =	seq.s32 @!p2 s30, $0x0  }
0x79: {  	p2 =	por p2, !p3  }
.Ltmp6:
0x7a: {  	_ = 	snop;
	(pc) =	sbr.rel @p2 .LBB2_6-.Ltmp6, $1  }
0x7b: {  	_ =	sdelay $0x3  }
.LBB2_4:
0x7c: {  	[tilespmem:s17], [sflag:$0x1] =	stream.indirect.gather [hbm4b:s4+s16], $0x40, s29, s16, $0xb8;
	[tilespmem:$0x16C80] =	vst v63  }
0x7d: {  	p1 =	por !p1, !p1;
	p3 =	por $0x0, $0x0  }
.LBB2_7:
0x7e: {  	p2 =	por !p3, !p1  }
.Ltmp7:
0x7f: {  	_ = 	snop;
	(pc) =	sbr.rel @p2 .LBB2_9-.Ltmp7, $1  }
0x80: {  	_ =	sdelay $0x3  }
.Ltmp8:
0x81: {  	(pc) =	sbr.rel .LBB2_10-.Ltmp8, $2  }
0x82: {  	_ =	sdelay $0x2  }
0x83: {  	[tilespmem:s21], [sflag:$0x3] =	stream.indirect.gather [hbm4b:s4+s16], $0x40, s20, s16, $0xb8;
	[tilespmem:$0x16C80] =	vst v63  }
.LBB2_6:
0x84: {  	p2 =	sgt.u32 s28, $0x4A  }
0x85: {  	p1 =	sne.s32 @!p2 s30, $0x1  }
0x86: {  	p4 =	por p1, p2  }
0x87: {  	s0 =	simm.s32 @!p4 $0x6  }
0x88: {  	_ =	swait.ge @!p4 [sflag:s0], $0x2000  }
0x89: {  	[sflag:s0] =	ssyncset.done @!p4 $0x0  }
0x8a: {  	s1 =	simm.s32 @!p4 $0x7000;
	[sflag:s0] =	ssyncadd.s32 @!p4 $0xFFFFE000;
	s0 =	simm.s32 @!p4 $0x80  }
0x8b: {  	[tilespmem:s1], [sflag:$0x2] =	stream.indirect.gather @!p4 [hbm4b:s4+s0], $0x40, s29, s0, $0xb8;
	[tilespmem:$0x16C80] =	vst v63  }
0x8c: {  	p3 =	seq.s32 s30, $0x1;
	p1 =	por !p1, p2;
	p4 =	por @!p4 $0x1, $0x1  }
0x8d: {  	p4 =	por @!p1 p3, p3  }
0x8e: {  	p3 =	por @!p2 p4, p4  }
0x8f: {  	p4 =	sgt.u32 @p3 s31, $0x1  }
0x90: {  	p3 =	por p4, !p3;
	p4 =	sne.s32 @!p2 s30, $0x2  }
0x91: {  	s0 =	simm.s32 @!p3 $0x80;
	s1 =	simm.s32 @!p3 $0x7000;
	p5 =	por p4, p2  }
0x92: {  	[tilespmem:s1], [sflag:$0x2] =	stream.indirect.gather @!p3 [hbm4b:s4+s0], $0x40, s29, s0, $0xb8;
	[tilespmem:$0x16C80] =	vst v63  }
0x93: {  	s0 =	simm.s32 @!p5 $0x7  }
0x94: {  	_ =	swait.ge @!p5 [sflag:s0], $0x2000  }
0x95: {  	s1 =	simm.s32 @!p5 $0x9000;
	[sflag:s0] =	ssyncset.done @!p5 $0x0  }
.Ltmp9:
0x96: {  	[sflag:s0] =	ssyncadd.s32 @!p5 $0xFFFFE000;
	s0 =	simm.s32 @!p5 $0x80;
	(pc) =	sbr.rel .LBB2_7-.Ltmp9, $4  }
0x97: {  	[tilespmem:s1], [sflag:$0x3] =	stream.indirect.gather @!p5 [hbm4b:s4+s0], $0x40, s29, s0, $0xb8;
	[tilespmem:$0x16C80] =	vst v63  }
0x98: {  	p4 =	por !p4, p2;
	p3 =	seq.s32 s30, $0x2;
	p5 =	por @!p5 $0x1, $0x1  }
0x99: {  	p5 =	por @!p4 p3, p3  }
0x9a: {  	p1 =	slt.u32 s31, $0x2;
	p3 =	por @!p2 p5, p5  }
.LBB2_12:
0x9b: {  	_ =	sfence.sel $0x180000  }
0x9c: {  	[bflag:$0x0] =	sbarrier.arrive $0xFFFF  }
0x9d: {  	_ =	strace $0x9000004A  }
0x9e: {  	s0 =	stileid.u32;
	[bflag:$0x2] =	sbarrier.arrive $0xFFFF  }
0x9f: {  	p0 =	sne.s32 s0, $0x0;
	s0 =	rddreg [dreg:$0x2]  }
0xa0: {  	s0 =	sadd.s32 @!p0 $0x100000, s0  }
0xa1: {  	[sflag:s0] =	ssyncadd.tile.s32 @!p0 $0x1;
	_ =	shalt  }
.Lfunc_end2:
_tile_overlayer_lowered:
.L_overlay_start_2:
0xa2: {  	(tag) =	ssettag $0x2  }
0xa3: {  	s0 =	rddreg [dreg:$0x0];
	s2 =	stileid.u32  }
0xa4: {  	s1 =	rddreg [dreg:$0x1];
	p0 =	sne.s32 s2, $0x0  }
0xa5: {  	s3 =	rddreg [dreg:$0x2];
	[bflag:$0x3] =	sbarrier.arrive $0xFFFF;
	s2 =	simm.s32 @!p0 $0x1C09  }
0xa6: {  	[timem:s3], [sflag:s2] =	dma.local @!p0 [hbm:s0], s1  }
0xa7: {  	s0 =	simm.s32 @!p0 $0x9  }
0xa8: {  	_ =	swait.ge @!p0 [sflag:s0], s1  }
0xa9: {  	s1 =	ssub.s32 @!p0 $0x0, s1;
	[sflag:s0] =	ssyncset.done @!p0 $0x0  }
0xaa: {  	[sflag:s0] =	ssyncadd.s32 @!p0 s1  }
0xab: {  	[bflag:$0x3] =	sbarrier.arrive $0xFFFF  }
0xac: {  	_ =	shalt  }

// kernel: kernel.16.cloned.1.call-start
scs
__scs_entry_jumppad:
0x0: {  	(pc) =	sbr.rel $0x88, $3  }
0x1: {  	(tag) =	ssettag $0x0;
	lr =	simm.s32 $0x1  }
0x2: {  	[smem:$0x3F94] =	sst lr;
	_ =	strace $0xD0000000  }
0x3: {  	_ = 	snop  }
0x4: {  	_ = 	snop  }
0x5: {  	_ = 	snop  }
0x6: {  	_ = 	snop  }
0x7: {  	_ = 	snop  }
__scs_overlays_trampoline_lowered:
0x8: {  	[smem:$0x3FA3] =	sst s0  }
0x9: {  	[smem:$0x3FA4] =	sst s1  }
0xa: {  	[smem:$0x3FA5] =	sst s2  }
0xb: {  	[smem:$0x3FA6] =	sst s3  }
0xc: {  	[smem:$0x3FA7] =	sst s4  }
0xd: {  	[smem:$0x3FA8] =	sst s5  }
0xe: {  	[smem:$0x3FA9] =	sst s6  }
0xf: {  	[smem:$0x3FAA] =	sst s7  }
0x10: {  	[smem:$0x3FAB] =	sst s8  }
0x11: {  	[smem:$0x3FAC] =	sst s9;
	s0 =	simm.s32 @!p0 $0x0  }
0x12: {  	s1 =	sld [smem:$0x3F92];
	s0 =	simm.s32 @p0 $0x1  }
0x13: {  	[smem:$0x3FAD] =	sst s0;
	s0 =	simm.s32 @!p1 $0x0  }
0x14: {  	s2 =	sld [smem:$0x3F91];
	s0 =	simm.s32 @p1 $0x1  }
0x15: {  	[smem:$0x3FAE] =	sst s0;
	s0 =	simm.s32 @!p2 $0x0  }
0x16: {  	s3 =	sld [smem:$0x3FDB];
	s0 =	simm.s32 @p2 $0x1  }
0x17: {  	s4 =	simm.s32 $0x1BF5;
	[smem:$0x3FB0] =	sst s0  }
0x18: {  	s0 =	sld [smem:$0x3F93];
	_ =	swait.ge [sflag:s4], $0x0  }
0x19: {  	s7 =	sld [smem:$0x3F94]  }
0x1a: {  	s8 =	sadd.s32 $0xFFFFE003, lr  }
0x1b: {  	s9 =	sadd.s32 $0xFFFFFEF7, lr;
	s5 =	simm.s32 $0xFFFFFFFF;
	p2 =	slt.u32 s8, $0xFFFFF086  }
0x1c: {  	p1 =	slt.u32 s9, $0xF7A;
	s5 =	simm.s32 @!p2 $0x0  }
0x1d: {  	s5 =	simm.s32 @p1 $0x1;
	p0 =	seq.s32 s7, s2  }
0x1e: {  	s7 =	smul.u32 @!p0 $0xF7A, s2;
	p2 =	seq.s32 @!p0 s5, $0x0  }
0x1f: {  	s9 =	smul.u32 $0xF7A, s1;
	s8 =	simm.s32 @!p0 $0x1BF5;
	p2 =	por !p2, p0  }
0x20: {  	[sflag:s8] =	ssyncset.s32 @!p0 $0xFFFFF086;
	s6 =	sadd.s32 @!p0 s3, s7;
	s7 =	simm.s32 @!p0 $0x108  }
0x21: {  	s3 =	sadd.s32 s3, s9;
	s6 =	sadd.s32 @!p0 $0x88, s6;
	s7 =	simm.s32 @p2 $0x1082  }
0x22: {  	[simem:s7], [sflag:s8] =	dma.local @!p0 [hbm:s6], $0xF7A  }
0x23: {  	s9 =	sor.u32 $0xD0000000, s2;
	s6 =	simm.s32 $0x108;
	_ =	swait.ge @!p0 [sflag:s8], $0x0  }
0x24: {  	s3 =	sadd.s32 $0x88, s3;
	s6 =	simm.s32 @!p1 $0x1082;
	[sflag:s4] =	ssyncset.s32 $0xFFFFF086  }
0x25: {  	[simem:s6], [sflag:s4] =	dma.local [hbm:s3], $0xF7A  }
0x26: {  	[smem:$0x3F94] =	sst s1;
	(tag) =	ssettag s2;
	_ =	strace s9  }
0x27: {  	s1 =	sld [smem:$0x3FA4]  }
0x28: {  	s2 =	sld [smem:$0x3FA5]  }
0x29: {  	s4 =	sld [smem:$0x3FA7]  }
0x2a: {  	p0 =	seq.s32 s5, $0x0;
	s5 =	sld [smem:$0x3FA8]  }
0x2b: {  	s6 =	sld [smem:$0x3FA9]  }
0x2c: {  	s7 =	sld [smem:$0x3FAA]  }
0x2d: {  	s3 =	simm.s32 $0x108;
	s8 =	sld [smem:$0x3FAB]  }
0x2e: {  	s3 =	simm.s32 @!p0 $0x1082;
	s9 =	sld [smem:$0x3FAC]  }
0x2f: {  	lr =	sadd.s32 s0, s3;
	s0 =	sld [smem:$0x3FA3]  }
0x30: {  	s3 =	sld [smem:$0x3FA6]  }
0x31: {  	[smem:$0x3FAF] =	sst s10  }
0x32: {  	s10 =	sld [smem:$0x3FAD];
	_ =	sdelay $0x3  }
0x33: {  	p0 =	seq.s32 s10, $0x1;
	s10 =	sld [smem:$0x3FAF];
	_ =	sdelay $0x3  }
0x34: {  	[smem:$0x3FAF] =	sst s10  }
0x35: {  	s10 =	sld [smem:$0x3FAE];
	_ =	sdelay $0x3  }
0x36: {  	p1 =	seq.s32 s10, $0x1;
	s10 =	sld [smem:$0x3FAF];
	_ =	sdelay $0x3  }
0x37: {  	[smem:$0x3FAF] =	sst s10  }
0x38: {  	s10 =	sld [smem:$0x3FB0]  }
0x39: {  	_ = 	snop;
	(pc) =	sbr.ind lr, $3  }
0x3a: {  	_ = 	snop  }
0x3b: {  	_ = 	snop  }
0x3c: {  	p2 =	seq.s32 s10, $0x1;
	s10 =	sld [smem:$0x3FAF]  }
0x3d: {  	_ =	shalt  }
0x3e: {  	_ =	shalt  }
0x3f: {  	_ =	shalt  }
0x40: {  	_ =	shalt  }
0x41: {  	_ =	shalt  }
0x42: {  	_ =	shalt  }
0x43: {  	_ =	shalt  }
0x44: {  	_ =	shalt  }
0x45: {  	_ =	shalt  }
0x46: {  	_ =	shalt  }
0x47: {  	_ =	shalt  }
0x48: {  	_ =	shalt  }
0x49: {  	_ =	shalt  }
0x4a: {  	_ =	shalt  }
0x4b: {  	_ =	shalt  }
0x4c: {  	_ =	shalt  }
0x4d: {  	_ =	shalt  }
0x4e: {  	_ =	shalt  }
0x4f: {  	_ =	shalt  }
0x50: {  	_ =	shalt  }
0x51: {  	_ =	shalt  }
0x52: {  	_ =	shalt  }
0x53: {  	_ =	shalt  }
0x54: {  	_ =	shalt  }
0x55: {  	_ =	shalt  }
0x56: {  	_ =	shalt  }
0x57: {  	_ =	shalt  }
0x58: {  	_ =	shalt  }
0x59: {  	_ =	shalt  }
0x5a: {  	_ =	shalt  }
0x5b: {  	_ =	shalt  }
0x5c: {  	_ =	shalt  }
0x5d: {  	_ =	shalt  }
0x5e: {  	_ =	shalt  }
0x5f: {  	_ =	shalt  }
0x60: {  	_ =	shalt  }
0x61: {  	_ =	shalt  }
0x62: {  	_ =	shalt  }
0x63: {  	_ =	shalt  }
0x64: {  	_ =	shalt  }
0x65: {  	_ =	shalt  }
0x66: {  	_ =	shalt  }
0x67: {  	_ =	shalt  }
0x68: {  	_ =	shalt  }
0x69: {  	_ =	shalt  }
0x6a: {  	_ =	shalt  }
0x6b: {  	_ =	shalt  }
0x6c: {  	_ =	shalt  }
0x6d: {  	_ =	shalt  }
0x6e: {  	_ =	shalt  }
0x6f: {  	_ =	shalt  }
0x70: {  	_ =	shalt  }
0x71: {  	_ =	shalt  }
0x72: {  	_ =	shalt  }
0x73: {  	_ =	shalt  }
0x74: {  	_ =	shalt  }
0x75: {  	_ =	shalt  }
0x76: {  	_ =	shalt  }
0x77: {  	_ =	shalt  }
0x78: {  	_ =	shalt  }
0x79: {  	_ =	shalt  }
0x7a: {  	_ =	shalt  }
0x7b: {  	_ =	shalt  }
0x7c: {  	_ =	shalt  }
0x7d: {  	_ =	shalt  }
0x7e: {  	_ =	shalt  }
0x7f: {  	_ =	shalt  }
0x80: {  	_ =	shalt  }
0x81: {  	_ =	shalt  }
0x82: {  	_ =	shalt  }
0x83: {  	_ =	shalt  }
0x84: {  	_ =	shalt  }
0x85: {  	_ =	shalt  }
0x86: {  	_ =	shalt  }
0x87: {  	_ =	shalt  }
.Lfunc_end0:
.L_simem_size_0:
called_computation.2_lowered:
.L_overlay_start_0:
0x88: {  	s2 =	sld [smem:$0x3FD9]  }
0x89: {  	s3 =	sld [smem:$0x3FFE];
	_ =	sdelay $0x1  }
0x8a: {  	s1 =	srdreg.scid  }
0x8b: {  	s0 =	sand.u32 $0x1, s1  }
0x8c: {  	s16 =	sshll.u32 s0, $0xA;
	s2 =	sadd.s32 s3, s2  }
0x8d: {  	s2 =	sadd.s32 s2, s16  }
0x8e: {  	[smem:$0x3FBB] =	sst s2  }
0x8f: {  	_ = 	snop  }
0x90: {  	(tm) =	ssettm $0x1  }
0x91: {  	s17 =	sld [smem:$0x3FFB];
	_ =	sdelay $0x3  }
0x92: {  	_ =	strace s17  }
0x93: {  	s2 =	sld [smem:$0x3FFC];
	_ =	sdelay $0x3  }
0x94: {  	_ =	strace s2  }
0x95: {  	s2 =	sld [smem:$0x3FFD];
	_ =	sdelay $0x3  }
0x96: {  	_ =	strace s2  }
0x97: {  	_ =	strace $0x8FFFFFFF  }
0x98: {  	s18 =	sld [smem:$0x3FDB];
	_ =	sdelay $0x1  }
0x99: {  	s19 =	simm.s32 $_scs_section_size  }
0x9a: {  	s4 =	simm.s32 $_size__tile_overlayer_lowered;
	s5 =	simm.s32 $_tile_overlayer_lowered  }
0x9b: {  	s22 =	simm.s32 $0x1BFF;
	s21 =	sshll.u32 s5, $0x1;
	s2 =	sadd.s32 s19, s18  }
0x9c: {  	s6 =	simm.s32 $0x0;
	s20 =	sshll.u32 s4, $0x1;
	s4 =	sadd.s32 s21, s2  }
0x9d: {  	[timem:s6], [sflag:s22] =	dma.local [hbm:s4], s20  }
0x9e: {  	_ =	swait.ge [sflag:s22], s20  }
0x9f: {  	s3 =	ssub.s32 $0x0, s20;
	[sflag:s22] =	ssyncset.done $0x0  }
0xa0: {  	[sflag:s22] =	ssyncadd.s32 s3;
	_ =	sdelay $0x1  }
0xa1: {  	s23 =	simm.s32 $0x1B8B  }
0xa2: {  	_ =	swait.ge [sflag:s23], $0x1  }
0xa3: {  	[sflag:s23] =	ssyncset.done $0x0  }
0xa4: {  	s25 =	simm.s32 $0x1B8E;
	s24 =	sld [smem:$0x3FFE];
	[sflag:s23] =	ssyncadd.s32 $0xFFFFFFFF  }
0xa5: {  	s26 =	simm.s32 $execute0_lowered;
	[smem:$0x3FD2] =	sst s25  }
0xa6: {  	s4 =	sshll.u32 s26, $0x1;
	_ =	strace $0x8000004C;
	[dreg:$0x1] =	wrdreg $0xFFFFFFFF  }
0xa7: {  	s28 =	simm.s32 $_size_execute0_lowered;
	s2 =	sadd.s32 s2, s4;
	[dreg:$0x0] =	wrdreg $0x0  }
0xa8: {  	s4 =	sshll.u32 s28, $0x1;
	[dreg:$0x2] =	wrdreg s2  }
0xa9: {  	[dreg:$0x3] =	wrdreg s4  }
0xaa: {  	[dreg:$0x4] =	wrdreg $0xC0  }
0xab: {  	_ =	task [dreg:s6], $0x5FFFF  }
0xac: {  	[dreg:$0x1] =	wrdreg $0xFFFFFFFF  }
0xad: {  	[dreg:$0x0] =	wrdreg $0x60  }
0xae: {  	[dreg:$0x2] =	wrdreg s24  }
0xaf: {  	[dreg:$0x3] =	wrdreg $0xD0000  }
0xb0: {  	[dreg:$0x4] =	wrdreg $0x9  }
0xb1: {  	_ =	task.clear_ibuf [dreg:s6], $0x5FFFF;
	_ =	strace $0x9000004C  }
0xb2: {  	s29 =	simm.s32 $0x9;
	_ =	strace $0x8000004E  }
0xb3: {  	_ =	swait.ge [sflag:s29], $0x1  }
0xb4: {  	[sflag:s29] =	ssyncadd.s32 $0xFFFFFFFF  }
0xb5: {  	_ =	strace $0x9000004E  }
0xb6: {  	_ =	sfence  }
0xb7: {  	s30 =	sld [smem:$0x0];
	_ =	sdelay $0x2  }
0xb8: {  	s31 =	sshll.u32 s1, $0xD;
	s1 =	sshrl.u32 s1, $0x2  }
0xb9: {  	s3 =	sand.u32 $0x4000, s31;
	s1 =	sadd.s32 s1, s30  }
0xba: {  	s0 =	sor.u32 s3, s0;
	s1 =	sshll.u32 s1, $0x11  }
0xbb: {  	s0 =	sor.u32 s1, s0  }
0xbc: {  	s0 =	sadd.s32 $0x8F2B, s0  }
0xbd: {  	[sflag:s0] =	ssyncadd.remote.s32 $0x1  }
0xbe: {  	_ =	sfence.sel $0xFFFF  }
0xbf: {  	[dreg:$0x0] =	wrdreg $0xFFFFFFFF;
	(pc) =	sbr.abs _section_cstart, $3  }
0xc0: {  	[dreg:$0x1] =	wrdreg $0xFFFFFFFF  }
0xc1: {  	_ =	task.clear_ibuf [dreg:s6], $0x2FFFF;
	_ =	strace $0x9FFFFFFF  }
0xc2: {  	(tm) =	ssettm $0x7FFFFFFF  }
0xc3: {  	_ =	shalt  }
tec
execute0_lowered:
.L_overlay_start_1:
0x0: {  	(tag) =	ssettag $0x1  }
0x1: {  	s7 =	rddreg [dreg:$0x0]  }
0x2: {  	s0 =	srdreg.scid;
	s2 =	rddreg [dreg:$0x1]  }
0x3: {  	s3 =	simm.s32 $0x0;
	s16 =	simm.s32 $0x80;
	s17 =	simm.s32 $0x5000  }
0x4: {  	s18 =	simm.s32 $0x7000;
	s19 =	simm.s32 $0x5;
	s20 =	simm.s32 $0x100  }
0x5: {  	s21 =	simm.s32 $0x9000;
	s22 =	simm.s32 $0x6;
	s23 =	simm.s32 $0x7  }
0x6: {  	s24 =	simm.s32 $0x8;
	s25 =	simm.s32 $0x0;
	s6 =	sand.u32 $0x1, s0  }
0x7: {  	s0 =	stileid.u32;
	[smem:$0x7FF] =	sst s3;
	s12 =	sadd.s32 $0x21E00, s7  }
0x8: {  	s15 =	sadd.s32 $0x94200, s2;
	s1 =	sshll.u32 s6, $0x4;
	s9 =	smul.u32 $0x9E00, s0  }
0x9: {  	_ =	strace $0x8000004D;
	s8 =	ssub.s32 $0x2, s6;
	s13 =	smul.u32 $0x9C400, s6  }
0xa: {  	s6 =	sadd.s32 $0x20C40, s7;
	p0 =	seq.s32 s0, $0xF;
	s4 =	sor.u32 s0, s1  }
0xb: {  	s11 =	sshrl.u32 s8, $0x1;
	s5 =	smul.u32 $0x500, s4;
	s4 =	sadd.s32 $0x5D000, s7  }
0xc: {  	s30 =	sshrl.u32 s9, $0x3;
	s11 =	ssub.s32 s8, s11;
	s14 =	sadd.s32 s9, s2  }
0xd: {  	s9 =	sadd.s32 s9, s13;
	s31 =	sshrl.u32 s13, $0x3;
	s13 =	sshll.u32 @!p0 s0, $0x6  }
.Ltmp0:
0xe: {  	s9 =	sshrl.u32 s9, $0x3;
	s11 =	smax.u32 s11, $0x1;
	(pc) =	sbr.rel .LBB2_1-.Ltmp0, $4  }
0xf: {  	s13 =	sor.u32 @!p0 $0x1C09, s13;
	s10 =	sadd.s32 s5, s7;
	s5 =	sadd.s32 s30, s7  }
0x10: {  	s14 =	sshrl.u32 @!p0 s14, $0x3;
	s9 =	sadd.s32 s12, s9;
	s5 =	sadd.s32 $0xE400, s5  }
0x11: {  	s7 =	sadd.s32 $0x53000, s10;
	s8 =	sadd.s32 $0x4400, s10;
	s10 =	sadd.s32 s12, s31  }
0x12: {  	s12 =	sshrl.u32 @p0 s15, $0x3;
	s15 =	simm.s32 $0x9;
	s10 =	sadd.s32 $0x12840, s10  }
.LBB2_11:
0x13: {  	_ =	swait.ge [sflag:s19], $0x2000  }
0x14: {  	[sflag:s19] =	ssyncset.done $0x0  }
0x15: {  	[sflag:s19] =	ssyncadd.s32 $0xFFFFE000  }
0x16: {  	_ =	swait.ge [sflag:s22], $0x2000  }
0x17: {  	[sflag:s22] =	ssyncset.done $0x0  }
0x18: {  	[sflag:s22] =	ssyncadd.s32 $0xFFFFE000  }
0x19: {  	_ =	swait.ge [sflag:s23], $0x2000  }
0x1a: {  	[sflag:s23] =	ssyncset.done $0x0  }
0x1b: {  	[sflag:s23] =	ssyncadd.s32 $0xFFFFE000  }
0x1c: {  	_ =	swait.ge [sflag:s24], $0x2000  }
0x1d: {  	[sflag:s24] =	ssyncset.done $0x0  }
0x1e: {  	[sflag:s24] =	ssyncadd.s32 $0xFFFFE000  }
0x1f: {  	s0 =	simm.s32 @p0 $0x1FC9;
	[bflag:$0x0] =	sbarrier.arrive $0xFFFF  }
0x20: {  	[hbm:s10], [sflag:s0] =	dma.local @p0 [spmem:s12], $0x1040  }
0x21: {  	s0 =	simm.s32 @p0 $0x9  }
0x22: {  	s25 =	sadd.s32 $0x1, s25;
	_ =	swait.ge @p0 [sflag:s0], $0x1040  }
0x23: {  	p1 =	sne.s32 s25, s11;
	[sflag:s0] =	ssyncset.done @p0 $0x0  }
.Ltmp1:
0x24: {  	[sflag:s0] =	ssyncadd.s32 @p0 $0xFFFFEFC0;
	s0 =	simm.s32 @!p0 $0x9;
	(pc) =	sbr.rel @!p1 .LBB2_12-.Ltmp1, $4  }
0x25: {  	[hbm:s9], [sflag:s13] =	dma.local @!p0 [spmem:s14], $0x13C0  }
0x26: {  	_ =	swait.ge @!p0 [sflag:s0], $0x13C0  }
0x27: {  	[sflag:s0] =	ssyncset.done @!p0 $0x0  }
0x28: {  	[sflag:s0] =	ssyncadd.s32 @!p0 $0xFFFFEC40  }
.LBB2_1:
0x29: {  	s26 =	simm.s32 @p0 $0x1FC9  }
0x2a: {  	[spmem:s12], [sflag:s26] =	dma.local @p0 [hbm:s6], $0x1040  }
0x2b: {  	s26 =	simm.s32 @p0 $0x9  }
0x2c: {  	_ =	swait.ge @p0 [sflag:s26], $0x1040  }
0x2d: {  	[sflag:s26] =	ssyncset.done @p0 $0x0  }
0x2e: {  	[sflag:s26] =	ssyncadd.s32 @p0 $0xFFFFEFC0;
	s26 =	simm.s32 @!p0 $0x9  }
0x2f: {  	[spmem:s14], [sflag:s13] =	dma.local @!p0 [hbm:s5], $0x13C0  }
0x30: {  	_ =	swait.ge @!p0 [sflag:s26], $0x13C0  }
0x31: {  	[sflag:s26] =	ssyncset.done @!p0 $0x0  }
0x32: {  	[sflag:s26] =	ssyncadd.s32 @!p0 $0xFFFFEC40  }
0x33: {  	[tilespmem:s3], [sflag:$0x9] =	stream.linear.gather [hbm4b:s7+s3], $0x2800, $0x38;
	[tilespmem:$0x16C80] =	vst v63  }
0x34: {  	_ =	swait.ge [sflag:s15], $0x2800  }
0x35: {  	[sflag:s15] =	ssyncset.done $0x0  }
0x36: {  	s26 =	simm.s32 $0x2800;
	[sflag:s15] =	ssyncadd.s32 $0xFFFFD800  }
0x37: {  	[tilespmem:s26], [sflag:$0x9] =	stream.linear.gather [hbm4b:s8+s3], $0x2800, $0x38;
	[tilespmem:$0x16C80] =	vst v63  }
0x38: {  	_ =	swait.ge [sflag:s15], $0x2800  }
0x39: {  	[sflag:s15] =	ssyncset.done $0x0  }
.Ltmp2:
0x3a: {  	[sflag:s15] =	ssyncadd.s32 $0xFFFFD800;
	(pc) =	sbr.rel .LBB2_2-.Ltmp2, $4  }
0x3b: {  	[bflag:$0x0] =	sbarrier.arrive $0xFFFF  }
0x3c: {  	[tilespmem:s17], [sflag:$0x1] =	stream.indirect.gather [hbm4b:s4+s16], $0x40, s3, s16, $0xb8;
	[tilespmem:$0x16C80] =	vst v63  }
0x3d: {  	s28 =	simm.s32 $0xFFFFFFFE;
	s29 =	simm.s32 $0x100  }
0x3e: {  	[tilespmem:s18], [sflag:$0x2] =	stream.indirect.gather [hbm4b:s4+s16], $0x40, s16, s16, $0xb8;
	[tilespmem:$0x16C80] =	vst v63  }
.LBB2_9:
0x3f: {  	p2 =	sgt.u32 s28, $0x4A  }
0x40: {  	p3 =	sne.s32 @!p2 s30, $0x3  }
0x41: {  	p4 =	por p3, p2  }
0x42: {  	s0 =	simm.s32 @!p4 $0x8  }
0x43: {  	_ =	swait.ge @!p4 [sflag:s0], $0x2000  }
0x44: {  	[sflag:s0] =	ssyncset.done @!p4 $0x0  }
0x45: {  	s1 =	simm.s32 @!p4 $0xB000;
	[sflag:s0] =	ssyncadd.s32 @!p4 $0xFFFFE000;
	s0 =	simm.s32 @!p4 $0x80  }
0x46: {  	[tilespmem:s1], [sflag:$0x4] =	stream.indirect.gather @!p4 [hbm4b:s4+s0], $0x40, s29, s0, $0xb8;
	[tilespmem:$0x16C80] =	vst v63  }
0x47: {  	p5 =	seq.s32 s30, $0x3;
	p3 =	por !p3, p2;
	p4 =	por @!p4 $0x1, $0x1  }
0x48: {  	p4 =	por @!p3 p5, p5  }
0x49: {  	p5 =	por @!p2 p4, p4  }
0x4a: {  	p1 =	por !p1, !p5  }
0x4b: {  	p1 =	por !p1, !p1  }
0x4c: {  	s0 =	simm.s32 @p1 $0x80;
	s1 =	simm.s32 @p1 $0x180;
	s30 =	simm.s32 @p1 $0xB000  }
0x4d: {  	[tilespmem:s30], [sflag:$0x4] =	stream.indirect.gather @p1 [hbm4b:s4+s0], $0x40, s1, s0, $0xb8;
	[tilespmem:$0x16C80] =	vst v63  }
.LBB2_10:
0x4e: {  	s28 =	sadd.s32 $0x1, s28  }
0x4f: {  	p1 =	sne.s32 s28, $0x4D  }
.Ltmp3:
0x50: {  	_ = 	snop;
	(pc) =	sbr.rel @!p1 .LBB2_11-.Ltmp3, $2  }
0x51: {  	_ =	sdelay $0x2  }
0x52: {  	s26 =	sadd.s32 $0x80, s26;
	s29 =	sadd.s32 $0x80, s29  }
.LBB2_2:
0x53: {  	s31 =	sadd.s32 $0x2, s28  }
0x54: {  	s30 =	sand.u32 $0x3, s31  }
0x55: {  	p1 =	sgt.s32 s30, $0x1  }
0x56: {  	p2 =	seq.s32 @p1 s30, $0x2  }
0x57: {  	p3 =	por !p2, !p1  }
0x58: {  	s1 =	simm.s32 @!p3 $0x3  }
0x59: {  	_ =	swait.ge @!p3 [sflag:s1], $0x2000  }
0x5a: {  	p2 =	por p2, !p1;
	[sflag:s1] =	ssyncset.done @!p3 $0x0  }
0x5b: {  	s0 =	simm.s32 @!p3 $0x9000;
	[sflag:s1] =	ssyncadd.s32 @!p3 $0xFFFFE000;
	s1 =	simm.s32 @!p3 $0x80  }
0x5c: {  	[spmem:s2] =	stream.indirect.scatter.add.f32 @!p3 [tilespmem:s0], [sflag:$0x7], $0x40, s26, s1, $0xb8;
	[tilespmem:$0x16C80] =	vst v63  }
0x5d: {  	s0 =	simm.s32 @!p2 $0x4  }
0x5e: {  	_ =	swait.ge @!p2 [sflag:s0], $0x2000  }
0x5f: {  	[sflag:s0] =	ssyncset.done @!p2 $0x0  }
0x60: {  	s1 =	simm.s32 @!p2 $0xB000;
	[sflag:s0] =	ssyncadd.s32 @!p2 $0xFFFFE000;
	s0 =	simm.s32 @!p2 $0x80  }
0x61: {  	[spmem:s2] =	stream.indirect.scatter.add.f32 @!p2 [tilespmem:s1], [sflag:$0x8], $0x40, s26, s0, $0xb8;
	[tilespmem:$0x16C80] =	vst v63  }
0x62: {  	p2 =	seq.s32 @!p1 s30, $0x0  }
0x63: {  	p3 =	por !p2, p1  }
0x64: {  	s0 =	simm.s32 @!p3 $0x1  }
0x65: {  	_ =	swait.ge @!p3 [sflag:s0], $0x2000  }
0x66: {  	p1 =	por p2, p1;
	[sflag:s0] =	ssyncset.done @!p3 $0x0  }
0x67: {  	s1 =	simm.s32 @!p3 $0x5000;
	[sflag:s0] =	ssyncadd.s32 @!p3 $0xFFFFE000;
	s0 =	simm.s32 @!p3 $0x80  }
0x68: {  	[spmem:s2] =	stream.indirect.scatter.add.f32 @!p3 [tilespmem:s1], [sflag:$0x5], $0x40, s26, s0, $0xb8;
	[tilespmem:$0x16C80] =	vst v63  }
0x69: {  	s30 =	sadd.s32 $0x4, s28;
	s0 =	simm.s32 @!p1 $0x2  }
0x6a: {  	s30 =	sand.u32 $0x3, s30;
	_ =	swait.ge @!p1 [sflag:s0], $0x2000  }
0x6b: {  	p6 =	slt.u32 s28, $0x4B;
	p5 =	seq.s32 s30, $0x0;
	[sflag:s0] =	ssyncset.done @!p1 $0x0  }
0x6c: {  	s1 =	simm.s32 @!p1 $0x7000;
	[sflag:s0] =	ssyncadd.s32 @!p1 $0xFFFFE000;
	s0 =	simm.s32 @!p1 $0x80  }
0x6d: {  	[spmem:s2] =	stream.indirect.scatter.add.f32 @!p1 [tilespmem:s1], [sflag:$0x6], $0x40, s26, s0, $0xb8;
	[tilespmem:$0x16C80] =	vst v63  }
0x6e: {  	p1 =	por !p6, !p5  }
0x6f: {  	p1 =	por !p1, !p1  }
.Ltmp4:
0x70: {  	_ = 	snop;
	(pc) =	sbr.rel @!p1 .LBB2_5-.Ltmp4, $1  }
0x71: {  	_ =	sdelay $0x3  }
.Ltmp5:
0x72: {  	(pc) =	sbr.rel .LBB2_4-.Ltmp5, $4  }
0x73: {  	_ = 	snop  }
0x74: {  	_ =	swait.ge [sflag:s19], $0x2000  }
0x75: {  	[sflag:s19] =	ssyncset.done $0x0  }
0x76: {  	[sflag:s19] =	ssyncadd.s32 $0xFFFFE000  }
.LBB2_5:
0x77: {  	p2 =	sgt.u32 s31, $0x1  }
0x78: {  	p3 =	seq.s32 @!p2 s30, $0x0  }
0x79: {  	p2 =	por p2, !p3  }
.Ltmp6:
0x7a: {  	_ = 	snop;
	(pc) =	sbr.rel @p2 .LBB2_6-.Ltmp6, $1  }
0x7b: {  	_ =	sdelay $0x3  }
.LBB2_4:
0x7c: {  	[tilespmem:s17], [sflag:$0x1] =	stream.indirect.gather [hbm4b:s4+s16], $0x40, s29, s16, $0xb8;
	[tilespmem:$0x16C80] =	vst v63  }
0x7d: {  	p1 =	por !p1, !p1;
	p3 =	por $0x0, $0x0  }
.LBB2_7:
0x7e: {  	p2 =	por !p3, !p1  }
.Ltmp7:
0x7f: {  	_ = 	snop;
	(pc) =	sbr.rel @p2 .LBB2_9-.Ltmp7, $1  }
0x80: {  	_ =	sdelay $0x3  }
.Ltmp8:
0x81: {  	(pc) =	sbr.rel .LBB2_10-.Ltmp8, $2  }
0x82: {  	_ =	sdelay $0x2  }
0x83: {  	[tilespmem:s21], [sflag:$0x3] =	stream.indirect.gather [hbm4b:s4+s16], $0x40, s20, s16, $0xb8;
	[tilespmem:$0x16C80] =	vst v63  }
.LBB2_6:
0x84: {  	p2 =	sgt.u32 s28, $0x4A  }
0x85: {  	p1 =	sne.s32 @!p2 s30, $0x1  }
0x86: {  	p4 =	por p1, p2  }
0x87: {  	s0 =	simm.s32 @!p4 $0x6  }
0x88: {  	_ =	swait.ge @!p4 [sflag:s0], $0x2000  }
0x89: {  	[sflag:s0] =	ssyncset.done @!p4 $0x0  }
0x8a: {  	s1 =	simm.s32 @!p4 $0x7000;
	[sflag:s0] =	ssyncadd.s32 @!p4 $0xFFFFE000;
	s0 =	simm.s32 @!p4 $0x80  }
0x8b: {  	[tilespmem:s1], [sflag:$0x2] =	stream.indirect.gather @!p4 [hbm4b:s4+s0], $0x40, s29, s0, $0xb8;
	[tilespmem:$0x16C80] =	vst v63  }
0x8c: {  	p3 =	seq.s32 s30, $0x1;
	p1 =	por !p1, p2;
	p4 =	por @!p4 $0x1, $0x1  }
0x8d: {  	p4 =	por @!p1 p3, p3  }
0x8e: {  	p3 =	por @!p2 p4, p4  }
0x8f: {  	p4 =	sgt.u32 @p3 s31, $0x1  }
0x90: {  	p3 =	por p4, !p3;
	p4 =	sne.s32 @!p2 s30, $0x2  }
0x91: {  	s0 =	simm.s32 @!p3 $0x80;
	s1 =	simm.s32 @!p3 $0x7000;
	p5 =	por p4, p2  }
0x92: {  	[tilespmem:s1], [sflag:$0x2] =	stream.indirect.gather @!p3 [hbm4b:s4+s0], $0x40, s29, s0, $0xb8;
	[tilespmem:$0x16C80] =	vst v63  }
0x93: {  	s0 =	simm.s32 @!p5 $0x7  }
0x94: {  	_ =	swait.ge @!p5 [sflag:s0], $0x2000  }
0x95: {  	s1 =	simm.s32 @!p5 $0x9000;
	[sflag:s0] =	ssyncset.done @!p5 $0x0  }
.Ltmp9:
0x96: {  	[sflag:s0] =	ssyncadd.s32 @!p5 $0xFFFFE000;
	s0 =	simm.s32 @!p5 $0x80;
	(pc) =	sbr.rel .LBB2_7-.Ltmp9, $4  }
0x97: {  	[tilespmem:s1], [sflag:$0x3] =	stream.indirect.gather @!p5 [hbm4b:s4+s0], $0x40, s29, s0, $0xb8;
	[tilespmem:$0x16C80] =	vst v63  }
0x98: {  	p4 =	por !p4, p2;
	p3 =	seq.s32 s30, $0x2;
	p5 =	por @!p5 $0x1, $0x1  }
0x99: {  	p5 =	por @!p4 p3, p3  }
0x9a: {  	p1 =	slt.u32 s31, $0x2;
	p3 =	por @!p2 p5, p5  }
.LBB2_12:
0x9b: {  	_ =	sfence.sel $0x180000  }
0x9c: {  	[bflag:$0x0] =	sbarrier.arrive $0xFFFF  }
0x9d: {  	_ =	strace $0x9000004D  }
0x9e: {  	s0 =	stileid.u32;
	[bflag:$0x2] =	sbarrier.arrive $0xFFFF  }
0x9f: {  	p0 =	sne.s32 s0, $0x0;
	s0 =	rddreg [dreg:$0x2]  }
0xa0: {  	s0 =	sadd.s32 @!p0 $0x100000, s0  }
0xa1: {  	[sflag:s0] =	ssyncadd.tile.s32 @!p0 $0x1;
	_ =	shalt  }
.Lfunc_end2:
_tile_overlayer_lowered:
.L_overlay_start_2:
0xa2: {  	(tag) =	ssettag $0x2  }
0xa3: {  	s0 =	rddreg [dreg:$0x0];
	s2 =	stileid.u32  }
0xa4: {  	s1 =	rddreg [dreg:$0x1];
	p0 =	sne.s32 s2, $0x0  }
0xa5: {  	s3 =	rddreg [dreg:$0x2];
	[bflag:$0x3] =	sbarrier.arrive $0xFFFF;
	s2 =	simm.s32 @!p0 $0x1C09  }
0xa6: {  	[timem:s3], [sflag:s2] =	dma.local @!p0 [hbm:s0], s1  }
0xa7: {  	s0 =	simm.s32 @!p0 $0x9  }
0xa8: {  	_ =	swait.ge @!p0 [sflag:s0], s1  }
0xa9: {  	s1 =	ssub.s32 @!p0 $0x0, s1;
	[sflag:s0] =	ssyncset.done @!p0 $0x0  }
0xaa: {  	[sflag:s0] =	ssyncadd.s32 @!p0 s1  }
0xab: {  	[bflag:$0x3] =	sbarrier.arrive $0xFFFF  }
0xac: {  	_ =	shalt  }

// kernel: kernel.19.cloned.1.call-start
scs
__scs_entry_jumppad:
0x0: {  	(pc) =	sbr.rel $0x88, $3  }
0x1: {  	(tag) =	ssettag $0x0;
	lr =	simm.s32 $0x1  }
0x2: {  	[smem:$0x3F94] =	sst lr;
	_ =	strace $0xD0000000  }
0x3: {  	_ = 	snop  }
0x4: {  	_ = 	snop  }
0x5: {  	_ = 	snop  }
0x6: {  	_ = 	snop  }
0x7: {  	_ = 	snop  }
__scs_overlays_trampoline_lowered:
0x8: {  	[smem:$0x3FA3] =	sst s0  }
0x9: {  	[smem:$0x3FA4] =	sst s1  }
0xa: {  	[smem:$0x3FA5] =	sst s2  }
0xb: {  	[smem:$0x3FA6] =	sst s3  }
0xc: {  	[smem:$0x3FA7] =	sst s4  }
0xd: {  	[smem:$0x3FA8] =	sst s5  }
0xe: {  	[smem:$0x3FA9] =	sst s6  }
0xf: {  	[smem:$0x3FAA] =	sst s7  }
0x10: {  	[smem:$0x3FAB] =	sst s8  }
0x11: {  	[smem:$0x3FAC] =	sst s9;
	s0 =	simm.s32 @!p0 $0x0  }
0x12: {  	s1 =	sld [smem:$0x3F92];
	s0 =	simm.s32 @p0 $0x1  }
0x13: {  	[smem:$0x3FAD] =	sst s0;
	s0 =	simm.s32 @!p1 $0x0  }
0x14: {  	s2 =	sld [smem:$0x3F91];
	s0 =	simm.s32 @p1 $0x1  }
0x15: {  	[smem:$0x3FAE] =	sst s0;
	s0 =	simm.s32 @!p2 $0x0  }
0x16: {  	s3 =	sld [smem:$0x3FDB];
	s0 =	simm.s32 @p2 $0x1  }
0x17: {  	s4 =	simm.s32 $0x1BF5;
	[smem:$0x3FB0] =	sst s0  }
0x18: {  	s0 =	sld [smem:$0x3F93];
	_ =	swait.ge [sflag:s4], $0x0  }
0x19: {  	s7 =	sld [smem:$0x3F94]  }
0x1a: {  	s8 =	sadd.s32 $0xFFFFE003, lr  }
0x1b: {  	s9 =	sadd.s32 $0xFFFFFEF7, lr;
	s5 =	simm.s32 $0xFFFFFFFF;
	p2 =	slt.u32 s8, $0xFFFFF086  }
0x1c: {  	p1 =	slt.u32 s9, $0xF7A;
	s5 =	simm.s32 @!p2 $0x0  }
0x1d: {  	s5 =	simm.s32 @p1 $0x1;
	p0 =	seq.s32 s7, s2  }
0x1e: {  	s7 =	smul.u32 @!p0 $0xF7A, s2;
	p2 =	seq.s32 @!p0 s5, $0x0  }
0x1f: {  	s9 =	smul.u32 $0xF7A, s1;
	s8 =	simm.s32 @!p0 $0x1BF5;
	p2 =	por !p2, p0  }
0x20: {  	[sflag:s8] =	ssyncset.s32 @!p0 $0xFFFFF086;
	s6 =	sadd.s32 @!p0 s3, s7;
	s7 =	simm.s32 @!p0 $0x108  }
0x21: {  	s3 =	sadd.s32 s3, s9;
	s6 =	sadd.s32 @!p0 $0x88, s6;
	s7 =	simm.s32 @p2 $0x1082  }
0x22: {  	[simem:s7], [sflag:s8] =	dma.local @!p0 [hbm:s6], $0xF7A  }
0x23: {  	s9 =	sor.u32 $0xD0000000, s2;
	s6 =	simm.s32 $0x108;
	_ =	swait.ge @!p0 [sflag:s8], $0x0  }
0x24: {  	s3 =	sadd.s32 $0x88, s3;
	s6 =	simm.s32 @!p1 $0x1082;
	[sflag:s4] =	ssyncset.s32 $0xFFFFF086  }
0x25: {  	[simem:s6], [sflag:s4] =	dma.local [hbm:s3], $0xF7A  }
0x26: {  	[smem:$0x3F94] =	sst s1;
	(tag) =	ssettag s2;
	_ =	strace s9  }
0x27: {  	s1 =	sld [smem:$0x3FA4]  }
0x28: {  	s2 =	sld [smem:$0x3FA5]  }
0x29: {  	s4 =	sld [smem:$0x3FA7]  }
0x2a: {  	p0 =	seq.s32 s5, $0x0;
	s5 =	sld [smem:$0x3FA8]  }
0x2b: {  	s6 =	sld [smem:$0x3FA9]  }
0x2c: {  	s7 =	sld [smem:$0x3FAA]  }
0x2d: {  	s3 =	simm.s32 $0x108;
	s8 =	sld [smem:$0x3FAB]  }
0x2e: {  	s3 =	simm.s32 @!p0 $0x1082;
	s9 =	sld [smem:$0x3FAC]  }
0x2f: {  	lr =	sadd.s32 s0, s3;
	s0 =	sld [smem:$0x3FA3]  }
0x30: {  	s3 =	sld [smem:$0x3FA6]  }
0x31: {  	[smem:$0x3FAF] =	sst s10  }
0x32: {  	s10 =	sld [smem:$0x3FAD];
	_ =	sdelay $0x3  }
0x33: {  	p0 =	seq.s32 s10, $0x1;
	s10 =	sld [smem:$0x3FAF];
	_ =	sdelay $0x3  }
0x34: {  	[smem:$0x3FAF] =	sst s10  }
0x35: {  	s10 =	sld [smem:$0x3FAE];
	_ =	sdelay $0x3  }
0x36: {  	p1 =	seq.s32 s10, $0x1;
	s10 =	sld [smem:$0x3FAF];
	_ =	sdelay $0x3  }
0x37: {  	[smem:$0x3FAF] =	sst s10  }
0x38: {  	s10 =	sld [smem:$0x3FB0]  }
0x39: {  	_ = 	snop;
	(pc) =	sbr.ind lr, $3  }
0x3a: {  	_ = 	snop  }
0x3b: {  	_ = 	snop  }
0x3c: {  	p2 =	seq.s32 s10, $0x1;
	s10 =	sld [smem:$0x3FAF]  }
0x3d: {  	_ =	shalt  }
0x3e: {  	_ =	shalt  }
0x3f: {  	_ =	shalt  }
0x40: {  	_ =	shalt  }
0x41: {  	_ =	shalt  }
0x42: {  	_ =	shalt  }
0x43: {  	_ =	shalt  }
0x44: {  	_ =	shalt  }
0x45: {  	_ =	shalt  }
0x46: {  	_ =	shalt  }
0x47: {  	_ =	shalt  }
0x48: {  	_ =	shalt  }
0x49: {  	_ =	shalt  }
0x4a: {  	_ =	shalt  }
0x4b: {  	_ =	shalt  }
0x4c: {  	_ =	shalt  }
0x4d: {  	_ =	shalt  }
0x4e: {  	_ =	shalt  }
0x4f: {  	_ =	shalt  }
0x50: {  	_ =	shalt  }
0x51: {  	_ =	shalt  }
0x52: {  	_ =	shalt  }
0x53: {  	_ =	shalt  }
0x54: {  	_ =	shalt  }
0x55: {  	_ =	shalt  }
0x56: {  	_ =	shalt  }
0x57: {  	_ =	shalt  }
0x58: {  	_ =	shalt  }
0x59: {  	_ =	shalt  }
0x5a: {  	_ =	shalt  }
0x5b: {  	_ =	shalt  }
0x5c: {  	_ =	shalt  }
0x5d: {  	_ =	shalt  }
0x5e: {  	_ =	shalt  }
0x5f: {  	_ =	shalt  }
0x60: {  	_ =	shalt  }
0x61: {  	_ =	shalt  }
0x62: {  	_ =	shalt  }
0x63: {  	_ =	shalt  }
0x64: {  	_ =	shalt  }
0x65: {  	_ =	shalt  }
0x66: {  	_ =	shalt  }
0x67: {  	_ =	shalt  }
0x68: {  	_ =	shalt  }
0x69: {  	_ =	shalt  }
0x6a: {  	_ =	shalt  }
0x6b: {  	_ =	shalt  }
0x6c: {  	_ =	shalt  }
0x6d: {  	_ =	shalt  }
0x6e: {  	_ =	shalt  }
0x6f: {  	_ =	shalt  }
0x70: {  	_ =	shalt  }
0x71: {  	_ =	shalt  }
0x72: {  	_ =	shalt  }
0x73: {  	_ =	shalt  }
0x74: {  	_ =	shalt  }
0x75: {  	_ =	shalt  }
0x76: {  	_ =	shalt  }
0x77: {  	_ =	shalt  }
0x78: {  	_ =	shalt  }
0x79: {  	_ =	shalt  }
0x7a: {  	_ =	shalt  }
0x7b: {  	_ =	shalt  }
0x7c: {  	_ =	shalt  }
0x7d: {  	_ =	shalt  }
0x7e: {  	_ =	shalt  }
0x7f: {  	_ =	shalt  }
0x80: {  	_ =	shalt  }
0x81: {  	_ =	shalt  }
0x82: {  	_ =	shalt  }
0x83: {  	_ =	shalt  }
0x84: {  	_ =	shalt  }
0x85: {  	_ =	shalt  }
0x86: {  	_ =	shalt  }
0x87: {  	_ =	shalt  }
.Lfunc_end0:
.L_simem_size_0:
called_computation.3_lowered:
.L_overlay_start_0:
0x88: {  	s2 =	sld [smem:$0x3FD9]  }
0x89: {  	s3 =	sld [smem:$0x3FFE];
	_ =	sdelay $0x1  }
0x8a: {  	s1 =	srdreg.scid  }
0x8b: {  	s0 =	sand.u32 $0x1, s1  }
0x8c: {  	s16 =	sshll.u32 s0, $0xA;
	s2 =	sadd.s32 s3, s2  }
0x8d: {  	s2 =	sadd.s32 s2, s16  }
0x8e: {  	[smem:$0x3FBB] =	sst s2  }
0x8f: {  	_ = 	snop  }
0x90: {  	(tm) =	ssettm $0x1  }
0x91: {  	s17 =	sld [smem:$0x3FFB];
	_ =	sdelay $0x3  }
0x92: {  	_ =	strace s17  }
0x93: {  	s2 =	sld [smem:$0x3FFC];
	_ =	sdelay $0x3  }
0x94: {  	_ =	strace s2  }
0x95: {  	s2 =	sld [smem:$0x3FFD];
	_ =	sdelay $0x3  }
0x96: {  	_ =	strace s2  }
0x97: {  	_ =	strace $0x8FFFFFFF  }
0x98: {  	s18 =	sld [smem:$0x3FDB];
	_ =	sdelay $0x1  }
0x99: {  	s19 =	simm.s32 $_scs_section_size  }
0x9a: {  	s4 =	simm.s32 $_size__tile_overlayer_lowered;
	s5 =	simm.s32 $_tile_overlayer_lowered  }
0x9b: {  	s22 =	simm.s32 $0x1BFF;
	s21 =	sshll.u32 s5, $0x1;
	s2 =	sadd.s32 s19, s18  }
0x9c: {  	s6 =	simm.s32 $0x0;
	s20 =	sshll.u32 s4, $0x1;
	s4 =	sadd.s32 s21, s2  }
0x9d: {  	[timem:s6], [sflag:s22] =	dma.local [hbm:s4], s20  }
0x9e: {  	_ =	swait.ge [sflag:s22], s20  }
0x9f: {  	s3 =	ssub.s32 $0x0, s20;
	[sflag:s22] =	ssyncset.done $0x0  }
0xa0: {  	[sflag:s22] =	ssyncadd.s32 s3;
	_ =	sdelay $0x1  }
0xa1: {  	s23 =	simm.s32 $0x1B8B  }
0xa2: {  	_ =	swait.ge [sflag:s23], $0x1  }
0xa3: {  	[sflag:s23] =	ssyncset.done $0x0  }
0xa4: {  	s25 =	simm.s32 $0x1B8E;
	s24 =	sld [smem:$0x3FFE];
	[sflag:s23] =	ssyncadd.s32 $0xFFFFFFFF  }
0xa5: {  	s26 =	simm.s32 $execute0_lowered;
	[smem:$0x3FD2] =	sst s25  }
0xa6: {  	s4 =	sshll.u32 s26, $0x1;
	_ =	strace $0x8000004F;
	[dreg:$0x1] =	wrdreg $0xFFFFFFFF  }
0xa7: {  	s28 =	simm.s32 $_size_execute0_lowered;
	s2 =	sadd.s32 s2, s4;
	[dreg:$0x0] =	wrdreg $0x0  }
0xa8: {  	s4 =	sshll.u32 s28, $0x1;
	[dreg:$0x2] =	wrdreg s2  }
0xa9: {  	[dreg:$0x3] =	wrdreg s4  }
0xaa: {  	[dreg:$0x4] =	wrdreg $0xC0  }
0xab: {  	_ =	task [dreg:s6], $0x5FFFF  }
0xac: {  	[dreg:$0x1] =	wrdreg $0xFFFFFFFF  }
0xad: {  	[dreg:$0x0] =	wrdreg $0x60  }
0xae: {  	[dreg:$0x2] =	wrdreg s24  }
0xaf: {  	[dreg:$0x3] =	wrdreg $0xD0000  }
0xb0: {  	[dreg:$0x4] =	wrdreg $0x9  }
0xb1: {  	_ =	task.clear_ibuf [dreg:s6], $0x5FFFF;
	_ =	strace $0x9000004F  }
0xb2: {  	s29 =	simm.s32 $0x9;
	_ =	strace $0x80000051  }
0xb3: {  	_ =	swait.ge [sflag:s29], $0x1  }
0xb4: {  	[sflag:s29] =	ssyncadd.s32 $0xFFFFFFFF  }
0xb5: {  	_ =	strace $0x90000051  }
0xb6: {  	_ =	sfence  }
0xb7: {  	s30 =	sld [smem:$0x0];
	_ =	sdelay $0x2  }
0xb8: {  	s31 =	sshll.u32 s1, $0xD;
	s1 =	sshrl.u32 s1, $0x2  }
0xb9: {  	s3 =	sand.u32 $0x4000, s31;
	s1 =	sadd.s32 s1, s30  }
0xba: {  	s0 =	sor.u32 s3, s0;
	s1 =	sshll.u32 s1, $0x11  }
0xbb: {  	s0 =	sor.u32 s1, s0  }
0xbc: {  	s0 =	sadd.s32 $0x8F2B, s0  }
0xbd: {  	[sflag:s0] =	ssyncadd.remote.s32 $0x1  }
0xbe: {  	_ =	sfence.sel $0xFFFF  }
0xbf: {  	[dreg:$0x0] =	wrdreg $0xFFFFFFFF;
	(pc) =	sbr.abs _section_cstart, $3  }
0xc0: {  	[dreg:$0x1] =	wrdreg $0xFFFFFFFF  }
0xc1: {  	_ =	task.clear_ibuf [dreg:s6], $0x2FFFF;
	_ =	strace $0x9FFFFFFF  }
0xc2: {  	(tm) =	ssettm $0x7FFFFFFF  }
0xc3: {  	_ =	shalt  }
tec
execute0_lowered:
.L_overlay_start_1:
0x0: {  	(tag) =	ssettag $0x1  }
0x1: {  	s7 =	rddreg [dreg:$0x0]  }
0x2: {  	s0 =	srdreg.scid;
	s2 =	rddreg [dreg:$0x1]  }
0x3: {  	s3 =	simm.s32 $0x0;
	s16 =	simm.s32 $0x80;
	s17 =	simm.s32 $0x5000  }
0x4: {  	s18 =	simm.s32 $0x7000;
	s19 =	simm.s32 $0x5;
	s20 =	simm.s32 $0x100  }
0x5: {  	s21 =	simm.s32 $0x9000;
	s22 =	simm.s32 $0x6;
	s23 =	simm.s32 $0x7  }
0x6: {  	s24 =	simm.s32 $0x8;
	s25 =	simm.s32 $0x0;
	s6 =	sand.u32 $0x1, s0  }
0x7: {  	s0 =	stileid.u32;
	[smem:$0x7FF] =	sst s3;
	s12 =	sadd.s32 $0x21E00, s7  }
0x8: {  	s15 =	sadd.s32 $0x94200, s2;
	s1 =	sshll.u32 s6, $0x4;
	s9 =	smul.u32 $0x9E00, s0  }
0x9: {  	_ =	strace $0x80000050;
	s8 =	ssub.s32 $0x2, s6;
	s13 =	smul.u32 $0x9C400, s6  }
0xa: {  	s6 =	sadd.s32 $0x20C40, s7;
	p0 =	seq.s32 s0, $0xF;
	s4 =	sor.u32 s0, s1  }
0xb: {  	s11 =	sshrl.u32 s8, $0x1;
	s5 =	smul.u32 $0x500, s4;
	s4 =	sadd.s32 $0x5D000, s7  }
0xc: {  	s30 =	sshrl.u32 s9, $0x3;
	s11 =	ssub.s32 s8, s11;
	s14 =	sadd.s32 s9, s2  }
0xd: {  	s9 =	sadd.s32 s9, s13;
	s31 =	sshrl.u32 s13, $0x3;
	s13 =	sshll.u32 @!p0 s0, $0x6  }
.Ltmp0:
0xe: {  	s9 =	sshrl.u32 s9, $0x3;
	s11 =	smax.u32 s11, $0x1;
	(pc) =	sbr.rel .LBB2_1-.Ltmp0, $4  }
0xf: {  	s13 =	sor.u32 @!p0 $0x1C09, s13;
	s10 =	sadd.s32 s5, s7;
	s5 =	sadd.s32 s30, s7  }
0x10: {  	s14 =	sshrl.u32 @!p0 s14, $0x3;
	s9 =	sadd.s32 s12, s9;
	s5 =	sadd.s32 $0xE400, s5  }
0x11: {  	s7 =	sadd.s32 $0x53000, s10;
	s8 =	sadd.s32 $0x4400, s10;
	s10 =	sadd.s32 s12, s31  }
0x12: {  	s12 =	sshrl.u32 @p0 s15, $0x3;
	s15 =	simm.s32 $0x9;
	s10 =	sadd.s32 $0x12840, s10  }
.LBB2_11:
0x13: {  	_ =	swait.ge [sflag:s19], $0x2000  }
0x14: {  	[sflag:s19] =	ssyncset.done $0x0  }
0x15: {  	[sflag:s19] =	ssyncadd.s32 $0xFFFFE000  }
0x16: {  	_ =	swait.ge [sflag:s22], $0x2000  }
0x17: {  	[sflag:s22] =	ssyncset.done $0x0  }
0x18: {  	[sflag:s22] =	ssyncadd.s32 $0xFFFFE000  }
0x19: {  	_ =	swait.ge [sflag:s23], $0x2000  }
0x1a: {  	[sflag:s23] =	ssyncset.done $0x0  }
0x1b: {  	[sflag:s23] =	ssyncadd.s32 $0xFFFFE000  }
0x1c: {  	_ =	swait.ge [sflag:s24], $0x2000  }
0x1d: {  	[sflag:s24] =	ssyncset.done $0x0  }
0x1e: {  	[sflag:s24] =	ssyncadd.s32 $0xFFFFE000  }
0x1f: {  	s0 =	simm.s32 @p0 $0x1FC9;
	[bflag:$0x0] =	sbarrier.arrive $0xFFFF  }
0x20: {  	[hbm:s10], [sflag:s0] =	dma.local @p0 [spmem:s12], $0x1040  }
0x21: {  	s0 =	simm.s32 @p0 $0x9  }
0x22: {  	s25 =	sadd.s32 $0x1, s25;
	_ =	swait.ge @p0 [sflag:s0], $0x1040  }
0x23: {  	p1 =	sne.s32 s25, s11;
	[sflag:s0] =	ssyncset.done @p0 $0x0  }
.Ltmp1:
0x24: {  	[sflag:s0] =	ssyncadd.s32 @p0 $0xFFFFEFC0;
	s0 =	simm.s32 @!p0 $0x9;
	(pc) =	sbr.rel @!p1 .LBB2_12-.Ltmp1, $4  }
0x25: {  	[hbm:s9], [sflag:s13] =	dma.local @!p0 [spmem:s14], $0x13C0  }
0x26: {  	_ =	swait.ge @!p0 [sflag:s0], $0x13C0  }
0x27: {  	[sflag:s0] =	ssyncset.done @!p0 $0x0  }
0x28: {  	[sflag:s0] =	ssyncadd.s32 @!p0 $0xFFFFEC40  }
.LBB2_1:
0x29: {  	s26 =	simm.s32 @p0 $0x1FC9  }
0x2a: {  	[spmem:s12], [sflag:s26] =	dma.local @p0 [hbm:s6], $0x1040  }
0x2b: {  	s26 =	simm.s32 @p0 $0x9  }
0x2c: {  	_ =	swait.ge @p0 [sflag:s26], $0x1040  }
0x2d: {  	[sflag:s26] =	ssyncset.done @p0 $0x0  }
0x2e: {  	[sflag:s26] =	ssyncadd.s32 @p0 $0xFFFFEFC0;
	s26 =	simm.s32 @!p0 $0x9  }
0x2f: {  	[spmem:s14], [sflag:s13] =	dma.local @!p0 [hbm:s5], $0x13C0  }
0x30: {  	_ =	swait.ge @!p0 [sflag:s26], $0x13C0  }
0x31: {  	[sflag:s26] =	ssyncset.done @!p0 $0x0  }
0x32: {  	[sflag:s26] =	ssyncadd.s32 @!p0 $0xFFFFEC40  }
0x33: {  	[tilespmem:s3], [sflag:$0x9] =	stream.linear.gather [hbm4b:s7+s3], $0x2800, $0x38;
	[tilespmem:$0x16C80] =	vst v63  }
0x34: {  	_ =	swait.ge [sflag:s15], $0x2800  }
0x35: {  	[sflag:s15] =	ssyncset.done $0x0  }
0x36: {  	s26 =	simm.s32 $0x2800;
	[sflag:s15] =	ssyncadd.s32 $0xFFFFD800  }
0x37: {  	[tilespmem:s26], [sflag:$0x9] =	stream.linear.gather [hbm4b:s8+s3], $0x2800, $0x38;
	[tilespmem:$0x16C80] =	vst v63  }
0x38: {  	_ =	swait.ge [sflag:s15], $0x2800  }
0x39: {  	[sflag:s15] =	ssyncset.done $0x0  }
.Ltmp2:
0x3a: {  	[sflag:s15] =	ssyncadd.s32 $0xFFFFD800;
	(pc) =	sbr.rel .LBB2_2-.Ltmp2, $4  }
0x3b: {  	[bflag:$0x0] =	sbarrier.arrive $0xFFFF  }
0x3c: {  	[tilespmem:s17], [sflag:$0x1] =	stream.indirect.gather [hbm4b:s4+s16], $0x40, s3, s16, $0xb8;
	[tilespmem:$0x16C80] =	vst v63  }
0x3d: {  	s28 =	simm.s32 $0xFFFFFFFE;
	s29 =	simm.s32 $0x100  }
0x3e: {  	[tilespmem:s18], [sflag:$0x2] =	stream.indirect.gather [hbm4b:s4+s16], $0x40, s16, s16, $0xb8;
	[tilespmem:$0x16C80] =	vst v63  }
.LBB2_9:
0x3f: {  	p2 =	sgt.u32 s28, $0x4A  }
0x40: {  	p3 =	sne.s32 @!p2 s30, $0x3  }
0x41: {  	p4 =	por p3, p2  }
0x42: {  	s0 =	simm.s32 @!p4 $0x8  }
0x43: {  	_ =	swait.ge @!p4 [sflag:s0], $0x2000  }
0x44: {  	[sflag:s0] =	ssyncset.done @!p4 $0x0  }
0x45: {  	s1 =	simm.s32 @!p4 $0xB000;
	[sflag:s0] =	ssyncadd.s32 @!p4 $0xFFFFE000;
	s0 =	simm.s32 @!p4 $0x80  }
0x46: {  	[tilespmem:s1], [sflag:$0x4] =	stream.indirect.gather @!p4 [hbm4b:s4+s0], $0x40, s29, s0, $0xb8;
	[tilespmem:$0x16C80] =	vst v63  }
0x47: {  	p5 =	seq.s32 s30, $0x3;
	p3 =	por !p3, p2;
	p4 =	por @!p4 $0x1, $0x1  }
0x48: {  	p4 =	por @!p3 p5, p5  }
0x49: {  	p5 =	por @!p2 p4, p4  }
0x4a: {  	p1 =	por !p1, !p5  }
0x4b: {  	p1 =	por !p1, !p1  }
0x4c: {  	s0 =	simm.s32 @p1 $0x80;
	s1 =	simm.s32 @p1 $0x180;
	s30 =	simm.s32 @p1 $0xB000  }
0x4d: {  	[tilespmem:s30], [sflag:$0x4] =	stream.indirect.gather @p1 [hbm4b:s4+s0], $0x40, s1, s0, $0xb8;
	[tilespmem:$0x16C80] =	vst v63  }
.LBB2_10:
0x4e: {  	s28 =	sadd.s32 $0x1, s28  }
0x4f: {  	p1 =	sne.s32 s28, $0x4D  }
.Ltmp3:
0x50: {  	_ = 	snop;
	(pc) =	sbr.rel @!p1 .LBB2_11-.Ltmp3, $2  }
0x51: {  	_ =	sdelay $0x2  }
0x52: {  	s26 =	sadd.s32 $0x80, s26;
	s29 =	sadd.s32 $0x80, s29  }
.LBB2_2:
0x53: {  	s31 =	sadd.s32 $0x2, s28  }
0x54: {  	s30 =	sand.u32 $0x3, s31  }
0x55: {  	p1 =	sgt.s32 s30, $0x1  }
0x56: {  	p2 =	seq.s32 @p1 s30, $0x2  }
0x57: {  	p3 =	por !p2, !p1  }
0x58: {  	s1 =	simm.s32 @!p3 $0x3  }
0x59: {  	_ =	swait.ge @!p3 [sflag:s1], $0x2000  }
0x5a: {  	p2 =	por p2, !p1;
	[sflag:s1] =	ssyncset.done @!p3 $0x0  }
0x5b: {  	s0 =	simm.s32 @!p3 $0x9000;
	[sflag:s1] =	ssyncadd.s32 @!p3 $0xFFFFE000;
	s1 =	simm.s32 @!p3 $0x80  }
0x5c: {  	[spmem:s2] =	stream.indirect.scatter.add.f32 @!p3 [tilespmem:s0], [sflag:$0x7], $0x40, s26, s1, $0xb8;
	[tilespmem:$0x16C80] =	vst v63  }
0x5d: {  	s0 =	simm.s32 @!p2 $0x4  }
0x5e: {  	_ =	swait.ge @!p2 [sflag:s0], $0x2000  }
0x5f: {  	[sflag:s0] =	ssyncset.done @!p2 $0x0  }
0x60: {  	s1 =	simm.s32 @!p2 $0xB000;
	[sflag:s0] =	ssyncadd.s32 @!p2 $0xFFFFE000;
	s0 =	simm.s32 @!p2 $0x80  }
0x61: {  	[spmem:s2] =	stream.indirect.scatter.add.f32 @!p2 [tilespmem:s1], [sflag:$0x8], $0x40, s26, s0, $0xb8;
	[tilespmem:$0x16C80] =	vst v63  }
0x62: {  	p2 =	seq.s32 @!p1 s30, $0x0  }
0x63: {  	p3 =	por !p2, p1  }
0x64: {  	s0 =	simm.s32 @!p3 $0x1  }
0x65: {  	_ =	swait.ge @!p3 [sflag:s0], $0x2000  }
0x66: {  	p1 =	por p2, p1;
	[sflag:s0] =	ssyncset.done @!p3 $0x0  }
0x67: {  	s1 =	simm.s32 @!p3 $0x5000;
	[sflag:s0] =	ssyncadd.s32 @!p3 $0xFFFFE000;
	s0 =	simm.s32 @!p3 $0x80  }
0x68: {  	[spmem:s2] =	stream.indirect.scatter.add.f32 @!p3 [tilespmem:s1], [sflag:$0x5], $0x40, s26, s0, $0xb8;
	[tilespmem:$0x16C80] =	vst v63  }
0x69: {  	s30 =	sadd.s32 $0x4, s28;
	s0 =	simm.s32 @!p1 $0x2  }
0x6a: {  	s30 =	sand.u32 $0x3, s30;
	_ =	swait.ge @!p1 [sflag:s0], $0x2000  }
0x6b: {  	p6 =	slt.u32 s28, $0x4B;
	p5 =	seq.s32 s30, $0x0;
	[sflag:s0] =	ssyncset.done @!p1 $0x0  }
0x6c: {  	s1 =	simm.s32 @!p1 $0x7000;
	[sflag:s0] =	ssyncadd.s32 @!p1 $0xFFFFE000;
	s0 =	simm.s32 @!p1 $0x80  }
0x6d: {  	[spmem:s2] =	stream.indirect.scatter.add.f32 @!p1 [tilespmem:s1], [sflag:$0x6], $0x40, s26, s0, $0xb8;
	[tilespmem:$0x16C80] =	vst v63  }
0x6e: {  	p1 =	por !p6, !p5  }
0x6f: {  	p1 =	por !p1, !p1  }
.Ltmp4:
0x70: {  	_ = 	snop;
	(pc) =	sbr.rel @!p1 .LBB2_5-.Ltmp4, $1  }
0x71: {  	_ =	sdelay $0x3  }
.Ltmp5:
0x72: {  	(pc) =	sbr.rel .LBB2_4-.Ltmp5, $4  }
0x73: {  	_ = 	snop  }
0x74: {  	_ =	swait.ge [sflag:s19], $0x2000  }
0x75: {  	[sflag:s19] =	ssyncset.done $0x0  }
0x76: {  	[sflag:s19] =	ssyncadd.s32 $0xFFFFE000  }
.LBB2_5:
0x77: {  	p2 =	sgt.u32 s31, $0x1  }
0x78: {  	p3 =	seq.s32 @!p2 s30, $0x0  }
0x79: {  	p2 =	por p2, !p3  }
.Ltmp6:
0x7a: {  	_ = 	snop;
	(pc) =	sbr.rel @p2 .LBB2_6-.Ltmp6, $1  }
0x7b: {  	_ =	sdelay $0x3  }
.LBB2_4:
0x7c: {  	[tilespmem:s17], [sflag:$0x1] =	stream.indirect.gather [hbm4b:s4+s16], $0x40, s29, s16, $0xb8;
	[tilespmem:$0x16C80] =	vst v63  }
0x7d: {  	p1 =	por !p1, !p1;
	p3 =	por $0x0, $0x0  }
.LBB2_7:
0x7e: {  	p2 =	por !p3, !p1  }
.Ltmp7:
0x7f: {  	_ = 	snop;
	(pc) =	sbr.rel @p2 .LBB2_9-.Ltmp7, $1  }
0x80: {  	_ =	sdelay $0x3  }
.Ltmp8:
0x81: {  	(pc) =	sbr.rel .LBB2_10-.Ltmp8, $2  }
0x82: {  	_ =	sdelay $0x2  }
0x83: {  	[tilespmem:s21], [sflag:$0x3] =	stream.indirect.gather [hbm4b:s4+s16], $0x40, s20, s16, $0xb8;
	[tilespmem:$0x16C80] =	vst v63  }
.LBB2_6:
0x84: {  	p2 =	sgt.u32 s28, $0x4A  }
0x85: {  	p1 =	sne.s32 @!p2 s30, $0x1  }
0x86: {  	p4 =	por p1, p2  }
0x87: {  	s0 =	simm.s32 @!p4 $0x6  }
0x88: {  	_ =	swait.ge @!p4 [sflag:s0], $0x2000  }
0x89: {  	[sflag:s0] =	ssyncset.done @!p4 $0x0  }
0x8a: {  	s1 =	simm.s32 @!p4 $0x7000;
	[sflag:s0] =	ssyncadd.s32 @!p4 $0xFFFFE000;
	s0 =	simm.s32 @!p4 $0x80  }
0x8b: {  	[tilespmem:s1], [sflag:$0x2] =	stream.indirect.gather @!p4 [hbm4b:s4+s0], $0x40, s29, s0, $0xb8;
	[tilespmem:$0x16C80] =	vst v63  }
0x8c: {  	p3 =	seq.s32 s30, $0x1;
	p1 =	por !p1, p2;
	p4 =	por @!p4 $0x1, $0x1  }
0x8d: {  	p4 =	por @!p1 p3, p3  }
0x8e: {  	p3 =	por @!p2 p4, p4  }
0x8f: {  	p4 =	sgt.u32 @p3 s31, $0x1  }
0x90: {  	p3 =	por p4, !p3;
	p4 =	sne.s32 @!p2 s30, $0x2  }
0x91: {  	s0 =	simm.s32 @!p3 $0x80;
	s1 =	simm.s32 @!p3 $0x7000;
	p5 =	por p4, p2  }
0x92: {  	[tilespmem:s1], [sflag:$0x2] =	stream.indirect.gather @!p3 [hbm4b:s4+s0], $0x40, s29, s0, $0xb8;
	[tilespmem:$0x16C80] =	vst v63  }
0x93: {  	s0 =	simm.s32 @!p5 $0x7  }
0x94: {  	_ =	swait.ge @!p5 [sflag:s0], $0x2000  }
0x95: {  	s1 =	simm.s32 @!p5 $0x9000;
	[sflag:s0] =	ssyncset.done @!p5 $0x0  }
.Ltmp9:
0x96: {  	[sflag:s0] =	ssyncadd.s32 @!p5 $0xFFFFE000;
	s0 =	simm.s32 @!p5 $0x80;
	(pc) =	sbr.rel .LBB2_7-.Ltmp9, $4  }
0x97: {  	[tilespmem:s1], [sflag:$0x3] =	stream.indirect.gather @!p5 [hbm4b:s4+s0], $0x40, s29, s0, $0xb8;
	[tilespmem:$0x16C80] =	vst v63  }
0x98: {  	p4 =	por !p4, p2;
	p3 =	seq.s32 s30, $0x2;
	p5 =	por @!p5 $0x1, $0x1  }
0x99: {  	p5 =	por @!p4 p3, p3  }
0x9a: {  	p1 =	slt.u32 s31, $0x2;
	p3 =	por @!p2 p5, p5  }
.LBB2_12:
0x9b: {  	_ =	sfence.sel $0x180000  }
0x9c: {  	[bflag:$0x0] =	sbarrier.arrive $0xFFFF  }
0x9d: {  	_ =	strace $0x90000050  }
0x9e: {  	s0 =	stileid.u32;
	[bflag:$0x2] =	sbarrier.arrive $0xFFFF  }
0x9f: {  	p0 =	sne.s32 s0, $0x0;
	s0 =	rddreg [dreg:$0x2]  }
0xa0: {  	s0 =	sadd.s32 @!p0 $0x100000, s0  }
0xa1: {  	[sflag:s0] =	ssyncadd.tile.s32 @!p0 $0x1;
	_ =	shalt  }
.Lfunc_end2:
_tile_overlayer_lowered:
.L_overlay_start_2:
0xa2: {  	(tag) =	ssettag $0x2  }
0xa3: {  	s0 =	rddreg [dreg:$0x0];
	s2 =	stileid.u32  }
0xa4: {  	s1 =	rddreg [dreg:$0x1];
	p0 =	sne.s32 s2, $0x0  }
0xa5: {  	s3 =	rddreg [dreg:$0x2];
	[bflag:$0x3] =	sbarrier.arrive $0xFFFF;
	s2 =	simm.s32 @!p0 $0x1C09  }
0xa6: {  	[timem:s3], [sflag:s2] =	dma.local @!p0 [hbm:s0], s1  }
0xa7: {  	s0 =	simm.s32 @!p0 $0x9  }
0xa8: {  	_ =	swait.ge @!p0 [sflag:s0], s1  }
0xa9: {  	s1 =	ssub.s32 @!p0 $0x0, s1;
	[sflag:s0] =	ssyncset.done @!p0 $0x0  }
0xaa: {  	[sflag:s0] =	ssyncadd.s32 @!p0 s1  }
0xab: {  	[bflag:$0x3] =	sbarrier.arrive $0xFFFF  }
0xac: {  	_ =	shalt  }

</sc_bundles>
